<compile_context>
chip_gen: v7x
topology: tpu7x:2x2x1
jax: 0.10.2.dev20260603
libtpu: 0.0.44.dev20260713+nightly
codegen_flags: <defaults>
</compile_context>

<pallas_src>
import functools

import jax
import jax.numpy as jnp
from jax import lax
from jax.experimental import pallas as pl
from jax.experimental.pallas import tpu as pltpu
from jax.experimental.pallas import tpu_sc as plsc

N = 10000
NP = 10112
E = 320000
NC, NS = 2, 16
NW = NC * NS
EW = 10240
EP = EW * NW
BL = 128
NBLK = EW // BL
KIF = 4
ROWS_W = NBLK
CH = NP // NS
ZR = 160
_STAGES = ((0, 160), (160, 160), (320, 160), (480, 152))


def _mesh():
    return plsc.VectorSubcoreMesh(
        core_axis_name="c", subcore_axis_name="s", num_cores=NC, num_subcores=NS
    )


@functools.partial(
    pl.kernel,
    out_type=jax.ShapeDtypeStruct((NC * NP,), jnp.float32),
    mesh=_mesh(),
    scratch_types=[
        pltpu.VMEM((ROWS_W, BL), jnp.int32),
        pltpu.VMEM((BL,), jnp.float32),
        pltpu.VMEM((640,), jnp.float32),
        pltpu.VMEM_SHARED((NP,), jnp.float32),
    ],
)
def _deg_kernel(dst_hbm, out_hbm, dst_v, ones_v, zb_v, acc):
    cid = lax.axis_index("c")
    sid = lax.axis_index("s")
    wid = sid * NC + cid

    def fill_ones(i, _):
        ones_v[pl.ds(i * 16, 16)] = jnp.ones((16,), jnp.float32)
        return 0

    lax.fori_loop(0, BL // 16, fill_ones, 0)

    def fill_zb(i, _):
        zb_v[pl.ds(i * 16, 16)] = jnp.zeros((16,), jnp.float32)
        return 0

    lax.fori_loop(0, 640 // 16, fill_zb, 0)

    pltpu.sync_copy(zb_v.at[pl.ds(0, CH)], acc.at[pl.ds(sid * CH, CH)])
    plsc.subcore_barrier()

    pltpu.sync_copy(dst_hbm.at[pl.ds(wid * ROWS_W, ROWS_W)], dst_v)

    def body(i, _):
        pltpu.sync_copy(ones_v, acc.at[dst_v.at[i]], add=True)
        return 0

    lax.fori_loop(0, NBLK, body, 0)
    plsc.subcore_barrier()
    pltpu.sync_copy(acc.at[pl.ds(sid * CH, CH)], zb_v.at[pl.ds(0, CH)])
    pltpu.sync_copy(
        zb_v.at[pl.ds(0, CH)], out_hbm.at[pl.ds(cid * NP + sid * CH, CH)]
    )


def _make_prop(F):
    @functools.partial(
        pl.kernel,
        out_type=jax.ShapeDtypeStruct((NC, NP, F), jnp.float32),
        mesh=_mesh(),
        scratch_types=[
            pltpu.VMEM((ROWS_W, BL), jnp.int32),
            pltpu.VMEM((ROWS_W, BL), jnp.int32),
            pltpu.VMEM((KIF, BL, F), jnp.float32),
            pltpu.VMEM((ZR, F), jnp.float32),
            pltpu.VMEM_SHARED((NP, F), jnp.float32),
            pltpu.SemaphoreType.DMA,
        ],
        compiler_params=pltpu.CompilerParams(use_tc_tiling_on_sc=False),
    )
    def _prop(src_hbm, dst_hbm, hs_hbm, out_hbm, src_v, dst_v, rows_v, zb_v, acc, sem):
        cid = lax.axis_index("c")
        sid = lax.axis_index("s")
        wid = sid * NC + cid
        fpl = F // 16

        def fill_zb(i, _):
            zb_v[i // fpl, pl.ds((i % fpl) * 16, 16)] = jnp.zeros((16,), jnp.float32)
            return 0

        lax.fori_loop(0, ZR * fpl, fill_zb, 0)
        for o, sz in _STAGES:
            pltpu.sync_copy(
                zb_v.at[pl.ds(0, sz)], acc.at[pl.ds(sid * CH + o, sz)]
            )
        plsc.subcore_barrier()

        pltpu.sync_copy(src_hbm.at[pl.ds(wid * ROWS_W, ROWS_W)], src_v)
        pltpu.sync_copy(dst_hbm.at[pl.ds(wid * ROWS_W, ROWS_W)], dst_v)

        def body(g, _):
            descs = []
            for j in range(KIF):
                d = pltpu.async_copy(
                    hs_hbm.at[src_v.at[g * KIF + j]], rows_v.at[j], sem
                )
                descs.append(d)
            for j in range(KIF):
                descs[j].wait()
            for j in range(KIF):
                pltpu.sync_copy(rows_v.at[j], acc.at[dst_v.at[g * KIF + j]], add=True)
            return 0

        lax.fori_loop(0, NBLK // KIF, body, 0)
        plsc.subcore_barrier()
        for o, sz in _STAGES:
            pltpu.sync_copy(acc.at[pl.ds(sid * CH + o, sz)], zb_v.at[pl.ds(0, sz)])
            pltpu.sync_copy(
                zb_v.at[pl.ds(0, sz)], out_hbm.at[cid, pl.ds(sid * CH + o, sz)]
            )

    return _prop


_PROP = {f: _make_prop(f) for f in (64, 32, 16)}


_MBLK = NP // 8


def _mm_body(x_ref, w_ref, o_ref):
    o_ref[...] = jnp.dot(x_ref[...], w_ref[...], preferred_element_type=jnp.float32)


def _mm(xp, w):
    kin, kout = w.shape
    return pl.pallas_call(
        _mm_body,
        grid=(8,),
        in_specs=[
            pl.BlockSpec((_MBLK, kin), lambda i: (i, 0)),
            pl.BlockSpec((kin, kout), lambda i: (0, 0)),
        ],
        out_specs=pl.BlockSpec((_MBLK, kout), lambda i: (i, 0)),
        out_shape=jax.ShapeDtypeStruct((NP, kout), jnp.float32),
    )(xp, w)


def _scale_body(h_ref, d_ref, dinv_ref, hs_ref):
    dinv = lax.rsqrt(d_ref[0] + d_ref[1] + 1.0)
    dinv_ref[...] = dinv
    hs_ref[...] = h_ref[...] * dinv


def _scale(h1, degp):
    return pl.pallas_call(
        _scale_body,
        grid=(8,),
        in_specs=[
            pl.BlockSpec((_MBLK, 64), lambda i: (i, 0)),
            pl.BlockSpec((2, _MBLK, 1), lambda i: (0, i, 0)),
        ],
        out_specs=[
            pl.BlockSpec((_MBLK, 1), lambda i: (i, 0)),
            pl.BlockSpec((_MBLK, 64), lambda i: (i, 0)),
        ],
        out_shape=[
            jax.ShapeDtypeStruct((NP, 1), jnp.float32),
            jax.ShapeDtypeStruct((NP, 64), jnp.float32),
        ],
    )(h1, degp)


def _comb_body(p_ref, hs_ref, dinv_ref, b_ref, w_ref, o_ref):
    a = dinv_ref[...] * (p_ref[0] + p_ref[1] + hs_ref[...]) + b_ref[...]
    a = jnp.maximum(a, 0.0)
    o_ref[...] = (
        jnp.dot(a, w_ref[...], preferred_element_type=jnp.float32) * dinv_ref[...]
    )


def _comb_mm(p, hs, dinv, b, w):
    fin, fout = w.shape
    return pl.pallas_call(
        _comb_body,
        grid=(8,),
        in_specs=[
            pl.BlockSpec((2, _MBLK, fin), lambda i: (0, i, 0)),
            pl.BlockSpec((_MBLK, fin), lambda i: (i, 0)),
            pl.BlockSpec((_MBLK, 1), lambda i: (i, 0)),
            pl.BlockSpec((1, fin), lambda i: (0, 0)),
            pl.BlockSpec((fin, fout), lambda i: (0, 0)),
        ],
        out_specs=pl.BlockSpec((_MBLK, fout), lambda i: (i, 0)),
        out_shape=jax.ShapeDtypeStruct((NP, fout), jnp.float32),
    )(p, hs, dinv, b, w)


def _enc_body(p_ref, hs_ref, dinv_ref, b_ref, encp_ref, encb_ref, decw_ref,
              decb_ref, o_ref, zacc):
    h3 = dinv_ref[...] * (p_ref[0] + p_ref[1] + hs_ref[...]) + b_ref[...]
    c = lax.dot_general(
        h3, encp_ref[...], (((0,), (0,)), ((), ())),
        preferred_element_type=jnp.float32,
    )
    z = c[0:1, 0:64]
    for f in range(1, 16):
        z = z + c[f:f + 1, 64 * f:64 * (f + 1)]
    i = pl.program_id(0)

    @pl.when(i == 0)
    def _():
        zacc[...] = z

    @pl.when(i > 0)
    def _():
        zacc[...] = zacc[...] + z

    @pl.when(i == 9)
    def _():
        zf = zacc[...] + encb_ref[...]
        o_ref[...] = (
            jnp.dot(zf, decw_ref[...], preferred_element_type=jnp.float32)
            + decb_ref[...]
        )


def _enc(p3, hs3, dinv, b3, encp, encb, decw, decb):
    return pl.pallas_call(
        _enc_body,
        grid=(10,),
        in_specs=[
            pl.BlockSpec((2, 1000, 16), lambda i: (0, i, 0)),
            pl.BlockSpec((1000, 16), lambda i: (i, 0)),
            pl.BlockSpec((1000, 1), lambda i: (i, 0)),
            pl.BlockSpec((1, 16), lambda i: (0, 0)),
            pl.BlockSpec((1000, 1024), lambda i: (i, 0)),
            pl.BlockSpec((1, 64), lambda i: (0, 0)),
            pl.BlockSpec((64, N), lambda i: (0, 0)),
            pl.BlockSpec((1, N), lambda i: (0, 0)),
        ],
        out_specs=pl.BlockSpec((1, N), lambda i: (0, 0)),
        out_shape=jax.ShapeDtypeStruct((1, N), jnp.float32),
        scratch_shapes=[pltpu.VMEM((1, 64), jnp.float32)],
    )(p3, hs3, dinv, b3, encp, encb, decw, decb)


def kernel(x, edge_index, batch_size, batch_index, W1, b1, W2, b2, W3, b3,
           enc_W, enc_b, dec_W, dec_b):
    src = edge_index[0].astype(jnp.int32)
    dst = edge_index[1].astype(jnp.int32)
    npad = EP - E
    pad = N + (jnp.arange(npad, dtype=jnp.int32) % 64)
    src_p = jnp.concatenate([src, pad]).reshape(EP // BL, BL)
    dst_p = jnp.concatenate([dst, pad]).reshape(EP // BL, BL)
    x_p = jnp.pad(x, ((0, NP - N), (0, 0)))

    degp = _deg_kernel(dst_p)
    h1 = _mm(x_p, W1)
    dinv, hs1 = _scale(h1, degp.reshape(NC, NP, 1))
    p1 = _PROP[64](src_p, dst_p, hs1)
    hs2 = _comb_mm(p1, hs1, dinv, b1.reshape(1, 64), W2)
    p2 = _PROP[32](src_p, dst_p, hs2)
    hs3 = _comb_mm(p2, hs2, dinv, b2.reshape(1, 32), W3)
    p3 = _PROP[16](src_p, dst_p, hs3)

    out = _enc(
        p3, hs3, dinv, b3.reshape(1, 16),
        enc_W.reshape(N, 16 * 64), enc_b.reshape(1, 64),
        dec_W, dec_b.reshape(1, N),
    )
    return out

# --- scband reference (transcript-rebuilt; emitter-appended) ---
"""Pipeline reference for scband-model2-variant1-2104533975375 (READ-ONLY COPY).

The authoritative reference and input builder live on the scoring server;
editing this copy changes nothing except your own understanding.
"""

import jax, jax.numpy as jnp
import numpy as np

NUM_NODES = 10000
NUM_FEATURES = 128
EMB = [64, 32, 16]
LATENT = 64
NUM_EDGES = 320000


def gcn_conv(x, src, dst, W, b, num_nodes):
    # GCNConv with self-loops and symmetric normalization: D^-1/2 (A+I) D^-1/2 X W + b
    loop = jnp.arange(num_nodes, dtype=src.dtype)
    s = jnp.concatenate([src, loop])
    d = jnp.concatenate([dst, loop])
    deg = jnp.zeros((num_nodes,), dtype=x.dtype).at[d].add(1.0)
    dinv = jnp.where(deg > 0, 1.0 / jnp.sqrt(deg), 0.0)
    norm = dinv[s] * dinv[d]
    h = x @ W
    msg = h[s] * norm[:, None]
    out = jnp.zeros((num_nodes, W.shape[1]), dtype=x.dtype).at[d].add(msg)
    return out + b


def setup_inputs(seed: int = 0) -> dict:
    key = jax.random.key(seed)
    ks = jax.random.split(key, 14)
    x = jax.random.normal(ks[0], (NUM_NODES, NUM_FEATURES), dtype=jnp.float32)
    edge_index = jax.random.randint(ks[1], (2, NUM_EDGES), 0, NUM_NODES, dtype=jnp.int64)
    batch_index = jnp.zeros((NUM_NODES,), dtype=jnp.int64)
    def glorot(k, fan_in, fan_out):
        s = jnp.sqrt(6.0 / (fan_in + fan_out))
        return jax.random.uniform(k, (fan_in, fan_out), dtype=jnp.float32, minval=-s, maxval=s)
    W1 = glorot(ks[2], NUM_FEATURES, EMB[0]); b1 = jnp.zeros((EMB[0],), jnp.float32)
    W2 = glorot(ks[3], EMB[0], EMB[1]); b2 = jnp.zeros((EMB[1],), jnp.float32)
    W3 = glorot(ks[4], EMB[1], EMB[2]); b3 = jnp.zeros((EMB[2],), jnp.float32)
    enc_W = glorot(ks[5], NUM_NODES * EMB[2], LATENT); enc_b = jnp.zeros((LATENT,), jnp.float32)
    dec_W = glorot(ks[6], LATENT, NUM_NODES); dec_b = jnp.zeros((NUM_NODES,), jnp.float32)
    return {"x": x, "edge_index": edge_index, "batch_size": 1, "batch_index": batch_index,
            "W1": W1, "b1": b1, "W2": W2, "b2": b2, "W3": W3, "b3": b3,
            "enc_W": enc_W, "enc_b": enc_b, "dec_W": dec_W, "dec_b": dec_b}


def reference(x, edge_index, batch_size, batch_index, W1, b1, W2, b2, W3, b3, enc_W, enc_b, dec_W, dec_b):
    src, dst = edge_index[0], edge_index[1]
    h = gcn_conv(x, src, dst, W1, b1, NUM_NODES)
    h = jax.nn.relu(h)
    h = gcn_conv(h, src, dst, W2, b2, NUM_NODES)
    h = jax.nn.relu(h)
    h = gcn_conv(h, src, dst, W3, b3, NUM_NODES)
    flat = h.reshape(-1, NUM_NODES * EMB[2])
    z = flat @ enc_W + enc_b
    out = z @ dec_W + dec_b
    return out

if __name__ == "__main__":
    import jax
    _d = setup_inputs()
    print(jax.jit(kernel)(*tuple(_d.values())))

</pallas_src>

<mosaic_0001>
#map = affine_map<(d0, d1) -> (0, 0)>
#map1 = affine_map<(d0, d1) -> (0, 0, 0)>
module attributes {stable_mosaic.version = 14 : i64} {
  func.func @_prop(%arg0: i32, %arg1: i32, %arg2: memref<2560x128xi32, #tpu.memory_space<hbm>>, %arg3: memref<2560x128xi32, #tpu.memory_space<hbm>>, %arg4: memref<10112x32xf32, #tpu.memory_space<hbm>>, %arg5: memref<2x10112x32xf32, #tpu.memory_space<hbm>>, %arg6: memref<80x128xi32, #tpu.memory_space<vmem>>, %arg7: memref<80x128xi32, #tpu.memory_space<vmem>>, %arg8: memref<4x128x32xf32, #tpu.memory_space<vmem>>, %arg9: memref<160x32xf32, #tpu.memory_space<vmem>>, %arg10: memref<10112x32xf32, #tpu.memory_space<vmem_shared>>, %arg11: memref<!tpu.dma_semaphore, #tpu.memory_space<semaphore_mem>>) attributes {dimension_semantics = [#tpu.dimension_semantics<core_parallel>, #tpu.dimension_semantics<subcore_parallel>], iteration_bounds = array<i64: 2, 16>, scalar_prefetch = 0 : i64, scratch_operands = 6 : i64, tpu.core_type = #tpu.core_type<sc_vector_subcore>, window_params = [{transform_indices = #map}, {transform_indices = #map}, {transform_indices = #map}, {transform_indices = #map1}]} {
    %mul3A = arith.constant 2 : i32
    %mul3A_0 = arith.muli %arg1, %mul3A : i32
    %add3A = arith.addi %mul3A_0, %arg0 : i32
    %scan3A = arith.constant 0 : i32
    %scan3A_1 = arith.constant 0 : i32
    %scan3A_2 = arith.constant 320 : i32
    %scan3A_3 = arith.addi %scan3A_1, %scan3A_2 : i32
    %scan3A_4 = arith.constant 1 : i32
    %scan3A_5 = scf.for %scan3A_67 = %scan3A_1 to %scan3A_3 step %scan3A_4 iter_args(%scan3A_68 = %scan3A) -> (i32)  : i32 {
      %broadcast_in_dim3A = arith.constant 0.000000e+00 : f32
      %broadcast_in_dim3A_69 = vector.broadcast %broadcast_in_dim3A : f32 to vector<16xf32>
      %jit3A = arith.constant 2 : i32
      %div3A = arith.divsi %scan3A_67, %jit3A : i32
      %sign3A = arith.constant 0 : i32
      %sign3A_70 = arith.cmpi sgt, %scan3A_67, %sign3A : i32
      %sign3A_71 = arith.extui %sign3A_70 : i1 to i32
      %sign3A_72 = arith.constant 0 : i32
      %sign3A_73 = arith.cmpi slt, %scan3A_67, %sign3A_72 : i32
      %sign3A_74 = arith.extui %sign3A_73 : i1 to i32
      %sign3A_75 = arith.subi %sign3A_71, %sign3A_74 : i32
      %sign3A_76 = arith.constant 0 : i32
      %sign3A_77 = arith.cmpi sgt, %jit3A, %sign3A_76 : i32
      %sign3A_78 = arith.extui %sign3A_77 : i1 to i32
      %sign3A_79 = arith.constant 0 : i32
      %sign3A_80 = arith.cmpi slt, %jit3A, %sign3A_79 : i32
      %sign3A_81 = arith.extui %sign3A_80 : i1 to i32
      %sign3A_82 = arith.subi %sign3A_78, %sign3A_81 : i32
      %ne3A = arith.cmpi ne, %sign3A_75, %sign3A_82 : i32
      %rem3A = arith.remsi %scan3A_67, %jit3A : i32
      %ne3A_83 = arith.constant 0 : i32
      %ne3A_84 = arith.cmpi ne, %rem3A, %ne3A_83 : i32
      %and3A = arith.andi %ne3A, %ne3A_84 : i1
      %sub3A = arith.constant 1 : i32
      %sub3A_85 = arith.subi %div3A, %sub3A : i32
      %select_n3A = arith.select %and3A, %sub3A_85, %div3A : i32
      %jit3A_86 = arith.constant 2 : i32
      %eq3A = arith.constant 0 : i32
      %eq3A_87 = arith.cmpi eq, %jit3A_86, %eq3A : i32
      %jit3A_88 = arith.constant 1 : i32
      %select_n3A_89 = arith.select %eq3A_87, %jit3A_88, %jit3A_86 : i32
      %rem3A_90 = arith.remsi %scan3A_67, %select_n3A_89 : i32
      %ne3A_91 = arith.constant 0 : i32
      %ne3A_92 = arith.cmpi ne, %rem3A_90, %ne3A_91 : i32
      %lt3A = arith.constant 0 : i32
      %lt3A_93 = arith.cmpi slt, %rem3A_90, %lt3A : i32
      %lt3A_94 = arith.constant 0 : i32
      %lt3A_95 = arith.cmpi slt, %select_n3A_89, %lt3A_94 : i32
      %ne3A_96 = arith.xori %lt3A_93, %lt3A_95 : i1
      %and3A_97 = arith.andi %ne3A_96, %ne3A_92 : i1
      %add3A_98 = arith.addi %rem3A_90, %select_n3A_89 : i32
      %select_n3A_99 = arith.select %and3A_97, %add3A_98, %rem3A_90 : i32
      %mul3A_100 = arith.constant 16 : i32
      %mul3A_101 = arith.muli %select_n3A_99, %mul3A_100 : i32
      %swap3A = arith.index_cast %select_n3A : i32 to index
      %swap3A_102 = arith.index_cast %mul3A_101 : i32 to index
      %swap3A_103 = tpu.vector_load %arg9[%swap3A, %swap3A_102] {strides = array<i32>} : memref<160x32xf32, #tpu.memory_space<vmem>>, vector<1x16xf32>,
      %swap3A_104 = vector.shape_cast %swap3A_103 : vector<1x16xf32> to vector<16xf32>
      %swap3A_105 = vector.shape_cast %broadcast_in_dim3A_69 : vector<16xf32> to vector<1x16xf32>
      tpu.vector_store %arg9[%swap3A, %swap3A_102], %swap3A_105 {strides = array<i32>} : memref<160x32xf32, #tpu.memory_space<vmem>>, vector<1x16xf32>,
      %scan3A_106 = arith.constant 0 : i32
      scf.yield %scan3A_106 : i32
    }
    %scan3A_6 = arith.constant 320 : i32
    %mul3A_7 = arith.constant 632 : i32
    %mul3A_8 = arith.muli %arg1, %mul3A_7 : i32
    %add3A_9 = arith.constant 0 : i32
    %add3A_10 = arith.addi %mul3A_8, %add3A_9 : i32
    "tpu.region"() ({
      %run_scoped3A = tpu.sem_alloc : memref<!tpu.dma_semaphore, #tpu.memory_space<semaphore_mem>>
      %dma_start3A = arith.constant 0 : i32
      %dma_start3A_67 = arith.constant 0 : i32
      %dma_start3A_68 = tpu.memref_slice %arg9[%dma_start3A, %dma_start3A_67] : memref<160x32xf32, #tpu.memory_space<vmem>> -> memref<160x32xf32, #tpu.memory_space<vmem>>
      %dma_start3A_69 = arith.constant 0 : i32
      %dma_start3A_70 = tpu.memref_slice %arg10[%add3A_10, %dma_start3A_69] : memref<10112x32xf32, #tpu.memory_space<vmem_shared>> -> memref<160x32xf32, #tpu.memory_space<vmem_shared>>
      %dma_start3A_71 = arith.constant 0 : i32
      %dma_start3A_72 = tpu.memref_slice %arg10[%add3A_10, %dma_start3A_71] : memref<10112x32xf32, #tpu.memory_space<vmem_shared>> -> memref<160x32xf32, #tpu.memory_space<vmem_shared>>
      %dma_start3A_73 = arith.constant 0 : i32
      %dma_start3A_74 = arith.constant 0 : i32
      %dma_start3A_75 = tpu.memref_slice %arg9[%dma_start3A_73, %dma_start3A_74] : memref<160x32xf32, #tpu.memory_space<vmem>> -> memref<160x32xf32, #tpu.memory_space<vmem>>
      tpu.enqueue_dma source(%dma_start3A_75 : memref<160x32xf32, #tpu.memory_space<vmem>>) target(%dma_start3A_72 : memref<160x32xf32, #tpu.memory_space<vmem_shared>>) target_semaphore(%run_scoped3A : memref<!tpu.dma_semaphore, #tpu.memory_space<semaphore_mem>>)
      %dma_wait3A = arith.constant 0 : i32
      %dma_wait3A_76 = arith.constant 0 : i32
      %dma_wait3A_77 = tpu.memref_slice %arg9[%dma_wait3A, %dma_wait3A_76] : memref<160x32xf32, #tpu.memory_space<vmem>> -> memref<160x32xf32, #tpu.memory_space<vmem>>
      %dma_wait3A_78 = arith.constant 0 : i32
      %dma_wait3A_79 = tpu.memref_slice %arg10[%add3A_10, %dma_wait3A_78] : memref<10112x32xf32, #tpu.memory_space<vmem_shared>> -> memref<160x32xf32, #tpu.memory_space<vmem_shared>>
      %dma_wait3A_80 = arith.constant 0 : i32
      %dma_wait3A_81 = tpu.memref_slice %arg10[%add3A_10, %dma_wait3A_80] : memref<10112x32xf32, #tpu.memory_space<vmem_shared>> -> memref<160x32xf32, #tpu.memory_space<vmem_shared>>
      %dma_wait3A_82 = arith.constant 0 : i32
      %dma_wait3A_83 = arith.constant 0 : i32
      %dma_wait3A_84 = tpu.memref_slice %arg9[%dma_wait3A_82, %dma_wait3A_83] : memref<160x32xf32, #tpu.memory_space<vmem>> -> memref<160x32xf32, #tpu.memory_space<vmem>>
      tpu.wait_dma2 semaphore(%run_scoped3A : memref<!tpu.dma_semaphore, #tpu.memory_space<semaphore_mem>>) src(%dma_wait3A_84 : memref<160x32xf32, #tpu.memory_space<vmem>>) dst(%dma_wait3A_81 : memref<160x32xf32, #tpu.memory_space<vmem_shared>>)
      tpu.yield
    }) : () -> ()
    %mul3A_11 = arith.constant 632 : i32
    %mul3A_12 = arith.muli %arg1, %mul3A_11 : i32
    %add3A_13 = arith.constant 160 : i32
    %add3A_14 = arith.addi %mul3A_12, %add3A_13 : i32
    "tpu.region"() ({
      %run_scoped3A = tpu.sem_alloc : memref<!tpu.dma_semaphore, #tpu.memory_space<semaphore_mem>>
      %dma_start3A = arith.constant 0 : i32
      %dma_start3A_67 = arith.constant 0 : i32
      %dma_start3A_68 = tpu.memref_slice %arg9[%dma_start3A, %dma_start3A_67] : memref<160x32xf32, #tpu.memory_space<vmem>> -> memref<160x32xf32, #tpu.memory_space<vmem>>
      %dma_start3A_69 = arith.constant 0 : i32
      %dma_start3A_70 = tpu.memref_slice %arg10[%add3A_14, %dma_start3A_69] : memref<10112x32xf32, #tpu.memory_space<vmem_shared>> -> memref<160x32xf32, #tpu.memory_space<vmem_shared>>
      %dma_start3A_71 = arith.constant 0 : i32
      %dma_start3A_72 = tpu.memref_slice %arg10[%add3A_14, %dma_start3A_71] : memref<10112x32xf32, #tpu.memory_space<vmem_shared>> -> memref<160x32xf32, #tpu.memory_space<vmem_shared>>
      %dma_start3A_73 = arith.constant 0 : i32
      %dma_start3A_74 = arith.constant 0 : i32
      %dma_start3A_75 = tpu.memref_slice %arg9[%dma_start3A_73, %dma_start3A_74] : memref<160x32xf32, #tpu.memory_space<vmem>> -> memref<160x32xf32, #tpu.memory_space<vmem>>
      tpu.enqueue_dma source(%dma_start3A_75 : memref<160x32xf32, #tpu.memory_space<vmem>>) target(%dma_start3A_72 : memref<160x32xf32, #tpu.memory_space<vmem_shared>>) target_semaphore(%run_scoped3A : memref<!tpu.dma_semaphore, #tpu.memory_space<semaphore_mem>>)
      %dma_wait3A = arith.constant 0 : i32
      %dma_wait3A_76 = arith.constant 0 : i32
      %dma_wait3A_77 = tpu.memref_slice %arg9[%dma_wait3A, %dma_wait3A_76] : memref<160x32xf32, #tpu.memory_space<vmem>> -> memref<160x32xf32, #tpu.memory_space<vmem>>
      %dma_wait3A_78 = arith.constant 0 : i32
      %dma_wait3A_79 = tpu.memref_slice %arg10[%add3A_14, %dma_wait3A_78] : memref<10112x32xf32, #tpu.memory_space<vmem_shared>> -> memref<160x32xf32, #tpu.memory_space<vmem_shared>>
      %dma_wait3A_80 = arith.constant 0 : i32
      %dma_wait3A_81 = tpu.memref_slice %arg10[%add3A_14, %dma_wait3A_80] : memref<10112x32xf32, #tpu.memory_space<vmem_shared>> -> memref<160x32xf32, #tpu.memory_space<vmem_shared>>
      %dma_wait3A_82 = arith.constant 0 : i32
      %dma_wait3A_83 = arith.constant 0 : i32
      %dma_wait3A_84 = tpu.memref_slice %arg9[%dma_wait3A_82, %dma_wait3A_83] : memref<160x32xf32, #tpu.memory_space<vmem>> -> memref<160x32xf32, #tpu.memory_space<vmem>>
      tpu.wait_dma2 semaphore(%run_scoped3A : memref<!tpu.dma_semaphore, #tpu.memory_space<semaphore_mem>>) src(%dma_wait3A_84 : memref<160x32xf32, #tpu.memory_space<vmem>>) dst(%dma_wait3A_81 : memref<160x32xf32, #tpu.memory_space<vmem_shared>>)
      tpu.yield
    }) : () -> ()
    %mul3A_15 = arith.constant 632 : i32
    %mul3A_16 = arith.muli %arg1, %mul3A_15 : i32
    %add3A_17 = arith.constant 320 : i32
    %add3A_18 = arith.addi %mul3A_16, %add3A_17 : i32
    "tpu.region"() ({
      %run_scoped3A = tpu.sem_alloc : memref<!tpu.dma_semaphore, #tpu.memory_space<semaphore_mem>>
      %dma_start3A = arith.constant 0 : i32
      %dma_start3A_67 = arith.constant 0 : i32
      %dma_start3A_68 = tpu.memref_slice %arg9[%dma_start3A, %dma_start3A_67] : memref<160x32xf32, #tpu.memory_space<vmem>> -> memref<160x32xf32, #tpu.memory_space<vmem>>
      %dma_start3A_69 = arith.constant 0 : i32
      %dma_start3A_70 = tpu.memref_slice %arg10[%add3A_18, %dma_start3A_69] : memref<10112x32xf32, #tpu.memory_space<vmem_shared>> -> memref<160x32xf32, #tpu.memory_space<vmem_shared>>
      %dma_start3A_71 = arith.constant 0 : i32
      %dma_start3A_72 = tpu.memref_slice %arg10[%add3A_18, %dma_start3A_71] : memref<10112x32xf32, #tpu.memory_space<vmem_shared>> -> memref<160x32xf32, #tpu.memory_space<vmem_shared>>
      %dma_start3A_73 = arith.constant 0 : i32
      %dma_start3A_74 = arith.constant 0 : i32
      %dma_start3A_75 = tpu.memref_slice %arg9[%dma_start3A_73, %dma_start3A_74] : memref<160x32xf32, #tpu.memory_space<vmem>> -> memref<160x32xf32, #tpu.memory_space<vmem>>
      tpu.enqueue_dma source(%dma_start3A_75 : memref<160x32xf32, #tpu.memory_space<vmem>>) target(%dma_start3A_72 : memref<160x32xf32, #tpu.memory_space<vmem_shared>>) target_semaphore(%run_scoped3A : memref<!tpu.dma_semaphore, #tpu.memory_space<semaphore_mem>>)
      %dma_wait3A = arith.constant 0 : i32
      %dma_wait3A_76 = arith.constant 0 : i32
      %dma_wait3A_77 = tpu.memref_slice %arg9[%dma_wait3A, %dma_wait3A_76] : memref<160x32xf32, #tpu.memory_space<vmem>> -> memref<160x32xf32, #tpu.memory_space<vmem>>
      %dma_wait3A_78 = arith.constant 0 : i32
      %dma_wait3A_79 = tpu.memref_slice %arg10[%add3A_18, %dma_wait3A_78] : memref<10112x32xf32, #tpu.memory_space<vmem_shared>> -> memref<160x32xf32, #tpu.memory_space<vmem_shared>>
      %dma_wait3A_80 = arith.constant 0 : i32
      %dma_wait3A_81 = tpu.memref_slice %arg10[%add3A_18, %dma_wait3A_80] : memref<10112x32xf32, #tpu.memory_space<vmem_shared>> -> memref<160x32xf32, #tpu.memory_space<vmem_shared>>
      %dma_wait3A_82 = arith.constant 0 : i32
      %dma_wait3A_83 = arith.constant 0 : i32
      %dma_wait3A_84 = tpu.memref_slice %arg9[%dma_wait3A_82, %dma_wait3A_83] : memref<160x32xf32, #tpu.memory_space<vmem>> -> memref<160x32xf32, #tpu.memory_space<vmem>>
      tpu.wait_dma2 semaphore(%run_scoped3A : memref<!tpu.dma_semaphore, #tpu.memory_space<semaphore_mem>>) src(%dma_wait3A_84 : memref<160x32xf32, #tpu.memory_space<vmem>>) dst(%dma_wait3A_81 : memref<160x32xf32, #tpu.memory_space<vmem_shared>>)
      tpu.yield
    }) : () -> ()
    %mul3A_19 = arith.constant 632 : i32
    %mul3A_20 = arith.muli %arg1, %mul3A_19 : i32
    %add3A_21 = arith.constant 480 : i32
    %add3A_22 = arith.addi %mul3A_20, %add3A_21 : i32
    "tpu.region"() ({
      %run_scoped3A = tpu.sem_alloc : memref<!tpu.dma_semaphore, #tpu.memory_space<semaphore_mem>>
      %dma_start3A = arith.constant 0 : i32
      %dma_start3A_67 = arith.constant 0 : i32
      %dma_start3A_68 = tpu.memref_slice %arg9[%dma_start3A, %dma_start3A_67] : memref<160x32xf32, #tpu.memory_space<vmem>> -> memref<152x32xf32, #tpu.memory_space<vmem>>
      %dma_start3A_69 = arith.constant 0 : i32
      %dma_start3A_70 = tpu.memref_slice %arg10[%add3A_22, %dma_start3A_69] : memref<10112x32xf32, #tpu.memory_space<vmem_shared>> -> memref<152x32xf32, #tpu.memory_space<vmem_shared>>
      %dma_start3A_71 = arith.constant 0 : i32
      %dma_start3A_72 = tpu.memref_slice %arg10[%add3A_22, %dma_start3A_71] : memref<10112x32xf32, #tpu.memory_space<vmem_shared>> -> memref<152x32xf32, #tpu.memory_space<vmem_shared>>
      %dma_start3A_73 = arith.constant 0 : i32
      %dma_start3A_74 = arith.constant 0 : i32
      %dma_start3A_75 = tpu.memref_slice %arg9[%dma_start3A_73, %dma_start3A_74] : memref<160x32xf32, #tpu.memory_space<vmem>> -> memref<152x32xf32, #tpu.memory_space<vmem>>
      tpu.enqueue_dma source(%dma_start3A_75 : memref<152x32xf32, #tpu.memory_space<vmem>>) target(%dma_start3A_72 : memref<152x32xf32, #tpu.memory_space<vmem_shared>>) target_semaphore(%run_scoped3A : memref<!tpu.dma_semaphore, #tpu.memory_space<semaphore_mem>>)
      %dma_wait3A = arith.constant 0 : i32
      %dma_wait3A_76 = arith.constant 0 : i32
      %dma_wait3A_77 = tpu.memref_slice %arg9[%dma_wait3A, %dma_wait3A_76] : memref<160x32xf32, #tpu.memory_space<vmem>> -> memref<152x32xf32, #tpu.memory_space<vmem>>
      %dma_wait3A_78 = arith.constant 0 : i32
      %dma_wait3A_79 = tpu.memref_slice %arg10[%add3A_22, %dma_wait3A_78] : memref<10112x32xf32, #tpu.memory_space<vmem_shared>> -> memref<152x32xf32, #tpu.memory_space<vmem_shared>>
      %dma_wait3A_80 = arith.constant 0 : i32
      %dma_wait3A_81 = tpu.memref_slice %arg10[%add3A_22, %dma_wait3A_80] : memref<10112x32xf32, #tpu.memory_space<vmem_shared>> -> memref<152x32xf32, #tpu.memory_space<vmem_shared>>
      %dma_wait3A_82 = arith.constant 0 : i32
      %dma_wait3A_83 = arith.constant 0 : i32
      %dma_wait3A_84 = tpu.memref_slice %arg9[%dma_wait3A_82, %dma_wait3A_83] : memref<160x32xf32, #tpu.memory_space<vmem>> -> memref<152x32xf32, #tpu.memory_space<vmem>>
      tpu.wait_dma2 semaphore(%run_scoped3A : memref<!tpu.dma_semaphore, #tpu.memory_space<semaphore_mem>>) src(%dma_wait3A_84 : memref<152x32xf32, #tpu.memory_space<vmem>>) dst(%dma_wait3A_81 : memref<152x32xf32, #tpu.memory_space<vmem_shared>>)
      tpu.yield
    }) : () -> ()
    %barrier3A = arith.constant 0 : index
    tpu.barrier barrier_id(%barrier3A)
    %mul3A_23 = arith.constant 80 : i32
    %mul3A_24 = arith.muli %add3A, %mul3A_23 : i32
    "tpu.region"() ({
      %run_scoped3A = tpu.sem_alloc : memref<!tpu.dma_semaphore, #tpu.memory_space<semaphore_mem>>
      %dma_start3A = arith.constant 0 : i32
      %dma_start3A_67 = tpu.memref_slice %arg2[%mul3A_24, %dma_start3A] : memref<2560x128xi32, #tpu.memory_space<hbm>> -> memref<80x128xi32, #tpu.memory_space<hbm>>
      %dma_start3A_68 = arith.constant 0 : i32
      %dma_start3A_69 = tpu.memref_slice %arg2[%mul3A_24, %dma_start3A_68] : memref<2560x128xi32, #tpu.memory_space<hbm>> -> memref<80x128xi32, #tpu.memory_space<hbm>>
      tpu.enqueue_dma source(%dma_start3A_69 : memref<80x128xi32, #tpu.memory_space<hbm>>) target(%arg6 : memref<80x128xi32, #tpu.memory_space<vmem>>) target_semaphore(%run_scoped3A : memref<!tpu.dma_semaphore, #tpu.memory_space<semaphore_mem>>)
      %dma_wait3A = arith.constant 0 : i32
      %dma_wait3A_70 = tpu.memref_slice %arg2[%mul3A_24, %dma_wait3A] : memref<2560x128xi32, #tpu.memory_space<hbm>> -> memref<80x128xi32, #tpu.memory_space<hbm>>
      %dma_wait3A_71 = arith.constant 0 : i32
      %dma_wait3A_72 = tpu.memref_slice %arg2[%mul3A_24, %dma_wait3A_71] : memref<2560x128xi32, #tpu.memory_space<hbm>> -> memref<80x128xi32, #tpu.memory_space<hbm>>
      tpu.wait_dma2 semaphore(%run_scoped3A : memref<!tpu.dma_semaphore, #tpu.memory_space<semaphore_mem>>) src(%dma_wait3A_72 : memref<80x128xi32, #tpu.memory_space<hbm>>) dst(%arg6 : memref<80x128xi32, #tpu.memory_space<vmem>>)
      tpu.yield
    }) : () -> ()
    %mul3A_25 = arith.constant 80 : i32
    %mul3A_26 = arith.muli %add3A, %mul3A_25 : i32
    "tpu.region"() ({
      %run_scoped3A = tpu.sem_alloc : memref<!tpu.dma_semaphore, #tpu.memory_space<semaphore_mem>>
      %dma_start3A = arith.constant 0 : i32
      %dma_start3A_67 = tpu.memref_slice %arg3[%mul3A_26, %dma_start3A] : memref<2560x128xi32, #tpu.memory_space<hbm>> -> memref<80x128xi32, #tpu.memory_space<hbm>>
      %dma_start3A_68 = arith.constant 0 : i32
      %dma_start3A_69 = tpu.memref_slice %arg3[%mul3A_26, %dma_start3A_68] : memref<2560x128xi32, #tpu.memory_space<hbm>> -> memref<80x128xi32, #tpu.memory_space<hbm>>
      tpu.enqueue_dma source(%dma_start3A_69 : memref<80x128xi32, #tpu.memory_space<hbm>>) target(%arg7 : memref<80x128xi32, #tpu.memory_space<vmem>>) target_semaphore(%run_scoped3A : memref<!tpu.dma_semaphore, #tpu.memory_space<semaphore_mem>>)
      %dma_wait3A = arith.constant 0 : i32
      %dma_wait3A_70 = tpu.memref_slice %arg3[%mul3A_26, %dma_wait3A] : memref<2560x128xi32, #tpu.memory_space<hbm>> -> memref<80x128xi32, #tpu.memory_space<hbm>>
      %dma_wait3A_71 = arith.constant 0 : i32
      %dma_wait3A_72 = tpu.memref_slice %arg3[%mul3A_26, %dma_wait3A_71] : memref<2560x128xi32, #tpu.memory_space<hbm>> -> memref<80x128xi32, #tpu.memory_space<hbm>>
      tpu.wait_dma2 semaphore(%run_scoped3A : memref<!tpu.dma_semaphore, #tpu.memory_space<semaphore_mem>>) src(%dma_wait3A_72 : memref<80x128xi32, #tpu.memory_space<hbm>>) dst(%arg7 : memref<80x128xi32, #tpu.memory_space<vmem>>)
      tpu.yield
    }) : () -> ()
    %scan3A_27 = arith.constant 0 : i32
    %scan3A_28 = arith.constant 0 : i32
    %scan3A_29 = arith.constant 20 : i32
    %scan3A_30 = arith.addi %scan3A_28, %scan3A_29 : i32
    %scan3A_31 = arith.constant 1 : i32
    %scan3A_32 = scf.for %scan3A_67 = %scan3A_28 to %scan3A_30 step %scan3A_31 iter_args(%scan3A_68 = %scan3A_27) -> (i32)  : i32 {
      %mul3A_69 = arith.constant 4 : i32
      %mul3A_70 = arith.muli %scan3A_67, %mul3A_69 : i32
      %add3A_71 = arith.constant 0 : i32
      %add3A_72 = arith.addi %mul3A_70, %add3A_71 : i32
      %dma_start3A = arith.constant 0 : i32
      %dma_start3A_73 = arith.constant 0 : i32
      %dma_start3A_74 = arith.constant 0 : i32
      %dma_start3A_75 = tpu.memref_slice %arg8[%dma_start3A, %dma_start3A_73, %dma_start3A_74] : memref<4x128x32xf32, #tpu.memory_space<vmem>> -> memref<1x128x32xf32, #tpu.memory_space<vmem>>
      %dma_start3A_76 = tpu.memref_squeeze %dma_start3A_75 : memref<1x128x32xf32, #tpu.memory_space<vmem>> -> memref<128x32xf32, #tpu.memory_space<vmem>>
      %dma_start3A_77 = arith.constant 0 : i32
      %dma_start3A_78 = tpu.memref_slice %arg6[%add3A_72, %dma_start3A_77] : memref<80x128xi32, #tpu.memory_space<vmem>> -> memref<1x128xi32, #tpu.memory_space<vmem>>
      %dma_start3A_79 = tpu.memref_squeeze %dma_start3A_78 : memref<1x128xi32, #tpu.memory_space<vmem>> -> memref<128xi32, #tpu.memory_space<vmem>>
      %dma_start3A_80 = arith.constant 0 : i32
      %dma_start3A_81 = arith.constant 0 : i32
      %dma_start3A_82 = tpu.memref_slice %arg4[%dma_start3A_80, %dma_start3A_81] : memref<10112x32xf32, #tpu.memory_space<hbm>> -> memref<10112x32xf32, #tpu.memory_space<hbm>>
      tpu.enqueue_indirect_dma source(%dma_start3A_82 : memref<10112x32xf32, #tpu.memory_space<hbm>>) target(%dma_start3A_76 : memref<128x32xf32, #tpu.memory_space<vmem>>) offsets(%dma_start3A_79 : memref<128xi32, #tpu.memory_space<vmem>>) semaphore(%arg11 : memref<!tpu.dma_semaphore, #tpu.memory_space<semaphore_mem>>)
      %mul3A_83 = arith.constant 4 : i32
      %mul3A_84 = arith.muli %scan3A_67, %mul3A_83 : i32
      %add3A_85 = arith.constant 1 : i32
      %add3A_86 = arith.addi %mul3A_84, %add3A_85 : i32
      %dma_start3A_87 = arith.constant 1 : i32
      %dma_start3A_88 = arith.constant 0 : i32
      %dma_start3A_89 = arith.constant 0 : i32
      %dma_start3A_90 = tpu.memref_slice %arg8[%dma_start3A_87, %dma_start3A_88, %dma_start3A_89] : memref<4x128x32xf32, #tpu.memory_space<vmem>> -> memref<1x128x32xf32, #tpu.memory_space<vmem>>
      %dma_start3A_91 = tpu.memref_squeeze %dma_start3A_90 : memref<1x128x32xf32, #tpu.memory_space<vmem>> -> memref<128x32xf32, #tpu.memory_space<vmem>>
      %dma_start3A_92 = arith.constant 0 : i32
      %dma_start3A_93 = tpu.memref_slice %arg6[%add3A_86, %dma_start3A_92] : memref<80x128xi32, #tpu.memory_space<vmem>> -> memref<1x128xi32, #tpu.memory_space<vmem>>
      %dma_start3A_94 = tpu.memref_squeeze %dma_start3A_93 : memref<1x128xi32, #tpu.memory_space<vmem>> -> memref<128xi32, #tpu.memory_space<vmem>>
      %dma_start3A_95 = arith.constant 0 : i32
      %dma_start3A_96 = arith.constant 0 : i32
      %dma_start3A_97 = tpu.memref_slice %arg4[%dma_start3A_95, %dma_start3A_96] : memref<10112x32xf32, #tpu.memory_space<hbm>> -> memref<10112x32xf32, #tpu.memory_space<hbm>>
      tpu.enqueue_indirect_dma source(%dma_start3A_97 : memref<10112x32xf32, #tpu.memory_space<hbm>>) target(%dma_start3A_91 : memref<128x32xf32, #tpu.memory_space<vmem>>) offsets(%dma_start3A_94 : memref<128xi32, #tpu.memory_space<vmem>>) semaphore(%arg11 : memref<!tpu.dma_semaphore, #tpu.memory_space<semaphore_mem>>)
      %mul3A_98 = arith.constant 4 : i32
      %mul3A_99 = arith.muli %scan3A_67, %mul3A_98 : i32
      %add3A_100 = arith.constant 2 : i32
      %add3A_101 = arith.addi %mul3A_99, %add3A_100 : i32
      %dma_start3A_102 = arith.constant 2 : i32
      %dma_start3A_103 = arith.constant 0 : i32
      %dma_start3A_104 = arith.constant 0 : i32
      %dma_start3A_105 = tpu.memref_slice %arg8[%dma_start3A_102, %dma_start3A_103, %dma_start3A_104] : memref<4x128x32xf32, #tpu.memory_space<vmem>> -> memref<1x128x32xf32, #tpu.memory_space<vmem>>
      %dma_start3A_106 = tpu.memref_squeeze %dma_start3A_105 : memref<1x128x32xf32, #tpu.memory_space<vmem>> -> memref<128x32xf32, #tpu.memory_space<vmem>>
      %dma_start3A_107 = arith.constant 0 : i32
      %dma_start3A_108 = tpu.memref_slice %arg6[%add3A_101, %dma_start3A_107] : memref<80x128xi32, #tpu.memory_space<vmem>> -> memref<1x128xi32, #tpu.memory_space<vmem>>
      %dma_start3A_109 = tpu.memref_squeeze %dma_start3A_108 : memref<1x128xi32, #tpu.memory_space<vmem>> -> memref<128xi32, #tpu.memory_space<vmem>>
      %dma_start3A_110 = arith.constant 0 : i32
      %dma_start3A_111 = arith.constant 0 : i32
      %dma_start3A_112 = tpu.memref_slice %arg4[%dma_start3A_110, %dma_start3A_111] : memref<10112x32xf32, #tpu.memory_space<hbm>> -> memref<10112x32xf32, #tpu.memory_space<hbm>>
      tpu.enqueue_indirect_dma source(%dma_start3A_112 : memref<10112x32xf32, #tpu.memory_space<hbm>>) target(%dma_start3A_106 : memref<128x32xf32, #tpu.memory_space<vmem>>) offsets(%dma_start3A_109 : memref<128xi32, #tpu.memory_space<vmem>>) semaphore(%arg11 : memref<!tpu.dma_semaphore, #tpu.memory_space<semaphore_mem>>)
      %mul3A_113 = arith.constant 4 : i32
      %mul3A_114 = arith.muli %scan3A_67, %mul3A_113 : i32
      %add3A_115 = arith.constant 3 : i32
      %add3A_116 = arith.addi %mul3A_114, %add3A_115 : i32
      %dma_start3A_117 = arith.constant 3 : i32
      %dma_start3A_118 = arith.constant 0 : i32
      %dma_start3A_119 = arith.constant 0 : i32
      %dma_start3A_120 = tpu.memref_slice %arg8[%dma_start3A_117, %dma_start3A_118, %dma_start3A_119] : memref<4x128x32xf32, #tpu.memory_space<vmem>> -> memref<1x128x32xf32, #tpu.memory_space<vmem>>
      %dma_start3A_121 = tpu.memref_squeeze %dma_start3A_120 : memref<1x128x32xf32, #tpu.memory_space<vmem>> -> memref<128x32xf32, #tpu.memory_space<vmem>>
      %dma_start3A_122 = arith.constant 0 : i32
      %dma_start3A_123 = tpu.memref_slice %arg6[%add3A_116, %dma_start3A_122] : memref<80x128xi32, #tpu.memory_space<vmem>> -> memref<1x128xi32, #tpu.memory_space<vmem>>
      %dma_start3A_124 = tpu.memref_squeeze %dma_start3A_123 : memref<1x128xi32, #tpu.memory_space<vmem>> -> memref<128xi32, #tpu.memory_space<vmem>>
      %dma_start3A_125 = arith.constant 0 : i32
      %dma_start3A_126 = arith.constant 0 : i32
      %dma_start3A_127 = tpu.memref_slice %arg4[%dma_start3A_125, %dma_start3A_126] : memref<10112x32xf32, #tpu.memory_space<hbm>> -> memref<10112x32xf32, #tpu.memory_space<hbm>>
      tpu.enqueue_indirect_dma source(%dma_start3A_127 : memref<10112x32xf32, #tpu.memory_space<hbm>>) target(%dma_start3A_121 : memref<128x32xf32, #tpu.memory_space<vmem>>) offsets(%dma_start3A_124 : memref<128xi32, #tpu.memory_space<vmem>>) semaphore(%arg11 : memref<!tpu.dma_semaphore, #tpu.memory_space<semaphore_mem>>)
      %dma_wait3A = arith.constant 0 : i32
      %dma_wait3A_128 = arith.constant 0 : i32
      %dma_wait3A_129 = arith.constant 0 : i32
      %dma_wait3A_130 = tpu.memref_slice %arg8[%dma_wait3A, %dma_wait3A_128, %dma_wait3A_129] : memref<4x128x32xf32, #tpu.memory_space<vmem>> -> memref<1x128x32xf32, #tpu.memory_space<vmem>>
      %dma_wait3A_131 = tpu.memref_squeeze %dma_wait3A_130 : memref<1x128x32xf32, #tpu.memory_space<vmem>> -> memref<128x32xf32, #tpu.memory_space<vmem>>
      %dma_wait3A_132 = arith.constant 0 : i32
      %dma_wait3A_133 = tpu.memref_slice %arg6[%add3A_72, %dma_wait3A_132] : memref<80x128xi32, #tpu.memory_space<vmem>> -> memref<1x128xi32, #tpu.memory_space<vmem>>
      %dma_wait3A_134 = tpu.memref_squeeze %dma_wait3A_133 : memref<1x128xi32, #tpu.memory_space<vmem>> -> memref<128xi32, #tpu.memory_space<vmem>>
      %dma_wait3A_135 = arith.constant 0 : i32
      %dma_wait3A_136 = arith.constant 0 : i32
      %dma_wait3A_137 = tpu.memref_slice %arg4[%dma_wait3A_135, %dma_wait3A_136] : memref<10112x32xf32, #tpu.memory_space<hbm>> -> memref<10112x32xf32, #tpu.memory_space<hbm>>
      tpu.wait_indirect_dma semaphore(%arg11 : memref<!tpu.dma_semaphore, #tpu.memory_space<semaphore_mem>>) src(%dma_wait3A_137 : memref<10112x32xf32, #tpu.memory_space<hbm>>) dst(%dma_wait3A_131 : memref<128x32xf32, #tpu.memory_space<vmem>>)
      %dma_wait3A_138 = arith.constant 1 : i32
      %dma_wait3A_139 = arith.constant 0 : i32
      %dma_wait3A_140 = arith.constant 0 : i32
      %dma_wait3A_141 = tpu.memref_slice %arg8[%dma_wait3A_138, %dma_wait3A_139, %dma_wait3A_140] : memref<4x128x32xf32, #tpu.memory_space<vmem>> -> memref<1x128x32xf32, #tpu.memory_space<vmem>>
      %dma_wait3A_142 = tpu.memref_squeeze %dma_wait3A_141 : memref<1x128x32xf32, #tpu.memory_space<vmem>> -> memref<128x32xf32, #tpu.memory_space<vmem>>
      %dma_wait3A_143 = arith.constant 0 : i32
      %dma_wait3A_144 = tpu.memref_slice %arg6[%add3A_86, %dma_wait3A_143] : memref<80x128xi32, #tpu.memory_space<vmem>> -> memref<1x128xi32, #tpu.memory_space<vmem>>
      %dma_wait3A_145 = tpu.memref_squeeze %dma_wait3A_144 : memref<1x128xi32, #tpu.memory_space<vmem>> -> memref<128xi32, #tpu.memory_space<vmem>>
      %dma_wait3A_146 = arith.constant 0 : i32
      %dma_wait3A_147 = arith.constant 0 : i32
      %dma_wait3A_148 = tpu.memref_slice %arg4[%dma_wait3A_146, %dma_wait3A_147] : memref<10112x32xf32, #tpu.memory_space<hbm>> -> memref<10112x32xf32, #tpu.memory_space<hbm>>
      tpu.wait_indirect_dma semaphore(%arg11 : memref<!tpu.dma_semaphore, #tpu.memory_space<semaphore_mem>>) src(%dma_wait3A_148 : memref<10112x32xf32, #tpu.memory_space<hbm>>) dst(%dma_wait3A_142 : memref<128x32xf32, #tpu.memory_space<vmem>>)
      %dma_wait3A_149 = arith.constant 2 : i32
      %dma_wait3A_150 = arith.constant 0 : i32
      %dma_wait3A_151 = arith.constant 0 : i32
      %dma_wait3A_152 = tpu.memref_slice %arg8[%dma_wait3A_149, %dma_wait3A_150, %dma_wait3A_151] : memref<4x128x32xf32, #tpu.memory_space<vmem>> -> memref<1x128x32xf32, #tpu.memory_space<vmem>>
      %dma_wait3A_153 = tpu.memref_squeeze %dma_wait3A_152 : memref<1x128x32xf32, #tpu.memory_space<vmem>> -> memref<128x32xf32, #tpu.memory_space<vmem>>
      %dma_wait3A_154 = arith.constant 0 : i32
      %dma_wait3A_155 = tpu.memref_slice %arg6[%add3A_101, %dma_wait3A_154] : memref<80x128xi32, #tpu.memory_space<vmem>> -> memref<1x128xi32, #tpu.memory_space<vmem>>
      %dma_wait3A_156 = tpu.memref_squeeze %dma_wait3A_155 : memref<1x128xi32, #tpu.memory_space<vmem>> -> memref<128xi32, #tpu.memory_space<vmem>>
      %dma_wait3A_157 = arith.constant 0 : i32
      %dma_wait3A_158 = arith.constant 0 : i32
      %dma_wait3A_159 = tpu.memref_slice %arg4[%dma_wait3A_157, %dma_wait3A_158] : memref<10112x32xf32, #tpu.memory_space<hbm>> -> memref<10112x32xf32, #tpu.memory_space<hbm>>
      tpu.wait_indirect_dma semaphore(%arg11 : memref<!tpu.dma_semaphore, #tpu.memory_space<semaphore_mem>>) src(%dma_wait3A_159 : memref<10112x32xf32, #tpu.memory_space<hbm>>) dst(%dma_wait3A_153 : memref<128x32xf32, #tpu.memory_space<vmem>>)
      %dma_wait3A_160 = arith.constant 3 : i32
      %dma_wait3A_161 = arith.constant 0 : i32
      %dma_wait3A_162 = arith.constant 0 : i32
      %dma_wait3A_163 = tpu.memref_slice %arg8[%dma_wait3A_160, %dma_wait3A_161, %dma_wait3A_162] : memref<4x128x32xf32, #tpu.memory_space<vmem>> -> memref<1x128x32xf32, #tpu.memory_space<vmem>>
      %dma_wait3A_164 = tpu.memref_squeeze %dma_wait3A_163 : memref<1x128x32xf32, #tpu.memory_space<vmem>> -> memref<128x32xf32, #tpu.memory_space<vmem>>
      %dma_wait3A_165 = arith.constant 0 : i32
      %dma_wait3A_166 = tpu.memref_slice %arg6[%add3A_116, %dma_wait3A_165] : memref<80x128xi32, #tpu.memory_space<vmem>> -> memref<1x128xi32, #tpu.memory_space<vmem>>
      %dma_wait3A_167 = tpu.memref_squeeze %dma_wait3A_166 : memref<1x128xi32, #tpu.memory_space<vmem>> -> memref<128xi32, #tpu.memory_space<vmem>>
      %dma_wait3A_168 = arith.constant 0 : i32
      %dma_wait3A_169 = arith.constant 0 : i32
      %dma_wait3A_170 = tpu.memref_slice %arg4[%dma_wait3A_168, %dma_wait3A_169] : memref<10112x32xf32, #tpu.memory_space<hbm>> -> memref<10112x32xf32, #tpu.memory_space<hbm>>
      tpu.wait_indirect_dma semaphore(%arg11 : memref<!tpu.dma_semaphore, #tpu.memory_space<semaphore_mem>>) src(%dma_wait3A_170 : memref<10112x32xf32, #tpu.memory_space<hbm>>) dst(%dma_wait3A_164 : memref<128x32xf32, #tpu.memory_space<vmem>>)
      %mul3A_171 = arith.constant 4 : i32
      %mul3A_172 = arith.muli %scan3A_67, %mul3A_171 : i32
      %add3A_173 = arith.constant 0 : i32
      %add3A_174 = arith.addi %mul3A_172, %add3A_173 : i32
      %run_scoped3A = arith.constant 0 : i32
      "tpu.region"() ({
        %run_scoped3A_191 = tpu.sem_alloc : memref<!tpu.dma_semaphore, #tpu.memory_space<semaphore_mem>>
        %dma_start3A_192 = arith.constant 0 : i32
        %dma_start3A_193 = arith.constant 0 : i32
        %dma_start3A_194 = tpu.memref_slice %arg8[%run_scoped3A, %dma_start3A_192, %dma_start3A_193] : memref<4x128x32xf32, #tpu.memory_space<vmem>> -> memref<1x128x32xf32, #tpu.memory_space<vmem>>
        %dma_start3A_195 = tpu.memref_squeeze %dma_start3A_194 : memref<1x128x32xf32, #tpu.memory_space<vmem>> -> memref<128x32xf32, #tpu.memory_space<vmem>>
        %dma_start3A_196 = arith.constant 0 : i32
        %dma_start3A_197 = tpu.memref_slice %arg7[%add3A_174, %dma_start3A_196] : memref<80x128xi32, #tpu.memory_space<vmem>> -> memref<1x128xi32, #tpu.memory_space<vmem>>
        %dma_start3A_198 = tpu.memref_squeeze %dma_start3A_197 : memref<1x128xi32, #tpu.memory_space<vmem>> -> memref<128xi32, #tpu.memory_space<vmem>>
        %dma_start3A_199 = arith.constant 0 : i32
        %dma_start3A_200 = arith.constant 0 : i32
        %dma_start3A_201 = tpu.memref_slice %arg10[%dma_start3A_199, %dma_start3A_200] : memref<10112x32xf32, #tpu.memory_space<vmem_shared>> -> memref<10112x32xf32, #tpu.memory_space<vmem_shared>>
        tpu.enqueue_indirect_dma source(%dma_start3A_195 : memref<128x32xf32, #tpu.memory_space<vmem>>) target(%dma_start3A_201 : memref<10112x32xf32, #tpu.memory_space<vmem_shared>>) offsets(%dma_start3A_198 : memref<128xi32, #tpu.memory_space<vmem>>) semaphore(%run_scoped3A_191 : memref<!tpu.dma_semaphore, #tpu.memory_space<semaphore_mem>>) {add = true}
        %dma_wait3A_202 = arith.constant 0 : i32
        %dma_wait3A_203 = arith.constant 0 : i32
        %dma_wait3A_204 = tpu.memref_slice %arg8[%run_scoped3A, %dma_wait3A_202, %dma_wait3A_203] : memref<4x128x32xf32, #tpu.memory_space<vmem>> -> memref<1x128x32xf32, #tpu.memory_space<vmem>>
        %dma_wait3A_205 = tpu.memref_squeeze %dma_wait3A_204 : memref<1x128x32xf32, #tpu.memory_space<vmem>> -> memref<128x32xf32, #tpu.memory_space<vmem>>
        %dma_wait3A_206 = arith.constant 0 : i32
        %dma_wait3A_207 = tpu.memref_slice %arg7[%add3A_174, %dma_wait3A_206] : memref<80x128xi32, #tpu.memory_space<vmem>> -> memref<1x128xi32, #tpu.memory_space<vmem>>
        %dma_wait3A_208 = tpu.memref_squeeze %dma_wait3A_207 : memref<1x128xi32, #tpu.memory_space<vmem>> -> memref<128xi32, #tpu.memory_space<vmem>>
        %dma_wait3A_209 = arith.constant 0 : i32
        %dma_wait3A_210 = arith.constant 0 : i32
        %dma_wait3A_211 = tpu.memref_slice %arg10[%dma_wait3A_209, %dma_wait3A_210] : memref<10112x32xf32, #tpu.memory_space<vmem_shared>> -> memref<10112x32xf32, #tpu.memory_space<vmem_shared>>
        tpu.wait_indirect_dma semaphore(%run_scoped3A_191 : memref<!tpu.dma_semaphore, #tpu.memory_space<semaphore_mem>>) src(%dma_wait3A_205 : memref<128x32xf32, #tpu.memory_space<vmem>>) dst(%dma_wait3A_211 : memref<10112x32xf32, #tpu.memory_space<vmem_shared>>)
        tpu.yield
      }) : () -> ()
      %mul3A_175 = arith.constant 4 : i32
      %mul3A_176 = arith.muli %scan3A_67, %mul3A_175 : i32
      %add3A_177 = arith.constant 1 : i32
      %add3A_178 = arith.addi %mul3A_176, %add3A_177 : i32
      %run_scoped3A_179 = arith.constant 1 : i32
      "tpu.region"() ({
        %run_scoped3A_191 = tpu.sem_alloc : memref<!tpu.dma_semaphore, #tpu.memory_space<semaphore_mem>>
        %dma_start3A_192 = arith.constant 0 : i32
        %dma_start3A_193 = arith.constant 0 : i32
        %dma_start3A_194 = tpu.memref_slice %arg8[%run_scoped3A_179, %dma_start3A_192, %dma_start3A_193] : memref<4x128x32xf32, #tpu.memory_space<vmem>> -> memref<1x128x32xf32, #tpu.memory_space<vmem>>
        %dma_start3A_195 = tpu.memref_squeeze %dma_start3A_194 : memref<1x128x32xf32, #tpu.memory_space<vmem>> -> memref<128x32xf32, #tpu.memory_space<vmem>>
        %dma_start3A_196 = arith.constant 0 : i32
        %dma_start3A_197 = tpu.memref_slice %arg7[%add3A_178, %dma_start3A_196] : memref<80x128xi32, #tpu.memory_space<vmem>> -> memref<1x128xi32, #tpu.memory_space<vmem>>
        %dma_start3A_198 = tpu.memref_squeeze %dma_start3A_197 : memref<1x128xi32, #tpu.memory_space<vmem>> -> memref<128xi32, #tpu.memory_space<vmem>>
        %dma_start3A_199 = arith.constant 0 : i32
        %dma_start3A_200 = arith.constant 0 : i32
        %dma_start3A_201 = tpu.memref_slice %arg10[%dma_start3A_199, %dma_start3A_200] : memref<10112x32xf32, #tpu.memory_space<vmem_shared>> -> memref<10112x32xf32, #tpu.memory_space<vmem_shared>>
        tpu.enqueue_indirect_dma source(%dma_start3A_195 : memref<128x32xf32, #tpu.memory_space<vmem>>) target(%dma_start3A_201 : memref<10112x32xf32, #tpu.memory_space<vmem_shared>>) offsets(%dma_start3A_198 : memref<128xi32, #tpu.memory_space<vmem>>) semaphore(%run_scoped3A_191 : memref<!tpu.dma_semaphore, #tpu.memory_space<semaphore_mem>>) {add = true}
        %dma_wait3A_202 = arith.constant 0 : i32
        %dma_wait3A_203 = arith.constant 0 : i32
        %dma_wait3A_204 = tpu.memref_slice %arg8[%run_scoped3A_179, %dma_wait3A_202, %dma_wait3A_203] : memref<4x128x32xf32, #tpu.memory_space<vmem>> -> memref<1x128x32xf32, #tpu.memory_space<vmem>>
        %dma_wait3A_205 = tpu.memref_squeeze %dma_wait3A_204 : memref<1x128x32xf32, #tpu.memory_space<vmem>> -> memref<128x32xf32, #tpu.memory_space<vmem>>
        %dma_wait3A_206 = arith.constant 0 : i32
        %dma_wait3A_207 = tpu.memref_slice %arg7[%add3A_178, %dma_wait3A_206] : memref<80x128xi32, #tpu.memory_space<vmem>> -> memref<1x128xi32, #tpu.memory_space<vmem>>
        %dma_wait3A_208 = tpu.memref_squeeze %dma_wait3A_207 : memref<1x128xi32, #tpu.memory_space<vmem>> -> memref<128xi32, #tpu.memory_space<vmem>>
        %dma_wait3A_209 = arith.constant 0 : i32
        %dma_wait3A_210 = arith.constant 0 : i32
        %dma_wait3A_211 = tpu.memref_slice %arg10[%dma_wait3A_209, %dma_wait3A_210] : memref<10112x32xf32, #tpu.memory_space<vmem_shared>> -> memref<10112x32xf32, #tpu.memory_space<vmem_shared>>
        tpu.wait_indirect_dma semaphore(%run_scoped3A_191 : memref<!tpu.dma_semaphore, #tpu.memory_space<semaphore_mem>>) src(%dma_wait3A_205 : memref<128x32xf32, #tpu.memory_space<vmem>>) dst(%dma_wait3A_211 : memref<10112x32xf32, #tpu.memory_space<vmem_shared>>)
        tpu.yield
      }) : () -> ()
      %mul3A_180 = arith.constant 4 : i32
      %mul3A_181 = arith.muli %scan3A_67, %mul3A_180 : i32
      %add3A_182 = arith.constant 2 : i32
      %add3A_183 = arith.addi %mul3A_181, %add3A_182 : i32
      %run_scoped3A_184 = arith.constant 2 : i32
      "tpu.region"() ({
        %run_scoped3A_191 = tpu.sem_alloc : memref<!tpu.dma_semaphore, #tpu.memory_space<semaphore_mem>>
        %dma_start3A_192 = arith.constant 0 : i32
        %dma_start3A_193 = arith.constant 0 : i32
        %dma_start3A_194 = tpu.memref_slice %arg8[%run_scoped3A_184, %dma_start3A_192, %dma_start3A_193] : memref<4x128x32xf32, #tpu.memory_space<vmem>> -> memref<1x128x32xf32, #tpu.memory_space<vmem>>
        %dma_start3A_195 = tpu.memref_squeeze %dma_start3A_194 : memref<1x128x32xf32, #tpu.memory_space<vmem>> -> memref<128x32xf32, #tpu.memory_space<vmem>>
        %dma_start3A_196 = arith.constant 0 : i32
        %dma_start3A_197 = tpu.memref_slice %arg7[%add3A_183, %dma_start3A_196] : memref<80x128xi32, #tpu.memory_space<vmem>> -> memref<1x128xi32, #tpu.memory_space<vmem>>
        %dma_start3A_198 = tpu.memref_squeeze %dma_start3A_197 : memref<1x128xi32, #tpu.memory_space<vmem>> -> memref<128xi32, #tpu.memory_space<vmem>>
        %dma_start3A_199 = arith.constant 0 : i32
        %dma_start3A_200 = arith.constant 0 : i32
        %dma_start3A_201 = tpu.memref_slice %arg10[%dma_start3A_199, %dma_start3A_200] : memref<10112x32xf32, #tpu.memory_space<vmem_shared>> -> memref<10112x32xf32, #tpu.memory_space<vmem_shared>>
        tpu.enqueue_indirect_dma source(%dma_start3A_195 : memref<128x32xf32, #tpu.memory_space<vmem>>) target(%dma_start3A_201 : memref<10112x32xf32, #tpu.memory_space<vmem_shared>>) offsets(%dma_start3A_198 : memref<128xi32, #tpu.memory_space<vmem>>) semaphore(%run_scoped3A_191 : memref<!tpu.dma_semaphore, #tpu.memory_space<semaphore_mem>>) {add = true}
        %dma_wait3A_202 = arith.constant 0 : i32
        %dma_wait3A_203 = arith.constant 0 : i32
        %dma_wait3A_204 = tpu.memref_slice %arg8[%run_scoped3A_184, %dma_wait3A_202, %dma_wait3A_203] : memref<4x128x32xf32, #tpu.memory_space<vmem>> -> memref<1x128x32xf32, #tpu.memory_space<vmem>>
        %dma_wait3A_205 = tpu.memref_squeeze %dma_wait3A_204 : memref<1x128x32xf32, #tpu.memory_space<vmem>> -> memref<128x32xf32, #tpu.memory_space<vmem>>
        %dma_wait3A_206 = arith.constant 0 : i32
        %dma_wait3A_207 = tpu.memref_slice %arg7[%add3A_183, %dma_wait3A_206] : memref<80x128xi32, #tpu.memory_space<vmem>> -> memref<1x128xi32, #tpu.memory_space<vmem>>
        %dma_wait3A_208 = tpu.memref_squeeze %dma_wait3A_207 : memref<1x128xi32, #tpu.memory_space<vmem>> -> memref<128xi32, #tpu.memory_space<vmem>>
        %dma_wait3A_209 = arith.constant 0 : i32
        %dma_wait3A_210 = arith.constant 0 : i32
        %dma_wait3A_211 = tpu.memref_slice %arg10[%dma_wait3A_209, %dma_wait3A_210] : memref<10112x32xf32, #tpu.memory_space<vmem_shared>> -> memref<10112x32xf32, #tpu.memory_space<vmem_shared>>
        tpu.wait_indirect_dma semaphore(%run_scoped3A_191 : memref<!tpu.dma_semaphore, #tpu.memory_space<semaphore_mem>>) src(%dma_wait3A_205 : memref<128x32xf32, #tpu.memory_space<vmem>>) dst(%dma_wait3A_211 : memref<10112x32xf32, #tpu.memory_space<vmem_shared>>)
        tpu.yield
      }) : () -> ()
      %mul3A_185 = arith.constant 4 : i32
      %mul3A_186 = arith.muli %scan3A_67, %mul3A_185 : i32
      %add3A_187 = arith.constant 3 : i32
      %add3A_188 = arith.addi %mul3A_186, %add3A_187 : i32
      %run_scoped3A_189 = arith.constant 3 : i32
      "tpu.region"() ({
        %run_scoped3A_191 = tpu.sem_alloc : memref<!tpu.dma_semaphore, #tpu.memory_space<semaphore_mem>>
        %dma_start3A_192 = arith.constant 0 : i32
        %dma_start3A_193 = arith.constant 0 : i32
        %dma_start3A_194 = tpu.memref_slice %arg8[%run_scoped3A_189, %dma_start3A_192, %dma_start3A_193] : memref<4x128x32xf32, #tpu.memory_space<vmem>> -> memref<1x128x32xf32, #tpu.memory_space<vmem>>
        %dma_start3A_195 = tpu.memref_squeeze %dma_start3A_194 : memref<1x128x32xf32, #tpu.memory_space<vmem>> -> memref<128x32xf32, #tpu.memory_space<vmem>>
        %dma_start3A_196 = arith.constant 0 : i32
        %dma_start3A_197 = tpu.memref_slice %arg7[%add3A_188, %dma_start3A_196] : memref<80x128xi32, #tpu.memory_space<vmem>> -> memref<1x128xi32, #tpu.memory_space<vmem>>
        %dma_start3A_198 = tpu.memref_squeeze %dma_start3A_197 : memref<1x128xi32, #tpu.memory_space<vmem>> -> memref<128xi32, #tpu.memory_space<vmem>>
        %dma_start3A_199 = arith.constant 0 : i32
        %dma_start3A_200 = arith.constant 0 : i32
        %dma_start3A_201 = tpu.memref_slice %arg10[%dma_start3A_199, %dma_start3A_200] : memref<10112x32xf32, #tpu.memory_space<vmem_shared>> -> memref<10112x32xf32, #tpu.memory_space<vmem_shared>>
        tpu.enqueue_indirect_dma source(%dma_start3A_195 : memref<128x32xf32, #tpu.memory_space<vmem>>) target(%dma_start3A_201 : memref<10112x32xf32, #tpu.memory_space<vmem_shared>>) offsets(%dma_start3A_198 : memref<128xi32, #tpu.memory_space<vmem>>) semaphore(%run_scoped3A_191 : memref<!tpu.dma_semaphore, #tpu.memory_space<semaphore_mem>>) {add = true}
        %dma_wait3A_202 = arith.constant 0 : i32
        %dma_wait3A_203 = arith.constant 0 : i32
        %dma_wait3A_204 = tpu.memref_slice %arg8[%run_scoped3A_189, %dma_wait3A_202, %dma_wait3A_203] : memref<4x128x32xf32, #tpu.memory_space<vmem>> -> memref<1x128x32xf32, #tpu.memory_space<vmem>>
        %dma_wait3A_205 = tpu.memref_squeeze %dma_wait3A_204 : memref<1x128x32xf32, #tpu.memory_space<vmem>> -> memref<128x32xf32, #tpu.memory_space<vmem>>
        %dma_wait3A_206 = arith.constant 0 : i32
        %dma_wait3A_207 = tpu.memref_slice %arg7[%add3A_188, %dma_wait3A_206] : memref<80x128xi32, #tpu.memory_space<vmem>> -> memref<1x128xi32, #tpu.memory_space<vmem>>
        %dma_wait3A_208 = tpu.memref_squeeze %dma_wait3A_207 : memref<1x128xi32, #tpu.memory_space<vmem>> -> memref<128xi32, #tpu.memory_space<vmem>>
        %dma_wait3A_209 = arith.constant 0 : i32
        %dma_wait3A_210 = arith.constant 0 : i32
        %dma_wait3A_211 = tpu.memref_slice %arg10[%dma_wait3A_209, %dma_wait3A_210] : memref<10112x32xf32, #tpu.memory_space<vmem_shared>> -> memref<10112x32xf32, #tpu.memory_space<vmem_shared>>
        tpu.wait_indirect_dma semaphore(%run_scoped3A_191 : memref<!tpu.dma_semaphore, #tpu.memory_space<semaphore_mem>>) src(%dma_wait3A_205 : memref<128x32xf32, #tpu.memory_space<vmem>>) dst(%dma_wait3A_211 : memref<10112x32xf32, #tpu.memory_space<vmem_shared>>)
        tpu.yield
      }) : () -> ()
      %scan3A_190 = arith.constant 0 : i32
      scf.yield %scan3A_190 : i32
    }
    %scan3A_33 = arith.constant 20 : i32
    %barrier3A_34 = arith.constant 0 : index
    tpu.barrier barrier_id(%barrier3A_34)
    %mul3A_35 = arith.constant 632 : i32
    %mul3A_36 = arith.muli %arg1, %mul3A_35 : i32
    %add3A_37 = arith.constant 0 : i32
    %add3A_38 = arith.addi %mul3A_36, %add3A_37 : i32
    "tpu.region"() ({
      %run_scoped3A = tpu.sem_alloc : memref<!tpu.dma_semaphore, #tpu.memory_space<semaphore_mem>>
      %dma_start3A = arith.constant 0 : i32
      %dma_start3A_67 = arith.constant 0 : i32
      %dma_start3A_68 = tpu.memref_slice %arg9[%dma_start3A, %dma_start3A_67] : memref<160x32xf32, #tpu.memory_space<vmem>> -> memref<160x32xf32, #tpu.memory_space<vmem>>
      %dma_start3A_69 = arith.constant 0 : i32
      %dma_start3A_70 = tpu.memref_slice %arg10[%add3A_38, %dma_start3A_69] : memref<10112x32xf32, #tpu.memory_space<vmem_shared>> -> memref<160x32xf32, #tpu.memory_space<vmem_shared>>
      %dma_start3A_71 = arith.constant 0 : i32
      %dma_start3A_72 = arith.constant 0 : i32
      %dma_start3A_73 = tpu.memref_slice %arg9[%dma_start3A_71, %dma_start3A_72] : memref<160x32xf32, #tpu.memory_space<vmem>> -> memref<160x32xf32, #tpu.memory_space<vmem>>
      %dma_start3A_74 = arith.constant 0 : i32
      %dma_start3A_75 = tpu.memref_slice %arg10[%add3A_38, %dma_start3A_74] : memref<10112x32xf32, #tpu.memory_space<vmem_shared>> -> memref<160x32xf32, #tpu.memory_space<vmem_shared>>
      tpu.enqueue_dma source(%dma_start3A_75 : memref<160x32xf32, #tpu.memory_space<vmem_shared>>) target(%dma_start3A_73 : memref<160x32xf32, #tpu.memory_space<vmem>>) target_semaphore(%run_scoped3A : memref<!tpu.dma_semaphore, #tpu.memory_space<semaphore_mem>>)
      %dma_wait3A = arith.constant 0 : i32
      %dma_wait3A_76 = arith.constant 0 : i32
      %dma_wait3A_77 = tpu.memref_slice %arg9[%dma_wait3A, %dma_wait3A_76] : memref<160x32xf32, #tpu.memory_space<vmem>> -> memref<160x32xf32, #tpu.memory_space<vmem>>
      %dma_wait3A_78 = arith.constant 0 : i32
      %dma_wait3A_79 = tpu.memref_slice %arg10[%add3A_38, %dma_wait3A_78] : memref<10112x32xf32, #tpu.memory_space<vmem_shared>> -> memref<160x32xf32, #tpu.memory_space<vmem_shared>>
      %dma_wait3A_80 = arith.constant 0 : i32
      %dma_wait3A_81 = arith.constant 0 : i32
      %dma_wait3A_82 = tpu.memref_slice %arg9[%dma_wait3A_80, %dma_wait3A_81] : memref<160x32xf32, #tpu.memory_space<vmem>> -> memref<160x32xf32, #tpu.memory_space<vmem>>
      %dma_wait3A_83 = arith.constant 0 : i32
      %dma_wait3A_84 = tpu.memref_slice %arg10[%add3A_38, %dma_wait3A_83] : memref<10112x32xf32, #tpu.memory_space<vmem_shared>> -> memref<160x32xf32, #tpu.memory_space<vmem_shared>>
      tpu.wait_dma2 semaphore(%run_scoped3A : memref<!tpu.dma_semaphore, #tpu.memory_space<semaphore_mem>>) src(%dma_wait3A_84 : memref<160x32xf32, #tpu.memory_space<vmem_shared>>) dst(%dma_wait3A_82 : memref<160x32xf32, #tpu.memory_space<vmem>>)
      tpu.yield
    }) : () -> ()
    %mul3A_39 = arith.constant 632 : i32
    %mul3A_40 = arith.muli %arg1, %mul3A_39 : i32
    %add3A_41 = arith.constant 0 : i32
    %add3A_42 = arith.addi %mul3A_40, %add3A_41 : i32
    "tpu.region"() ({
      %run_scoped3A = tpu.sem_alloc : memref<!tpu.dma_semaphore, #tpu.memory_space<semaphore_mem>>
      %dma_start3A = arith.constant 0 : i32
      %dma_start3A_67 = arith.constant 0 : i32
      %dma_start3A_68 = tpu.memref_slice %arg9[%dma_start3A, %dma_start3A_67] : memref<160x32xf32, #tpu.memory_space<vmem>> -> memref<160x32xf32, #tpu.memory_space<vmem>>
      %dma_start3A_69 = arith.constant 0 : i32
      %dma_start3A_70 = tpu.memref_slice %arg5[%arg0, %add3A_42, %dma_start3A_69] : memref<2x10112x32xf32, #tpu.memory_space<hbm>> -> memref<1x160x32xf32, #tpu.memory_space<hbm>>
      %dma_start3A_71 = tpu.memref_squeeze %dma_start3A_70 : memref<1x160x32xf32, #tpu.memory_space<hbm>> -> memref<160x32xf32, #tpu.memory_space<hbm>>
      %dma_start3A_72 = arith.constant 0 : i32
      %dma_start3A_73 = tpu.memref_slice %arg5[%arg0, %add3A_42, %dma_start3A_72] : memref<2x10112x32xf32, #tpu.memory_space<hbm>> -> memref<1x160x32xf32, #tpu.memory_space<hbm>>
      %dma_start3A_74 = tpu.memref_squeeze %dma_start3A_73 : memref<1x160x32xf32, #tpu.memory_space<hbm>> -> memref<160x32xf32, #tpu.memory_space<hbm>>
      %dma_start3A_75 = arith.constant 0 : i32
      %dma_start3A_76 = arith.constant 0 : i32
      %dma_start3A_77 = tpu.memref_slice %arg9[%dma_start3A_75, %dma_start3A_76] : memref<160x32xf32, #tpu.memory_space<vmem>> -> memref<160x32xf32, #tpu.memory_space<vmem>>
      tpu.enqueue_dma source(%dma_start3A_77 : memref<160x32xf32, #tpu.memory_space<vmem>>) target(%dma_start3A_74 : memref<160x32xf32, #tpu.memory_space<hbm>>) target_semaphore(%run_scoped3A : memref<!tpu.dma_semaphore, #tpu.memory_space<semaphore_mem>>)
      %dma_wait3A = arith.constant 0 : i32
      %dma_wait3A_78 = arith.constant 0 : i32
      %dma_wait3A_79 = tpu.memref_slice %arg9[%dma_wait3A, %dma_wait3A_78] : memref<160x32xf32, #tpu.memory_space<vmem>> -> memref<160x32xf32, #tpu.memory_space<vmem>>
      %dma_wait3A_80 = arith.constant 0 : i32
      %dma_wait3A_81 = tpu.memref_slice %arg5[%arg0, %add3A_42, %dma_wait3A_80] : memref<2x10112x32xf32, #tpu.memory_space<hbm>> -> memref<1x160x32xf32, #tpu.memory_space<hbm>>
      %dma_wait3A_82 = tpu.memref_squeeze %dma_wait3A_81 : memref<1x160x32xf32, #tpu.memory_space<hbm>> -> memref<160x32xf32, #tpu.memory_space<hbm>>
      %dma_wait3A_83 = arith.constant 0 : i32
      %dma_wait3A_84 = tpu.memref_slice %arg5[%arg0, %add3A_42, %dma_wait3A_83] : memref<2x10112x32xf32, #tpu.memory_space<hbm>> -> memref<1x160x32xf32, #tpu.memory_space<hbm>>
      %dma_wait3A_85 = tpu.memref_squeeze %dma_wait3A_84 : memref<1x160x32xf32, #tpu.memory_space<hbm>> -> memref<160x32xf32, #tpu.memory_space<hbm>>
      %dma_wait3A_86 = arith.constant 0 : i32
      %dma_wait3A_87 = arith.constant 0 : i32
      %dma_wait3A_88 = tpu.memref_slice %arg9[%dma_wait3A_86, %dma_wait3A_87] : memref<160x32xf32, #tpu.memory_space<vmem>> -> memref<160x32xf32, #tpu.memory_space<vmem>>
      tpu.wait_dma2 semaphore(%run_scoped3A : memref<!tpu.dma_semaphore, #tpu.memory_space<semaphore_mem>>) src(%dma_wait3A_88 : memref<160x32xf32, #tpu.memory_space<vmem>>) dst(%dma_wait3A_85 : memref<160x32xf32, #tpu.memory_space<hbm>>)
      tpu.yield
    }) : () -> ()
    %mul3A_43 = arith.constant 632 : i32
    %mul3A_44 = arith.muli %arg1, %mul3A_43 : i32
    %add3A_45 = arith.constant 160 : i32
    %add3A_46 = arith.addi %mul3A_44, %add3A_45 : i32
    "tpu.region"() ({
      %run_scoped3A = tpu.sem_alloc : memref<!tpu.dma_semaphore, #tpu.memory_space<semaphore_mem>>
      %dma_start3A = arith.constant 0 : i32
      %dma_start3A_67 = arith.constant 0 : i32
      %dma_start3A_68 = tpu.memref_slice %arg9[%dma_start3A, %dma_start3A_67] : memref<160x32xf32, #tpu.memory_space<vmem>> -> memref<160x32xf32, #tpu.memory_space<vmem>>
      %dma_start3A_69 = arith.constant 0 : i32
      %dma_start3A_70 = tpu.memref_slice %arg10[%add3A_46, %dma_start3A_69] : memref<10112x32xf32, #tpu.memory_space<vmem_shared>> -> memref<160x32xf32, #tpu.memory_space<vmem_shared>>
      %dma_start3A_71 = arith.constant 0 : i32
      %dma_start3A_72 = arith.constant 0 : i32
      %dma_start3A_73 = tpu.memref_slice %arg9[%dma_start3A_71, %dma_start3A_72] : memref<160x32xf32, #tpu.memory_space<vmem>> -> memref<160x32xf32, #tpu.memory_space<vmem>>
      %dma_start3A_74 = arith.constant 0 : i32
      %dma_start3A_75 = tpu.memref_slice %arg10[%add3A_46, %dma_start3A_74] : memref<10112x32xf32, #tpu.memory_space<vmem_shared>> -> memref<160x32xf32, #tpu.memory_space<vmem_shared>>
      tpu.enqueue_dma source(%dma_start3A_75 : memref<160x32xf32, #tpu.memory_space<vmem_shared>>) target(%dma_start3A_73 : memref<160x32xf32, #tpu.memory_space<vmem>>) target_semaphore(%run_scoped3A : memref<!tpu.dma_semaphore, #tpu.memory_space<semaphore_mem>>)
      %dma_wait3A = arith.constant 0 : i32
      %dma_wait3A_76 = arith.constant 0 : i32
      %dma_wait3A_77 = tpu.memref_slice %arg9[%dma_wait3A, %dma_wait3A_76] : memref<160x32xf32, #tpu.memory_space<vmem>> -> memref<160x32xf32, #tpu.memory_space<vmem>>
      %dma_wait3A_78 = arith.constant 0 : i32
      %dma_wait3A_79 = tpu.memref_slice %arg10[%add3A_46, %dma_wait3A_78] : memref<10112x32xf32, #tpu.memory_space<vmem_shared>> -> memref<160x32xf32, #tpu.memory_space<vmem_shared>>
      %dma_wait3A_80 = arith.constant 0 : i32
      %dma_wait3A_81 = arith.constant 0 : i32
      %dma_wait3A_82 = tpu.memref_slice %arg9[%dma_wait3A_80, %dma_wait3A_81] : memref<160x32xf32, #tpu.memory_space<vmem>> -> memref<160x32xf32, #tpu.memory_space<vmem>>
      %dma_wait3A_83 = arith.constant 0 : i32
      %dma_wait3A_84 = tpu.memref_slice %arg10[%add3A_46, %dma_wait3A_83] : memref<10112x32xf32, #tpu.memory_space<vmem_shared>> -> memref<160x32xf32, #tpu.memory_space<vmem_shared>>
      tpu.wait_dma2 semaphore(%run_scoped3A : memref<!tpu.dma_semaphore, #tpu.memory_space<semaphore_mem>>) src(%dma_wait3A_84 : memref<160x32xf32, #tpu.memory_space<vmem_shared>>) dst(%dma_wait3A_82 : memref<160x32xf32, #tpu.memory_space<vmem>>)
      tpu.yield
    }) : () -> ()
    %mul3A_47 = arith.constant 632 : i32
    %mul3A_48 = arith.muli %arg1, %mul3A_47 : i32
    %add3A_49 = arith.constant 160 : i32
    %add3A_50 = arith.addi %mul3A_48, %add3A_49 : i32
    "tpu.region"() ({
      %run_scoped3A = tpu.sem_alloc : memref<!tpu.dma_semaphore, #tpu.memory_space<semaphore_mem>>
      %dma_start3A = arith.constant 0 : i32
      %dma_start3A_67 = arith.constant 0 : i32
      %dma_start3A_68 = tpu.memref_slice %arg9[%dma_start3A, %dma_start3A_67] : memref<160x32xf32, #tpu.memory_space<vmem>> -> memref<160x32xf32, #tpu.memory_space<vmem>>
      %dma_start3A_69 = arith.constant 0 : i32
      %dma_start3A_70 = tpu.memref_slice %arg5[%arg0, %add3A_50, %dma_start3A_69] : memref<2x10112x32xf32, #tpu.memory_space<hbm>> -> memref<1x160x32xf32, #tpu.memory_space<hbm>>
      %dma_start3A_71 = tpu.memref_squeeze %dma_start3A_70 : memref<1x160x32xf32, #tpu.memory_space<hbm>> -> memref<160x32xf32, #tpu.memory_space<hbm>>
      %dma_start3A_72 = arith.constant 0 : i32
      %dma_start3A_73 = tpu.memref_slice %arg5[%arg0, %add3A_50, %dma_start3A_72] : memref<2x10112x32xf32, #tpu.memory_space<hbm>> -> memref<1x160x32xf32, #tpu.memory_space<hbm>>
      %dma_start3A_74 = tpu.memref_squeeze %dma_start3A_73 : memref<1x160x32xf32, #tpu.memory_space<hbm>> -> memref<160x32xf32, #tpu.memory_space<hbm>>
      %dma_start3A_75 = arith.constant 0 : i32
      %dma_start3A_76 = arith.constant 0 : i32
      %dma_start3A_77 = tpu.memref_slice %arg9[%dma_start3A_75, %dma_start3A_76] : memref<160x32xf32, #tpu.memory_space<vmem>> -> memref<160x32xf32, #tpu.memory_space<vmem>>
      tpu.enqueue_dma source(%dma_start3A_77 : memref<160x32xf32, #tpu.memory_space<vmem>>) target(%dma_start3A_74 : memref<160x32xf32, #tpu.memory_space<hbm>>) target_semaphore(%run_scoped3A : memref<!tpu.dma_semaphore, #tpu.memory_space<semaphore_mem>>)
      %dma_wait3A = arith.constant 0 : i32
      %dma_wait3A_78 = arith.constant 0 : i32
      %dma_wait3A_79 = tpu.memref_slice %arg9[%dma_wait3A, %dma_wait3A_78] : memref<160x32xf32, #tpu.memory_space<vmem>> -> memref<160x32xf32, #tpu.memory_space<vmem>>
      %dma_wait3A_80 = arith.constant 0 : i32
      %dma_wait3A_81 = tpu.memref_slice %arg5[%arg0, %add3A_50, %dma_wait3A_80] : memref<2x10112x32xf32, #tpu.memory_space<hbm>> -> memref<1x160x32xf32, #tpu.memory_space<hbm>>
      %dma_wait3A_82 = tpu.memref_squeeze %dma_wait3A_81 : memref<1x160x32xf32, #tpu.memory_space<hbm>> -> memref<160x32xf32, #tpu.memory_space<hbm>>
      %dma_wait3A_83 = arith.constant 0 : i32
      %dma_wait3A_84 = tpu.memref_slice %arg5[%arg0, %add3A_50, %dma_wait3A_83] : memref<2x10112x32xf32, #tpu.memory_space<hbm>> -> memref<1x160x32xf32, #tpu.memory_space<hbm>>
      %dma_wait3A_85 = tpu.memref_squeeze %dma_wait3A_84 : memref<1x160x32xf32, #tpu.memory_space<hbm>> -> memref<160x32xf32, #tpu.memory_space<hbm>>
      %dma_wait3A_86 = arith.constant 0 : i32
      %dma_wait3A_87 = arith.constant 0 : i32
      %dma_wait3A_88 = tpu.memref_slice %arg9[%dma_wait3A_86, %dma_wait3A_87] : memref<160x32xf32, #tpu.memory_space<vmem>> -> memref<160x32xf32, #tpu.memory_space<vmem>>
      tpu.wait_dma2 semaphore(%run_scoped3A : memref<!tpu.dma_semaphore, #tpu.memory_space<semaphore_mem>>) src(%dma_wait3A_88 : memref<160x32xf32, #tpu.memory_space<vmem>>) dst(%dma_wait3A_85 : memref<160x32xf32, #tpu.memory_space<hbm>>)
      tpu.yield
    }) : () -> ()
    %mul3A_51 = arith.constant 632 : i32
    %mul3A_52 = arith.muli %arg1, %mul3A_51 : i32
    %add3A_53 = arith.constant 320 : i32
    %add3A_54 = arith.addi %mul3A_52, %add3A_53 : i32
    "tpu.region"() ({
      %run_scoped3A = tpu.sem_alloc : memref<!tpu.dma_semaphore, #tpu.memory_space<semaphore_mem>>
      %dma_start3A = arith.constant 0 : i32
      %dma_start3A_67 = arith.constant 0 : i32
      %dma_start3A_68 = tpu.memref_slice %arg9[%dma_start3A, %dma_start3A_67] : memref<160x32xf32, #tpu.memory_space<vmem>> -> memref<160x32xf32, #tpu.memory_space<vmem>>
      %dma_start3A_69 = arith.constant 0 : i32
      %dma_start3A_70 = tpu.memref_slice %arg10[%add3A_54, %dma_start3A_69] : memref<10112x32xf32, #tpu.memory_space<vmem_shared>> -> memref<160x32xf32, #tpu.memory_space<vmem_shared>>
      %dma_start3A_71 = arith.constant 0 : i32
      %dma_start3A_72 = arith.constant 0 : i32
      %dma_start3A_73 = tpu.memref_slice %arg9[%dma_start3A_71, %dma_start3A_72] : memref<160x32xf32, #tpu.memory_space<vmem>> -> memref<160x32xf32, #tpu.memory_space<vmem>>
      %dma_start3A_74 = arith.constant 0 : i32
      %dma_start3A_75 = tpu.memref_slice %arg10[%add3A_54, %dma_start3A_74] : memref<10112x32xf32, #tpu.memory_space<vmem_shared>> -> memref<160x32xf32, #tpu.memory_space<vmem_shared>>
      tpu.enqueue_dma source(%dma_start3A_75 : memref<160x32xf32, #tpu.memory_space<vmem_shared>>) target(%dma_start3A_73 : memref<160x32xf32, #tpu.memory_space<vmem>>) target_semaphore(%run_scoped3A : memref<!tpu.dma_semaphore, #tpu.memory_space<semaphore_mem>>)
      %dma_wait3A = arith.constant 0 : i32
      %dma_wait3A_76 = arith.constant 0 : i32
      %dma_wait3A_77 = tpu.memref_slice %arg9[%dma_wait3A, %dma_wait3A_76] : memref<160x32xf32, #tpu.memory_space<vmem>> -> memref<160x32xf32, #tpu.memory_space<vmem>>
      %dma_wait3A_78 = arith.constant 0 : i32
      %dma_wait3A_79 = tpu.memref_slice %arg10[%add3A_54, %dma_wait3A_78] : memref<10112x32xf32, #tpu.memory_space<vmem_shared>> -> memref<160x32xf32, #tpu.memory_space<vmem_shared>>
      %dma_wait3A_80 = arith.constant 0 : i32
      %dma_wait3A_81 = arith.constant 0 : i32
      %dma_wait3A_82 = tpu.memref_slice %arg9[%dma_wait3A_80, %dma_wait3A_81] : memref<160x32xf32, #tpu.memory_space<vmem>> -> memref<160x32xf32, #tpu.memory_space<vmem>>
      %dma_wait3A_83 = arith.constant 0 : i32
      %dma_wait3A_84 = tpu.memref_slice %arg10[%add3A_54, %dma_wait3A_83] : memref<10112x32xf32, #tpu.memory_space<vmem_shared>> -> memref<160x32xf32, #tpu.memory_space<vmem_shared>>
      tpu.wait_dma2 semaphore(%run_scoped3A : memref<!tpu.dma_semaphore, #tpu.memory_space<semaphore_mem>>) src(%dma_wait3A_84 : memref<160x32xf32, #tpu.memory_space<vmem_shared>>) dst(%dma_wait3A_82 : memref<160x32xf32, #tpu.memory_space<vmem>>)
      tpu.yield
    }) : () -> ()
    %mul3A_55 = arith.constant 632 : i32
    %mul3A_56 = arith.muli %arg1, %mul3A_55 : i32
    %add3A_57 = arith.constant 320 : i32
    %add3A_58 = arith.addi %mul3A_56, %add3A_57 : i32
    "tpu.region"() ({
      %run_scoped3A = tpu.sem_alloc : memref<!tpu.dma_semaphore, #tpu.memory_space<semaphore_mem>>
      %dma_start3A = arith.constant 0 : i32
      %dma_start3A_67 = arith.constant 0 : i32
      %dma_start3A_68 = tpu.memref_slice %arg9[%dma_start3A, %dma_start3A_67] : memref<160x32xf32, #tpu.memory_space<vmem>> -> memref<160x32xf32, #tpu.memory_space<vmem>>
      %dma_start3A_69 = arith.constant 0 : i32
      %dma_start3A_70 = tpu.memref_slice %arg5[%arg0, %add3A_58, %dma_start3A_69] : memref<2x10112x32xf32, #tpu.memory_space<hbm>> -> memref<1x160x32xf32, #tpu.memory_space<hbm>>
      %dma_start3A_71 = tpu.memref_squeeze %dma_start3A_70 : memref<1x160x32xf32, #tpu.memory_space<hbm>> -> memref<160x32xf32, #tpu.memory_space<hbm>>
      %dma_start3A_72 = arith.constant 0 : i32
      %dma_start3A_73 = tpu.memref_slice %arg5[%arg0, %add3A_58, %dma_start3A_72] : memref<2x10112x32xf32, #tpu.memory_space<hbm>> -> memref<1x160x32xf32, #tpu.memory_space<hbm>>
      %dma_start3A_74 = tpu.memref_squeeze %dma_start3A_73 : memref<1x160x32xf32, #tpu.memory_space<hbm>> -> memref<160x32xf32, #tpu.memory_space<hbm>>
      %dma_start3A_75 = arith.constant 0 : i32
      %dma_start3A_76 = arith.constant 0 : i32
      %dma_start3A_77 = tpu.memref_slice %arg9[%dma_start3A_75, %dma_start3A_76] : memref<160x32xf32, #tpu.memory_space<vmem>> -> memref<160x32xf32, #tpu.memory_space<vmem>>
      tpu.enqueue_dma source(%dma_start3A_77 : memref<160x32xf32, #tpu.memory_space<vmem>>) target(%dma_start3A_74 : memref<160x32xf32, #tpu.memory_space<hbm>>) target_semaphore(%run_scoped3A : memref<!tpu.dma_semaphore, #tpu.memory_space<semaphore_mem>>)
      %dma_wait3A = arith.constant 0 : i32
      %dma_wait3A_78 = arith.constant 0 : i32
      %dma_wait3A_79 = tpu.memref_slice %arg9[%dma_wait3A, %dma_wait3A_78] : memref<160x32xf32, #tpu.memory_space<vmem>> -> memref<160x32xf32, #tpu.memory_space<vmem>>
      %dma_wait3A_80 = arith.constant 0 : i32
      %dma_wait3A_81 = tpu.memref_slice %arg5[%arg0, %add3A_58, %dma_wait3A_80] : memref<2x10112x32xf32, #tpu.memory_space<hbm>> -> memref<1x160x32xf32, #tpu.memory_space<hbm>>
      %dma_wait3A_82 = tpu.memref_squeeze %dma_wait3A_81 : memref<1x160x32xf32, #tpu.memory_space<hbm>> -> memref<160x32xf32, #tpu.memory_space<hbm>>
      %dma_wait3A_83 = arith.constant 0 : i32
      %dma_wait3A_84 = tpu.memref_slice %arg5[%arg0, %add3A_58, %dma_wait3A_83] : memref<2x10112x32xf32, #tpu.memory_space<hbm>> -> memref<1x160x32xf32, #tpu.memory_space<hbm>>
      %dma_wait3A_85 = tpu.memref_squeeze %dma_wait3A_84 : memref<1x160x32xf32, #tpu.memory_space<hbm>> -> memref<160x32xf32, #tpu.memory_space<hbm>>
      %dma_wait3A_86 = arith.constant 0 : i32
      %dma_wait3A_87 = arith.constant 0 : i32
      %dma_wait3A_88 = tpu.memref_slice %arg9[%dma_wait3A_86, %dma_wait3A_87] : memref<160x32xf32, #tpu.memory_space<vmem>> -> memref<160x32xf32, #tpu.memory_space<vmem>>
      tpu.wait_dma2 semaphore(%run_scoped3A : memref<!tpu.dma_semaphore, #tpu.memory_space<semaphore_mem>>) src(%dma_wait3A_88 : memref<160x32xf32, #tpu.memory_space<vmem>>) dst(%dma_wait3A_85 : memref<160x32xf32, #tpu.memory_space<hbm>>)
      tpu.yield
    }) : () -> ()
    %mul3A_59 = arith.constant 632 : i32
    %mul3A_60 = arith.muli %arg1, %mul3A_59 : i32
    %add3A_61 = arith.constant 480 : i32
    %add3A_62 = arith.addi %mul3A_60, %add3A_61 : i32
    "tpu.region"() ({
      %run_scoped3A = tpu.sem_alloc : memref<!tpu.dma_semaphore, #tpu.memory_space<semaphore_mem>>
      %dma_start3A = arith.constant 0 : i32
      %dma_start3A_67 = arith.constant 0 : i32
      %dma_start3A_68 = tpu.memref_slice %arg9[%dma_start3A, %dma_start3A_67] : memref<160x32xf32, #tpu.memory_space<vmem>> -> memref<152x32xf32, #tpu.memory_space<vmem>>
      %dma_start3A_69 = arith.constant 0 : i32
      %dma_start3A_70 = tpu.memref_slice %arg10[%add3A_62, %dma_start3A_69] : memref<10112x32xf32, #tpu.memory_space<vmem_shared>> -> memref<152x32xf32, #tpu.memory_space<vmem_shared>>
      %dma_start3A_71 = arith.constant 0 : i32
      %dma_start3A_72 = arith.constant 0 : i32
      %dma_start3A_73 = tpu.memref_slice %arg9[%dma_start3A_71, %dma_start3A_72] : memref<160x32xf32, #tpu.memory_space<vmem>> -> memref<152x32xf32, #tpu.memory_space<vmem>>
      %dma_start3A_74 = arith.constant 0 : i32
      %dma_start3A_75 = tpu.memref_slice %arg10[%add3A_62, %dma_start3A_74] : memref<10112x32xf32, #tpu.memory_space<vmem_shared>> -> memref<152x32xf32, #tpu.memory_space<vmem_shared>>
      tpu.enqueue_dma source(%dma_start3A_75 : memref<152x32xf32, #tpu.memory_space<vmem_shared>>) target(%dma_start3A_73 : memref<152x32xf32, #tpu.memory_space<vmem>>) target_semaphore(%run_scoped3A : memref<!tpu.dma_semaphore, #tpu.memory_space<semaphore_mem>>)
      %dma_wait3A = arith.constant 0 : i32
      %dma_wait3A_76 = arith.constant 0 : i32
      %dma_wait3A_77 = tpu.memref_slice %arg9[%dma_wait3A, %dma_wait3A_76] : memref<160x32xf32, #tpu.memory_space<vmem>> -> memref<152x32xf32, #tpu.memory_space<vmem>>
      %dma_wait3A_78 = arith.constant 0 : i32
      %dma_wait3A_79 = tpu.memref_slice %arg10[%add3A_62, %dma_wait3A_78] : memref<10112x32xf32, #tpu.memory_space<vmem_shared>> -> memref<152x32xf32, #tpu.memory_space<vmem_shared>>
      %dma_wait3A_80 = arith.constant 0 : i32
      %dma_wait3A_81 = arith.constant 0 : i32
      %dma_wait3A_82 = tpu.memref_slice %arg9[%dma_wait3A_80, %dma_wait3A_81] : memref<160x32xf32, #tpu.memory_space<vmem>> -> memref<152x32xf32, #tpu.memory_space<vmem>>
      %dma_wait3A_83 = arith.constant 0 : i32
      %dma_wait3A_84 = tpu.memref_slice %arg10[%add3A_62, %dma_wait3A_83] : memref<10112x32xf32, #tpu.memory_space<vmem_shared>> -> memref<152x32xf32, #tpu.memory_space<vmem_shared>>
      tpu.wait_dma2 semaphore(%run_scoped3A : memref<!tpu.dma_semaphore, #tpu.memory_space<semaphore_mem>>) src(%dma_wait3A_84 : memref<152x32xf32, #tpu.memory_space<vmem_shared>>) dst(%dma_wait3A_82 : memref<152x32xf32, #tpu.memory_space<vmem>>)
      tpu.yield
    }) : () -> ()
    %mul3A_63 = arith.constant 632 : i32
    %mul3A_64 = arith.muli %arg1, %mul3A_63 : i32
    %add3A_65 = arith.constant 480 : i32
    %add3A_66 = arith.addi %mul3A_64, %add3A_65 : i32
    "tpu.region"() ({
      %run_scoped3A = tpu.sem_alloc : memref<!tpu.dma_semaphore, #tpu.memory_space<semaphore_mem>>
      %dma_start3A = arith.constant 0 : i32
      %dma_start3A_67 = arith.constant 0 : i32
      %dma_start3A_68 = tpu.memref_slice %arg9[%dma_start3A, %dma_start3A_67] : memref<160x32xf32, #tpu.memory_space<vmem>> -> memref<152x32xf32, #tpu.memory_space<vmem>>
      %dma_start3A_69 = arith.constant 0 : i32
      %dma_start3A_70 = tpu.memref_slice %arg5[%arg0, %add3A_66, %dma_start3A_69] : memref<2x10112x32xf32, #tpu.memory_space<hbm>> -> memref<1x152x32xf32, #tpu.memory_space<hbm>>
      %dma_start3A_71 = tpu.memref_squeeze %dma_start3A_70 : memref<1x152x32xf32, #tpu.memory_space<hbm>> -> memref<152x32xf32, #tpu.memory_space<hbm>>
      %dma_start3A_72 = arith.constant 0 : i32
      %dma_start3A_73 = tpu.memref_slice %arg5[%arg0, %add3A_66, %dma_start3A_72] : memref<2x10112x32xf32, #tpu.memory_space<hbm>> -> memref<1x152x32xf32, #tpu.memory_space<hbm>>
      %dma_start3A_74 = tpu.memref_squeeze %dma_start3A_73 : memref<1x152x32xf32, #tpu.memory_space<hbm>> -> memref<152x32xf32, #tpu.memory_space<hbm>>
      %dma_start3A_75 = arith.constant 0 : i32
      %dma_start3A_76 = arith.constant 0 : i32
      %dma_start3A_77 = tpu.memref_slice %arg9[%dma_start3A_75, %dma_start3A_76] : memref<160x32xf32, #tpu.memory_space<vmem>> -> memref<152x32xf32, #tpu.memory_space<vmem>>
      tpu.enqueue_dma source(%dma_start3A_77 : memref<152x32xf32, #tpu.memory_space<vmem>>) target(%dma_start3A_74 : memref<152x32xf32, #tpu.memory_space<hbm>>) target_semaphore(%run_scoped3A : memref<!tpu.dma_semaphore, #tpu.memory_space<semaphore_mem>>)
      %dma_wait3A = arith.constant 0 : i32
      %dma_wait3A_78 = arith.constant 0 : i32
      %dma_wait3A_79 = tpu.memref_slice %arg9[%dma_wait3A, %dma_wait3A_78] : memref<160x32xf32, #tpu.memory_space<vmem>> -> memref<152x32xf32, #tpu.memory_space<vmem>>
      %dma_wait3A_80 = arith.constant 0 : i32
      %dma_wait3A_81 = tpu.memref_slice %arg5[%arg0, %add3A_66, %dma_wait3A_80] : memref<2x10112x32xf32, #tpu.memory_space<hbm>> -> memref<1x152x32xf32, #tpu.memory_space<hbm>>
      %dma_wait3A_82 = tpu.memref_squeeze %dma_wait3A_81 : memref<1x152x32xf32, #tpu.memory_space<hbm>> -> memref<152x32xf32, #tpu.memory_space<hbm>>
      %dma_wait3A_83 = arith.constant 0 : i32
      %dma_wait3A_84 = tpu.memref_slice %arg5[%arg0, %add3A_66, %dma_wait3A_83] : memref<2x10112x32xf32, #tpu.memory_space<hbm>> -> memref<1x152x32xf32, #tpu.memory_space<hbm>>
      %dma_wait3A_85 = tpu.memref_squeeze %dma_wait3A_84 : memref<1x152x32xf32, #tpu.memory_space<hbm>> -> memref<152x32xf32, #tpu.memory_space<hbm>>
      %dma_wait3A_86 = arith.constant 0 : i32
      %dma_wait3A_87 = arith.constant 0 : i32
      %dma_wait3A_88 = tpu.memref_slice %arg9[%dma_wait3A_86, %dma_wait3A_87] : memref<160x32xf32, #tpu.memory_space<vmem>> -> memref<152x32xf32, #tpu.memory_space<vmem>>
      tpu.wait_dma2 semaphore(%run_scoped3A : memref<!tpu.dma_semaphore, #tpu.memory_space<semaphore_mem>>) src(%dma_wait3A_88 : memref<152x32xf32, #tpu.memory_space<vmem>>) dst(%dma_wait3A_85 : memref<152x32xf32, #tpu.memory_space<hbm>>)
      tpu.yield
    }) : () -> ()
    return
  }
}

#map = affine_map<(d0, d1) -> (0, 0)>
#map1 = affine_map<(d0, d1) -> (0)>
module attributes {stable_mosaic.version = 14 : i64} {
  func.func @_deg_kernel(%arg0: i32, %arg1: i32, %arg2: memref<2560x128xi32, #tpu.memory_space<hbm>>, %arg3: memref<20224xf32, #tpu.memory_space<hbm>>, %arg4: memref<80x128xi32, #tpu.memory_space<vmem>>, %arg5: memref<128xf32, #tpu.memory_space<vmem>>, %arg6: memref<640xf32, #tpu.memory_space<vmem>>, %arg7: memref<10112xf32, #tpu.memory_space<vmem_shared>>) attributes {dimension_semantics = [#tpu.dimension_semantics<core_parallel>, #tpu.dimension_semantics<subcore_parallel>], iteration_bounds = array<i64: 2, 16>, scalar_prefetch = 0 : i64, scratch_operands = 4 : i64, tpu.core_type = #tpu.core_type<sc_vector_subcore>, window_params = [{transform_indices = #map}, {transform_indices = #map1}]} {
    %mul3A = arith.constant 2 : i32
    %mul3A_0 = arith.muli %arg1, %mul3A : i32
    %add3A = arith.addi %mul3A_0, %arg0 : i32
    %scan3A = arith.constant 0 : i32
    %scan3A_1 = arith.constant 0 : i32
    %scan3A_2 = arith.constant 8 : i32
    %scan3A_3 = arith.addi %scan3A_1, %scan3A_2 : i32
    %scan3A_4 = arith.constant 1 : i32
    %scan3A_5 = scf.for %scan3A_33 = %scan3A_1 to %scan3A_3 step %scan3A_4 iter_args(%scan3A_34 = %scan3A) -> (i32)  : i32 {
      %broadcast_in_dim3A = arith.constant 1.000000e+00 : f32
      %broadcast_in_dim3A_35 = vector.broadcast %broadcast_in_dim3A : f32 to vector<16xf32>
      %mul3A_36 = arith.constant 16 : i32
      %mul3A_37 = arith.muli %scan3A_33, %mul3A_36 : i32
      %swap3A = arith.index_cast %mul3A_37 : i32 to index
      %swap3A_38 = tpu.vector_load %arg5[%swap3A] {strides = array<i32>} : memref<128xf32, #tpu.memory_space<vmem>>, vector<16xf32>,
      %swap3A_39 = vector.shape_cast %swap3A_38 : vector<16xf32> to vector<16xf32>
      %swap3A_40 = vector.shape_cast %broadcast_in_dim3A_35 : vector<16xf32> to vector<16xf32>
      tpu.vector_store %arg5[%swap3A], %swap3A_40 {strides = array<i32>} : memref<128xf32, #tpu.memory_space<vmem>>, vector<16xf32>,
      %scan3A_41 = arith.constant 0 : i32
      scf.yield %scan3A_41 : i32
    }
    %scan3A_6 = arith.constant 8 : i32
    %scan3A_7 = arith.constant 0 : i32
    %scan3A_8 = arith.constant 0 : i32
    %scan3A_9 = arith.constant 40 : i32
    %scan3A_10 = arith.addi %scan3A_8, %scan3A_9 : i32
    %scan3A_11 = arith.constant 1 : i32
    %scan3A_12 = scf.for %scan3A_33 = %scan3A_8 to %scan3A_10 step %scan3A_11 iter_args(%scan3A_34 = %scan3A_7) -> (i32)  : i32 {
      %broadcast_in_dim3A = arith.constant 0.000000e+00 : f32
      %broadcast_in_dim3A_35 = vector.broadcast %broadcast_in_dim3A : f32 to vector<16xf32>
      %mul3A_36 = arith.constant 16 : i32
      %mul3A_37 = arith.muli %scan3A_33, %mul3A_36 : i32
      %swap3A = arith.index_cast %mul3A_37 : i32 to index
      %swap3A_38 = tpu.vector_load %arg6[%swap3A] {strides = array<i32>} : memref<640xf32, #tpu.memory_space<vmem>>, vector<16xf32>,
      %swap3A_39 = vector.shape_cast %swap3A_38 : vector<16xf32> to vector<16xf32>
      %swap3A_40 = vector.shape_cast %broadcast_in_dim3A_35 : vector<16xf32> to vector<16xf32>
      tpu.vector_store %arg6[%swap3A], %swap3A_40 {strides = array<i32>} : memref<640xf32, #tpu.memory_space<vmem>>, vector<16xf32>,
      %scan3A_41 = arith.constant 0 : i32
      scf.yield %scan3A_41 : i32
    }
    %scan3A_13 = arith.constant 40 : i32
    %mul3A_14 = arith.constant 632 : i32
    %mul3A_15 = arith.muli %arg1, %mul3A_14 : i32
    "tpu.region"() ({
      %run_scoped3A = tpu.sem_alloc : memref<!tpu.dma_semaphore, #tpu.memory_space<semaphore_mem>>
      %dma_start3A = arith.constant 0 : i32
      %dma_start3A_33 = tpu.memref_slice %arg6[%dma_start3A] : memref<640xf32, #tpu.memory_space<vmem>> -> memref<632xf32, #tpu.memory_space<vmem>>
      %dma_start3A_34 = tpu.memref_slice %arg7[%mul3A_15] : memref<10112xf32, #tpu.memory_space<vmem_shared>> -> memref<632xf32, #tpu.memory_space<vmem_shared>>
      %dma_start3A_35 = tpu.memref_slice %arg7[%mul3A_15] : memref<10112xf32, #tpu.memory_space<vmem_shared>> -> memref<632xf32, #tpu.memory_space<vmem_shared>>
      %dma_start3A_36 = arith.constant 0 : i32
      %dma_start3A_37 = tpu.memref_slice %arg6[%dma_start3A_36] : memref<640xf32, #tpu.memory_space<vmem>> -> memref<632xf32, #tpu.memory_space<vmem>>
      tpu.enqueue_dma source(%dma_start3A_37 : memref<632xf32, #tpu.memory_space<vmem>>) target(%dma_start3A_35 : memref<632xf32, #tpu.memory_space<vmem_shared>>) target_semaphore(%run_scoped3A : memref<!tpu.dma_semaphore, #tpu.memory_space<semaphore_mem>>)
      %dma_wait3A = arith.constant 0 : i32
      %dma_wait3A_38 = tpu.memref_slice %arg6[%dma_wait3A] : memref<640xf32, #tpu.memory_space<vmem>> -> memref<632xf32, #tpu.memory_space<vmem>>
      %dma_wait3A_39 = tpu.memref_slice %arg7[%mul3A_15] : memref<10112xf32, #tpu.memory_space<vmem_shared>> -> memref<632xf32, #tpu.memory_space<vmem_shared>>
      %dma_wait3A_40 = tpu.memref_slice %arg7[%mul3A_15] : memref<10112xf32, #tpu.memory_space<vmem_shared>> -> memref<632xf32, #tpu.memory_space<vmem_shared>>
      %dma_wait3A_41 = arith.constant 0 : i32
      %dma_wait3A_42 = tpu.memref_slice %arg6[%dma_wait3A_41] : memref<640xf32, #tpu.memory_space<vmem>> -> memref<632xf32, #tpu.memory_space<vmem>>
      tpu.wait_dma2 semaphore(%run_scoped3A : memref<!tpu.dma_semaphore, #tpu.memory_space<semaphore_mem>>) src(%dma_wait3A_42 : memref<632xf32, #tpu.memory_space<vmem>>) dst(%dma_wait3A_40 : memref<632xf32, #tpu.memory_space<vmem_shared>>)
      tpu.yield
    }) : () -> ()
    %barrier3A = arith.constant 0 : index
    tpu.barrier barrier_id(%barrier3A)
    %mul3A_16 = arith.constant 80 : i32
    %mul3A_17 = arith.muli %add3A, %mul3A_16 : i32
    "tpu.region"() ({
      %run_scoped3A = tpu.sem_alloc : memref<!tpu.dma_semaphore, #tpu.memory_space<semaphore_mem>>
      %dma_start3A = arith.constant 0 : i32
      %dma_start3A_33 = tpu.memref_slice %arg2[%mul3A_17, %dma_start3A] : memref<2560x128xi32, #tpu.memory_space<hbm>> -> memref<80x128xi32, #tpu.memory_space<hbm>>
      %dma_start3A_34 = arith.constant 0 : i32
      %dma_start3A_35 = tpu.memref_slice %arg2[%mul3A_17, %dma_start3A_34] : memref<2560x128xi32, #tpu.memory_space<hbm>> -> memref<80x128xi32, #tpu.memory_space<hbm>>
      tpu.enqueue_dma source(%dma_start3A_35 : memref<80x128xi32, #tpu.memory_space<hbm>>) target(%arg4 : memref<80x128xi32, #tpu.memory_space<vmem>>) target_semaphore(%run_scoped3A : memref<!tpu.dma_semaphore, #tpu.memory_space<semaphore_mem>>)
      %dma_wait3A = arith.constant 0 : i32
      %dma_wait3A_36 = tpu.memref_slice %arg2[%mul3A_17, %dma_wait3A] : memref<2560x128xi32, #tpu.memory_space<hbm>> -> memref<80x128xi32, #tpu.memory_space<hbm>>
      %dma_wait3A_37 = arith.constant 0 : i32
      %dma_wait3A_38 = tpu.memref_slice %arg2[%mul3A_17, %dma_wait3A_37] : memref<2560x128xi32, #tpu.memory_space<hbm>> -> memref<80x128xi32, #tpu.memory_space<hbm>>
      tpu.wait_dma2 semaphore(%run_scoped3A : memref<!tpu.dma_semaphore, #tpu.memory_space<semaphore_mem>>) src(%dma_wait3A_38 : memref<80x128xi32, #tpu.memory_space<hbm>>) dst(%arg4 : memref<80x128xi32, #tpu.memory_space<vmem>>)
      tpu.yield
    }) : () -> ()
    %scan3A_18 = arith.constant 0 : i32
    %scan3A_19 = arith.constant 0 : i32
    %scan3A_20 = arith.constant 80 : i32
    %scan3A_21 = arith.addi %scan3A_19, %scan3A_20 : i32
    %scan3A_22 = arith.constant 1 : i32
    %scan3A_23 = scf.for %scan3A_33 = %scan3A_19 to %scan3A_21 step %scan3A_22 iter_args(%scan3A_34 = %scan3A_18) -> (i32)  : i32 {
      "tpu.region"() ({
        %run_scoped3A = tpu.sem_alloc : memref<!tpu.dma_semaphore, #tpu.memory_space<semaphore_mem>>
        %dma_start3A = arith.constant 0 : i32
        %dma_start3A_36 = tpu.memref_slice %arg4[%scan3A_33, %dma_start3A] : memref<80x128xi32, #tpu.memory_space<vmem>> -> memref<1x128xi32, #tpu.memory_space<vmem>>
        %dma_start3A_37 = tpu.memref_squeeze %dma_start3A_36 : memref<1x128xi32, #tpu.memory_space<vmem>> -> memref<128xi32, #tpu.memory_space<vmem>>
        %dma_start3A_38 = arith.constant 0 : i32
        %dma_start3A_39 = tpu.memref_slice %arg7[%dma_start3A_38] : memref<10112xf32, #tpu.memory_space<vmem_shared>> -> memref<10112xf32, #tpu.memory_space<vmem_shared>>
        tpu.enqueue_indirect_dma source(%arg5 : memref<128xf32, #tpu.memory_space<vmem>>) target(%dma_start3A_39 : memref<10112xf32, #tpu.memory_space<vmem_shared>>) offsets(%dma_start3A_37 : memref<128xi32, #tpu.memory_space<vmem>>) semaphore(%run_scoped3A : memref<!tpu.dma_semaphore, #tpu.memory_space<semaphore_mem>>) {add = true}
        %dma_wait3A = arith.constant 0 : i32
        %dma_wait3A_40 = tpu.memref_slice %arg4[%scan3A_33, %dma_wait3A] : memref<80x128xi32, #tpu.memory_space<vmem>> -> memref<1x128xi32, #tpu.memory_space<vmem>>
        %dma_wait3A_41 = tpu.memref_squeeze %dma_wait3A_40 : memref<1x128xi32, #tpu.memory_space<vmem>> -> memref<128xi32, #tpu.memory_space<vmem>>
        %dma_wait3A_42 = arith.constant 0 : i32
        %dma_wait3A_43 = tpu.memref_slice %arg7[%dma_wait3A_42] : memref<10112xf32, #tpu.memory_space<vmem_shared>> -> memref<10112xf32, #tpu.memory_space<vmem_shared>>
        tpu.wait_indirect_dma semaphore(%run_scoped3A : memref<!tpu.dma_semaphore, #tpu.memory_space<semaphore_mem>>) src(%arg5 : memref<128xf32, #tpu.memory_space<vmem>>) dst(%dma_wait3A_43 : memref<10112xf32, #tpu.memory_space<vmem_shared>>)
        tpu.yield
      }) : () -> ()
      %scan3A_35 = arith.constant 0 : i32
      scf.yield %scan3A_35 : i32
    }
    %scan3A_24 = arith.constant 80 : i32
    %barrier3A_25 = arith.constant 0 : index
    tpu.barrier barrier_id(%barrier3A_25)
    %mul3A_26 = arith.constant 632 : i32
    %mul3A_27 = arith.muli %arg1, %mul3A_26 : i32
    "tpu.region"() ({
      %run_scoped3A = tpu.sem_alloc : memref<!tpu.dma_semaphore, #tpu.memory_space<semaphore_mem>>
      %dma_start3A = arith.constant 0 : i32
      %dma_start3A_33 = tpu.memref_slice %arg6[%dma_start3A] : memref<640xf32, #tpu.memory_space<vmem>> -> memref<632xf32, #tpu.memory_space<vmem>>
      %dma_start3A_34 = tpu.memref_slice %arg7[%mul3A_27] : memref<10112xf32, #tpu.memory_space<vmem_shared>> -> memref<632xf32, #tpu.memory_space<vmem_shared>>
      %dma_start3A_35 = arith.constant 0 : i32
      %dma_start3A_36 = tpu.memref_slice %arg6[%dma_start3A_35] : memref<640xf32, #tpu.memory_space<vmem>> -> memref<632xf32, #tpu.memory_space<vmem>>
      %dma_start3A_37 = tpu.memref_slice %arg7[%mul3A_27] : memref<10112xf32, #tpu.memory_space<vmem_shared>> -> memref<632xf32, #tpu.memory_space<vmem_shared>>
      tpu.enqueue_dma source(%dma_start3A_37 : memref<632xf32, #tpu.memory_space<vmem_shared>>) target(%dma_start3A_36 : memref<632xf32, #tpu.memory_space<vmem>>) target_semaphore(%run_scoped3A : memref<!tpu.dma_semaphore, #tpu.memory_space<semaphore_mem>>)
      %dma_wait3A = arith.constant 0 : i32
      %dma_wait3A_38 = tpu.memref_slice %arg6[%dma_wait3A] : memref<640xf32, #tpu.memory_space<vmem>> -> memref<632xf32, #tpu.memory_space<vmem>>
      %dma_wait3A_39 = tpu.memref_slice %arg7[%mul3A_27] : memref<10112xf32, #tpu.memory_space<vmem_shared>> -> memref<632xf32, #tpu.memory_space<vmem_shared>>
      %dma_wait3A_40 = arith.constant 0 : i32
      %dma_wait3A_41 = tpu.memref_slice %arg6[%dma_wait3A_40] : memref<640xf32, #tpu.memory_space<vmem>> -> memref<632xf32, #tpu.memory_space<vmem>>
      %dma_wait3A_42 = tpu.memref_slice %arg7[%mul3A_27] : memref<10112xf32, #tpu.memory_space<vmem_shared>> -> memref<632xf32, #tpu.memory_space<vmem_shared>>
      tpu.wait_dma2 semaphore(%run_scoped3A : memref<!tpu.dma_semaphore, #tpu.memory_space<semaphore_mem>>) src(%dma_wait3A_42 : memref<632xf32, #tpu.memory_space<vmem_shared>>) dst(%dma_wait3A_41 : memref<632xf32, #tpu.memory_space<vmem>>)
      tpu.yield
    }) : () -> ()
    %mul3A_28 = arith.constant 10112 : i32
    %mul3A_29 = arith.muli %arg0, %mul3A_28 : i32
    %mul3A_30 = arith.constant 632 : i32
    %mul3A_31 = arith.muli %arg1, %mul3A_30 : i32
    %add3A_32 = arith.addi %mul3A_29, %mul3A_31 : i32
    "tpu.region"() ({
      %run_scoped3A = tpu.sem_alloc : memref<!tpu.dma_semaphore, #tpu.memory_space<semaphore_mem>>
      %dma_start3A = arith.constant 0 : i32
      %dma_start3A_33 = tpu.memref_slice %arg6[%dma_start3A] : memref<640xf32, #tpu.memory_space<vmem>> -> memref<632xf32, #tpu.memory_space<vmem>>
      %dma_start3A_34 = tpu.memref_slice %arg3[%add3A_32] : memref<20224xf32, #tpu.memory_space<hbm>> -> memref<632xf32, #tpu.memory_space<hbm>>
      %dma_start3A_35 = tpu.memref_slice %arg3[%add3A_32] : memref<20224xf32, #tpu.memory_space<hbm>> -> memref<632xf32, #tpu.memory_space<hbm>>
      %dma_start3A_36 = arith.constant 0 : i32
      %dma_start3A_37 = tpu.memref_slice %arg6[%dma_start3A_36] : memref<640xf32, #tpu.memory_space<vmem>> -> memref<632xf32, #tpu.memory_space<vmem>>
      tpu.enqueue_dma source(%dma_start3A_37 : memref<632xf32, #tpu.memory_space<vmem>>) target(%dma_start3A_35 : memref<632xf32, #tpu.memory_space<hbm>>) target_semaphore(%run_scoped3A : memref<!tpu.dma_semaphore, #tpu.memory_space<semaphore_mem>>)
      %dma_wait3A = arith.constant 0 : i32
      %dma_wait3A_38 = tpu.memref_slice %arg6[%dma_wait3A] : memref<640xf32, #tpu.memory_space<vmem>> -> memref<632xf32, #tpu.memory_space<vmem>>
      %dma_wait3A_39 = tpu.memref_slice %arg3[%add3A_32] : memref<20224xf32, #tpu.memory_space<hbm>> -> memref<632xf32, #tpu.memory_space<hbm>>
      %dma_wait3A_40 = tpu.memref_slice %arg3[%add3A_32] : memref<20224xf32, #tpu.memory_space<hbm>> -> memref<632xf32, #tpu.memory_space<hbm>>
      %dma_wait3A_41 = arith.constant 0 : i32
      %dma_wait3A_42 = tpu.memref_slice %arg6[%dma_wait3A_41] : memref<640xf32, #tpu.memory_space<vmem>> -> memref<632xf32, #tpu.memory_space<vmem>>
      tpu.wait_dma2 semaphore(%run_scoped3A : memref<!tpu.dma_semaphore, #tpu.memory_space<semaphore_mem>>) src(%dma_wait3A_42 : memref<632xf32, #tpu.memory_space<vmem>>) dst(%dma_wait3A_40 : memref<632xf32, #tpu.memory_space<hbm>>)
      tpu.yield
    }) : () -> ()
    return
  }
}

#map = affine_map<(d0, d1) -> (0, 0)>
#map1 = affine_map<(d0, d1) -> (0, 0, 0)>
module attributes {stable_mosaic.version = 14 : i64} {
  func.func @_prop(%arg0: i32, %arg1: i32, %arg2: memref<2560x128xi32, #tpu.memory_space<hbm>>, %arg3: memref<2560x128xi32, #tpu.memory_space<hbm>>, %arg4: memref<10112x64xf32, #tpu.memory_space<hbm>>, %arg5: memref<2x10112x64xf32, #tpu.memory_space<hbm>>, %arg6: memref<80x128xi32, #tpu.memory_space<vmem>>, %arg7: memref<80x128xi32, #tpu.memory_space<vmem>>, %arg8: memref<4x128x64xf32, #tpu.memory_space<vmem>>, %arg9: memref<160x64xf32, #tpu.memory_space<vmem>>, %arg10: memref<10112x64xf32, #tpu.memory_space<vmem_shared>>, %arg11: memref<!tpu.dma_semaphore, #tpu.memory_space<semaphore_mem>>) attributes {dimension_semantics = [#tpu.dimension_semantics<core_parallel>, #tpu.dimension_semantics<subcore_parallel>], iteration_bounds = array<i64: 2, 16>, scalar_prefetch = 0 : i64, scratch_operands = 6 : i64, tpu.core_type = #tpu.core_type<sc_vector_subcore>, window_params = [{transform_indices = #map}, {transform_indices = #map}, {transform_indices = #map}, {transform_indices = #map1}]} {
    %mul3A = arith.constant 2 : i32
    %mul3A_0 = arith.muli %arg1, %mul3A : i32
    %add3A = arith.addi %mul3A_0, %arg0 : i32
    %scan3A = arith.constant 0 : i32
    %scan3A_1 = arith.constant 0 : i32
    %scan3A_2 = arith.constant 640 : i32
    %scan3A_3 = arith.addi %scan3A_1, %scan3A_2 : i32
    %scan3A_4 = arith.constant 1 : i32
    %scan3A_5 = scf.for %scan3A_67 = %scan3A_1 to %scan3A_3 step %scan3A_4 iter_args(%scan3A_68 = %scan3A) -> (i32)  : i32 {
      %broadcast_in_dim3A = arith.constant 0.000000e+00 : f32
      %broadcast_in_dim3A_69 = vector.broadcast %broadcast_in_dim3A : f32 to vector<16xf32>
      %jit3A = arith.constant 4 : i32
      %div3A = arith.divsi %scan3A_67, %jit3A : i32
      %sign3A = arith.constant 0 : i32
      %sign3A_70 = arith.cmpi sgt, %scan3A_67, %sign3A : i32
      %sign3A_71 = arith.extui %sign3A_70 : i1 to i32
      %sign3A_72 = arith.constant 0 : i32
      %sign3A_73 = arith.cmpi slt, %scan3A_67, %sign3A_72 : i32
      %sign3A_74 = arith.extui %sign3A_73 : i1 to i32
      %sign3A_75 = arith.subi %sign3A_71, %sign3A_74 : i32
      %sign3A_76 = arith.constant 0 : i32
      %sign3A_77 = arith.cmpi sgt, %jit3A, %sign3A_76 : i32
      %sign3A_78 = arith.extui %sign3A_77 : i1 to i32
      %sign3A_79 = arith.constant 0 : i32
      %sign3A_80 = arith.cmpi slt, %jit3A, %sign3A_79 : i32
      %sign3A_81 = arith.extui %sign3A_80 : i1 to i32
      %sign3A_82 = arith.subi %sign3A_78, %sign3A_81 : i32
      %ne3A = arith.cmpi ne, %sign3A_75, %sign3A_82 : i32
      %rem3A = arith.remsi %scan3A_67, %jit3A : i32
      %ne3A_83 = arith.constant 0 : i32
      %ne3A_84 = arith.cmpi ne, %rem3A, %ne3A_83 : i32
      %and3A = arith.andi %ne3A, %ne3A_84 : i1
      %sub3A = arith.constant 1 : i32
      %sub3A_85 = arith.subi %div3A, %sub3A : i32
      %select_n3A = arith.select %and3A, %sub3A_85, %div3A : i32
      %jit3A_86 = arith.constant 4 : i32
      %eq3A = arith.constant 0 : i32
      %eq3A_87 = arith.cmpi eq, %jit3A_86, %eq3A : i32
      %jit3A_88 = arith.constant 1 : i32
      %select_n3A_89 = arith.select %eq3A_87, %jit3A_88, %jit3A_86 : i32
      %rem3A_90 = arith.remsi %scan3A_67, %select_n3A_89 : i32
      %ne3A_91 = arith.constant 0 : i32
      %ne3A_92 = arith.cmpi ne, %rem3A_90, %ne3A_91 : i32
      %lt3A = arith.constant 0 : i32
      %lt3A_93 = arith.cmpi slt, %rem3A_90, %lt3A : i32
      %lt3A_94 = arith.constant 0 : i32
      %lt3A_95 = arith.cmpi slt, %select_n3A_89, %lt3A_94 : i32
      %ne3A_96 = arith.xori %lt3A_93, %lt3A_95 : i1
      %and3A_97 = arith.andi %ne3A_96, %ne3A_92 : i1
      %add3A_98 = arith.addi %rem3A_90, %select_n3A_89 : i32
      %select_n3A_99 = arith.select %and3A_97, %add3A_98, %rem3A_90 : i32
      %mul3A_100 = arith.constant 16 : i32
      %mul3A_101 = arith.muli %select_n3A_99, %mul3A_100 : i32
      %swap3A = arith.index_cast %select_n3A : i32 to index
      %swap3A_102 = arith.index_cast %mul3A_101 : i32 to index
      %swap3A_103 = tpu.vector_load %arg9[%swap3A, %swap3A_102] {strides = array<i32>} : memref<160x64xf32, #tpu.memory_space<vmem>>, vector<1x16xf32>,
      %swap3A_104 = vector.shape_cast %swap3A_103 : vector<1x16xf32> to vector<16xf32>
      %swap3A_105 = vector.shape_cast %broadcast_in_dim3A_69 : vector<16xf32> to vector<1x16xf32>
      tpu.vector_store %arg9[%swap3A, %swap3A_102], %swap3A_105 {strides = array<i32>} : memref<160x64xf32, #tpu.memory_space<vmem>>, vector<1x16xf32>,
      %scan3A_106 = arith.constant 0 : i32
      scf.yield %scan3A_106 : i32
    }
    %scan3A_6 = arith.constant 640 : i32
    %mul3A_7 = arith.constant 632 : i32
    %mul3A_8 = arith.muli %arg1, %mul3A_7 : i32
    %add3A_9 = arith.constant 0 : i32
    %add3A_10 = arith.addi %mul3A_8, %add3A_9 : i32
    "tpu.region"() ({
      %run_scoped3A = tpu.sem_alloc : memref<!tpu.dma_semaphore, #tpu.memory_space<semaphore_mem>>
      %dma_start3A = arith.constant 0 : i32
      %dma_start3A_67 = arith.constant 0 : i32
      %dma_start3A_68 = tpu.memref_slice %arg9[%dma_start3A, %dma_start3A_67] : memref<160x64xf32, #tpu.memory_space<vmem>> -> memref<160x64xf32, #tpu.memory_space<vmem>>
      %dma_start3A_69 = arith.constant 0 : i32
      %dma_start3A_70 = tpu.memref_slice %arg10[%add3A_10, %dma_start3A_69] : memref<10112x64xf32, #tpu.memory_space<vmem_shared>> -> memref<160x64xf32, #tpu.memory_space<vmem_shared>>
      %dma_start3A_71 = arith.constant 0 : i32
      %dma_start3A_72 = tpu.memref_slice %arg10[%add3A_10, %dma_start3A_71] : memref<10112x64xf32, #tpu.memory_space<vmem_shared>> -> memref<160x64xf32, #tpu.memory_space<vmem_shared>>
      %dma_start3A_73 = arith.constant 0 : i32
      %dma_start3A_74 = arith.constant 0 : i32
      %dma_start3A_75 = tpu.memref_slice %arg9[%dma_start3A_73, %dma_start3A_74] : memref<160x64xf32, #tpu.memory_space<vmem>> -> memref<160x64xf32, #tpu.memory_space<vmem>>
      tpu.enqueue_dma source(%dma_start3A_75 : memref<160x64xf32, #tpu.memory_space<vmem>>) target(%dma_start3A_72 : memref<160x64xf32, #tpu.memory_space<vmem_shared>>) target_semaphore(%run_scoped3A : memref<!tpu.dma_semaphore, #tpu.memory_space<semaphore_mem>>)
      %dma_wait3A = arith.constant 0 : i32
      %dma_wait3A_76 = arith.constant 0 : i32
      %dma_wait3A_77 = tpu.memref_slice %arg9[%dma_wait3A, %dma_wait3A_76] : memref<160x64xf32, #tpu.memory_space<vmem>> -> memref<160x64xf32, #tpu.memory_space<vmem>>
      %dma_wait3A_78 = arith.constant 0 : i32
      %dma_wait3A_79 = tpu.memref_slice %arg10[%add3A_10, %dma_wait3A_78] : memref<10112x64xf32, #tpu.memory_space<vmem_shared>> -> memref<160x64xf32, #tpu.memory_space<vmem_shared>>
      %dma_wait3A_80 = arith.constant 0 : i32
      %dma_wait3A_81 = tpu.memref_slice %arg10[%add3A_10, %dma_wait3A_80] : memref<10112x64xf32, #tpu.memory_space<vmem_shared>> -> memref<160x64xf32, #tpu.memory_space<vmem_shared>>
      %dma_wait3A_82 = arith.constant 0 : i32
      %dma_wait3A_83 = arith.constant 0 : i32
      %dma_wait3A_84 = tpu.memref_slice %arg9[%dma_wait3A_82, %dma_wait3A_83] : memref<160x64xf32, #tpu.memory_space<vmem>> -> memref<160x64xf32, #tpu.memory_space<vmem>>
      tpu.wait_dma2 semaphore(%run_scoped3A : memref<!tpu.dma_semaphore, #tpu.memory_space<semaphore_mem>>) src(%dma_wait3A_84 : memref<160x64xf32, #tpu.memory_space<vmem>>) dst(%dma_wait3A_81 : memref<160x64xf32, #tpu.memory_space<vmem_shared>>)
      tpu.yield
    }) : () -> ()
    %mul3A_11 = arith.constant 632 : i32
    %mul3A_12 = arith.muli %arg1, %mul3A_11 : i32
    %add3A_13 = arith.constant 160 : i32
    %add3A_14 = arith.addi %mul3A_12, %add3A_13 : i32
    "tpu.region"() ({
      %run_scoped3A = tpu.sem_alloc : memref<!tpu.dma_semaphore, #tpu.memory_space<semaphore_mem>>
      %dma_start3A = arith.constant 0 : i32
      %dma_start3A_67 = arith.constant 0 : i32
      %dma_start3A_68 = tpu.memref_slice %arg9[%dma_start3A, %dma_start3A_67] : memref<160x64xf32, #tpu.memory_space<vmem>> -> memref<160x64xf32, #tpu.memory_space<vmem>>
      %dma_start3A_69 = arith.constant 0 : i32
      %dma_start3A_70 = tpu.memref_slice %arg10[%add3A_14, %dma_start3A_69] : memref<10112x64xf32, #tpu.memory_space<vmem_shared>> -> memref<160x64xf32, #tpu.memory_space<vmem_shared>>
      %dma_start3A_71 = arith.constant 0 : i32
      %dma_start3A_72 = tpu.memref_slice %arg10[%add3A_14, %dma_start3A_71] : memref<10112x64xf32, #tpu.memory_space<vmem_shared>> -> memref<160x64xf32, #tpu.memory_space<vmem_shared>>
      %dma_start3A_73 = arith.constant 0 : i32
      %dma_start3A_74 = arith.constant 0 : i32
      %dma_start3A_75 = tpu.memref_slice %arg9[%dma_start3A_73, %dma_start3A_74] : memref<160x64xf32, #tpu.memory_space<vmem>> -> memref<160x64xf32, #tpu.memory_space<vmem>>
      tpu.enqueue_dma source(%dma_start3A_75 : memref<160x64xf32, #tpu.memory_space<vmem>>) target(%dma_start3A_72 : memref<160x64xf32, #tpu.memory_space<vmem_shared>>) target_semaphore(%run_scoped3A : memref<!tpu.dma_semaphore, #tpu.memory_space<semaphore_mem>>)
      %dma_wait3A = arith.constant 0 : i32
      %dma_wait3A_76 = arith.constant 0 : i32
      %dma_wait3A_77 = tpu.memref_slice %arg9[%dma_wait3A, %dma_wait3A_76] : memref<160x64xf32, #tpu.memory_space<vmem>> -> memref<160x64xf32, #tpu.memory_space<vmem>>
      %dma_wait3A_78 = arith.constant 0 : i32
      %dma_wait3A_79 = tpu.memref_slice %arg10[%add3A_14, %dma_wait3A_78] : memref<10112x64xf32, #tpu.memory_space<vmem_shared>> -> memref<160x64xf32, #tpu.memory_space<vmem_shared>>
      %dma_wait3A_80 = arith.constant 0 : i32
      %dma_wait3A_81 = tpu.memref_slice %arg10[%add3A_14, %dma_wait3A_80] : memref<10112x64xf32, #tpu.memory_space<vmem_shared>> -> memref<160x64xf32, #tpu.memory_space<vmem_shared>>
      %dma_wait3A_82 = arith.constant 0 : i32
      %dma_wait3A_83 = arith.constant 0 : i32
      %dma_wait3A_84 = tpu.memref_slice %arg9[%dma_wait3A_82, %dma_wait3A_83] : memref<160x64xf32, #tpu.memory_space<vmem>> -> memref<160x64xf32, #tpu.memory_space<vmem>>
      tpu.wait_dma2 semaphore(%run_scoped3A : memref<!tpu.dma_semaphore, #tpu.memory_space<semaphore_mem>>) src(%dma_wait3A_84 : memref<160x64xf32, #tpu.memory_space<vmem>>) dst(%dma_wait3A_81 : memref<160x64xf32, #tpu.memory_space<vmem_shared>>)
      tpu.yield
    }) : () -> ()
    %mul3A_15 = arith.constant 632 : i32
    %mul3A_16 = arith.muli %arg1, %mul3A_15 : i32
    %add3A_17 = arith.constant 320 : i32
    %add3A_18 = arith.addi %mul3A_16, %add3A_17 : i32
    "tpu.region"() ({
      %run_scoped3A = tpu.sem_alloc : memref<!tpu.dma_semaphore, #tpu.memory_space<semaphore_mem>>
      %dma_start3A = arith.constant 0 : i32
      %dma_start3A_67 = arith.constant 0 : i32
      %dma_start3A_68 = tpu.memref_slice %arg9[%dma_start3A, %dma_start3A_67] : memref<160x64xf32, #tpu.memory_space<vmem>> -> memref<160x64xf32, #tpu.memory_space<vmem>>
      %dma_start3A_69 = arith.constant 0 : i32
      %dma_start3A_70 = tpu.memref_slice %arg10[%add3A_18, %dma_start3A_69] : memref<10112x64xf32, #tpu.memory_space<vmem_shared>> -> memref<160x64xf32, #tpu.memory_space<vmem_shared>>
      %dma_start3A_71 = arith.constant 0 : i32
      %dma_start3A_72 = tpu.memref_slice %arg10[%add3A_18, %dma_start3A_71] : memref<10112x64xf32, #tpu.memory_space<vmem_shared>> -> memref<160x64xf32, #tpu.memory_space<vmem_shared>>
      %dma_start3A_73 = arith.constant 0 : i32
      %dma_start3A_74 = arith.constant 0 : i32
      %dma_start3A_75 = tpu.memref_slice %arg9[%dma_start3A_73, %dma_start3A_74] : memref<160x64xf32, #tpu.memory_space<vmem>> -> memref<160x64xf32, #tpu.memory_space<vmem>>
      tpu.enqueue_dma source(%dma_start3A_75 : memref<160x64xf32, #tpu.memory_space<vmem>>) target(%dma_start3A_72 : memref<160x64xf32, #tpu.memory_space<vmem_shared>>) target_semaphore(%run_scoped3A : memref<!tpu.dma_semaphore, #tpu.memory_space<semaphore_mem>>)
      %dma_wait3A = arith.constant 0 : i32
      %dma_wait3A_76 = arith.constant 0 : i32
      %dma_wait3A_77 = tpu.memref_slice %arg9[%dma_wait3A, %dma_wait3A_76] : memref<160x64xf32, #tpu.memory_space<vmem>> -> memref<160x64xf32, #tpu.memory_space<vmem>>
      %dma_wait3A_78 = arith.constant 0 : i32
      %dma_wait3A_79 = tpu.memref_slice %arg10[%add3A_18, %dma_wait3A_78] : memref<10112x64xf32, #tpu.memory_space<vmem_shared>> -> memref<160x64xf32, #tpu.memory_space<vmem_shared>>
      %dma_wait3A_80 = arith.constant 0 : i32
      %dma_wait3A_81 = tpu.memref_slice %arg10[%add3A_18, %dma_wait3A_80] : memref<10112x64xf32, #tpu.memory_space<vmem_shared>> -> memref<160x64xf32, #tpu.memory_space<vmem_shared>>
      %dma_wait3A_82 = arith.constant 0 : i32
      %dma_wait3A_83 = arith.constant 0 : i32
      %dma_wait3A_84 = tpu.memref_slice %arg9[%dma_wait3A_82, %dma_wait3A_83] : memref<160x64xf32, #tpu.memory_space<vmem>> -> memref<160x64xf32, #tpu.memory_space<vmem>>
      tpu.wait_dma2 semaphore(%run_scoped3A : memref<!tpu.dma_semaphore, #tpu.memory_space<semaphore_mem>>) src(%dma_wait3A_84 : memref<160x64xf32, #tpu.memory_space<vmem>>) dst(%dma_wait3A_81 : memref<160x64xf32, #tpu.memory_space<vmem_shared>>)
      tpu.yield
    }) : () -> ()
    %mul3A_19 = arith.constant 632 : i32
    %mul3A_20 = arith.muli %arg1, %mul3A_19 : i32
    %add3A_21 = arith.constant 480 : i32
    %add3A_22 = arith.addi %mul3A_20, %add3A_21 : i32
    "tpu.region"() ({
      %run_scoped3A = tpu.sem_alloc : memref<!tpu.dma_semaphore, #tpu.memory_space<semaphore_mem>>
      %dma_start3A = arith.constant 0 : i32
      %dma_start3A_67 = arith.constant 0 : i32
      %dma_start3A_68 = tpu.memref_slice %arg9[%dma_start3A, %dma_start3A_67] : memref<160x64xf32, #tpu.memory_space<vmem>> -> memref<152x64xf32, #tpu.memory_space<vmem>>
      %dma_start3A_69 = arith.constant 0 : i32
      %dma_start3A_70 = tpu.memref_slice %arg10[%add3A_22, %dma_start3A_69] : memref<10112x64xf32, #tpu.memory_space<vmem_shared>> -> memref<152x64xf32, #tpu.memory_space<vmem_shared>>
      %dma_start3A_71 = arith.constant 0 : i32
      %dma_start3A_72 = tpu.memref_slice %arg10[%add3A_22, %dma_start3A_71] : memref<10112x64xf32, #tpu.memory_space<vmem_shared>> -> memref<152x64xf32, #tpu.memory_space<vmem_shared>>
      %dma_start3A_73 = arith.constant 0 : i32
      %dma_start3A_74 = arith.constant 0 : i32
      %dma_start3A_75 = tpu.memref_slice %arg9[%dma_start3A_73, %dma_start3A_74] : memref<160x64xf32, #tpu.memory_space<vmem>> -> memref<152x64xf32, #tpu.memory_space<vmem>>
      tpu.enqueue_dma source(%dma_start3A_75 : memref<152x64xf32, #tpu.memory_space<vmem>>) target(%dma_start3A_72 : memref<152x64xf32, #tpu.memory_space<vmem_shared>>) target_semaphore(%run_scoped3A : memref<!tpu.dma_semaphore, #tpu.memory_space<semaphore_mem>>)
      %dma_wait3A = arith.constant 0 : i32
      %dma_wait3A_76 = arith.constant 0 : i32
      %dma_wait3A_77 = tpu.memref_slice %arg9[%dma_wait3A, %dma_wait3A_76] : memref<160x64xf32, #tpu.memory_space<vmem>> -> memref<152x64xf32, #tpu.memory_space<vmem>>
      %dma_wait3A_78 = arith.constant 0 : i32
      %dma_wait3A_79 = tpu.memref_slice %arg10[%add3A_22, %dma_wait3A_78] : memref<10112x64xf32, #tpu.memory_space<vmem_shared>> -> memref<152x64xf32, #tpu.memory_space<vmem_shared>>
      %dma_wait3A_80 = arith.constant 0 : i32
      %dma_wait3A_81 = tpu.memref_slice %arg10[%add3A_22, %dma_wait3A_80] : memref<10112x64xf32, #tpu.memory_space<vmem_shared>> -> memref<152x64xf32, #tpu.memory_space<vmem_shared>>
      %dma_wait3A_82 = arith.constant 0 : i32
      %dma_wait3A_83 = arith.constant 0 : i32
      %dma_wait3A_84 = tpu.memref_slice %arg9[%dma_wait3A_82, %dma_wait3A_83] : memref<160x64xf32, #tpu.memory_space<vmem>> -> memref<152x64xf32, #tpu.memory_space<vmem>>
      tpu.wait_dma2 semaphore(%run_scoped3A : memref<!tpu.dma_semaphore, #tpu.memory_space<semaphore_mem>>) src(%dma_wait3A_84 : memref<152x64xf32, #tpu.memory_space<vmem>>) dst(%dma_wait3A_81 : memref<152x64xf32, #tpu.memory_space<vmem_shared>>)
      tpu.yield
    }) : () -> ()
    %barrier3A = arith.constant 0 : index
    tpu.barrier barrier_id(%barrier3A)
    %mul3A_23 = arith.constant 80 : i32
    %mul3A_24 = arith.muli %add3A, %mul3A_23 : i32
    "tpu.region"() ({
      %run_scoped3A = tpu.sem_alloc : memref<!tpu.dma_semaphore, #tpu.memory_space<semaphore_mem>>
      %dma_start3A = arith.constant 0 : i32
      %dma_start3A_67 = tpu.memref_slice %arg2[%mul3A_24, %dma_start3A] : memref<2560x128xi32, #tpu.memory_space<hbm>> -> memref<80x128xi32, #tpu.memory_space<hbm>>
      %dma_start3A_68 = arith.constant 0 : i32
      %dma_start3A_69 = tpu.memref_slice %arg2[%mul3A_24, %dma_start3A_68] : memref<2560x128xi32, #tpu.memory_space<hbm>> -> memref<80x128xi32, #tpu.memory_space<hbm>>
      tpu.enqueue_dma source(%dma_start3A_69 : memref<80x128xi32, #tpu.memory_space<hbm>>) target(%arg6 : memref<80x128xi32, #tpu.memory_space<vmem>>) target_semaphore(%run_scoped3A : memref<!tpu.dma_semaphore, #tpu.memory_space<semaphore_mem>>)
      %dma_wait3A = arith.constant 0 : i32
      %dma_wait3A_70 = tpu.memref_slice %arg2[%mul3A_24, %dma_wait3A] : memref<2560x128xi32, #tpu.memory_space<hbm>> -> memref<80x128xi32, #tpu.memory_space<hbm>>
      %dma_wait3A_71 = arith.constant 0 : i32
      %dma_wait3A_72 = tpu.memref_slice %arg2[%mul3A_24, %dma_wait3A_71] : memref<2560x128xi32, #tpu.memory_space<hbm>> -> memref<80x128xi32, #tpu.memory_space<hbm>>
      tpu.wait_dma2 semaphore(%run_scoped3A : memref<!tpu.dma_semaphore, #tpu.memory_space<semaphore_mem>>) src(%dma_wait3A_72 : memref<80x128xi32, #tpu.memory_space<hbm>>) dst(%arg6 : memref<80x128xi32, #tpu.memory_space<vmem>>)
      tpu.yield
    }) : () -> ()
    %mul3A_25 = arith.constant 80 : i32
    %mul3A_26 = arith.muli %add3A, %mul3A_25 : i32
    "tpu.region"() ({
      %run_scoped3A = tpu.sem_alloc : memref<!tpu.dma_semaphore, #tpu.memory_space<semaphore_mem>>
      %dma_start3A = arith.constant 0 : i32
      %dma_start3A_67 = tpu.memref_slice %arg3[%mul3A_26, %dma_start3A] : memref<2560x128xi32, #tpu.memory_space<hbm>> -> memref<80x128xi32, #tpu.memory_space<hbm>>
      %dma_start3A_68 = arith.constant 0 : i32
      %dma_start3A_69 = tpu.memref_slice %arg3[%mul3A_26, %dma_start3A_68] : memref<2560x128xi32, #tpu.memory_space<hbm>> -> memref<80x128xi32, #tpu.memory_space<hbm>>
      tpu.enqueue_dma source(%dma_start3A_69 : memref<80x128xi32, #tpu.memory_space<hbm>>) target(%arg7 : memref<80x128xi32, #tpu.memory_space<vmem>>) target_semaphore(%run_scoped3A : memref<!tpu.dma_semaphore, #tpu.memory_space<semaphore_mem>>)
      %dma_wait3A = arith.constant 0 : i32
      %dma_wait3A_70 = tpu.memref_slice %arg3[%mul3A_26, %dma_wait3A] : memref<2560x128xi32, #tpu.memory_space<hbm>> -> memref<80x128xi32, #tpu.memory_space<hbm>>
      %dma_wait3A_71 = arith.constant 0 : i32
      %dma_wait3A_72 = tpu.memref_slice %arg3[%mul3A_26, %dma_wait3A_71] : memref<2560x128xi32, #tpu.memory_space<hbm>> -> memref<80x128xi32, #tpu.memory_space<hbm>>
      tpu.wait_dma2 semaphore(%run_scoped3A : memref<!tpu.dma_semaphore, #tpu.memory_space<semaphore_mem>>) src(%dma_wait3A_72 : memref<80x128xi32, #tpu.memory_space<hbm>>) dst(%arg7 : memref<80x128xi32, #tpu.memory_space<vmem>>)
      tpu.yield
    }) : () -> ()
    %scan3A_27 = arith.constant 0 : i32
    %scan3A_28 = arith.constant 0 : i32
    %scan3A_29 = arith.constant 20 : i32
    %scan3A_30 = arith.addi %scan3A_28, %scan3A_29 : i32
    %scan3A_31 = arith.constant 1 : i32
    %scan3A_32 = scf.for %scan3A_67 = %scan3A_28 to %scan3A_30 step %scan3A_31 iter_args(%scan3A_68 = %scan3A_27) -> (i32)  : i32 {
      %mul3A_69 = arith.constant 4 : i32
      %mul3A_70 = arith.muli %scan3A_67, %mul3A_69 : i32
      %add3A_71 = arith.constant 0 : i32
      %add3A_72 = arith.addi %mul3A_70, %add3A_71 : i32
      %dma_start3A = arith.constant 0 : i32
      %dma_start3A_73 = arith.constant 0 : i32
      %dma_start3A_74 = arith.constant 0 : i32
      %dma_start3A_75 = tpu.memref_slice %arg8[%dma_start3A, %dma_start3A_73, %dma_start3A_74] : memref<4x128x64xf32, #tpu.memory_space<vmem>> -> memref<1x128x64xf32, #tpu.memory_space<vmem>>
      %dma_start3A_76 = tpu.memref_squeeze %dma_start3A_75 : memref<1x128x64xf32, #tpu.memory_space<vmem>> -> memref<128x64xf32, #tpu.memory_space<vmem>>
      %dma_start3A_77 = arith.constant 0 : i32
      %dma_start3A_78 = tpu.memref_slice %arg6[%add3A_72, %dma_start3A_77] : memref<80x128xi32, #tpu.memory_space<vmem>> -> memref<1x128xi32, #tpu.memory_space<vmem>>
      %dma_start3A_79 = tpu.memref_squeeze %dma_start3A_78 : memref<1x128xi32, #tpu.memory_space<vmem>> -> memref<128xi32, #tpu.memory_space<vmem>>
      %dma_start3A_80 = arith.constant 0 : i32
      %dma_start3A_81 = arith.constant 0 : i32
      %dma_start3A_82 = tpu.memref_slice %arg4[%dma_start3A_80, %dma_start3A_81] : memref<10112x64xf32, #tpu.memory_space<hbm>> -> memref<10112x64xf32, #tpu.memory_space<hbm>>
      tpu.enqueue_indirect_dma source(%dma_start3A_82 : memref<10112x64xf32, #tpu.memory_space<hbm>>) target(%dma_start3A_76 : memref<128x64xf32, #tpu.memory_space<vmem>>) offsets(%dma_start3A_79 : memref<128xi32, #tpu.memory_space<vmem>>) semaphore(%arg11 : memref<!tpu.dma_semaphore, #tpu.memory_space<semaphore_mem>>)
      %mul3A_83 = arith.constant 4 : i32
      %mul3A_84 = arith.muli %scan3A_67, %mul3A_83 : i32
      %add3A_85 = arith.constant 1 : i32
      %add3A_86 = arith.addi %mul3A_84, %add3A_85 : i32
      %dma_start3A_87 = arith.constant 1 : i32
      %dma_start3A_88 = arith.constant 0 : i32
      %dma_start3A_89 = arith.constant 0 : i32
      %dma_start3A_90 = tpu.memref_slice %arg8[%dma_start3A_87, %dma_start3A_88, %dma_start3A_89] : memref<4x128x64xf32, #tpu.memory_space<vmem>> -> memref<1x128x64xf32, #tpu.memory_space<vmem>>
      %dma_start3A_91 = tpu.memref_squeeze %dma_start3A_90 : memref<1x128x64xf32, #tpu.memory_space<vmem>> -> memref<128x64xf32, #tpu.memory_space<vmem>>
      %dma_start3A_92 = arith.constant 0 : i32
      %dma_start3A_93 = tpu.memref_slice %arg6[%add3A_86, %dma_start3A_92] : memref<80x128xi32, #tpu.memory_space<vmem>> -> memref<1x128xi32, #tpu.memory_space<vmem>>
      %dma_start3A_94 = tpu.memref_squeeze %dma_start3A_93 : memref<1x128xi32, #tpu.memory_space<vmem>> -> memref<128xi32, #tpu.memory_space<vmem>>
      %dma_start3A_95 = arith.constant 0 : i32
      %dma_start3A_96 = arith.constant 0 : i32
      %dma_start3A_97 = tpu.memref_slice %arg4[%dma_start3A_95, %dma_start3A_96] : memref<10112x64xf32, #tpu.memory_space<hbm>> -> memref<10112x64xf32, #tpu.memory_space<hbm>>
      tpu.enqueue_indirect_dma source(%dma_start3A_97 : memref<10112x64xf32, #tpu.memory_space<hbm>>) target(%dma_start3A_91 : memref<128x64xf32, #tpu.memory_space<vmem>>) offsets(%dma_start3A_94 : memref<128xi32, #tpu.memory_space<vmem>>) semaphore(%arg11 : memref<!tpu.dma_semaphore, #tpu.memory_space<semaphore_mem>>)
      %mul3A_98 = arith.constant 4 : i32
      %mul3A_99 = arith.muli %scan3A_67, %mul3A_98 : i32
      %add3A_100 = arith.constant 2 : i32
      %add3A_101 = arith.addi %mul3A_99, %add3A_100 : i32
      %dma_start3A_102 = arith.constant 2 : i32
      %dma_start3A_103 = arith.constant 0 : i32
      %dma_start3A_104 = arith.constant 0 : i32
      %dma_start3A_105 = tpu.memref_slice %arg8[%dma_start3A_102, %dma_start3A_103, %dma_start3A_104] : memref<4x128x64xf32, #tpu.memory_space<vmem>> -> memref<1x128x64xf32, #tpu.memory_space<vmem>>
      %dma_start3A_106 = tpu.memref_squeeze %dma_start3A_105 : memref<1x128x64xf32, #tpu.memory_space<vmem>> -> memref<128x64xf32, #tpu.memory_space<vmem>>
      %dma_start3A_107 = arith.constant 0 : i32
      %dma_start3A_108 = tpu.memref_slice %arg6[%add3A_101, %dma_start3A_107] : memref<80x128xi32, #tpu.memory_space<vmem>> -> memref<1x128xi32, #tpu.memory_space<vmem>>
      %dma_start3A_109 = tpu.memref_squeeze %dma_start3A_108 : memref<1x128xi32, #tpu.memory_space<vmem>> -> memref<128xi32, #tpu.memory_space<vmem>>
      %dma_start3A_110 = arith.constant 0 : i32
      %dma_start3A_111 = arith.constant 0 : i32
      %dma_start3A_112 = tpu.memref_slice %arg4[%dma_start3A_110, %dma_start3A_111] : memref<10112x64xf32, #tpu.memory_space<hbm>> -> memref<10112x64xf32, #tpu.memory_space<hbm>>
      tpu.enqueue_indirect_dma source(%dma_start3A_112 : memref<10112x64xf32, #tpu.memory_space<hbm>>) target(%dma_start3A_106 : memref<128x64xf32, #tpu.memory_space<vmem>>) offsets(%dma_start3A_109 : memref<128xi32, #tpu.memory_space<vmem>>) semaphore(%arg11 : memref<!tpu.dma_semaphore, #tpu.memory_space<semaphore_mem>>)
      %mul3A_113 = arith.constant 4 : i32
      %mul3A_114 = arith.muli %scan3A_67, %mul3A_113 : i32
      %add3A_115 = arith.constant 3 : i32
      %add3A_116 = arith.addi %mul3A_114, %add3A_115 : i32
      %dma_start3A_117 = arith.constant 3 : i32
      %dma_start3A_118 = arith.constant 0 : i32
      %dma_start3A_119 = arith.constant 0 : i32
      %dma_start3A_120 = tpu.memref_slice %arg8[%dma_start3A_117, %dma_start3A_118, %dma_start3A_119] : memref<4x128x64xf32, #tpu.memory_space<vmem>> -> memref<1x128x64xf32, #tpu.memory_space<vmem>>
      %dma_start3A_121 = tpu.memref_squeeze %dma_start3A_120 : memref<1x128x64xf32, #tpu.memory_space<vmem>> -> memref<128x64xf32, #tpu.memory_space<vmem>>
      %dma_start3A_122 = arith.constant 0 : i32
      %dma_start3A_123 = tpu.memref_slice %arg6[%add3A_116, %dma_start3A_122] : memref<80x128xi32, #tpu.memory_space<vmem>> -> memref<1x128xi32, #tpu.memory_space<vmem>>
      %dma_start3A_124 = tpu.memref_squeeze %dma_start3A_123 : memref<1x128xi32, #tpu.memory_space<vmem>> -> memref<128xi32, #tpu.memory_space<vmem>>
      %dma_start3A_125 = arith.constant 0 : i32
      %dma_start3A_126 = arith.constant 0 : i32
      %dma_start3A_127 = tpu.memref_slice %arg4[%dma_start3A_125, %dma_start3A_126] : memref<10112x64xf32, #tpu.memory_space<hbm>> -> memref<10112x64xf32, #tpu.memory_space<hbm>>
      tpu.enqueue_indirect_dma source(%dma_start3A_127 : memref<10112x64xf32, #tpu.memory_space<hbm>>) target(%dma_start3A_121 : memref<128x64xf32, #tpu.memory_space<vmem>>) offsets(%dma_start3A_124 : memref<128xi32, #tpu.memory_space<vmem>>) semaphore(%arg11 : memref<!tpu.dma_semaphore, #tpu.memory_space<semaphore_mem>>)
      %dma_wait3A = arith.constant 0 : i32
      %dma_wait3A_128 = arith.constant 0 : i32
      %dma_wait3A_129 = arith.constant 0 : i32
      %dma_wait3A_130 = tpu.memref_slice %arg8[%dma_wait3A, %dma_wait3A_128, %dma_wait3A_129] : memref<4x128x64xf32, #tpu.memory_space<vmem>> -> memref<1x128x64xf32, #tpu.memory_space<vmem>>
      %dma_wait3A_131 = tpu.memref_squeeze %dma_wait3A_130 : memref<1x128x64xf32, #tpu.memory_space<vmem>> -> memref<128x64xf32, #tpu.memory_space<vmem>>
      %dma_wait3A_132 = arith.constant 0 : i32
      %dma_wait3A_133 = tpu.memref_slice %arg6[%add3A_72, %dma_wait3A_132] : memref<80x128xi32, #tpu.memory_space<vmem>> -> memref<1x128xi32, #tpu.memory_space<vmem>>
      %dma_wait3A_134 = tpu.memref_squeeze %dma_wait3A_133 : memref<1x128xi32, #tpu.memory_space<vmem>> -> memref<128xi32, #tpu.memory_space<vmem>>
      %dma_wait3A_135 = arith.constant 0 : i32
      %dma_wait3A_136 = arith.constant 0 : i32
      %dma_wait3A_137 = tpu.memref_slice %arg4[%dma_wait3A_135, %dma_wait3A_136] : memref<10112x64xf32, #tpu.memory_space<hbm>> -> memref<10112x64xf32, #tpu.memory_space<hbm>>
      tpu.wait_indirect_dma semaphore(%arg11 : memref<!tpu.dma_semaphore, #tpu.memory_space<semaphore_mem>>) src(%dma_wait3A_137 : memref<10112x64xf32, #tpu.memory_space<hbm>>) dst(%dma_wait3A_131 : memref<128x64xf32, #tpu.memory_space<vmem>>)
      %dma_wait3A_138 = arith.constant 1 : i32
      %dma_wait3A_139 = arith.constant 0 : i32
      %dma_wait3A_140 = arith.constant 0 : i32
      %dma_wait3A_141 = tpu.memref_slice %arg8[%dma_wait3A_138, %dma_wait3A_139, %dma_wait3A_140] : memref<4x128x64xf32, #tpu.memory_space<vmem>> -> memref<1x128x64xf32, #tpu.memory_space<vmem>>
      %dma_wait3A_142 = tpu.memref_squeeze %dma_wait3A_141 : memref<1x128x64xf32, #tpu.memory_space<vmem>> -> memref<128x64xf32, #tpu.memory_space<vmem>>
      %dma_wait3A_143 = arith.constant 0 : i32
      %dma_wait3A_144 = tpu.memref_slice %arg6[%add3A_86, %dma_wait3A_143] : memref<80x128xi32, #tpu.memory_space<vmem>> -> memref<1x128xi32, #tpu.memory_space<vmem>>
      %dma_wait3A_145 = tpu.memref_squeeze %dma_wait3A_144 : memref<1x128xi32, #tpu.memory_space<vmem>> -> memref<128xi32, #tpu.memory_space<vmem>>
      %dma_wait3A_146 = arith.constant 0 : i32
      %dma_wait3A_147 = arith.constant 0 : i32
      %dma_wait3A_148 = tpu.memref_slice %arg4[%dma_wait3A_146, %dma_wait3A_147] : memref<10112x64xf32, #tpu.memory_space<hbm>> -> memref<10112x64xf32, #tpu.memory_space<hbm>>
      tpu.wait_indirect_dma semaphore(%arg11 : memref<!tpu.dma_semaphore, #tpu.memory_space<semaphore_mem>>) src(%dma_wait3A_148 : memref<10112x64xf32, #tpu.memory_space<hbm>>) dst(%dma_wait3A_142 : memref<128x64xf32, #tpu.memory_space<vmem>>)
      %dma_wait3A_149 = arith.constant 2 : i32
      %dma_wait3A_150 = arith.constant 0 : i32
      %dma_wait3A_151 = arith.constant 0 : i32
      %dma_wait3A_152 = tpu.memref_slice %arg8[%dma_wait3A_149, %dma_wait3A_150, %dma_wait3A_151] : memref<4x128x64xf32, #tpu.memory_space<vmem>> -> memref<1x128x64xf32, #tpu.memory_space<vmem>>
      %dma_wait3A_153 = tpu.memref_squeeze %dma_wait3A_152 : memref<1x128x64xf32, #tpu.memory_space<vmem>> -> memref<128x64xf32, #tpu.memory_space<vmem>>
      %dma_wait3A_154 = arith.constant 0 : i32
      %dma_wait3A_155 = tpu.memref_slice %arg6[%add3A_101, %dma_wait3A_154] : memref<80x128xi32, #tpu.memory_space<vmem>> -> memref<1x128xi32, #tpu.memory_space<vmem>>
      %dma_wait3A_156 = tpu.memref_squeeze %dma_wait3A_155 : memref<1x128xi32, #tpu.memory_space<vmem>> -> memref<128xi32, #tpu.memory_space<vmem>>
      %dma_wait3A_157 = arith.constant 0 : i32
      %dma_wait3A_158 = arith.constant 0 : i32
      %dma_wait3A_159 = tpu.memref_slice %arg4[%dma_wait3A_157, %dma_wait3A_158] : memref<10112x64xf32, #tpu.memory_space<hbm>> -> memref<10112x64xf32, #tpu.memory_space<hbm>>
      tpu.wait_indirect_dma semaphore(%arg11 : memref<!tpu.dma_semaphore, #tpu.memory_space<semaphore_mem>>) src(%dma_wait3A_159 : memref<10112x64xf32, #tpu.memory_space<hbm>>) dst(%dma_wait3A_153 : memref<128x64xf32, #tpu.memory_space<vmem>>)
      %dma_wait3A_160 = arith.constant 3 : i32
      %dma_wait3A_161 = arith.constant 0 : i32
      %dma_wait3A_162 = arith.constant 0 : i32
      %dma_wait3A_163 = tpu.memref_slice %arg8[%dma_wait3A_160, %dma_wait3A_161, %dma_wait3A_162] : memref<4x128x64xf32, #tpu.memory_space<vmem>> -> memref<1x128x64xf32, #tpu.memory_space<vmem>>
      %dma_wait3A_164 = tpu.memref_squeeze %dma_wait3A_163 : memref<1x128x64xf32, #tpu.memory_space<vmem>> -> memref<128x64xf32, #tpu.memory_space<vmem>>
      %dma_wait3A_165 = arith.constant 0 : i32
      %dma_wait3A_166 = tpu.memref_slice %arg6[%add3A_116, %dma_wait3A_165] : memref<80x128xi32, #tpu.memory_space<vmem>> -> memref<1x128xi32, #tpu.memory_space<vmem>>
      %dma_wait3A_167 = tpu.memref_squeeze %dma_wait3A_166 : memref<1x128xi32, #tpu.memory_space<vmem>> -> memref<128xi32, #tpu.memory_space<vmem>>
      %dma_wait3A_168 = arith.constant 0 : i32
      %dma_wait3A_169 = arith.constant 0 : i32
      %dma_wait3A_170 = tpu.memref_slice %arg4[%dma_wait3A_168, %dma_wait3A_169] : memref<10112x64xf32, #tpu.memory_space<hbm>> -> memref<10112x64xf32, #tpu.memory_space<hbm>>
      tpu.wait_indirect_dma semaphore(%arg11 : memref<!tpu.dma_semaphore, #tpu.memory_space<semaphore_mem>>) src(%dma_wait3A_170 : memref<10112x64xf32, #tpu.memory_space<hbm>>) dst(%dma_wait3A_164 : memref<128x64xf32, #tpu.memory_space<vmem>>)
      %mul3A_171 = arith.constant 4 : i32
      %mul3A_172 = arith.muli %scan3A_67, %mul3A_171 : i32
      %add3A_173 = arith.constant 0 : i32
      %add3A_174 = arith.addi %mul3A_172, %add3A_173 : i32
      %run_scoped3A = arith.constant 0 : i32
      "tpu.region"() ({
        %run_scoped3A_191 = tpu.sem_alloc : memref<!tpu.dma_semaphore, #tpu.memory_space<semaphore_mem>>
        %dma_start3A_192 = arith.constant 0 : i32
        %dma_start3A_193 = arith.constant 0 : i32
        %dma_start3A_194 = tpu.memref_slice %arg8[%run_scoped3A, %dma_start3A_192, %dma_start3A_193] : memref<4x128x64xf32, #tpu.memory_space<vmem>> -> memref<1x128x64xf32, #tpu.memory_space<vmem>>
        %dma_start3A_195 = tpu.memref_squeeze %dma_start3A_194 : memref<1x128x64xf32, #tpu.memory_space<vmem>> -> memref<128x64xf32, #tpu.memory_space<vmem>>
        %dma_start3A_196 = arith.constant 0 : i32
        %dma_start3A_197 = tpu.memref_slice %arg7[%add3A_174, %dma_start3A_196] : memref<80x128xi32, #tpu.memory_space<vmem>> -> memref<1x128xi32, #tpu.memory_space<vmem>>
        %dma_start3A_198 = tpu.memref_squeeze %dma_start3A_197 : memref<1x128xi32, #tpu.memory_space<vmem>> -> memref<128xi32, #tpu.memory_space<vmem>>
        %dma_start3A_199 = arith.constant 0 : i32
        %dma_start3A_200 = arith.constant 0 : i32
        %dma_start3A_201 = tpu.memref_slice %arg10[%dma_start3A_199, %dma_start3A_200] : memref<10112x64xf32, #tpu.memory_space<vmem_shared>> -> memref<10112x64xf32, #tpu.memory_space<vmem_shared>>
        tpu.enqueue_indirect_dma source(%dma_start3A_195 : memref<128x64xf32, #tpu.memory_space<vmem>>) target(%dma_start3A_201 : memref<10112x64xf32, #tpu.memory_space<vmem_shared>>) offsets(%dma_start3A_198 : memref<128xi32, #tpu.memory_space<vmem>>) semaphore(%run_scoped3A_191 : memref<!tpu.dma_semaphore, #tpu.memory_space<semaphore_mem>>) {add = true}
        %dma_wait3A_202 = arith.constant 0 : i32
        %dma_wait3A_203 = arith.constant 0 : i32
        %dma_wait3A_204 = tpu.memref_slice %arg8[%run_scoped3A, %dma_wait3A_202, %dma_wait3A_203] : memref<4x128x64xf32, #tpu.memory_space<vmem>> -> memref<1x128x64xf32, #tpu.memory_space<vmem>>
        %dma_wait3A_205 = tpu.memref_squeeze %dma_wait3A_204 : memref<1x128x64xf32, #tpu.memory_space<vmem>> -> memref<128x64xf32, #tpu.memory_space<vmem>>
        %dma_wait3A_206 = arith.constant 0 : i32
        %dma_wait3A_207 = tpu.memref_slice %arg7[%add3A_174, %dma_wait3A_206] : memref<80x128xi32, #tpu.memory_space<vmem>> -> memref<1x128xi32, #tpu.memory_space<vmem>>
        %dma_wait3A_208 = tpu.memref_squeeze %dma_wait3A_207 : memref<1x128xi32, #tpu.memory_space<vmem>> -> memref<128xi32, #tpu.memory_space<vmem>>
        %dma_wait3A_209 = arith.constant 0 : i32
        %dma_wait3A_210 = arith.constant 0 : i32
        %dma_wait3A_211 = tpu.memref_slice %arg10[%dma_wait3A_209, %dma_wait3A_210] : memref<10112x64xf32, #tpu.memory_space<vmem_shared>> -> memref<10112x64xf32, #tpu.memory_space<vmem_shared>>
        tpu.wait_indirect_dma semaphore(%run_scoped3A_191 : memref<!tpu.dma_semaphore, #tpu.memory_space<semaphore_mem>>) src(%dma_wait3A_205 : memref<128x64xf32, #tpu.memory_space<vmem>>) dst(%dma_wait3A_211 : memref<10112x64xf32, #tpu.memory_space<vmem_shared>>)
        tpu.yield
      }) : () -> ()
      %mul3A_175 = arith.constant 4 : i32
      %mul3A_176 = arith.muli %scan3A_67, %mul3A_175 : i32
      %add3A_177 = arith.constant 1 : i32
      %add3A_178 = arith.addi %mul3A_176, %add3A_177 : i32
      %run_scoped3A_179 = arith.constant 1 : i32
      "tpu.region"() ({
        %run_scoped3A_191 = tpu.sem_alloc : memref<!tpu.dma_semaphore, #tpu.memory_space<semaphore_mem>>
        %dma_start3A_192 = arith.constant 0 : i32
        %dma_start3A_193 = arith.constant 0 : i32
        %dma_start3A_194 = tpu.memref_slice %arg8[%run_scoped3A_179, %dma_start3A_192, %dma_start3A_193] : memref<4x128x64xf32, #tpu.memory_space<vmem>> -> memref<1x128x64xf32, #tpu.memory_space<vmem>>
        %dma_start3A_195 = tpu.memref_squeeze %dma_start3A_194 : memref<1x128x64xf32, #tpu.memory_space<vmem>> -> memref<128x64xf32, #tpu.memory_space<vmem>>
        %dma_start3A_196 = arith.constant 0 : i32
        %dma_start3A_197 = tpu.memref_slice %arg7[%add3A_178, %dma_start3A_196] : memref<80x128xi32, #tpu.memory_space<vmem>> -> memref<1x128xi32, #tpu.memory_space<vmem>>
        %dma_start3A_198 = tpu.memref_squeeze %dma_start3A_197 : memref<1x128xi32, #tpu.memory_space<vmem>> -> memref<128xi32, #tpu.memory_space<vmem>>
        %dma_start3A_199 = arith.constant 0 : i32
        %dma_start3A_200 = arith.constant 0 : i32
        %dma_start3A_201 = tpu.memref_slice %arg10[%dma_start3A_199, %dma_start3A_200] : memref<10112x64xf32, #tpu.memory_space<vmem_shared>> -> memref<10112x64xf32, #tpu.memory_space<vmem_shared>>
        tpu.enqueue_indirect_dma source(%dma_start3A_195 : memref<128x64xf32, #tpu.memory_space<vmem>>) target(%dma_start3A_201 : memref<10112x64xf32, #tpu.memory_space<vmem_shared>>) offsets(%dma_start3A_198 : memref<128xi32, #tpu.memory_space<vmem>>) semaphore(%run_scoped3A_191 : memref<!tpu.dma_semaphore, #tpu.memory_space<semaphore_mem>>) {add = true}
        %dma_wait3A_202 = arith.constant 0 : i32
        %dma_wait3A_203 = arith.constant 0 : i32
        %dma_wait3A_204 = tpu.memref_slice %arg8[%run_scoped3A_179, %dma_wait3A_202, %dma_wait3A_203] : memref<4x128x64xf32, #tpu.memory_space<vmem>> -> memref<1x128x64xf32, #tpu.memory_space<vmem>>
        %dma_wait3A_205 = tpu.memref_squeeze %dma_wait3A_204 : memref<1x128x64xf32, #tpu.memory_space<vmem>> -> memref<128x64xf32, #tpu.memory_space<vmem>>
        %dma_wait3A_206 = arith.constant 0 : i32
        %dma_wait3A_207 = tpu.memref_slice %arg7[%add3A_178, %dma_wait3A_206] : memref<80x128xi32, #tpu.memory_space<vmem>> -> memref<1x128xi32, #tpu.memory_space<vmem>>
        %dma_wait3A_208 = tpu.memref_squeeze %dma_wait3A_207 : memref<1x128xi32, #tpu.memory_space<vmem>> -> memref<128xi32, #tpu.memory_space<vmem>>
        %dma_wait3A_209 = arith.constant 0 : i32
        %dma_wait3A_210 = arith.constant 0 : i32
        %dma_wait3A_211 = tpu.memref_slice %arg10[%dma_wait3A_209, %dma_wait3A_210] : memref<10112x64xf32, #tpu.memory_space<vmem_shared>> -> memref<10112x64xf32, #tpu.memory_space<vmem_shared>>
        tpu.wait_indirect_dma semaphore(%run_scoped3A_191 : memref<!tpu.dma_semaphore, #tpu.memory_space<semaphore_mem>>) src(%dma_wait3A_205 : memref<128x64xf32, #tpu.memory_space<vmem>>) dst(%dma_wait3A_211 : memref<10112x64xf32, #tpu.memory_space<vmem_shared>>)
        tpu.yield
      }) : () -> ()
      %mul3A_180 = arith.constant 4 : i32
      %mul3A_181 = arith.muli %scan3A_67, %mul3A_180 : i32
      %add3A_182 = arith.constant 2 : i32
      %add3A_183 = arith.addi %mul3A_181, %add3A_182 : i32
      %run_scoped3A_184 = arith.constant 2 : i32
      "tpu.region"() ({
        %run_scoped3A_191 = tpu.sem_alloc : memref<!tpu.dma_semaphore, #tpu.memory_space<semaphore_mem>>
        %dma_start3A_192 = arith.constant 0 : i32
        %dma_start3A_193 = arith.constant 0 : i32
        %dma_start3A_194 = tpu.memref_slice %arg8[%run_scoped3A_184, %dma_start3A_192, %dma_start3A_193] : memref<4x128x64xf32, #tpu.memory_space<vmem>> -> memref<1x128x64xf32, #tpu.memory_space<vmem>>
        %dma_start3A_195 = tpu.memref_squeeze %dma_start3A_194 : memref<1x128x64xf32, #tpu.memory_space<vmem>> -> memref<128x64xf32, #tpu.memory_space<vmem>>
        %dma_start3A_196 = arith.constant 0 : i32
        %dma_start3A_197 = tpu.memref_slice %arg7[%add3A_183, %dma_start3A_196] : memref<80x128xi32, #tpu.memory_space<vmem>> -> memref<1x128xi32, #tpu.memory_space<vmem>>
        %dma_start3A_198 = tpu.memref_squeeze %dma_start3A_197 : memref<1x128xi32, #tpu.memory_space<vmem>> -> memref<128xi32, #tpu.memory_space<vmem>>
        %dma_start3A_199 = arith.constant 0 : i32
        %dma_start3A_200 = arith.constant 0 : i32
        %dma_start3A_201 = tpu.memref_slice %arg10[%dma_start3A_199, %dma_start3A_200] : memref<10112x64xf32, #tpu.memory_space<vmem_shared>> -> memref<10112x64xf32, #tpu.memory_space<vmem_shared>>
        tpu.enqueue_indirect_dma source(%dma_start3A_195 : memref<128x64xf32, #tpu.memory_space<vmem>>) target(%dma_start3A_201 : memref<10112x64xf32, #tpu.memory_space<vmem_shared>>) offsets(%dma_start3A_198 : memref<128xi32, #tpu.memory_space<vmem>>) semaphore(%run_scoped3A_191 : memref<!tpu.dma_semaphore, #tpu.memory_space<semaphore_mem>>) {add = true}
        %dma_wait3A_202 = arith.constant 0 : i32
        %dma_wait3A_203 = arith.constant 0 : i32
        %dma_wait3A_204 = tpu.memref_slice %arg8[%run_scoped3A_184, %dma_wait3A_202, %dma_wait3A_203] : memref<4x128x64xf32, #tpu.memory_space<vmem>> -> memref<1x128x64xf32, #tpu.memory_space<vmem>>
        %dma_wait3A_205 = tpu.memref_squeeze %dma_wait3A_204 : memref<1x128x64xf32, #tpu.memory_space<vmem>> -> memref<128x64xf32, #tpu.memory_space<vmem>>
        %dma_wait3A_206 = arith.constant 0 : i32
        %dma_wait3A_207 = tpu.memref_slice %arg7[%add3A_183, %dma_wait3A_206] : memref<80x128xi32, #tpu.memory_space<vmem>> -> memref<1x128xi32, #tpu.memory_space<vmem>>
        %dma_wait3A_208 = tpu.memref_squeeze %dma_wait3A_207 : memref<1x128xi32, #tpu.memory_space<vmem>> -> memref<128xi32, #tpu.memory_space<vmem>>
        %dma_wait3A_209 = arith.constant 0 : i32
        %dma_wait3A_210 = arith.constant 0 : i32
        %dma_wait3A_211 = tpu.memref_slice %arg10[%dma_wait3A_209, %dma_wait3A_210] : memref<10112x64xf32, #tpu.memory_space<vmem_shared>> -> memref<10112x64xf32, #tpu.memory_space<vmem_shared>>
        tpu.wait_indirect_dma semaphore(%run_scoped3A_191 : memref<!tpu.dma_semaphore, #tpu.memory_space<semaphore_mem>>) src(%dma_wait3A_205 : memref<128x64xf32, #tpu.memory_space<vmem>>) dst(%dma_wait3A_211 : memref<10112x64xf32, #tpu.memory_space<vmem_shared>>)
        tpu.yield
      }) : () -> ()
      %mul3A_185 = arith.constant 4 : i32
      %mul3A_186 = arith.muli %scan3A_67, %mul3A_185 : i32
      %add3A_187 = arith.constant 3 : i32
      %add3A_188 = arith.addi %mul3A_186, %add3A_187 : i32
      %run_scoped3A_189 = arith.constant 3 : i32
      "tpu.region"() ({
        %run_scoped3A_191 = tpu.sem_alloc : memref<!tpu.dma_semaphore, #tpu.memory_space<semaphore_mem>>
        %dma_start3A_192 = arith.constant 0 : i32
        %dma_start3A_193 = arith.constant 0 : i32
        %dma_start3A_194 = tpu.memref_slice %arg8[%run_scoped3A_189, %dma_start3A_192, %dma_start3A_193] : memref<4x128x64xf32, #tpu.memory_space<vmem>> -> memref<1x128x64xf32, #tpu.memory_space<vmem>>
        %dma_start3A_195 = tpu.memref_squeeze %dma_start3A_194 : memref<1x128x64xf32, #tpu.memory_space<vmem>> -> memref<128x64xf32, #tpu.memory_space<vmem>>
        %dma_start3A_196 = arith.constant 0 : i32
        %dma_start3A_197 = tpu.memref_slice %arg7[%add3A_188, %dma_start3A_196] : memref<80x128xi32, #tpu.memory_space<vmem>> -> memref<1x128xi32, #tpu.memory_space<vmem>>
        %dma_start3A_198 = tpu.memref_squeeze %dma_start3A_197 : memref<1x128xi32, #tpu.memory_space<vmem>> -> memref<128xi32, #tpu.memory_space<vmem>>
        %dma_start3A_199 = arith.constant 0 : i32
        %dma_start3A_200 = arith.constant 0 : i32
        %dma_start3A_201 = tpu.memref_slice %arg10[%dma_start3A_199, %dma_start3A_200] : memref<10112x64xf32, #tpu.memory_space<vmem_shared>> -> memref<10112x64xf32, #tpu.memory_space<vmem_shared>>
        tpu.enqueue_indirect_dma source(%dma_start3A_195 : memref<128x64xf32, #tpu.memory_space<vmem>>) target(%dma_start3A_201 : memref<10112x64xf32, #tpu.memory_space<vmem_shared>>) offsets(%dma_start3A_198 : memref<128xi32, #tpu.memory_space<vmem>>) semaphore(%run_scoped3A_191 : memref<!tpu.dma_semaphore, #tpu.memory_space<semaphore_mem>>) {add = true}
        %dma_wait3A_202 = arith.constant 0 : i32
        %dma_wait3A_203 = arith.constant 0 : i32
        %dma_wait3A_204 = tpu.memref_slice %arg8[%run_scoped3A_189, %dma_wait3A_202, %dma_wait3A_203] : memref<4x128x64xf32, #tpu.memory_space<vmem>> -> memref<1x128x64xf32, #tpu.memory_space<vmem>>
        %dma_wait3A_205 = tpu.memref_squeeze %dma_wait3A_204 : memref<1x128x64xf32, #tpu.memory_space<vmem>> -> memref<128x64xf32, #tpu.memory_space<vmem>>
        %dma_wait3A_206 = arith.constant 0 : i32
        %dma_wait3A_207 = tpu.memref_slice %arg7[%add3A_188, %dma_wait3A_206] : memref<80x128xi32, #tpu.memory_space<vmem>> -> memref<1x128xi32, #tpu.memory_space<vmem>>
        %dma_wait3A_208 = tpu.memref_squeeze %dma_wait3A_207 : memref<1x128xi32, #tpu.memory_space<vmem>> -> memref<128xi32, #tpu.memory_space<vmem>>
        %dma_wait3A_209 = arith.constant 0 : i32
        %dma_wait3A_210 = arith.constant 0 : i32
        %dma_wait3A_211 = tpu.memref_slice %arg10[%dma_wait3A_209, %dma_wait3A_210] : memref<10112x64xf32, #tpu.memory_space<vmem_shared>> -> memref<10112x64xf32, #tpu.memory_space<vmem_shared>>
        tpu.wait_indirect_dma semaphore(%run_scoped3A_191 : memref<!tpu.dma_semaphore, #tpu.memory_space<semaphore_mem>>) src(%dma_wait3A_205 : memref<128x64xf32, #tpu.memory_space<vmem>>) dst(%dma_wait3A_211 : memref<10112x64xf32, #tpu.memory_space<vmem_shared>>)
        tpu.yield
      }) : () -> ()
      %scan3A_190 = arith.constant 0 : i32
      scf.yield %scan3A_190 : i32
    }
    %scan3A_33 = arith.constant 20 : i32
    %barrier3A_34 = arith.constant 0 : index
    tpu.barrier barrier_id(%barrier3A_34)
    %mul3A_35 = arith.constant 632 : i32
    %mul3A_36 = arith.muli %arg1, %mul3A_35 : i32
    %add3A_37 = arith.constant 0 : i32
    %add3A_38 = arith.addi %mul3A_36, %add3A_37 : i32
    "tpu.region"() ({
      %run_scoped3A = tpu.sem_alloc : memref<!tpu.dma_semaphore, #tpu.memory_space<semaphore_mem>>
      %dma_start3A = arith.constant 0 : i32
      %dma_start3A_67 = arith.constant 0 : i32
      %dma_start3A_68 = tpu.memref_slice %arg9[%dma_start3A, %dma_start3A_67] : memref<160x64xf32, #tpu.memory_space<vmem>> -> memref<160x64xf32, #tpu.memory_space<vmem>>
      %dma_start3A_69 = arith.constant 0 : i32
      %dma_start3A_70 = tpu.memref_slice %arg10[%add3A_38, %dma_start3A_69] : memref<10112x64xf32, #tpu.memory_space<vmem_shared>> -> memref<160x64xf32, #tpu.memory_space<vmem_shared>>
      %dma_start3A_71 = arith.constant 0 : i32
      %dma_start3A_72 = arith.constant 0 : i32
      %dma_start3A_73 = tpu.memref_slice %arg9[%dma_start3A_71, %dma_start3A_72] : memref<160x64xf32, #tpu.memory_space<vmem>> -> memref<160x64xf32, #tpu.memory_space<vmem>>
      %dma_start3A_74 = arith.constant 0 : i32
      %dma_start3A_75 = tpu.memref_slice %arg10[%add3A_38, %dma_start3A_74] : memref<10112x64xf32, #tpu.memory_space<vmem_shared>> -> memref<160x64xf32, #tpu.memory_space<vmem_shared>>
      tpu.enqueue_dma source(%dma_start3A_75 : memref<160x64xf32, #tpu.memory_space<vmem_shared>>) target(%dma_start3A_73 : memref<160x64xf32, #tpu.memory_space<vmem>>) target_semaphore(%run_scoped3A : memref<!tpu.dma_semaphore, #tpu.memory_space<semaphore_mem>>)
      %dma_wait3A = arith.constant 0 : i32
      %dma_wait3A_76 = arith.constant 0 : i32
      %dma_wait3A_77 = tpu.memref_slice %arg9[%dma_wait3A, %dma_wait3A_76] : memref<160x64xf32, #tpu.memory_space<vmem>> -> memref<160x64xf32, #tpu.memory_space<vmem>>
      %dma_wait3A_78 = arith.constant 0 : i32
      %dma_wait3A_79 = tpu.memref_slice %arg10[%add3A_38, %dma_wait3A_78] : memref<10112x64xf32, #tpu.memory_space<vmem_shared>> -> memref<160x64xf32, #tpu.memory_space<vmem_shared>>
      %dma_wait3A_80 = arith.constant 0 : i32
      %dma_wait3A_81 = arith.constant 0 : i32
      %dma_wait3A_82 = tpu.memref_slice %arg9[%dma_wait3A_80, %dma_wait3A_81] : memref<160x64xf32, #tpu.memory_space<vmem>> -> memref<160x64xf32, #tpu.memory_space<vmem>>
      %dma_wait3A_83 = arith.constant 0 : i32
      %dma_wait3A_84 = tpu.memref_slice %arg10[%add3A_38, %dma_wait3A_83] : memref<10112x64xf32, #tpu.memory_space<vmem_shared>> -> memref<160x64xf32, #tpu.memory_space<vmem_shared>>
      tpu.wait_dma2 semaphore(%run_scoped3A : memref<!tpu.dma_semaphore, #tpu.memory_space<semaphore_mem>>) src(%dma_wait3A_84 : memref<160x64xf32, #tpu.memory_space<vmem_shared>>) dst(%dma_wait3A_82 : memref<160x64xf32, #tpu.memory_space<vmem>>)
      tpu.yield
    }) : () -> ()
    %mul3A_39 = arith.constant 632 : i32
    %mul3A_40 = arith.muli %arg1, %mul3A_39 : i32
    %add3A_41 = arith.constant 0 : i32
    %add3A_42 = arith.addi %mul3A_40, %add3A_41 : i32
    "tpu.region"() ({
      %run_scoped3A = tpu.sem_alloc : memref<!tpu.dma_semaphore, #tpu.memory_space<semaphore_mem>>
      %dma_start3A = arith.constant 0 : i32
      %dma_start3A_67 = arith.constant 0 : i32
      %dma_start3A_68 = tpu.memref_slice %arg9[%dma_start3A, %dma_start3A_67] : memref<160x64xf32, #tpu.memory_space<vmem>> -> memref<160x64xf32, #tpu.memory_space<vmem>>
      %dma_start3A_69 = arith.constant 0 : i32
      %dma_start3A_70 = tpu.memref_slice %arg5[%arg0, %add3A_42, %dma_start3A_69] : memref<2x10112x64xf32, #tpu.memory_space<hbm>> -> memref<1x160x64xf32, #tpu.memory_space<hbm>>
      %dma_start3A_71 = tpu.memref_squeeze %dma_start3A_70 : memref<1x160x64xf32, #tpu.memory_space<hbm>> -> memref<160x64xf32, #tpu.memory_space<hbm>>
      %dma_start3A_72 = arith.constant 0 : i32
      %dma_start3A_73 = tpu.memref_slice %arg5[%arg0, %add3A_42, %dma_start3A_72] : memref<2x10112x64xf32, #tpu.memory_space<hbm>> -> memref<1x160x64xf32, #tpu.memory_space<hbm>>
      %dma_start3A_74 = tpu.memref_squeeze %dma_start3A_73 : memref<1x160x64xf32, #tpu.memory_space<hbm>> -> memref<160x64xf32, #tpu.memory_space<hbm>>
      %dma_start3A_75 = arith.constant 0 : i32
      %dma_start3A_76 = arith.constant 0 : i32
      %dma_start3A_77 = tpu.memref_slice %arg9[%dma_start3A_75, %dma_start3A_76] : memref<160x64xf32, #tpu.memory_space<vmem>> -> memref<160x64xf32, #tpu.memory_space<vmem>>
      tpu.enqueue_dma source(%dma_start3A_77 : memref<160x64xf32, #tpu.memory_space<vmem>>) target(%dma_start3A_74 : memref<160x64xf32, #tpu.memory_space<hbm>>) target_semaphore(%run_scoped3A : memref<!tpu.dma_semaphore, #tpu.memory_space<semaphore_mem>>)
      %dma_wait3A = arith.constant 0 : i32
      %dma_wait3A_78 = arith.constant 0 : i32
      %dma_wait3A_79 = tpu.memref_slice %arg9[%dma_wait3A, %dma_wait3A_78] : memref<160x64xf32, #tpu.memory_space<vmem>> -> memref<160x64xf32, #tpu.memory_space<vmem>>
      %dma_wait3A_80 = arith.constant 0 : i32
      %dma_wait3A_81 = tpu.memref_slice %arg5[%arg0, %add3A_42, %dma_wait3A_80] : memref<2x10112x64xf32, #tpu.memory_space<hbm>> -> memref<1x160x64xf32, #tpu.memory_space<hbm>>
      %dma_wait3A_82 = tpu.memref_squeeze %dma_wait3A_81 : memref<1x160x64xf32, #tpu.memory_space<hbm>> -> memref<160x64xf32, #tpu.memory_space<hbm>>
      %dma_wait3A_83 = arith.constant 0 : i32
      %dma_wait3A_84 = tpu.memref_slice %arg5[%arg0, %add3A_42, %dma_wait3A_83] : memref<2x10112x64xf32, #tpu.memory_space<hbm>> -> memref<1x160x64xf32, #tpu.memory_space<hbm>>
      %dma_wait3A_85 = tpu.memref_squeeze %dma_wait3A_84 : memref<1x160x64xf32, #tpu.memory_space<hbm>> -> memref<160x64xf32, #tpu.memory_space<hbm>>
      %dma_wait3A_86 = arith.constant 0 : i32
      %dma_wait3A_87 = arith.constant 0 : i32
      %dma_wait3A_88 = tpu.memref_slice %arg9[%dma_wait3A_86, %dma_wait3A_87] : memref<160x64xf32, #tpu.memory_space<vmem>> -> memref<160x64xf32, #tpu.memory_space<vmem>>
      tpu.wait_dma2 semaphore(%run_scoped3A : memref<!tpu.dma_semaphore, #tpu.memory_space<semaphore_mem>>) src(%dma_wait3A_88 : memref<160x64xf32, #tpu.memory_space<vmem>>) dst(%dma_wait3A_85 : memref<160x64xf32, #tpu.memory_space<hbm>>)
      tpu.yield
    }) : () -> ()
    %mul3A_43 = arith.constant 632 : i32
    %mul3A_44 = arith.muli %arg1, %mul3A_43 : i32
    %add3A_45 = arith.constant 160 : i32
    %add3A_46 = arith.addi %mul3A_44, %add3A_45 : i32
    "tpu.region"() ({
      %run_scoped3A = tpu.sem_alloc : memref<!tpu.dma_semaphore, #tpu.memory_space<semaphore_mem>>
      %dma_start3A = arith.constant 0 : i32
      %dma_start3A_67 = arith.constant 0 : i32
      %dma_start3A_68 = tpu.memref_slice %arg9[%dma_start3A, %dma_start3A_67] : memref<160x64xf32, #tpu.memory_space<vmem>> -> memref<160x64xf32, #tpu.memory_space<vmem>>
      %dma_start3A_69 = arith.constant 0 : i32
      %dma_start3A_70 = tpu.memref_slice %arg10[%add3A_46, %dma_start3A_69] : memref<10112x64xf32, #tpu.memory_space<vmem_shared>> -> memref<160x64xf32, #tpu.memory_space<vmem_shared>>
      %dma_start3A_71 = arith.constant 0 : i32
      %dma_start3A_72 = arith.constant 0 : i32
      %dma_start3A_73 = tpu.memref_slice %arg9[%dma_start3A_71, %dma_start3A_72] : memref<160x64xf32, #tpu.memory_space<vmem>> -> memref<160x64xf32, #tpu.memory_space<vmem>>
      %dma_start3A_74 = arith.constant 0 : i32
      %dma_start3A_75 = tpu.memref_slice %arg10[%add3A_46, %dma_start3A_74] : memref<10112x64xf32, #tpu.memory_space<vmem_shared>> -> memref<160x64xf32, #tpu.memory_space<vmem_shared>>
      tpu.enqueue_dma source(%dma_start3A_75 : memref<160x64xf32, #tpu.memory_space<vmem_shared>>) target(%dma_start3A_73 : memref<160x64xf32, #tpu.memory_space<vmem>>) target_semaphore(%run_scoped3A : memref<!tpu.dma_semaphore, #tpu.memory_space<semaphore_mem>>)
      %dma_wait3A = arith.constant 0 : i32
      %dma_wait3A_76 = arith.constant 0 : i32
      %dma_wait3A_77 = tpu.memref_slice %arg9[%dma_wait3A, %dma_wait3A_76] : memref<160x64xf32, #tpu.memory_space<vmem>> -> memref<160x64xf32, #tpu.memory_space<vmem>>
      %dma_wait3A_78 = arith.constant 0 : i32
      %dma_wait3A_79 = tpu.memref_slice %arg10[%add3A_46, %dma_wait3A_78] : memref<10112x64xf32, #tpu.memory_space<vmem_shared>> -> memref<160x64xf32, #tpu.memory_space<vmem_shared>>
      %dma_wait3A_80 = arith.constant 0 : i32
      %dma_wait3A_81 = arith.constant 0 : i32
      %dma_wait3A_82 = tpu.memref_slice %arg9[%dma_wait3A_80, %dma_wait3A_81] : memref<160x64xf32, #tpu.memory_space<vmem>> -> memref<160x64xf32, #tpu.memory_space<vmem>>
      %dma_wait3A_83 = arith.constant 0 : i32
      %dma_wait3A_84 = tpu.memref_slice %arg10[%add3A_46, %dma_wait3A_83] : memref<10112x64xf32, #tpu.memory_space<vmem_shared>> -> memref<160x64xf32, #tpu.memory_space<vmem_shared>>
      tpu.wait_dma2 semaphore(%run_scoped3A : memref<!tpu.dma_semaphore, #tpu.memory_space<semaphore_mem>>) src(%dma_wait3A_84 : memref<160x64xf32, #tpu.memory_space<vmem_shared>>) dst(%dma_wait3A_82 : memref<160x64xf32, #tpu.memory_space<vmem>>)
      tpu.yield
    }) : () -> ()
    %mul3A_47 = arith.constant 632 : i32
    %mul3A_48 = arith.muli %arg1, %mul3A_47 : i32
    %add3A_49 = arith.constant 160 : i32
    %add3A_50 = arith.addi %mul3A_48, %add3A_49 : i32
    "tpu.region"() ({
      %run_scoped3A = tpu.sem_alloc : memref<!tpu.dma_semaphore, #tpu.memory_space<semaphore_mem>>
      %dma_start3A = arith.constant 0 : i32
      %dma_start3A_67 = arith.constant 0 : i32
      %dma_start3A_68 = tpu.memref_slice %arg9[%dma_start3A, %dma_start3A_67] : memref<160x64xf32, #tpu.memory_space<vmem>> -> memref<160x64xf32, #tpu.memory_space<vmem>>
      %dma_start3A_69 = arith.constant 0 : i32
      %dma_start3A_70 = tpu.memref_slice %arg5[%arg0, %add3A_50, %dma_start3A_69] : memref<2x10112x64xf32, #tpu.memory_space<hbm>> -> memref<1x160x64xf32, #tpu.memory_space<hbm>>
      %dma_start3A_71 = tpu.memref_squeeze %dma_start3A_70 : memref<1x160x64xf32, #tpu.memory_space<hbm>> -> memref<160x64xf32, #tpu.memory_space<hbm>>
      %dma_start3A_72 = arith.constant 0 : i32
      %dma_start3A_73 = tpu.memref_slice %arg5[%arg0, %add3A_50, %dma_start3A_72] : memref<2x10112x64xf32, #tpu.memory_space<hbm>> -> memref<1x160x64xf32, #tpu.memory_space<hbm>>
      %dma_start3A_74 = tpu.memref_squeeze %dma_start3A_73 : memref<1x160x64xf32, #tpu.memory_space<hbm>> -> memref<160x64xf32, #tpu.memory_space<hbm>>
      %dma_start3A_75 = arith.constant 0 : i32
      %dma_start3A_76 = arith.constant 0 : i32
      %dma_start3A_77 = tpu.memref_slice %arg9[%dma_start3A_75, %dma_start3A_76] : memref<160x64xf32, #tpu.memory_space<vmem>> -> memref<160x64xf32, #tpu.memory_space<vmem>>
      tpu.enqueue_dma source(%dma_start3A_77 : memref<160x64xf32, #tpu.memory_space<vmem>>) target(%dma_start3A_74 : memref<160x64xf32, #tpu.memory_space<hbm>>) target_semaphore(%run_scoped3A : memref<!tpu.dma_semaphore, #tpu.memory_space<semaphore_mem>>)
      %dma_wait3A = arith.constant 0 : i32
      %dma_wait3A_78 = arith.constant 0 : i32
      %dma_wait3A_79 = tpu.memref_slice %arg9[%dma_wait3A, %dma_wait3A_78] : memref<160x64xf32, #tpu.memory_space<vmem>> -> memref<160x64xf32, #tpu.memory_space<vmem>>
      %dma_wait3A_80 = arith.constant 0 : i32
      %dma_wait3A_81 = tpu.memref_slice %arg5[%arg0, %add3A_50, %dma_wait3A_80] : memref<2x10112x64xf32, #tpu.memory_space<hbm>> -> memref<1x160x64xf32, #tpu.memory_space<hbm>>
      %dma_wait3A_82 = tpu.memref_squeeze %dma_wait3A_81 : memref<1x160x64xf32, #tpu.memory_space<hbm>> -> memref<160x64xf32, #tpu.memory_space<hbm>>
      %dma_wait3A_83 = arith.constant 0 : i32
      %dma_wait3A_84 = tpu.memref_slice %arg5[%arg0, %add3A_50, %dma_wait3A_83] : memref<2x10112x64xf32, #tpu.memory_space<hbm>> -> memref<1x160x64xf32, #tpu.memory_space<hbm>>
      %dma_wait3A_85 = tpu.memref_squeeze %dma_wait3A_84 : memref<1x160x64xf32, #tpu.memory_space<hbm>> -> memref<160x64xf32, #tpu.memory_space<hbm>>
      %dma_wait3A_86 = arith.constant 0 : i32
      %dma_wait3A_87 = arith.constant 0 : i32
      %dma_wait3A_88 = tpu.memref_slice %arg9[%dma_wait3A_86, %dma_wait3A_87] : memref<160x64xf32, #tpu.memory_space<vmem>> -> memref<160x64xf32, #tpu.memory_space<vmem>>
      tpu.wait_dma2 semaphore(%run_scoped3A : memref<!tpu.dma_semaphore, #tpu.memory_space<semaphore_mem>>) src(%dma_wait3A_88 : memref<160x64xf32, #tpu.memory_space<vmem>>) dst(%dma_wait3A_85 : memref<160x64xf32, #tpu.memory_space<hbm>>)
      tpu.yield
    }) : () -> ()
    %mul3A_51 = arith.constant 632 : i32
    %mul3A_52 = arith.muli %arg1, %mul3A_51 : i32
    %add3A_53 = arith.constant 320 : i32
    %add3A_54 = arith.addi %mul3A_52, %add3A_53 : i32
    "tpu.region"() ({
      %run_scoped3A = tpu.sem_alloc : memref<!tpu.dma_semaphore, #tpu.memory_space<semaphore_mem>>
      %dma_start3A = arith.constant 0 : i32
      %dma_start3A_67 = arith.constant 0 : i32
      %dma_start3A_68 = tpu.memref_slice %arg9[%dma_start3A, %dma_start3A_67] : memref<160x64xf32, #tpu.memory_space<vmem>> -> memref<160x64xf32, #tpu.memory_space<vmem>>
      %dma_start3A_69 = arith.constant 0 : i32
      %dma_start3A_70 = tpu.memref_slice %arg10[%add3A_54, %dma_start3A_69] : memref<10112x64xf32, #tpu.memory_space<vmem_shared>> -> memref<160x64xf32, #tpu.memory_space<vmem_shared>>
      %dma_start3A_71 = arith.constant 0 : i32
      %dma_start3A_72 = arith.constant 0 : i32
      %dma_start3A_73 = tpu.memref_slice %arg9[%dma_start3A_71, %dma_start3A_72] : memref<160x64xf32, #tpu.memory_space<vmem>> -> memref<160x64xf32, #tpu.memory_space<vmem>>
      %dma_start3A_74 = arith.constant 0 : i32
      %dma_start3A_75 = tpu.memref_slice %arg10[%add3A_54, %dma_start3A_74] : memref<10112x64xf32, #tpu.memory_space<vmem_shared>> -> memref<160x64xf32, #tpu.memory_space<vmem_shared>>
      tpu.enqueue_dma source(%dma_start3A_75 : memref<160x64xf32, #tpu.memory_space<vmem_shared>>) target(%dma_start3A_73 : memref<160x64xf32, #tpu.memory_space<vmem>>) target_semaphore(%run_scoped3A : memref<!tpu.dma_semaphore, #tpu.memory_space<semaphore_mem>>)
      %dma_wait3A = arith.constant 0 : i32
      %dma_wait3A_76 = arith.constant 0 : i32
      %dma_wait3A_77 = tpu.memref_slice %arg9[%dma_wait3A, %dma_wait3A_76] : memref<160x64xf32, #tpu.memory_space<vmem>> -> memref<160x64xf32, #tpu.memory_space<vmem>>
      %dma_wait3A_78 = arith.constant 0 : i32
      %dma_wait3A_79 = tpu.memref_slice %arg10[%add3A_54, %dma_wait3A_78] : memref<10112x64xf32, #tpu.memory_space<vmem_shared>> -> memref<160x64xf32, #tpu.memory_space<vmem_shared>>
      %dma_wait3A_80 = arith.constant 0 : i32
      %dma_wait3A_81 = arith.constant 0 : i32
      %dma_wait3A_82 = tpu.memref_slice %arg9[%dma_wait3A_80, %dma_wait3A_81] : memref<160x64xf32, #tpu.memory_space<vmem>> -> memref<160x64xf32, #tpu.memory_space<vmem>>
      %dma_wait3A_83 = arith.constant 0 : i32
      %dma_wait3A_84 = tpu.memref_slice %arg10[%add3A_54, %dma_wait3A_83] : memref<10112x64xf32, #tpu.memory_space<vmem_shared>> -> memref<160x64xf32, #tpu.memory_space<vmem_shared>>
      tpu.wait_dma2 semaphore(%run_scoped3A : memref<!tpu.dma_semaphore, #tpu.memory_space<semaphore_mem>>) src(%dma_wait3A_84 : memref<160x64xf32, #tpu.memory_space<vmem_shared>>) dst(%dma_wait3A_82 : memref<160x64xf32, #tpu.memory_space<vmem>>)
      tpu.yield
    }) : () -> ()
    %mul3A_55 = arith.constant 632 : i32
    %mul3A_56 = arith.muli %arg1, %mul3A_55 : i32
    %add3A_57 = arith.constant 320 : i32
    %add3A_58 = arith.addi %mul3A_56, %add3A_57 : i32
    "tpu.region"() ({
      %run_scoped3A = tpu.sem_alloc : memref<!tpu.dma_semaphore, #tpu.memory_space<semaphore_mem>>
      %dma_start3A = arith.constant 0 : i32
      %dma_start3A_67 = arith.constant 0 : i32
      %dma_start3A_68 = tpu.memref_slice %arg9[%dma_start3A, %dma_start3A_67] : memref<160x64xf32, #tpu.memory_space<vmem>> -> memref<160x64xf32, #tpu.memory_space<vmem>>
      %dma_start3A_69 = arith.constant 0 : i32
      %dma_start3A_70 = tpu.memref_slice %arg5[%arg0, %add3A_58, %dma_start3A_69] : memref<2x10112x64xf32, #tpu.memory_space<hbm>> -> memref<1x160x64xf32, #tpu.memory_space<hbm>>
      %dma_start3A_71 = tpu.memref_squeeze %dma_start3A_70 : memref<1x160x64xf32, #tpu.memory_space<hbm>> -> memref<160x64xf32, #tpu.memory_space<hbm>>
      %dma_start3A_72 = arith.constant 0 : i32
      %dma_start3A_73 = tpu.memref_slice %arg5[%arg0, %add3A_58, %dma_start3A_72] : memref<2x10112x64xf32, #tpu.memory_space<hbm>> -> memref<1x160x64xf32, #tpu.memory_space<hbm>>
      %dma_start3A_74 = tpu.memref_squeeze %dma_start3A_73 : memref<1x160x64xf32, #tpu.memory_space<hbm>> -> memref<160x64xf32, #tpu.memory_space<hbm>>
      %dma_start3A_75 = arith.constant 0 : i32
      %dma_start3A_76 = arith.constant 0 : i32
      %dma_start3A_77 = tpu.memref_slice %arg9[%dma_start3A_75, %dma_start3A_76] : memref<160x64xf32, #tpu.memory_space<vmem>> -> memref<160x64xf32, #tpu.memory_space<vmem>>
      tpu.enqueue_dma source(%dma_start3A_77 : memref<160x64xf32, #tpu.memory_space<vmem>>) target(%dma_start3A_74 : memref<160x64xf32, #tpu.memory_space<hbm>>) target_semaphore(%run_scoped3A : memref<!tpu.dma_semaphore, #tpu.memory_space<semaphore_mem>>)
      %dma_wait3A = arith.constant 0 : i32
      %dma_wait3A_78 = arith.constant 0 : i32
      %dma_wait3A_79 = tpu.memref_slice %arg9[%dma_wait3A, %dma_wait3A_78] : memref<160x64xf32, #tpu.memory_space<vmem>> -> memref<160x64xf32, #tpu.memory_space<vmem>>
      %dma_wait3A_80 = arith.constant 0 : i32
      %dma_wait3A_81 = tpu.memref_slice %arg5[%arg0, %add3A_58, %dma_wait3A_80] : memref<2x10112x64xf32, #tpu.memory_space<hbm>> -> memref<1x160x64xf32, #tpu.memory_space<hbm>>
      %dma_wait3A_82 = tpu.memref_squeeze %dma_wait3A_81 : memref<1x160x64xf32, #tpu.memory_space<hbm>> -> memref<160x64xf32, #tpu.memory_space<hbm>>
      %dma_wait3A_83 = arith.constant 0 : i32
      %dma_wait3A_84 = tpu.memref_slice %arg5[%arg0, %add3A_58, %dma_wait3A_83] : memref<2x10112x64xf32, #tpu.memory_space<hbm>> -> memref<1x160x64xf32, #tpu.memory_space<hbm>>
      %dma_wait3A_85 = tpu.memref_squeeze %dma_wait3A_84 : memref<1x160x64xf32, #tpu.memory_space<hbm>> -> memref<160x64xf32, #tpu.memory_space<hbm>>
      %dma_wait3A_86 = arith.constant 0 : i32
      %dma_wait3A_87 = arith.constant 0 : i32
      %dma_wait3A_88 = tpu.memref_slice %arg9[%dma_wait3A_86, %dma_wait3A_87] : memref<160x64xf32, #tpu.memory_space<vmem>> -> memref<160x64xf32, #tpu.memory_space<vmem>>
      tpu.wait_dma2 semaphore(%run_scoped3A : memref<!tpu.dma_semaphore, #tpu.memory_space<semaphore_mem>>) src(%dma_wait3A_88 : memref<160x64xf32, #tpu.memory_space<vmem>>) dst(%dma_wait3A_85 : memref<160x64xf32, #tpu.memory_space<hbm>>)
      tpu.yield
    }) : () -> ()
    %mul3A_59 = arith.constant 632 : i32
    %mul3A_60 = arith.muli %arg1, %mul3A_59 : i32
    %add3A_61 = arith.constant 480 : i32
    %add3A_62 = arith.addi %mul3A_60, %add3A_61 : i32
    "tpu.region"() ({
      %run_scoped3A = tpu.sem_alloc : memref<!tpu.dma_semaphore, #tpu.memory_space<semaphore_mem>>
      %dma_start3A = arith.constant 0 : i32
      %dma_start3A_67 = arith.constant 0 : i32
      %dma_start3A_68 = tpu.memref_slice %arg9[%dma_start3A, %dma_start3A_67] : memref<160x64xf32, #tpu.memory_space<vmem>> -> memref<152x64xf32, #tpu.memory_space<vmem>>
      %dma_start3A_69 = arith.constant 0 : i32
      %dma_start3A_70 = tpu.memref_slice %arg10[%add3A_62, %dma_start3A_69] : memref<10112x64xf32, #tpu.memory_space<vmem_shared>> -> memref<152x64xf32, #tpu.memory_space<vmem_shared>>
      %dma_start3A_71 = arith.constant 0 : i32
      %dma_start3A_72 = arith.constant 0 : i32
      %dma_start3A_73 = tpu.memref_slice %arg9[%dma_start3A_71, %dma_start3A_72] : memref<160x64xf32, #tpu.memory_space<vmem>> -> memref<152x64xf32, #tpu.memory_space<vmem>>
      %dma_start3A_74 = arith.constant 0 : i32
      %dma_start3A_75 = tpu.memref_slice %arg10[%add3A_62, %dma_start3A_74] : memref<10112x64xf32, #tpu.memory_space<vmem_shared>> -> memref<152x64xf32, #tpu.memory_space<vmem_shared>>
      tpu.enqueue_dma source(%dma_start3A_75 : memref<152x64xf32, #tpu.memory_space<vmem_shared>>) target(%dma_start3A_73 : memref<152x64xf32, #tpu.memory_space<vmem>>) target_semaphore(%run_scoped3A : memref<!tpu.dma_semaphore, #tpu.memory_space<semaphore_mem>>)
      %dma_wait3A = arith.constant 0 : i32
      %dma_wait3A_76 = arith.constant 0 : i32
      %dma_wait3A_77 = tpu.memref_slice %arg9[%dma_wait3A, %dma_wait3A_76] : memref<160x64xf32, #tpu.memory_space<vmem>> -> memref<152x64xf32, #tpu.memory_space<vmem>>
      %dma_wait3A_78 = arith.constant 0 : i32
      %dma_wait3A_79 = tpu.memref_slice %arg10[%add3A_62, %dma_wait3A_78] : memref<10112x64xf32, #tpu.memory_space<vmem_shared>> -> memref<152x64xf32, #tpu.memory_space<vmem_shared>>
      %dma_wait3A_80 = arith.constant 0 : i32
      %dma_wait3A_81 = arith.constant 0 : i32
      %dma_wait3A_82 = tpu.memref_slice %arg9[%dma_wait3A_80, %dma_wait3A_81] : memref<160x64xf32, #tpu.memory_space<vmem>> -> memref<152x64xf32, #tpu.memory_space<vmem>>
      %dma_wait3A_83 = arith.constant 0 : i32
      %dma_wait3A_84 = tpu.memref_slice %arg10[%add3A_62, %dma_wait3A_83] : memref<10112x64xf32, #tpu.memory_space<vmem_shared>> -> memref<152x64xf32, #tpu.memory_space<vmem_shared>>
      tpu.wait_dma2 semaphore(%run_scoped3A : memref<!tpu.dma_semaphore, #tpu.memory_space<semaphore_mem>>) src(%dma_wait3A_84 : memref<152x64xf32, #tpu.memory_space<vmem_shared>>) dst(%dma_wait3A_82 : memref<152x64xf32, #tpu.memory_space<vmem>>)
      tpu.yield
    }) : () -> ()
    %mul3A_63 = arith.constant 632 : i32
    %mul3A_64 = arith.muli %arg1, %mul3A_63 : i32
    %add3A_65 = arith.constant 480 : i32
    %add3A_66 = arith.addi %mul3A_64, %add3A_65 : i32
    "tpu.region"() ({
      %run_scoped3A = tpu.sem_alloc : memref<!tpu.dma_semaphore, #tpu.memory_space<semaphore_mem>>
      %dma_start3A = arith.constant 0 : i32
      %dma_start3A_67 = arith.constant 0 : i32
      %dma_start3A_68 = tpu.memref_slice %arg9[%dma_start3A, %dma_start3A_67] : memref<160x64xf32, #tpu.memory_space<vmem>> -> memref<152x64xf32, #tpu.memory_space<vmem>>
      %dma_start3A_69 = arith.constant 0 : i32
      %dma_start3A_70 = tpu.memref_slice %arg5[%arg0, %add3A_66, %dma_start3A_69] : memref<2x10112x64xf32, #tpu.memory_space<hbm>> -> memref<1x152x64xf32, #tpu.memory_space<hbm>>
      %dma_start3A_71 = tpu.memref_squeeze %dma_start3A_70 : memref<1x152x64xf32, #tpu.memory_space<hbm>> -> memref<152x64xf32, #tpu.memory_space<hbm>>
      %dma_start3A_72 = arith.constant 0 : i32
      %dma_start3A_73 = tpu.memref_slice %arg5[%arg0, %add3A_66, %dma_start3A_72] : memref<2x10112x64xf32, #tpu.memory_space<hbm>> -> memref<1x152x64xf32, #tpu.memory_space<hbm>>
      %dma_start3A_74 = tpu.memref_squeeze %dma_start3A_73 : memref<1x152x64xf32, #tpu.memory_space<hbm>> -> memref<152x64xf32, #tpu.memory_space<hbm>>
      %dma_start3A_75 = arith.constant 0 : i32
      %dma_start3A_76 = arith.constant 0 : i32
      %dma_start3A_77 = tpu.memref_slice %arg9[%dma_start3A_75, %dma_start3A_76] : memref<160x64xf32, #tpu.memory_space<vmem>> -> memref<152x64xf32, #tpu.memory_space<vmem>>
      tpu.enqueue_dma source(%dma_start3A_77 : memref<152x64xf32, #tpu.memory_space<vmem>>) target(%dma_start3A_74 : memref<152x64xf32, #tpu.memory_space<hbm>>) target_semaphore(%run_scoped3A : memref<!tpu.dma_semaphore, #tpu.memory_space<semaphore_mem>>)
      %dma_wait3A = arith.constant 0 : i32
      %dma_wait3A_78 = arith.constant 0 : i32
      %dma_wait3A_79 = tpu.memref_slice %arg9[%dma_wait3A, %dma_wait3A_78] : memref<160x64xf32, #tpu.memory_space<vmem>> -> memref<152x64xf32, #tpu.memory_space<vmem>>
      %dma_wait3A_80 = arith.constant 0 : i32
      %dma_wait3A_81 = tpu.memref_slice %arg5[%arg0, %add3A_66, %dma_wait3A_80] : memref<2x10112x64xf32, #tpu.memory_space<hbm>> -> memref<1x152x64xf32, #tpu.memory_space<hbm>>
      %dma_wait3A_82 = tpu.memref_squeeze %dma_wait3A_81 : memref<1x152x64xf32, #tpu.memory_space<hbm>> -> memref<152x64xf32, #tpu.memory_space<hbm>>
      %dma_wait3A_83 = arith.constant 0 : i32
      %dma_wait3A_84 = tpu.memref_slice %arg5[%arg0, %add3A_66, %dma_wait3A_83] : memref<2x10112x64xf32, #tpu.memory_space<hbm>> -> memref<1x152x64xf32, #tpu.memory_space<hbm>>
      %dma_wait3A_85 = tpu.memref_squeeze %dma_wait3A_84 : memref<1x152x64xf32, #tpu.memory_space<hbm>> -> memref<152x64xf32, #tpu.memory_space<hbm>>
      %dma_wait3A_86 = arith.constant 0 : i32
      %dma_wait3A_87 = arith.constant 0 : i32
      %dma_wait3A_88 = tpu.memref_slice %arg9[%dma_wait3A_86, %dma_wait3A_87] : memref<160x64xf32, #tpu.memory_space<vmem>> -> memref<152x64xf32, #tpu.memory_space<vmem>>
      tpu.wait_dma2 semaphore(%run_scoped3A : memref<!tpu.dma_semaphore, #tpu.memory_space<semaphore_mem>>) src(%dma_wait3A_88 : memref<152x64xf32, #tpu.memory_space<vmem>>) dst(%dma_wait3A_85 : memref<152x64xf32, #tpu.memory_space<hbm>>)
      tpu.yield
    }) : () -> ()
    return
  }
}

#map = affine_map<(d0, d1) -> (0, 0)>
#map1 = affine_map<(d0, d1) -> (0, 0, 0)>
module attributes {stable_mosaic.version = 14 : i64} {
  func.func @_prop(%arg0: i32, %arg1: i32, %arg2: memref<2560x128xi32, #tpu.memory_space<hbm>>, %arg3: memref<2560x128xi32, #tpu.memory_space<hbm>>, %arg4: memref<10112x16xf32, #tpu.memory_space<hbm>>, %arg5: memref<2x10112x16xf32, #tpu.memory_space<hbm>>, %arg6: memref<80x128xi32, #tpu.memory_space<vmem>>, %arg7: memref<80x128xi32, #tpu.memory_space<vmem>>, %arg8: memref<4x128x16xf32, #tpu.memory_space<vmem>>, %arg9: memref<160x16xf32, #tpu.memory_space<vmem>>, %arg10: memref<10112x16xf32, #tpu.memory_space<vmem_shared>>, %arg11: memref<!tpu.dma_semaphore, #tpu.memory_space<semaphore_mem>>) attributes {dimension_semantics = [#tpu.dimension_semantics<core_parallel>, #tpu.dimension_semantics<subcore_parallel>], iteration_bounds = array<i64: 2, 16>, scalar_prefetch = 0 : i64, scratch_operands = 6 : i64, tpu.core_type = #tpu.core_type<sc_vector_subcore>, window_params = [{transform_indices = #map}, {transform_indices = #map}, {transform_indices = #map}, {transform_indices = #map1}]} {
    %mul3A = arith.constant 2 : i32
    %mul3A_0 = arith.muli %arg1, %mul3A : i32
    %add3A = arith.addi %mul3A_0, %arg0 : i32
    %scan3A = arith.constant 0 : i32
    %scan3A_1 = arith.constant 0 : i32
    %scan3A_2 = arith.constant 160 : i32
    %scan3A_3 = arith.addi %scan3A_1, %scan3A_2 : i32
    %scan3A_4 = arith.constant 1 : i32
    %scan3A_5 = scf.for %scan3A_67 = %scan3A_1 to %scan3A_3 step %scan3A_4 iter_args(%scan3A_68 = %scan3A) -> (i32)  : i32 {
      %broadcast_in_dim3A = arith.constant 0.000000e+00 : f32
      %broadcast_in_dim3A_69 = vector.broadcast %broadcast_in_dim3A : f32 to vector<16xf32>
      %jit3A = arith.constant 1 : i32
      %div3A = arith.divsi %scan3A_67, %jit3A : i32
      %sign3A = arith.constant 0 : i32
      %sign3A_70 = arith.cmpi sgt, %scan3A_67, %sign3A : i32
      %sign3A_71 = arith.extui %sign3A_70 : i1 to i32
      %sign3A_72 = arith.constant 0 : i32
      %sign3A_73 = arith.cmpi slt, %scan3A_67, %sign3A_72 : i32
      %sign3A_74 = arith.extui %sign3A_73 : i1 to i32
      %sign3A_75 = arith.subi %sign3A_71, %sign3A_74 : i32
      %sign3A_76 = arith.constant 0 : i32
      %sign3A_77 = arith.cmpi sgt, %jit3A, %sign3A_76 : i32
      %sign3A_78 = arith.extui %sign3A_77 : i1 to i32
      %sign3A_79 = arith.constant 0 : i32
      %sign3A_80 = arith.cmpi slt, %jit3A, %sign3A_79 : i32
      %sign3A_81 = arith.extui %sign3A_80 : i1 to i32
      %sign3A_82 = arith.subi %sign3A_78, %sign3A_81 : i32
      %ne3A = arith.cmpi ne, %sign3A_75, %sign3A_82 : i32
      %rem3A = arith.remsi %scan3A_67, %jit3A : i32
      %ne3A_83 = arith.constant 0 : i32
      %ne3A_84 = arith.cmpi ne, %rem3A, %ne3A_83 : i32
      %and3A = arith.andi %ne3A, %ne3A_84 : i1
      %sub3A = arith.constant 1 : i32
      %sub3A_85 = arith.subi %div3A, %sub3A : i32
      %select_n3A = arith.select %and3A, %sub3A_85, %div3A : i32
      %jit3A_86 = arith.constant 1 : i32
      %eq3A = arith.constant 0 : i32
      %eq3A_87 = arith.cmpi eq, %jit3A_86, %eq3A : i32
      %jit3A_88 = arith.constant 1 : i32
      %select_n3A_89 = arith.select %eq3A_87, %jit3A_88, %jit3A_86 : i32
      %rem3A_90 = arith.remsi %scan3A_67, %select_n3A_89 : i32
      %ne3A_91 = arith.constant 0 : i32
      %ne3A_92 = arith.cmpi ne, %rem3A_90, %ne3A_91 : i32
      %lt3A = arith.constant 0 : i32
      %lt3A_93 = arith.cmpi slt, %rem3A_90, %lt3A : i32
      %lt3A_94 = arith.constant 0 : i32
      %lt3A_95 = arith.cmpi slt, %select_n3A_89, %lt3A_94 : i32
      %ne3A_96 = arith.xori %lt3A_93, %lt3A_95 : i1
      %and3A_97 = arith.andi %ne3A_96, %ne3A_92 : i1
      %add3A_98 = arith.addi %rem3A_90, %select_n3A_89 : i32
      %select_n3A_99 = arith.select %and3A_97, %add3A_98, %rem3A_90 : i32
      %mul3A_100 = arith.constant 16 : i32
      %mul3A_101 = arith.muli %select_n3A_99, %mul3A_100 : i32
      %swap3A = arith.index_cast %select_n3A : i32 to index
      %swap3A_102 = arith.index_cast %mul3A_101 : i32 to index
      %swap3A_103 = tpu.vector_load %arg9[%swap3A, %swap3A_102] {strides = array<i32>} : memref<160x16xf32, #tpu.memory_space<vmem>>, vector<1x16xf32>,
      %swap3A_104 = vector.shape_cast %swap3A_103 : vector<1x16xf32> to vector<16xf32>
      %swap3A_105 = vector.shape_cast %broadcast_in_dim3A_69 : vector<16xf32> to vector<1x16xf32>
      tpu.vector_store %arg9[%swap3A, %swap3A_102], %swap3A_105 {strides = array<i32>} : memref<160x16xf32, #tpu.memory_space<vmem>>, vector<1x16xf32>,
      %scan3A_106 = arith.constant 0 : i32
      scf.yield %scan3A_106 : i32
    }
    %scan3A_6 = arith.constant 160 : i32
    %mul3A_7 = arith.constant 632 : i32
    %mul3A_8 = arith.muli %arg1, %mul3A_7 : i32
    %add3A_9 = arith.constant 0 : i32
    %add3A_10 = arith.addi %mul3A_8, %add3A_9 : i32
    "tpu.region"() ({
      %run_scoped3A = tpu.sem_alloc : memref<!tpu.dma_semaphore, #tpu.memory_space<semaphore_mem>>
      %dma_start3A = arith.constant 0 : i32
      %dma_start3A_67 = arith.constant 0 : i32
      %dma_start3A_68 = tpu.memref_slice %arg9[%dma_start3A, %dma_start3A_67] : memref<160x16xf32, #tpu.memory_space<vmem>> -> memref<160x16xf32, #tpu.memory_space<vmem>>
      %dma_start3A_69 = arith.constant 0 : i32
      %dma_start3A_70 = tpu.memref_slice %arg10[%add3A_10, %dma_start3A_69] : memref<10112x16xf32, #tpu.memory_space<vmem_shared>> -> memref<160x16xf32, #tpu.memory_space<vmem_shared>>
      %dma_start3A_71 = arith.constant 0 : i32
      %dma_start3A_72 = tpu.memref_slice %arg10[%add3A_10, %dma_start3A_71] : memref<10112x16xf32, #tpu.memory_space<vmem_shared>> -> memref<160x16xf32, #tpu.memory_space<vmem_shared>>
      %dma_start3A_73 = arith.constant 0 : i32
      %dma_start3A_74 = arith.constant 0 : i32
      %dma_start3A_75 = tpu.memref_slice %arg9[%dma_start3A_73, %dma_start3A_74] : memref<160x16xf32, #tpu.memory_space<vmem>> -> memref<160x16xf32, #tpu.memory_space<vmem>>
      tpu.enqueue_dma source(%dma_start3A_75 : memref<160x16xf32, #tpu.memory_space<vmem>>) target(%dma_start3A_72 : memref<160x16xf32, #tpu.memory_space<vmem_shared>>) target_semaphore(%run_scoped3A : memref<!tpu.dma_semaphore, #tpu.memory_space<semaphore_mem>>)
      %dma_wait3A = arith.constant 0 : i32
      %dma_wait3A_76 = arith.constant 0 : i32
      %dma_wait3A_77 = tpu.memref_slice %arg9[%dma_wait3A, %dma_wait3A_76] : memref<160x16xf32, #tpu.memory_space<vmem>> -> memref<160x16xf32, #tpu.memory_space<vmem>>
      %dma_wait3A_78 = arith.constant 0 : i32
      %dma_wait3A_79 = tpu.memref_slice %arg10[%add3A_10, %dma_wait3A_78] : memref<10112x16xf32, #tpu.memory_space<vmem_shared>> -> memref<160x16xf32, #tpu.memory_space<vmem_shared>>
      %dma_wait3A_80 = arith.constant 0 : i32
      %dma_wait3A_81 = tpu.memref_slice %arg10[%add3A_10, %dma_wait3A_80] : memref<10112x16xf32, #tpu.memory_space<vmem_shared>> -> memref<160x16xf32, #tpu.memory_space<vmem_shared>>
      %dma_wait3A_82 = arith.constant 0 : i32
      %dma_wait3A_83 = arith.constant 0 : i32
      %dma_wait3A_84 = tpu.memref_slice %arg9[%dma_wait3A_82, %dma_wait3A_83] : memref<160x16xf32, #tpu.memory_space<vmem>> -> memref<160x16xf32, #tpu.memory_space<vmem>>
      tpu.wait_dma2 semaphore(%run_scoped3A : memref<!tpu.dma_semaphore, #tpu.memory_space<semaphore_mem>>) src(%dma_wait3A_84 : memref<160x16xf32, #tpu.memory_space<vmem>>) dst(%dma_wait3A_81 : memref<160x16xf32, #tpu.memory_space<vmem_shared>>)
      tpu.yield
    }) : () -> ()
    %mul3A_11 = arith.constant 632 : i32
    %mul3A_12 = arith.muli %arg1, %mul3A_11 : i32
    %add3A_13 = arith.constant 160 : i32
    %add3A_14 = arith.addi %mul3A_12, %add3A_13 : i32
    "tpu.region"() ({
      %run_scoped3A = tpu.sem_alloc : memref<!tpu.dma_semaphore, #tpu.memory_space<semaphore_mem>>
      %dma_start3A = arith.constant 0 : i32
      %dma_start3A_67 = arith.constant 0 : i32
      %dma_start3A_68 = tpu.memref_slice %arg9[%dma_start3A, %dma_start3A_67] : memref<160x16xf32, #tpu.memory_space<vmem>> -> memref<160x16xf32, #tpu.memory_space<vmem>>
      %dma_start3A_69 = arith.constant 0 : i32
      %dma_start3A_70 = tpu.memref_slice %arg10[%add3A_14, %dma_start3A_69] : memref<10112x16xf32, #tpu.memory_space<vmem_shared>> -> memref<160x16xf32, #tpu.memory_space<vmem_shared>>
      %dma_start3A_71 = arith.constant 0 : i32
      %dma_start3A_72 = tpu.memref_slice %arg10[%add3A_14, %dma_start3A_71] : memref<10112x16xf32, #tpu.memory_space<vmem_shared>> -> memref<160x16xf32, #tpu.memory_space<vmem_shared>>
      %dma_start3A_73 = arith.constant 0 : i32
      %dma_start3A_74 = arith.constant 0 : i32
      %dma_start3A_75 = tpu.memref_slice %arg9[%dma_start3A_73, %dma_start3A_74] : memref<160x16xf32, #tpu.memory_space<vmem>> -> memref<160x16xf32, #tpu.memory_space<vmem>>
      tpu.enqueue_dma source(%dma_start3A_75 : memref<160x16xf32, #tpu.memory_space<vmem>>) target(%dma_start3A_72 : memref<160x16xf32, #tpu.memory_space<vmem_shared>>) target_semaphore(%run_scoped3A : memref<!tpu.dma_semaphore, #tpu.memory_space<semaphore_mem>>)
      %dma_wait3A = arith.constant 0 : i32
      %dma_wait3A_76 = arith.constant 0 : i32
      %dma_wait3A_77 = tpu.memref_slice %arg9[%dma_wait3A, %dma_wait3A_76] : memref<160x16xf32, #tpu.memory_space<vmem>> -> memref<160x16xf32, #tpu.memory_space<vmem>>
      %dma_wait3A_78 = arith.constant 0 : i32
      %dma_wait3A_79 = tpu.memref_slice %arg10[%add3A_14, %dma_wait3A_78] : memref<10112x16xf32, #tpu.memory_space<vmem_shared>> -> memref<160x16xf32, #tpu.memory_space<vmem_shared>>
      %dma_wait3A_80 = arith.constant 0 : i32
      %dma_wait3A_81 = tpu.memref_slice %arg10[%add3A_14, %dma_wait3A_80] : memref<10112x16xf32, #tpu.memory_space<vmem_shared>> -> memref<160x16xf32, #tpu.memory_space<vmem_shared>>
      %dma_wait3A_82 = arith.constant 0 : i32
      %dma_wait3A_83 = arith.constant 0 : i32
      %dma_wait3A_84 = tpu.memref_slice %arg9[%dma_wait3A_82, %dma_wait3A_83] : memref<160x16xf32, #tpu.memory_space<vmem>> -> memref<160x16xf32, #tpu.memory_space<vmem>>
      tpu.wait_dma2 semaphore(%run_scoped3A : memref<!tpu.dma_semaphore, #tpu.memory_space<semaphore_mem>>) src(%dma_wait3A_84 : memref<160x16xf32, #tpu.memory_space<vmem>>) dst(%dma_wait3A_81 : memref<160x16xf32, #tpu.memory_space<vmem_shared>>)
      tpu.yield
    }) : () -> ()
    %mul3A_15 = arith.constant 632 : i32
    %mul3A_16 = arith.muli %arg1, %mul3A_15 : i32
    %add3A_17 = arith.constant 320 : i32
    %add3A_18 = arith.addi %mul3A_16, %add3A_17 : i32
    "tpu.region"() ({
      %run_scoped3A = tpu.sem_alloc : memref<!tpu.dma_semaphore, #tpu.memory_space<semaphore_mem>>
      %dma_start3A = arith.constant 0 : i32
      %dma_start3A_67 = arith.constant 0 : i32
      %dma_start3A_68 = tpu.memref_slice %arg9[%dma_start3A, %dma_start3A_67] : memref<160x16xf32, #tpu.memory_space<vmem>> -> memref<160x16xf32, #tpu.memory_space<vmem>>
      %dma_start3A_69 = arith.constant 0 : i32
      %dma_start3A_70 = tpu.memref_slice %arg10[%add3A_18, %dma_start3A_69] : memref<10112x16xf32, #tpu.memory_space<vmem_shared>> -> memref<160x16xf32, #tpu.memory_space<vmem_shared>>
      %dma_start3A_71 = arith.constant 0 : i32
      %dma_start3A_72 = tpu.memref_slice %arg10[%add3A_18, %dma_start3A_71] : memref<10112x16xf32, #tpu.memory_space<vmem_shared>> -> memref<160x16xf32, #tpu.memory_space<vmem_shared>>
      %dma_start3A_73 = arith.constant 0 : i32
      %dma_start3A_74 = arith.constant 0 : i32
      %dma_start3A_75 = tpu.memref_slice %arg9[%dma_start3A_73, %dma_start3A_74] : memref<160x16xf32, #tpu.memory_space<vmem>> -> memref<160x16xf32, #tpu.memory_space<vmem>>
      tpu.enqueue_dma source(%dma_start3A_75 : memref<160x16xf32, #tpu.memory_space<vmem>>) target(%dma_start3A_72 : memref<160x16xf32, #tpu.memory_space<vmem_shared>>) target_semaphore(%run_scoped3A : memref<!tpu.dma_semaphore, #tpu.memory_space<semaphore_mem>>)
      %dma_wait3A = arith.constant 0 : i32
      %dma_wait3A_76 = arith.constant 0 : i32
      %dma_wait3A_77 = tpu.memref_slice %arg9[%dma_wait3A, %dma_wait3A_76] : memref<160x16xf32, #tpu.memory_space<vmem>> -> memref<160x16xf32, #tpu.memory_space<vmem>>
      %dma_wait3A_78 = arith.constant 0 : i32
      %dma_wait3A_79 = tpu.memref_slice %arg10[%add3A_18, %dma_wait3A_78] : memref<10112x16xf32, #tpu.memory_space<vmem_shared>> -> memref<160x16xf32, #tpu.memory_space<vmem_shared>>
      %dma_wait3A_80 = arith.constant 0 : i32
      %dma_wait3A_81 = tpu.memref_slice %arg10[%add3A_18, %dma_wait3A_80] : memref<10112x16xf32, #tpu.memory_space<vmem_shared>> -> memref<160x16xf32, #tpu.memory_space<vmem_shared>>
      %dma_wait3A_82 = arith.constant 0 : i32
      %dma_wait3A_83 = arith.constant 0 : i32
      %dma_wait3A_84 = tpu.memref_slice %arg9[%dma_wait3A_82, %dma_wait3A_83] : memref<160x16xf32, #tpu.memory_space<vmem>> -> memref<160x16xf32, #tpu.memory_space<vmem>>
      tpu.wait_dma2 semaphore(%run_scoped3A : memref<!tpu.dma_semaphore, #tpu.memory_space<semaphore_mem>>) src(%dma_wait3A_84 : memref<160x16xf32, #tpu.memory_space<vmem>>) dst(%dma_wait3A_81 : memref<160x16xf32, #tpu.memory_space<vmem_shared>>)
      tpu.yield
    }) : () -> ()
    %mul3A_19 = arith.constant 632 : i32
    %mul3A_20 = arith.muli %arg1, %mul3A_19 : i32
    %add3A_21 = arith.constant 480 : i32
    %add3A_22 = arith.addi %mul3A_20, %add3A_21 : i32
    "tpu.region"() ({
      %run_scoped3A = tpu.sem_alloc : memref<!tpu.dma_semaphore, #tpu.memory_space<semaphore_mem>>
      %dma_start3A = arith.constant 0 : i32
      %dma_start3A_67 = arith.constant 0 : i32
      %dma_start3A_68 = tpu.memref_slice %arg9[%dma_start3A, %dma_start3A_67] : memref<160x16xf32, #tpu.memory_space<vmem>> -> memref<152x16xf32, #tpu.memory_space<vmem>>
      %dma_start3A_69 = arith.constant 0 : i32
      %dma_start3A_70 = tpu.memref_slice %arg10[%add3A_22, %dma_start3A_69] : memref<10112x16xf32, #tpu.memory_space<vmem_shared>> -> memref<152x16xf32, #tpu.memory_space<vmem_shared>>
      %dma_start3A_71 = arith.constant 0 : i32
      %dma_start3A_72 = tpu.memref_slice %arg10[%add3A_22, %dma_start3A_71] : memref<10112x16xf32, #tpu.memory_space<vmem_shared>> -> memref<152x16xf32, #tpu.memory_space<vmem_shared>>
      %dma_start3A_73 = arith.constant 0 : i32
      %dma_start3A_74 = arith.constant 0 : i32
      %dma_start3A_75 = tpu.memref_slice %arg9[%dma_start3A_73, %dma_start3A_74] : memref<160x16xf32, #tpu.memory_space<vmem>> -> memref<152x16xf32, #tpu.memory_space<vmem>>
      tpu.enqueue_dma source(%dma_start3A_75 : memref<152x16xf32, #tpu.memory_space<vmem>>) target(%dma_start3A_72 : memref<152x16xf32, #tpu.memory_space<vmem_shared>>) target_semaphore(%run_scoped3A : memref<!tpu.dma_semaphore, #tpu.memory_space<semaphore_mem>>)
      %dma_wait3A = arith.constant 0 : i32
      %dma_wait3A_76 = arith.constant 0 : i32
      %dma_wait3A_77 = tpu.memref_slice %arg9[%dma_wait3A, %dma_wait3A_76] : memref<160x16xf32, #tpu.memory_space<vmem>> -> memref<152x16xf32, #tpu.memory_space<vmem>>
      %dma_wait3A_78 = arith.constant 0 : i32
      %dma_wait3A_79 = tpu.memref_slice %arg10[%add3A_22, %dma_wait3A_78] : memref<10112x16xf32, #tpu.memory_space<vmem_shared>> -> memref<152x16xf32, #tpu.memory_space<vmem_shared>>
      %dma_wait3A_80 = arith.constant 0 : i32
      %dma_wait3A_81 = tpu.memref_slice %arg10[%add3A_22, %dma_wait3A_80] : memref<10112x16xf32, #tpu.memory_space<vmem_shared>> -> memref<152x16xf32, #tpu.memory_space<vmem_shared>>
      %dma_wait3A_82 = arith.constant 0 : i32
      %dma_wait3A_83 = arith.constant 0 : i32
      %dma_wait3A_84 = tpu.memref_slice %arg9[%dma_wait3A_82, %dma_wait3A_83] : memref<160x16xf32, #tpu.memory_space<vmem>> -> memref<152x16xf32, #tpu.memory_space<vmem>>
      tpu.wait_dma2 semaphore(%run_scoped3A : memref<!tpu.dma_semaphore, #tpu.memory_space<semaphore_mem>>) src(%dma_wait3A_84 : memref<152x16xf32, #tpu.memory_space<vmem>>) dst(%dma_wait3A_81 : memref<152x16xf32, #tpu.memory_space<vmem_shared>>)
      tpu.yield
    }) : () -> ()
    %barrier3A = arith.constant 0 : index
    tpu.barrier barrier_id(%barrier3A)
    %mul3A_23 = arith.constant 80 : i32
    %mul3A_24 = arith.muli %add3A, %mul3A_23 : i32
    "tpu.region"() ({
      %run_scoped3A = tpu.sem_alloc : memref<!tpu.dma_semaphore, #tpu.memory_space<semaphore_mem>>
      %dma_start3A = arith.constant 0 : i32
      %dma_start3A_67 = tpu.memref_slice %arg2[%mul3A_24, %dma_start3A] : memref<2560x128xi32, #tpu.memory_space<hbm>> -> memref<80x128xi32, #tpu.memory_space<hbm>>
      %dma_start3A_68 = arith.constant 0 : i32
      %dma_start3A_69 = tpu.memref_slice %arg2[%mul3A_24, %dma_start3A_68] : memref<2560x128xi32, #tpu.memory_space<hbm>> -> memref<80x128xi32, #tpu.memory_space<hbm>>
      tpu.enqueue_dma source(%dma_start3A_69 : memref<80x128xi32, #tpu.memory_space<hbm>>) target(%arg6 : memref<80x128xi32, #tpu.memory_space<vmem>>) target_semaphore(%run_scoped3A : memref<!tpu.dma_semaphore, #tpu.memory_space<semaphore_mem>>)
      %dma_wait3A = arith.constant 0 : i32
      %dma_wait3A_70 = tpu.memref_slice %arg2[%mul3A_24, %dma_wait3A] : memref<2560x128xi32, #tpu.memory_space<hbm>> -> memref<80x128xi32, #tpu.memory_space<hbm>>
      %dma_wait3A_71 = arith.constant 0 : i32
      %dma_wait3A_72 = tpu.memref_slice %arg2[%mul3A_24, %dma_wait3A_71] : memref<2560x128xi32, #tpu.memory_space<hbm>> -> memref<80x128xi32, #tpu.memory_space<hbm>>
      tpu.wait_dma2 semaphore(%run_scoped3A : memref<!tpu.dma_semaphore, #tpu.memory_space<semaphore_mem>>) src(%dma_wait3A_72 : memref<80x128xi32, #tpu.memory_space<hbm>>) dst(%arg6 : memref<80x128xi32, #tpu.memory_space<vmem>>)
      tpu.yield
    }) : () -> ()
    %mul3A_25 = arith.constant 80 : i32
    %mul3A_26 = arith.muli %add3A, %mul3A_25 : i32
    "tpu.region"() ({
      %run_scoped3A = tpu.sem_alloc : memref<!tpu.dma_semaphore, #tpu.memory_space<semaphore_mem>>
      %dma_start3A = arith.constant 0 : i32
      %dma_start3A_67 = tpu.memref_slice %arg3[%mul3A_26, %dma_start3A] : memref<2560x128xi32, #tpu.memory_space<hbm>> -> memref<80x128xi32, #tpu.memory_space<hbm>>
      %dma_start3A_68 = arith.constant 0 : i32
      %dma_start3A_69 = tpu.memref_slice %arg3[%mul3A_26, %dma_start3A_68] : memref<2560x128xi32, #tpu.memory_space<hbm>> -> memref<80x128xi32, #tpu.memory_space<hbm>>
      tpu.enqueue_dma source(%dma_start3A_69 : memref<80x128xi32, #tpu.memory_space<hbm>>) target(%arg7 : memref<80x128xi32, #tpu.memory_space<vmem>>) target_semaphore(%run_scoped3A : memref<!tpu.dma_semaphore, #tpu.memory_space<semaphore_mem>>)
      %dma_wait3A = arith.constant 0 : i32
      %dma_wait3A_70 = tpu.memref_slice %arg3[%mul3A_26, %dma_wait3A] : memref<2560x128xi32, #tpu.memory_space<hbm>> -> memref<80x128xi32, #tpu.memory_space<hbm>>
      %dma_wait3A_71 = arith.constant 0 : i32
      %dma_wait3A_72 = tpu.memref_slice %arg3[%mul3A_26, %dma_wait3A_71] : memref<2560x128xi32, #tpu.memory_space<hbm>> -> memref<80x128xi32, #tpu.memory_space<hbm>>
      tpu.wait_dma2 semaphore(%run_scoped3A : memref<!tpu.dma_semaphore, #tpu.memory_space<semaphore_mem>>) src(%dma_wait3A_72 : memref<80x128xi32, #tpu.memory_space<hbm>>) dst(%arg7 : memref<80x128xi32, #tpu.memory_space<vmem>>)
      tpu.yield
    }) : () -> ()
    %scan3A_27 = arith.constant 0 : i32
    %scan3A_28 = arith.constant 0 : i32
    %scan3A_29 = arith.constant 20 : i32
    %scan3A_30 = arith.addi %scan3A_28, %scan3A_29 : i32
    %scan3A_31 = arith.constant 1 : i32
    %scan3A_32 = scf.for %scan3A_67 = %scan3A_28 to %scan3A_30 step %scan3A_31 iter_args(%scan3A_68 = %scan3A_27) -> (i32)  : i32 {
      %mul3A_69 = arith.constant 4 : i32
      %mul3A_70 = arith.muli %scan3A_67, %mul3A_69 : i32
      %add3A_71 = arith.constant 0 : i32
      %add3A_72 = arith.addi %mul3A_70, %add3A_71 : i32
      %dma_start3A = arith.constant 0 : i32
      %dma_start3A_73 = arith.constant 0 : i32
      %dma_start3A_74 = arith.constant 0 : i32
      %dma_start3A_75 = tpu.memref_slice %arg8[%dma_start3A, %dma_start3A_73, %dma_start3A_74] : memref<4x128x16xf32, #tpu.memory_space<vmem>> -> memref<1x128x16xf32, #tpu.memory_space<vmem>>
      %dma_start3A_76 = tpu.memref_squeeze %dma_start3A_75 : memref<1x128x16xf32, #tpu.memory_space<vmem>> -> memref<128x16xf32, #tpu.memory_space<vmem>>
      %dma_start3A_77 = arith.constant 0 : i32
      %dma_start3A_78 = tpu.memref_slice %arg6[%add3A_72, %dma_start3A_77] : memref<80x128xi32, #tpu.memory_space<vmem>> -> memref<1x128xi32, #tpu.memory_space<vmem>>
      %dma_start3A_79 = tpu.memref_squeeze %dma_start3A_78 : memref<1x128xi32, #tpu.memory_space<vmem>> -> memref<128xi32, #tpu.memory_space<vmem>>
      %dma_start3A_80 = arith.constant 0 : i32
      %dma_start3A_81 = arith.constant 0 : i32
      %dma_start3A_82 = tpu.memref_slice %arg4[%dma_start3A_80, %dma_start3A_81] : memref<10112x16xf32, #tpu.memory_space<hbm>> -> memref<10112x16xf32, #tpu.memory_space<hbm>>
      tpu.enqueue_indirect_dma source(%dma_start3A_82 : memref<10112x16xf32, #tpu.memory_space<hbm>>) target(%dma_start3A_76 : memref<128x16xf32, #tpu.memory_space<vmem>>) offsets(%dma_start3A_79 : memref<128xi32, #tpu.memory_space<vmem>>) semaphore(%arg11 : memref<!tpu.dma_semaphore, #tpu.memory_space<semaphore_mem>>)
      %mul3A_83 = arith.constant 4 : i32
      %mul3A_84 = arith.muli %scan3A_67, %mul3A_83 : i32
      %add3A_85 = arith.constant 1 : i32
      %add3A_86 = arith.addi %mul3A_84, %add3A_85 : i32
      %dma_start3A_87 = arith.constant 1 : i32
      %dma_start3A_88 = arith.constant 0 : i32
      %dma_start3A_89 = arith.constant 0 : i32
      %dma_start3A_90 = tpu.memref_slice %arg8[%dma_start3A_87, %dma_start3A_88, %dma_start3A_89] : memref<4x128x16xf32, #tpu.memory_space<vmem>> -> memref<1x128x16xf32, #tpu.memory_space<vmem>>
      %dma_start3A_91 = tpu.memref_squeeze %dma_start3A_90 : memref<1x128x16xf32, #tpu.memory_space<vmem>> -> memref<128x16xf32, #tpu.memory_space<vmem>>
      %dma_start3A_92 = arith.constant 0 : i32
      %dma_start3A_93 = tpu.memref_slice %arg6[%add3A_86, %dma_start3A_92] : memref<80x128xi32, #tpu.memory_space<vmem>> -> memref<1x128xi32, #tpu.memory_space<vmem>>
      %dma_start3A_94 = tpu.memref_squeeze %dma_start3A_93 : memref<1x128xi32, #tpu.memory_space<vmem>> -> memref<128xi32, #tpu.memory_space<vmem>>
      %dma_start3A_95 = arith.constant 0 : i32
      %dma_start3A_96 = arith.constant 0 : i32
      %dma_start3A_97 = tpu.memref_slice %arg4[%dma_start3A_95, %dma_start3A_96] : memref<10112x16xf32, #tpu.memory_space<hbm>> -> memref<10112x16xf32, #tpu.memory_space<hbm>>
      tpu.enqueue_indirect_dma source(%dma_start3A_97 : memref<10112x16xf32, #tpu.memory_space<hbm>>) target(%dma_start3A_91 : memref<128x16xf32, #tpu.memory_space<vmem>>) offsets(%dma_start3A_94 : memref<128xi32, #tpu.memory_space<vmem>>) semaphore(%arg11 : memref<!tpu.dma_semaphore, #tpu.memory_space<semaphore_mem>>)
      %mul3A_98 = arith.constant 4 : i32
      %mul3A_99 = arith.muli %scan3A_67, %mul3A_98 : i32
      %add3A_100 = arith.constant 2 : i32
      %add3A_101 = arith.addi %mul3A_99, %add3A_100 : i32
      %dma_start3A_102 = arith.constant 2 : i32
      %dma_start3A_103 = arith.constant 0 : i32
      %dma_start3A_104 = arith.constant 0 : i32
      %dma_start3A_105 = tpu.memref_slice %arg8[%dma_start3A_102, %dma_start3A_103, %dma_start3A_104] : memref<4x128x16xf32, #tpu.memory_space<vmem>> -> memref<1x128x16xf32, #tpu.memory_space<vmem>>
      %dma_start3A_106 = tpu.memref_squeeze %dma_start3A_105 : memref<1x128x16xf32, #tpu.memory_space<vmem>> -> memref<128x16xf32, #tpu.memory_space<vmem>>
      %dma_start3A_107 = arith.constant 0 : i32
      %dma_start3A_108 = tpu.memref_slice %arg6[%add3A_101, %dma_start3A_107] : memref<80x128xi32, #tpu.memory_space<vmem>> -> memref<1x128xi32, #tpu.memory_space<vmem>>
      %dma_start3A_109 = tpu.memref_squeeze %dma_start3A_108 : memref<1x128xi32, #tpu.memory_space<vmem>> -> memref<128xi32, #tpu.memory_space<vmem>>
      %dma_start3A_110 = arith.constant 0 : i32
      %dma_start3A_111 = arith.constant 0 : i32
      %dma_start3A_112 = tpu.memref_slice %arg4[%dma_start3A_110, %dma_start3A_111] : memref<10112x16xf32, #tpu.memory_space<hbm>> -> memref<10112x16xf32, #tpu.memory_space<hbm>>
      tpu.enqueue_indirect_dma source(%dma_start3A_112 : memref<10112x16xf32, #tpu.memory_space<hbm>>) target(%dma_start3A_106 : memref<128x16xf32, #tpu.memory_space<vmem>>) offsets(%dma_start3A_109 : memref<128xi32, #tpu.memory_space<vmem>>) semaphore(%arg11 : memref<!tpu.dma_semaphore, #tpu.memory_space<semaphore_mem>>)
      %mul3A_113 = arith.constant 4 : i32
      %mul3A_114 = arith.muli %scan3A_67, %mul3A_113 : i32
      %add3A_115 = arith.constant 3 : i32
      %add3A_116 = arith.addi %mul3A_114, %add3A_115 : i32
      %dma_start3A_117 = arith.constant 3 : i32
      %dma_start3A_118 = arith.constant 0 : i32
      %dma_start3A_119 = arith.constant 0 : i32
      %dma_start3A_120 = tpu.memref_slice %arg8[%dma_start3A_117, %dma_start3A_118, %dma_start3A_119] : memref<4x128x16xf32, #tpu.memory_space<vmem>> -> memref<1x128x16xf32, #tpu.memory_space<vmem>>
      %dma_start3A_121 = tpu.memref_squeeze %dma_start3A_120 : memref<1x128x16xf32, #tpu.memory_space<vmem>> -> memref<128x16xf32, #tpu.memory_space<vmem>>
      %dma_start3A_122 = arith.constant 0 : i32
      %dma_start3A_123 = tpu.memref_slice %arg6[%add3A_116, %dma_start3A_122] : memref<80x128xi32, #tpu.memory_space<vmem>> -> memref<1x128xi32, #tpu.memory_space<vmem>>
      %dma_start3A_124 = tpu.memref_squeeze %dma_start3A_123 : memref<1x128xi32, #tpu.memory_space<vmem>> -> memref<128xi32, #tpu.memory_space<vmem>>
      %dma_start3A_125 = arith.constant 0 : i32
      %dma_start3A_126 = arith.constant 0 : i32
      %dma_start3A_127 = tpu.memref_slice %arg4[%dma_start3A_125, %dma_start3A_126] : memref<10112x16xf32, #tpu.memory_space<hbm>> -> memref<10112x16xf32, #tpu.memory_space<hbm>>
      tpu.enqueue_indirect_dma source(%dma_start3A_127 : memref<10112x16xf32, #tpu.memory_space<hbm>>) target(%dma_start3A_121 : memref<128x16xf32, #tpu.memory_space<vmem>>) offsets(%dma_start3A_124 : memref<128xi32, #tpu.memory_space<vmem>>) semaphore(%arg11 : memref<!tpu.dma_semaphore, #tpu.memory_space<semaphore_mem>>)
      %dma_wait3A = arith.constant 0 : i32
      %dma_wait3A_128 = arith.constant 0 : i32
      %dma_wait3A_129 = arith.constant 0 : i32
      %dma_wait3A_130 = tpu.memref_slice %arg8[%dma_wait3A, %dma_wait3A_128, %dma_wait3A_129] : memref<4x128x16xf32, #tpu.memory_space<vmem>> -> memref<1x128x16xf32, #tpu.memory_space<vmem>>
      %dma_wait3A_131 = tpu.memref_squeeze %dma_wait3A_130 : memref<1x128x16xf32, #tpu.memory_space<vmem>> -> memref<128x16xf32, #tpu.memory_space<vmem>>
      %dma_wait3A_132 = arith.constant 0 : i32
      %dma_wait3A_133 = tpu.memref_slice %arg6[%add3A_72, %dma_wait3A_132] : memref<80x128xi32, #tpu.memory_space<vmem>> -> memref<1x128xi32, #tpu.memory_space<vmem>>
      %dma_wait3A_134 = tpu.memref_squeeze %dma_wait3A_133 : memref<1x128xi32, #tpu.memory_space<vmem>> -> memref<128xi32, #tpu.memory_space<vmem>>
      %dma_wait3A_135 = arith.constant 0 : i32
      %dma_wait3A_136 = arith.constant 0 : i32
      %dma_wait3A_137 = tpu.memref_slice %arg4[%dma_wait3A_135, %dma_wait3A_136] : memref<10112x16xf32, #tpu.memory_space<hbm>> -> memref<10112x16xf32, #tpu.memory_space<hbm>>
      tpu.wait_indirect_dma semaphore(%arg11 : memref<!tpu.dma_semaphore, #tpu.memory_space<semaphore_mem>>) src(%dma_wait3A_137 : memref<10112x16xf32, #tpu.memory_space<hbm>>) dst(%dma_wait3A_131 : memref<128x16xf32, #tpu.memory_space<vmem>>)
      %dma_wait3A_138 = arith.constant 1 : i32
      %dma_wait3A_139 = arith.constant 0 : i32
      %dma_wait3A_140 = arith.constant 0 : i32
      %dma_wait3A_141 = tpu.memref_slice %arg8[%dma_wait3A_138, %dma_wait3A_139, %dma_wait3A_140] : memref<4x128x16xf32, #tpu.memory_space<vmem>> -> memref<1x128x16xf32, #tpu.memory_space<vmem>>
      %dma_wait3A_142 = tpu.memref_squeeze %dma_wait3A_141 : memref<1x128x16xf32, #tpu.memory_space<vmem>> -> memref<128x16xf32, #tpu.memory_space<vmem>>
      %dma_wait3A_143 = arith.constant 0 : i32
      %dma_wait3A_144 = tpu.memref_slice %arg6[%add3A_86, %dma_wait3A_143] : memref<80x128xi32, #tpu.memory_space<vmem>> -> memref<1x128xi32, #tpu.memory_space<vmem>>
      %dma_wait3A_145 = tpu.memref_squeeze %dma_wait3A_144 : memref<1x128xi32, #tpu.memory_space<vmem>> -> memref<128xi32, #tpu.memory_space<vmem>>
      %dma_wait3A_146 = arith.constant 0 : i32
      %dma_wait3A_147 = arith.constant 0 : i32
      %dma_wait3A_148 = tpu.memref_slice %arg4[%dma_wait3A_146, %dma_wait3A_147] : memref<10112x16xf32, #tpu.memory_space<hbm>> -> memref<10112x16xf32, #tpu.memory_space<hbm>>
      tpu.wait_indirect_dma semaphore(%arg11 : memref<!tpu.dma_semaphore, #tpu.memory_space<semaphore_mem>>) src(%dma_wait3A_148 : memref<10112x16xf32, #tpu.memory_space<hbm>>) dst(%dma_wait3A_142 : memref<128x16xf32, #tpu.memory_space<vmem>>)
      %dma_wait3A_149 = arith.constant 2 : i32
      %dma_wait3A_150 = arith.constant 0 : i32
      %dma_wait3A_151 = arith.constant 0 : i32
      %dma_wait3A_152 = tpu.memref_slice %arg8[%dma_wait3A_149, %dma_wait3A_150, %dma_wait3A_151] : memref<4x128x16xf32, #tpu.memory_space<vmem>> -> memref<1x128x16xf32, #tpu.memory_space<vmem>>
      %dma_wait3A_153 = tpu.memref_squeeze %dma_wait3A_152 : memref<1x128x16xf32, #tpu.memory_space<vmem>> -> memref<128x16xf32, #tpu.memory_space<vmem>>
      %dma_wait3A_154 = arith.constant 0 : i32
      %dma_wait3A_155 = tpu.memref_slice %arg6[%add3A_101, %dma_wait3A_154] : memref<80x128xi32, #tpu.memory_space<vmem>> -> memref<1x128xi32, #tpu.memory_space<vmem>>
      %dma_wait3A_156 = tpu.memref_squeeze %dma_wait3A_155 : memref<1x128xi32, #tpu.memory_space<vmem>> -> memref<128xi32, #tpu.memory_space<vmem>>
      %dma_wait3A_157 = arith.constant 0 : i32
      %dma_wait3A_158 = arith.constant 0 : i32
      %dma_wait3A_159 = tpu.memref_slice %arg4[%dma_wait3A_157, %dma_wait3A_158] : memref<10112x16xf32, #tpu.memory_space<hbm>> -> memref<10112x16xf32, #tpu.memory_space<hbm>>
      tpu.wait_indirect_dma semaphore(%arg11 : memref<!tpu.dma_semaphore, #tpu.memory_space<semaphore_mem>>) src(%dma_wait3A_159 : memref<10112x16xf32, #tpu.memory_space<hbm>>) dst(%dma_wait3A_153 : memref<128x16xf32, #tpu.memory_space<vmem>>)
      %dma_wait3A_160 = arith.constant 3 : i32
      %dma_wait3A_161 = arith.constant 0 : i32
      %dma_wait3A_162 = arith.constant 0 : i32
      %dma_wait3A_163 = tpu.memref_slice %arg8[%dma_wait3A_160, %dma_wait3A_161, %dma_wait3A_162] : memref<4x128x16xf32, #tpu.memory_space<vmem>> -> memref<1x128x16xf32, #tpu.memory_space<vmem>>
      %dma_wait3A_164 = tpu.memref_squeeze %dma_wait3A_163 : memref<1x128x16xf32, #tpu.memory_space<vmem>> -> memref<128x16xf32, #tpu.memory_space<vmem>>
      %dma_wait3A_165 = arith.constant 0 : i32
      %dma_wait3A_166 = tpu.memref_slice %arg6[%add3A_116, %dma_wait3A_165] : memref<80x128xi32, #tpu.memory_space<vmem>> -> memref<1x128xi32, #tpu.memory_space<vmem>>
      %dma_wait3A_167 = tpu.memref_squeeze %dma_wait3A_166 : memref<1x128xi32, #tpu.memory_space<vmem>> -> memref<128xi32, #tpu.memory_space<vmem>>
      %dma_wait3A_168 = arith.constant 0 : i32
      %dma_wait3A_169 = arith.constant 0 : i32
      %dma_wait3A_170 = tpu.memref_slice %arg4[%dma_wait3A_168, %dma_wait3A_169] : memref<10112x16xf32, #tpu.memory_space<hbm>> -> memref<10112x16xf32, #tpu.memory_space<hbm>>
      tpu.wait_indirect_dma semaphore(%arg11 : memref<!tpu.dma_semaphore, #tpu.memory_space<semaphore_mem>>) src(%dma_wait3A_170 : memref<10112x16xf32, #tpu.memory_space<hbm>>) dst(%dma_wait3A_164 : memref<128x16xf32, #tpu.memory_space<vmem>>)
      %mul3A_171 = arith.constant 4 : i32
      %mul3A_172 = arith.muli %scan3A_67, %mul3A_171 : i32
      %add3A_173 = arith.constant 0 : i32
      %add3A_174 = arith.addi %mul3A_172, %add3A_173 : i32
      %run_scoped3A = arith.constant 0 : i32
      "tpu.region"() ({
        %run_scoped3A_191 = tpu.sem_alloc : memref<!tpu.dma_semaphore, #tpu.memory_space<semaphore_mem>>
        %dma_start3A_192 = arith.constant 0 : i32
        %dma_start3A_193 = arith.constant 0 : i32
        %dma_start3A_194 = tpu.memref_slice %arg8[%run_scoped3A, %dma_start3A_192, %dma_start3A_193] : memref<4x128x16xf32, #tpu.memory_space<vmem>> -> memref<1x128x16xf32, #tpu.memory_space<vmem>>
        %dma_start3A_195 = tpu.memref_squeeze %dma_start3A_194 : memref<1x128x16xf32, #tpu.memory_space<vmem>> -> memref<128x16xf32, #tpu.memory_space<vmem>>
        %dma_start3A_196 = arith.constant 0 : i32
        %dma_start3A_197 = tpu.memref_slice %arg7[%add3A_174, %dma_start3A_196] : memref<80x128xi32, #tpu.memory_space<vmem>> -> memref<1x128xi32, #tpu.memory_space<vmem>>
        %dma_start3A_198 = tpu.memref_squeeze %dma_start3A_197 : memref<1x128xi32, #tpu.memory_space<vmem>> -> memref<128xi32, #tpu.memory_space<vmem>>
        %dma_start3A_199 = arith.constant 0 : i32
        %dma_start3A_200 = arith.constant 0 : i32
        %dma_start3A_201 = tpu.memref_slice %arg10[%dma_start3A_199, %dma_start3A_200] : memref<10112x16xf32, #tpu.memory_space<vmem_shared>> -> memref<10112x16xf32, #tpu.memory_space<vmem_shared>>
        tpu.enqueue_indirect_dma source(%dma_start3A_195 : memref<128x16xf32, #tpu.memory_space<vmem>>) target(%dma_start3A_201 : memref<10112x16xf32, #tpu.memory_space<vmem_shared>>) offsets(%dma_start3A_198 : memref<128xi32, #tpu.memory_space<vmem>>) semaphore(%run_scoped3A_191 : memref<!tpu.dma_semaphore, #tpu.memory_space<semaphore_mem>>) {add = true}
        %dma_wait3A_202 = arith.constant 0 : i32
        %dma_wait3A_203 = arith.constant 0 : i32
        %dma_wait3A_204 = tpu.memref_slice %arg8[%run_scoped3A, %dma_wait3A_202, %dma_wait3A_203] : memref<4x128x16xf32, #tpu.memory_space<vmem>> -> memref<1x128x16xf32, #tpu.memory_space<vmem>>
        %dma_wait3A_205 = tpu.memref_squeeze %dma_wait3A_204 : memref<1x128x16xf32, #tpu.memory_space<vmem>> -> memref<128x16xf32, #tpu.memory_space<vmem>>
        %dma_wait3A_206 = arith.constant 0 : i32
        %dma_wait3A_207 = tpu.memref_slice %arg7[%add3A_174, %dma_wait3A_206] : memref<80x128xi32, #tpu.memory_space<vmem>> -> memref<1x128xi32, #tpu.memory_space<vmem>>
        %dma_wait3A_208 = tpu.memref_squeeze %dma_wait3A_207 : memref<1x128xi32, #tpu.memory_space<vmem>> -> memref<128xi32, #tpu.memory_space<vmem>>
        %dma_wait3A_209 = arith.constant 0 : i32
        %dma_wait3A_210 = arith.constant 0 : i32
        %dma_wait3A_211 = tpu.memref_slice %arg10[%dma_wait3A_209, %dma_wait3A_210] : memref<10112x16xf32, #tpu.memory_space<vmem_shared>> -> memref<10112x16xf32, #tpu.memory_space<vmem_shared>>
        tpu.wait_indirect_dma semaphore(%run_scoped3A_191 : memref<!tpu.dma_semaphore, #tpu.memory_space<semaphore_mem>>) src(%dma_wait3A_205 : memref<128x16xf32, #tpu.memory_space<vmem>>) dst(%dma_wait3A_211 : memref<10112x16xf32, #tpu.memory_space<vmem_shared>>)
        tpu.yield
      }) : () -> ()
      %mul3A_175 = arith.constant 4 : i32
      %mul3A_176 = arith.muli %scan3A_67, %mul3A_175 : i32
      %add3A_177 = arith.constant 1 : i32
      %add3A_178 = arith.addi %mul3A_176, %add3A_177 : i32
      %run_scoped3A_179 = arith.constant 1 : i32
      "tpu.region"() ({
        %run_scoped3A_191 = tpu.sem_alloc : memref<!tpu.dma_semaphore, #tpu.memory_space<semaphore_mem>>
        %dma_start3A_192 = arith.constant 0 : i32
        %dma_start3A_193 = arith.constant 0 : i32
        %dma_start3A_194 = tpu.memref_slice %arg8[%run_scoped3A_179, %dma_start3A_192, %dma_start3A_193] : memref<4x128x16xf32, #tpu.memory_space<vmem>> -> memref<1x128x16xf32, #tpu.memory_space<vmem>>
        %dma_start3A_195 = tpu.memref_squeeze %dma_start3A_194 : memref<1x128x16xf32, #tpu.memory_space<vmem>> -> memref<128x16xf32, #tpu.memory_space<vmem>>
        %dma_start3A_196 = arith.constant 0 : i32
        %dma_start3A_197 = tpu.memref_slice %arg7[%add3A_178, %dma_start3A_196] : memref<80x128xi32, #tpu.memory_space<vmem>> -> memref<1x128xi32, #tpu.memory_space<vmem>>
        %dma_start3A_198 = tpu.memref_squeeze %dma_start3A_197 : memref<1x128xi32, #tpu.memory_space<vmem>> -> memref<128xi32, #tpu.memory_space<vmem>>
        %dma_start3A_199 = arith.constant 0 : i32
        %dma_start3A_200 = arith.constant 0 : i32
        %dma_start3A_201 = tpu.memref_slice %arg10[%dma_start3A_199, %dma_start3A_200] : memref<10112x16xf32, #tpu.memory_space<vmem_shared>> -> memref<10112x16xf32, #tpu.memory_space<vmem_shared>>
        tpu.enqueue_indirect_dma source(%dma_start3A_195 : memref<128x16xf32, #tpu.memory_space<vmem>>) target(%dma_start3A_201 : memref<10112x16xf32, #tpu.memory_space<vmem_shared>>) offsets(%dma_start3A_198 : memref<128xi32, #tpu.memory_space<vmem>>) semaphore(%run_scoped3A_191 : memref<!tpu.dma_semaphore, #tpu.memory_space<semaphore_mem>>) {add = true}
        %dma_wait3A_202 = arith.constant 0 : i32
        %dma_wait3A_203 = arith.constant 0 : i32
        %dma_wait3A_204 = tpu.memref_slice %arg8[%run_scoped3A_179, %dma_wait3A_202, %dma_wait3A_203] : memref<4x128x16xf32, #tpu.memory_space<vmem>> -> memref<1x128x16xf32, #tpu.memory_space<vmem>>
        %dma_wait3A_205 = tpu.memref_squeeze %dma_wait3A_204 : memref<1x128x16xf32, #tpu.memory_space<vmem>> -> memref<128x16xf32, #tpu.memory_space<vmem>>
        %dma_wait3A_206 = arith.constant 0 : i32
        %dma_wait3A_207 = tpu.memref_slice %arg7[%add3A_178, %dma_wait3A_206] : memref<80x128xi32, #tpu.memory_space<vmem>> -> memref<1x128xi32, #tpu.memory_space<vmem>>
        %dma_wait3A_208 = tpu.memref_squeeze %dma_wait3A_207 : memref<1x128xi32, #tpu.memory_space<vmem>> -> memref<128xi32, #tpu.memory_space<vmem>>
        %dma_wait3A_209 = arith.constant 0 : i32
        %dma_wait3A_210 = arith.constant 0 : i32
        %dma_wait3A_211 = tpu.memref_slice %arg10[%dma_wait3A_209, %dma_wait3A_210] : memref<10112x16xf32, #tpu.memory_space<vmem_shared>> -> memref<10112x16xf32, #tpu.memory_space<vmem_shared>>
        tpu.wait_indirect_dma semaphore(%run_scoped3A_191 : memref<!tpu.dma_semaphore, #tpu.memory_space<semaphore_mem>>) src(%dma_wait3A_205 : memref<128x16xf32, #tpu.memory_space<vmem>>) dst(%dma_wait3A_211 : memref<10112x16xf32, #tpu.memory_space<vmem_shared>>)
        tpu.yield
      }) : () -> ()
      %mul3A_180 = arith.constant 4 : i32
      %mul3A_181 = arith.muli %scan3A_67, %mul3A_180 : i32
      %add3A_182 = arith.constant 2 : i32
      %add3A_183 = arith.addi %mul3A_181, %add3A_182 : i32
      %run_scoped3A_184 = arith.constant 2 : i32
      "tpu.region"() ({
        %run_scoped3A_191 = tpu.sem_alloc : memref<!tpu.dma_semaphore, #tpu.memory_space<semaphore_mem>>
        %dma_start3A_192 = arith.constant 0 : i32
        %dma_start3A_193 = arith.constant 0 : i32
        %dma_start3A_194 = tpu.memref_slice %arg8[%run_scoped3A_184, %dma_start3A_192, %dma_start3A_193] : memref<4x128x16xf32, #tpu.memory_space<vmem>> -> memref<1x128x16xf32, #tpu.memory_space<vmem>>
        %dma_start3A_195 = tpu.memref_squeeze %dma_start3A_194 : memref<1x128x16xf32, #tpu.memory_space<vmem>> -> memref<128x16xf32, #tpu.memory_space<vmem>>
        %dma_start3A_196 = arith.constant 0 : i32
        %dma_start3A_197 = tpu.memref_slice %arg7[%add3A_183, %dma_start3A_196] : memref<80x128xi32, #tpu.memory_space<vmem>> -> memref<1x128xi32, #tpu.memory_space<vmem>>
        %dma_start3A_198 = tpu.memref_squeeze %dma_start3A_197 : memref<1x128xi32, #tpu.memory_space<vmem>> -> memref<128xi32, #tpu.memory_space<vmem>>
        %dma_start3A_199 = arith.constant 0 : i32
        %dma_start3A_200 = arith.constant 0 : i32
        %dma_start3A_201 = tpu.memref_slice %arg10[%dma_start3A_199, %dma_start3A_200] : memref<10112x16xf32, #tpu.memory_space<vmem_shared>> -> memref<10112x16xf32, #tpu.memory_space<vmem_shared>>
        tpu.enqueue_indirect_dma source(%dma_start3A_195 : memref<128x16xf32, #tpu.memory_space<vmem>>) target(%dma_start3A_201 : memref<10112x16xf32, #tpu.memory_space<vmem_shared>>) offsets(%dma_start3A_198 : memref<128xi32, #tpu.memory_space<vmem>>) semaphore(%run_scoped3A_191 : memref<!tpu.dma_semaphore, #tpu.memory_space<semaphore_mem>>) {add = true}
        %dma_wait3A_202 = arith.constant 0 : i32
        %dma_wait3A_203 = arith.constant 0 : i32
        %dma_wait3A_204 = tpu.memref_slice %arg8[%run_scoped3A_184, %dma_wait3A_202, %dma_wait3A_203] : memref<4x128x16xf32, #tpu.memory_space<vmem>> -> memref<1x128x16xf32, #tpu.memory_space<vmem>>
        %dma_wait3A_205 = tpu.memref_squeeze %dma_wait3A_204 : memref<1x128x16xf32, #tpu.memory_space<vmem>> -> memref<128x16xf32, #tpu.memory_space<vmem>>
        %dma_wait3A_206 = arith.constant 0 : i32
        %dma_wait3A_207 = tpu.memref_slice %arg7[%add3A_183, %dma_wait3A_206] : memref<80x128xi32, #tpu.memory_space<vmem>> -> memref<1x128xi32, #tpu.memory_space<vmem>>
        %dma_wait3A_208 = tpu.memref_squeeze %dma_wait3A_207 : memref<1x128xi32, #tpu.memory_space<vmem>> -> memref<128xi32, #tpu.memory_space<vmem>>
        %dma_wait3A_209 = arith.constant 0 : i32
        %dma_wait3A_210 = arith.constant 0 : i32
        %dma_wait3A_211 = tpu.memref_slice %arg10[%dma_wait3A_209, %dma_wait3A_210] : memref<10112x16xf32, #tpu.memory_space<vmem_shared>> -> memref<10112x16xf32, #tpu.memory_space<vmem_shared>>
        tpu.wait_indirect_dma semaphore(%run_scoped3A_191 : memref<!tpu.dma_semaphore, #tpu.memory_space<semaphore_mem>>) src(%dma_wait3A_205 : memref<128x16xf32, #tpu.memory_space<vmem>>) dst(%dma_wait3A_211 : memref<10112x16xf32, #tpu.memory_space<vmem_shared>>)
        tpu.yield
      }) : () -> ()
      %mul3A_185 = arith.constant 4 : i32
      %mul3A_186 = arith.muli %scan3A_67, %mul3A_185 : i32
      %add3A_187 = arith.constant 3 : i32
      %add3A_188 = arith.addi %mul3A_186, %add3A_187 : i32
      %run_scoped3A_189 = arith.constant 3 : i32
      "tpu.region"() ({
        %run_scoped3A_191 = tpu.sem_alloc : memref<!tpu.dma_semaphore, #tpu.memory_space<semaphore_mem>>
        %dma_start3A_192 = arith.constant 0 : i32
        %dma_start3A_193 = arith.constant 0 : i32
        %dma_start3A_194 = tpu.memref_slice %arg8[%run_scoped3A_189, %dma_start3A_192, %dma_start3A_193] : memref<4x128x16xf32, #tpu.memory_space<vmem>> -> memref<1x128x16xf32, #tpu.memory_space<vmem>>
        %dma_start3A_195 = tpu.memref_squeeze %dma_start3A_194 : memref<1x128x16xf32, #tpu.memory_space<vmem>> -> memref<128x16xf32, #tpu.memory_space<vmem>>
        %dma_start3A_196 = arith.constant 0 : i32
        %dma_start3A_197 = tpu.memref_slice %arg7[%add3A_188, %dma_start3A_196] : memref<80x128xi32, #tpu.memory_space<vmem>> -> memref<1x128xi32, #tpu.memory_space<vmem>>
        %dma_start3A_198 = tpu.memref_squeeze %dma_start3A_197 : memref<1x128xi32, #tpu.memory_space<vmem>> -> memref<128xi32, #tpu.memory_space<vmem>>
        %dma_start3A_199 = arith.constant 0 : i32
        %dma_start3A_200 = arith.constant 0 : i32
        %dma_start3A_201 = tpu.memref_slice %arg10[%dma_start3A_199, %dma_start3A_200] : memref<10112x16xf32, #tpu.memory_space<vmem_shared>> -> memref<10112x16xf32, #tpu.memory_space<vmem_shared>>
        tpu.enqueue_indirect_dma source(%dma_start3A_195 : memref<128x16xf32, #tpu.memory_space<vmem>>) target(%dma_start3A_201 : memref<10112x16xf32, #tpu.memory_space<vmem_shared>>) offsets(%dma_start3A_198 : memref<128xi32, #tpu.memory_space<vmem>>) semaphore(%run_scoped3A_191 : memref<!tpu.dma_semaphore, #tpu.memory_space<semaphore_mem>>) {add = true}
        %dma_wait3A_202 = arith.constant 0 : i32
        %dma_wait3A_203 = arith.constant 0 : i32
        %dma_wait3A_204 = tpu.memref_slice %arg8[%run_scoped3A_189, %dma_wait3A_202, %dma_wait3A_203] : memref<4x128x16xf32, #tpu.memory_space<vmem>> -> memref<1x128x16xf32, #tpu.memory_space<vmem>>
        %dma_wait3A_205 = tpu.memref_squeeze %dma_wait3A_204 : memref<1x128x16xf32, #tpu.memory_space<vmem>> -> memref<128x16xf32, #tpu.memory_space<vmem>>
        %dma_wait3A_206 = arith.constant 0 : i32
        %dma_wait3A_207 = tpu.memref_slice %arg7[%add3A_188, %dma_wait3A_206] : memref<80x128xi32, #tpu.memory_space<vmem>> -> memref<1x128xi32, #tpu.memory_space<vmem>>
        %dma_wait3A_208 = tpu.memref_squeeze %dma_wait3A_207 : memref<1x128xi32, #tpu.memory_space<vmem>> -> memref<128xi32, #tpu.memory_space<vmem>>
        %dma_wait3A_209 = arith.constant 0 : i32
        %dma_wait3A_210 = arith.constant 0 : i32
        %dma_wait3A_211 = tpu.memref_slice %arg10[%dma_wait3A_209, %dma_wait3A_210] : memref<10112x16xf32, #tpu.memory_space<vmem_shared>> -> memref<10112x16xf32, #tpu.memory_space<vmem_shared>>
        tpu.wait_indirect_dma semaphore(%run_scoped3A_191 : memref<!tpu.dma_semaphore, #tpu.memory_space<semaphore_mem>>) src(%dma_wait3A_205 : memref<128x16xf32, #tpu.memory_space<vmem>>) dst(%dma_wait3A_211 : memref<10112x16xf32, #tpu.memory_space<vmem_shared>>)
        tpu.yield
      }) : () -> ()
      %scan3A_190 = arith.constant 0 : i32
      scf.yield %scan3A_190 : i32
    }
    %scan3A_33 = arith.constant 20 : i32
    %barrier3A_34 = arith.constant 0 : index
    tpu.barrier barrier_id(%barrier3A_34)
    %mul3A_35 = arith.constant 632 : i32
    %mul3A_36 = arith.muli %arg1, %mul3A_35 : i32
    %add3A_37 = arith.constant 0 : i32
    %add3A_38 = arith.addi %mul3A_36, %add3A_37 : i32
    "tpu.region"() ({
      %run_scoped3A = tpu.sem_alloc : memref<!tpu.dma_semaphore, #tpu.memory_space<semaphore_mem>>
      %dma_start3A = arith.constant 0 : i32
      %dma_start3A_67 = arith.constant 0 : i32
      %dma_start3A_68 = tpu.memref_slice %arg9[%dma_start3A, %dma_start3A_67] : memref<160x16xf32, #tpu.memory_space<vmem>> -> memref<160x16xf32, #tpu.memory_space<vmem>>
      %dma_start3A_69 = arith.constant 0 : i32
      %dma_start3A_70 = tpu.memref_slice %arg10[%add3A_38, %dma_start3A_69] : memref<10112x16xf32, #tpu.memory_space<vmem_shared>> -> memref<160x16xf32, #tpu.memory_space<vmem_shared>>
      %dma_start3A_71 = arith.constant 0 : i32
      %dma_start3A_72 = arith.constant 0 : i32
      %dma_start3A_73 = tpu.memref_slice %arg9[%dma_start3A_71, %dma_start3A_72] : memref<160x16xf32, #tpu.memory_space<vmem>> -> memref<160x16xf32, #tpu.memory_space<vmem>>
      %dma_start3A_74 = arith.constant 0 : i32
      %dma_start3A_75 = tpu.memref_slice %arg10[%add3A_38, %dma_start3A_74] : memref<10112x16xf32, #tpu.memory_space<vmem_shared>> -> memref<160x16xf32, #tpu.memory_space<vmem_shared>>
      tpu.enqueue_dma source(%dma_start3A_75 : memref<160x16xf32, #tpu.memory_space<vmem_shared>>) target(%dma_start3A_73 : memref<160x16xf32, #tpu.memory_space<vmem>>) target_semaphore(%run_scoped3A : memref<!tpu.dma_semaphore, #tpu.memory_space<semaphore_mem>>)
      %dma_wait3A = arith.constant 0 : i32
      %dma_wait3A_76 = arith.constant 0 : i32
      %dma_wait3A_77 = tpu.memref_slice %arg9[%dma_wait3A, %dma_wait3A_76] : memref<160x16xf32, #tpu.memory_space<vmem>> -> memref<160x16xf32, #tpu.memory_space<vmem>>
      %dma_wait3A_78 = arith.constant 0 : i32
      %dma_wait3A_79 = tpu.memref_slice %arg10[%add3A_38, %dma_wait3A_78] : memref<10112x16xf32, #tpu.memory_space<vmem_shared>> -> memref<160x16xf32, #tpu.memory_space<vmem_shared>>
      %dma_wait3A_80 = arith.constant 0 : i32
      %dma_wait3A_81 = arith.constant 0 : i32
      %dma_wait3A_82 = tpu.memref_slice %arg9[%dma_wait3A_80, %dma_wait3A_81] : memref<160x16xf32, #tpu.memory_space<vmem>> -> memref<160x16xf32, #tpu.memory_space<vmem>>
      %dma_wait3A_83 = arith.constant 0 : i32
      %dma_wait3A_84 = tpu.memref_slice %arg10[%add3A_38, %dma_wait3A_83] : memref<10112x16xf32, #tpu.memory_space<vmem_shared>> -> memref<160x16xf32, #tpu.memory_space<vmem_shared>>
      tpu.wait_dma2 semaphore(%run_scoped3A : memref<!tpu.dma_semaphore, #tpu.memory_space<semaphore_mem>>) src(%dma_wait3A_84 : memref<160x16xf32, #tpu.memory_space<vmem_shared>>) dst(%dma_wait3A_82 : memref<160x16xf32, #tpu.memory_space<vmem>>)
      tpu.yield
    }) : () -> ()
    %mul3A_39 = arith.constant 632 : i32
    %mul3A_40 = arith.muli %arg1, %mul3A_39 : i32
    %add3A_41 = arith.constant 0 : i32
    %add3A_42 = arith.addi %mul3A_40, %add3A_41 : i32
    "tpu.region"() ({
      %run_scoped3A = tpu.sem_alloc : memref<!tpu.dma_semaphore, #tpu.memory_space<semaphore_mem>>
      %dma_start3A = arith.constant 0 : i32
      %dma_start3A_67 = arith.constant 0 : i32
      %dma_start3A_68 = tpu.memref_slice %arg9[%dma_start3A, %dma_start3A_67] : memref<160x16xf32, #tpu.memory_space<vmem>> -> memref<160x16xf32, #tpu.memory_space<vmem>>
      %dma_start3A_69 = arith.constant 0 : i32
      %dma_start3A_70 = tpu.memref_slice %arg5[%arg0, %add3A_42, %dma_start3A_69] : memref<2x10112x16xf32, #tpu.memory_space<hbm>> -> memref<1x160x16xf32, #tpu.memory_space<hbm>>
      %dma_start3A_71 = tpu.memref_squeeze %dma_start3A_70 : memref<1x160x16xf32, #tpu.memory_space<hbm>> -> memref<160x16xf32, #tpu.memory_space<hbm>>
      %dma_start3A_72 = arith.constant 0 : i32
      %dma_start3A_73 = tpu.memref_slice %arg5[%arg0, %add3A_42, %dma_start3A_72] : memref<2x10112x16xf32, #tpu.memory_space<hbm>> -> memref<1x160x16xf32, #tpu.memory_space<hbm>>
      %dma_start3A_74 = tpu.memref_squeeze %dma_start3A_73 : memref<1x160x16xf32, #tpu.memory_space<hbm>> -> memref<160x16xf32, #tpu.memory_space<hbm>>
      %dma_start3A_75 = arith.constant 0 : i32
      %dma_start3A_76 = arith.constant 0 : i32
      %dma_start3A_77 = tpu.memref_slice %arg9[%dma_start3A_75, %dma_start3A_76] : memref<160x16xf32, #tpu.memory_space<vmem>> -> memref<160x16xf32, #tpu.memory_space<vmem>>
      tpu.enqueue_dma source(%dma_start3A_77 : memref<160x16xf32, #tpu.memory_space<vmem>>) target(%dma_start3A_74 : memref<160x16xf32, #tpu.memory_space<hbm>>) target_semaphore(%run_scoped3A : memref<!tpu.dma_semaphore, #tpu.memory_space<semaphore_mem>>)
      %dma_wait3A = arith.constant 0 : i32
      %dma_wait3A_78 = arith.constant 0 : i32
      %dma_wait3A_79 = tpu.memref_slice %arg9[%dma_wait3A, %dma_wait3A_78] : memref<160x16xf32, #tpu.memory_space<vmem>> -> memref<160x16xf32, #tpu.memory_space<vmem>>
      %dma_wait3A_80 = arith.constant 0 : i32
      %dma_wait3A_81 = tpu.memref_slice %arg5[%arg0, %add3A_42, %dma_wait3A_80] : memref<2x10112x16xf32, #tpu.memory_space<hbm>> -> memref<1x160x16xf32, #tpu.memory_space<hbm>>
      %dma_wait3A_82 = tpu.memref_squeeze %dma_wait3A_81 : memref<1x160x16xf32, #tpu.memory_space<hbm>> -> memref<160x16xf32, #tpu.memory_space<hbm>>
      %dma_wait3A_83 = arith.constant 0 : i32
      %dma_wait3A_84 = tpu.memref_slice %arg5[%arg0, %add3A_42, %dma_wait3A_83] : memref<2x10112x16xf32, #tpu.memory_space<hbm>> -> memref<1x160x16xf32, #tpu.memory_space<hbm>>
      %dma_wait3A_85 = tpu.memref_squeeze %dma_wait3A_84 : memref<1x160x16xf32, #tpu.memory_space<hbm>> -> memref<160x16xf32, #tpu.memory_space<hbm>>
      %dma_wait3A_86 = arith.constant 0 : i32
      %dma_wait3A_87 = arith.constant 0 : i32
      %dma_wait3A_88 = tpu.memref_slice %arg9[%dma_wait3A_86, %dma_wait3A_87] : memref<160x16xf32, #tpu.memory_space<vmem>> -> memref<160x16xf32, #tpu.memory_space<vmem>>
      tpu.wait_dma2 semaphore(%run_scoped3A : memref<!tpu.dma_semaphore, #tpu.memory_space<semaphore_mem>>) src(%dma_wait3A_88 : memref<160x16xf32, #tpu.memory_space<vmem>>) dst(%dma_wait3A_85 : memref<160x16xf32, #tpu.memory_space<hbm>>)
      tpu.yield
    }) : () -> ()
    %mul3A_43 = arith.constant 632 : i32
    %mul3A_44 = arith.muli %arg1, %mul3A_43 : i32
    %add3A_45 = arith.constant 160 : i32
    %add3A_46 = arith.addi %mul3A_44, %add3A_45 : i32
    "tpu.region"() ({
      %run_scoped3A = tpu.sem_alloc : memref<!tpu.dma_semaphore, #tpu.memory_space<semaphore_mem>>
      %dma_start3A = arith.constant 0 : i32
      %dma_start3A_67 = arith.constant 0 : i32
      %dma_start3A_68 = tpu.memref_slice %arg9[%dma_start3A, %dma_start3A_67] : memref<160x16xf32, #tpu.memory_space<vmem>> -> memref<160x16xf32, #tpu.memory_space<vmem>>
      %dma_start3A_69 = arith.constant 0 : i32
      %dma_start3A_70 = tpu.memref_slice %arg10[%add3A_46, %dma_start3A_69] : memref<10112x16xf32, #tpu.memory_space<vmem_shared>> -> memref<160x16xf32, #tpu.memory_space<vmem_shared>>
      %dma_start3A_71 = arith.constant 0 : i32
      %dma_start3A_72 = arith.constant 0 : i32
      %dma_start3A_73 = tpu.memref_slice %arg9[%dma_start3A_71, %dma_start3A_72] : memref<160x16xf32, #tpu.memory_space<vmem>> -> memref<160x16xf32, #tpu.memory_space<vmem>>
      %dma_start3A_74 = arith.constant 0 : i32
      %dma_start3A_75 = tpu.memref_slice %arg10[%add3A_46, %dma_start3A_74] : memref<10112x16xf32, #tpu.memory_space<vmem_shared>> -> memref<160x16xf32, #tpu.memory_space<vmem_shared>>
      tpu.enqueue_dma source(%dma_start3A_75 : memref<160x16xf32, #tpu.memory_space<vmem_shared>>) target(%dma_start3A_73 : memref<160x16xf32, #tpu.memory_space<vmem>>) target_semaphore(%run_scoped3A : memref<!tpu.dma_semaphore, #tpu.memory_space<semaphore_mem>>)
      %dma_wait3A = arith.constant 0 : i32
      %dma_wait3A_76 = arith.constant 0 : i32
      %dma_wait3A_77 = tpu.memref_slice %arg9[%dma_wait3A, %dma_wait3A_76] : memref<160x16xf32, #tpu.memory_space<vmem>> -> memref<160x16xf32, #tpu.memory_space<vmem>>
      %dma_wait3A_78 = arith.constant 0 : i32
      %dma_wait3A_79 = tpu.memref_slice %arg10[%add3A_46, %dma_wait3A_78] : memref<10112x16xf32, #tpu.memory_space<vmem_shared>> -> memref<160x16xf32, #tpu.memory_space<vmem_shared>>
      %dma_wait3A_80 = arith.constant 0 : i32
      %dma_wait3A_81 = arith.constant 0 : i32
      %dma_wait3A_82 = tpu.memref_slice %arg9[%dma_wait3A_80, %dma_wait3A_81] : memref<160x16xf32, #tpu.memory_space<vmem>> -> memref<160x16xf32, #tpu.memory_space<vmem>>
      %dma_wait3A_83 = arith.constant 0 : i32
      %dma_wait3A_84 = tpu.memref_slice %arg10[%add3A_46, %dma_wait3A_83] : memref<10112x16xf32, #tpu.memory_space<vmem_shared>> -> memref<160x16xf32, #tpu.memory_space<vmem_shared>>
      tpu.wait_dma2 semaphore(%run_scoped3A : memref<!tpu.dma_semaphore, #tpu.memory_space<semaphore_mem>>) src(%dma_wait3A_84 : memref<160x16xf32, #tpu.memory_space<vmem_shared>>) dst(%dma_wait3A_82 : memref<160x16xf32, #tpu.memory_space<vmem>>)
      tpu.yield
    }) : () -> ()
    %mul3A_47 = arith.constant 632 : i32
    %mul3A_48 = arith.muli %arg1, %mul3A_47 : i32
    %add3A_49 = arith.constant 160 : i32
    %add3A_50 = arith.addi %mul3A_48, %add3A_49 : i32
    "tpu.region"() ({
      %run_scoped3A = tpu.sem_alloc : memref<!tpu.dma_semaphore, #tpu.memory_space<semaphore_mem>>
      %dma_start3A = arith.constant 0 : i32
      %dma_start3A_67 = arith.constant 0 : i32
      %dma_start3A_68 = tpu.memref_slice %arg9[%dma_start3A, %dma_start3A_67] : memref<160x16xf32, #tpu.memory_space<vmem>> -> memref<160x16xf32, #tpu.memory_space<vmem>>
      %dma_start3A_69 = arith.constant 0 : i32
      %dma_start3A_70 = tpu.memref_slice %arg5[%arg0, %add3A_50, %dma_start3A_69] : memref<2x10112x16xf32, #tpu.memory_space<hbm>> -> memref<1x160x16xf32, #tpu.memory_space<hbm>>
      %dma_start3A_71 = tpu.memref_squeeze %dma_start3A_70 : memref<1x160x16xf32, #tpu.memory_space<hbm>> -> memref<160x16xf32, #tpu.memory_space<hbm>>
      %dma_start3A_72 = arith.constant 0 : i32
      %dma_start3A_73 = tpu.memref_slice %arg5[%arg0, %add3A_50, %dma_start3A_72] : memref<2x10112x16xf32, #tpu.memory_space<hbm>> -> memref<1x160x16xf32, #tpu.memory_space<hbm>>
      %dma_start3A_74 = tpu.memref_squeeze %dma_start3A_73 : memref<1x160x16xf32, #tpu.memory_space<hbm>> -> memref<160x16xf32, #tpu.memory_space<hbm>>
      %dma_start3A_75 = arith.constant 0 : i32
      %dma_start3A_76 = arith.constant 0 : i32
      %dma_start3A_77 = tpu.memref_slice %arg9[%dma_start3A_75, %dma_start3A_76] : memref<160x16xf32, #tpu.memory_space<vmem>> -> memref<160x16xf32, #tpu.memory_space<vmem>>
      tpu.enqueue_dma source(%dma_start3A_77 : memref<160x16xf32, #tpu.memory_space<vmem>>) target(%dma_start3A_74 : memref<160x16xf32, #tpu.memory_space<hbm>>) target_semaphore(%run_scoped3A : memref<!tpu.dma_semaphore, #tpu.memory_space<semaphore_mem>>)
      %dma_wait3A = arith.constant 0 : i32
      %dma_wait3A_78 = arith.constant 0 : i32
      %dma_wait3A_79 = tpu.memref_slice %arg9[%dma_wait3A, %dma_wait3A_78] : memref<160x16xf32, #tpu.memory_space<vmem>> -> memref<160x16xf32, #tpu.memory_space<vmem>>
      %dma_wait3A_80 = arith.constant 0 : i32
      %dma_wait3A_81 = tpu.memref_slice %arg5[%arg0, %add3A_50, %dma_wait3A_80] : memref<2x10112x16xf32, #tpu.memory_space<hbm>> -> memref<1x160x16xf32, #tpu.memory_space<hbm>>
      %dma_wait3A_82 = tpu.memref_squeeze %dma_wait3A_81 : memref<1x160x16xf32, #tpu.memory_space<hbm>> -> memref<160x16xf32, #tpu.memory_space<hbm>>
      %dma_wait3A_83 = arith.constant 0 : i32
      %dma_wait3A_84 = tpu.memref_slice %arg5[%arg0, %add3A_50, %dma_wait3A_83] : memref<2x10112x16xf32, #tpu.memory_space<hbm>> -> memref<1x160x16xf32, #tpu.memory_space<hbm>>
      %dma_wait3A_85 = tpu.memref_squeeze %dma_wait3A_84 : memref<1x160x16xf32, #tpu.memory_space<hbm>> -> memref<160x16xf32, #tpu.memory_space<hbm>>
      %dma_wait3A_86 = arith.constant 0 : i32
      %dma_wait3A_87 = arith.constant 0 : i32
      %dma_wait3A_88 = tpu.memref_slice %arg9[%dma_wait3A_86, %dma_wait3A_87] : memref<160x16xf32, #tpu.memory_space<vmem>> -> memref<160x16xf32, #tpu.memory_space<vmem>>
      tpu.wait_dma2 semaphore(%run_scoped3A : memref<!tpu.dma_semaphore, #tpu.memory_space<semaphore_mem>>) src(%dma_wait3A_88 : memref<160x16xf32, #tpu.memory_space<vmem>>) dst(%dma_wait3A_85 : memref<160x16xf32, #tpu.memory_space<hbm>>)
      tpu.yield
    }) : () -> ()
    %mul3A_51 = arith.constant 632 : i32
    %mul3A_52 = arith.muli %arg1, %mul3A_51 : i32
    %add3A_53 = arith.constant 320 : i32
    %add3A_54 = arith.addi %mul3A_52, %add3A_53 : i32
    "tpu.region"() ({
      %run_scoped3A = tpu.sem_alloc : memref<!tpu.dma_semaphore, #tpu.memory_space<semaphore_mem>>
      %dma_start3A = arith.constant 0 : i32
      %dma_start3A_67 = arith.constant 0 : i32
      %dma_start3A_68 = tpu.memref_slice %arg9[%dma_start3A, %dma_start3A_67] : memref<160x16xf32, #tpu.memory_space<vmem>> -> memref<160x16xf32, #tpu.memory_space<vmem>>
      %dma_start3A_69 = arith.constant 0 : i32
      %dma_start3A_70 = tpu.memref_slice %arg10[%add3A_54, %dma_start3A_69] : memref<10112x16xf32, #tpu.memory_space<vmem_shared>> -> memref<160x16xf32, #tpu.memory_space<vmem_shared>>
      %dma_start3A_71 = arith.constant 0 : i32
      %dma_start3A_72 = arith.constant 0 : i32
      %dma_start3A_73 = tpu.memref_slice %arg9[%dma_start3A_71, %dma_start3A_72] : memref<160x16xf32, #tpu.memory_space<vmem>> -> memref<160x16xf32, #tpu.memory_space<vmem>>
      %dma_start3A_74 = arith.constant 0 : i32
      %dma_start3A_75 = tpu.memref_slice %arg10[%add3A_54, %dma_start3A_74] : memref<10112x16xf32, #tpu.memory_space<vmem_shared>> -> memref<160x16xf32, #tpu.memory_space<vmem_shared>>
      tpu.enqueue_dma source(%dma_start3A_75 : memref<160x16xf32, #tpu.memory_space<vmem_shared>>) target(%dma_start3A_73 : memref<160x16xf32, #tpu.memory_space<vmem>>) target_semaphore(%run_scoped3A : memref<!tpu.dma_semaphore, #tpu.memory_space<semaphore_mem>>)
      %dma_wait3A = arith.constant 0 : i32
      %dma_wait3A_76 = arith.constant 0 : i32
      %dma_wait3A_77 = tpu.memref_slice %arg9[%dma_wait3A, %dma_wait3A_76] : memref<160x16xf32, #tpu.memory_space<vmem>> -> memref<160x16xf32, #tpu.memory_space<vmem>>
      %dma_wait3A_78 = arith.constant 0 : i32
      %dma_wait3A_79 = tpu.memref_slice %arg10[%add3A_54, %dma_wait3A_78] : memref<10112x16xf32, #tpu.memory_space<vmem_shared>> -> memref<160x16xf32, #tpu.memory_space<vmem_shared>>
      %dma_wait3A_80 = arith.constant 0 : i32
      %dma_wait3A_81 = arith.constant 0 : i32
      %dma_wait3A_82 = tpu.memref_slice %arg9[%dma_wait3A_80, %dma_wait3A_81] : memref<160x16xf32, #tpu.memory_space<vmem>> -> memref<160x16xf32, #tpu.memory_space<vmem>>
      %dma_wait3A_83 = arith.constant 0 : i32
      %dma_wait3A_84 = tpu.memref_slice %arg10[%add3A_54, %dma_wait3A_83] : memref<10112x16xf32, #tpu.memory_space<vmem_shared>> -> memref<160x16xf32, #tpu.memory_space<vmem_shared>>
      tpu.wait_dma2 semaphore(%run_scoped3A : memref<!tpu.dma_semaphore, #tpu.memory_space<semaphore_mem>>) src(%dma_wait3A_84 : memref<160x16xf32, #tpu.memory_space<vmem_shared>>) dst(%dma_wait3A_82 : memref<160x16xf32, #tpu.memory_space<vmem>>)
      tpu.yield
    }) : () -> ()
    %mul3A_55 = arith.constant 632 : i32
    %mul3A_56 = arith.muli %arg1, %mul3A_55 : i32
    %add3A_57 = arith.constant 320 : i32
    %add3A_58 = arith.addi %mul3A_56, %add3A_57 : i32
    "tpu.region"() ({
      %run_scoped3A = tpu.sem_alloc : memref<!tpu.dma_semaphore, #tpu.memory_space<semaphore_mem>>
      %dma_start3A = arith.constant 0 : i32
      %dma_start3A_67 = arith.constant 0 : i32
      %dma_start3A_68 = tpu.memref_slice %arg9[%dma_start3A, %dma_start3A_67] : memref<160x16xf32, #tpu.memory_space<vmem>> -> memref<160x16xf32, #tpu.memory_space<vmem>>
      %dma_start3A_69 = arith.constant 0 : i32
      %dma_start3A_70 = tpu.memref_slice %arg5[%arg0, %add3A_58, %dma_start3A_69] : memref<2x10112x16xf32, #tpu.memory_space<hbm>> -> memref<1x160x16xf32, #tpu.memory_space<hbm>>
      %dma_start3A_71 = tpu.memref_squeeze %dma_start3A_70 : memref<1x160x16xf32, #tpu.memory_space<hbm>> -> memref<160x16xf32, #tpu.memory_space<hbm>>
      %dma_start3A_72 = arith.constant 0 : i32
      %dma_start3A_73 = tpu.memref_slice %arg5[%arg0, %add3A_58, %dma_start3A_72] : memref<2x10112x16xf32, #tpu.memory_space<hbm>> -> memref<1x160x16xf32, #tpu.memory_space<hbm>>
      %dma_start3A_74 = tpu.memref_squeeze %dma_start3A_73 : memref<1x160x16xf32, #tpu.memory_space<hbm>> -> memref<160x16xf32, #tpu.memory_space<hbm>>
      %dma_start3A_75 = arith.constant 0 : i32
      %dma_start3A_76 = arith.constant 0 : i32
      %dma_start3A_77 = tpu.memref_slice %arg9[%dma_start3A_75, %dma_start3A_76] : memref<160x16xf32, #tpu.memory_space<vmem>> -> memref<160x16xf32, #tpu.memory_space<vmem>>
      tpu.enqueue_dma source(%dma_start3A_77 : memref<160x16xf32, #tpu.memory_space<vmem>>) target(%dma_start3A_74 : memref<160x16xf32, #tpu.memory_space<hbm>>) target_semaphore(%run_scoped3A : memref<!tpu.dma_semaphore, #tpu.memory_space<semaphore_mem>>)
      %dma_wait3A = arith.constant 0 : i32
      %dma_wait3A_78 = arith.constant 0 : i32
      %dma_wait3A_79 = tpu.memref_slice %arg9[%dma_wait3A, %dma_wait3A_78] : memref<160x16xf32, #tpu.memory_space<vmem>> -> memref<160x16xf32, #tpu.memory_space<vmem>>
      %dma_wait3A_80 = arith.constant 0 : i32
      %dma_wait3A_81 = tpu.memref_slice %arg5[%arg0, %add3A_58, %dma_wait3A_80] : memref<2x10112x16xf32, #tpu.memory_space<hbm>> -> memref<1x160x16xf32, #tpu.memory_space<hbm>>
      %dma_wait3A_82 = tpu.memref_squeeze %dma_wait3A_81 : memref<1x160x16xf32, #tpu.memory_space<hbm>> -> memref<160x16xf32, #tpu.memory_space<hbm>>
      %dma_wait3A_83 = arith.constant 0 : i32
      %dma_wait3A_84 = tpu.memref_slice %arg5[%arg0, %add3A_58, %dma_wait3A_83] : memref<2x10112x16xf32, #tpu.memory_space<hbm>> -> memref<1x160x16xf32, #tpu.memory_space<hbm>>
      %dma_wait3A_85 = tpu.memref_squeeze %dma_wait3A_84 : memref<1x160x16xf32, #tpu.memory_space<hbm>> -> memref<160x16xf32, #tpu.memory_space<hbm>>
      %dma_wait3A_86 = arith.constant 0 : i32
      %dma_wait3A_87 = arith.constant 0 : i32
      %dma_wait3A_88 = tpu.memref_slice %arg9[%dma_wait3A_86, %dma_wait3A_87] : memref<160x16xf32, #tpu.memory_space<vmem>> -> memref<160x16xf32, #tpu.memory_space<vmem>>
      tpu.wait_dma2 semaphore(%run_scoped3A : memref<!tpu.dma_semaphore, #tpu.memory_space<semaphore_mem>>) src(%dma_wait3A_88 : memref<160x16xf32, #tpu.memory_space<vmem>>) dst(%dma_wait3A_85 : memref<160x16xf32, #tpu.memory_space<hbm>>)
      tpu.yield
    }) : () -> ()
    %mul3A_59 = arith.constant 632 : i32
    %mul3A_60 = arith.muli %arg1, %mul3A_59 : i32
    %add3A_61 = arith.constant 480 : i32
    %add3A_62 = arith.addi %mul3A_60, %add3A_61 : i32
    "tpu.region"() ({
      %run_scoped3A = tpu.sem_alloc : memref<!tpu.dma_semaphore, #tpu.memory_space<semaphore_mem>>
      %dma_start3A = arith.constant 0 : i32
      %dma_start3A_67 = arith.constant 0 : i32
      %dma_start3A_68 = tpu.memref_slice %arg9[%dma_start3A, %dma_start3A_67] : memref<160x16xf32, #tpu.memory_space<vmem>> -> memref<152x16xf32, #tpu.memory_space<vmem>>
      %dma_start3A_69 = arith.constant 0 : i32
      %dma_start3A_70 = tpu.memref_slice %arg10[%add3A_62, %dma_start3A_69] : memref<10112x16xf32, #tpu.memory_space<vmem_shared>> -> memref<152x16xf32, #tpu.memory_space<vmem_shared>>
      %dma_start3A_71 = arith.constant 0 : i32
      %dma_start3A_72 = arith.constant 0 : i32
      %dma_start3A_73 = tpu.memref_slice %arg9[%dma_start3A_71, %dma_start3A_72] : memref<160x16xf32, #tpu.memory_space<vmem>> -> memref<152x16xf32, #tpu.memory_space<vmem>>
      %dma_start3A_74 = arith.constant 0 : i32
      %dma_start3A_75 = tpu.memref_slice %arg10[%add3A_62, %dma_start3A_74] : memref<10112x16xf32, #tpu.memory_space<vmem_shared>> -> memref<152x16xf32, #tpu.memory_space<vmem_shared>>
      tpu.enqueue_dma source(%dma_start3A_75 : memref<152x16xf32, #tpu.memory_space<vmem_shared>>) target(%dma_start3A_73 : memref<152x16xf32, #tpu.memory_space<vmem>>) target_semaphore(%run_scoped3A : memref<!tpu.dma_semaphore, #tpu.memory_space<semaphore_mem>>)
      %dma_wait3A = arith.constant 0 : i32
      %dma_wait3A_76 = arith.constant 0 : i32
      %dma_wait3A_77 = tpu.memref_slice %arg9[%dma_wait3A, %dma_wait3A_76] : memref<160x16xf32, #tpu.memory_space<vmem>> -> memref<152x16xf32, #tpu.memory_space<vmem>>
      %dma_wait3A_78 = arith.constant 0 : i32
      %dma_wait3A_79 = tpu.memref_slice %arg10[%add3A_62, %dma_wait3A_78] : memref<10112x16xf32, #tpu.memory_space<vmem_shared>> -> memref<152x16xf32, #tpu.memory_space<vmem_shared>>
      %dma_wait3A_80 = arith.constant 0 : i32
      %dma_wait3A_81 = arith.constant 0 : i32
      %dma_wait3A_82 = tpu.memref_slice %arg9[%dma_wait3A_80, %dma_wait3A_81] : memref<160x16xf32, #tpu.memory_space<vmem>> -> memref<152x16xf32, #tpu.memory_space<vmem>>
      %dma_wait3A_83 = arith.constant 0 : i32
      %dma_wait3A_84 = tpu.memref_slice %arg10[%add3A_62, %dma_wait3A_83] : memref<10112x16xf32, #tpu.memory_space<vmem_shared>> -> memref<152x16xf32, #tpu.memory_space<vmem_shared>>
      tpu.wait_dma2 semaphore(%run_scoped3A : memref<!tpu.dma_semaphore, #tpu.memory_space<semaphore_mem>>) src(%dma_wait3A_84 : memref<152x16xf32, #tpu.memory_space<vmem_shared>>) dst(%dma_wait3A_82 : memref<152x16xf32, #tpu.memory_space<vmem>>)
      tpu.yield
    }) : () -> ()
    %mul3A_63 = arith.constant 632 : i32
    %mul3A_64 = arith.muli %arg1, %mul3A_63 : i32
    %add3A_65 = arith.constant 480 : i32
    %add3A_66 = arith.addi %mul3A_64, %add3A_65 : i32
    "tpu.region"() ({
      %run_scoped3A = tpu.sem_alloc : memref<!tpu.dma_semaphore, #tpu.memory_space<semaphore_mem>>
      %dma_start3A = arith.constant 0 : i32
      %dma_start3A_67 = arith.constant 0 : i32
      %dma_start3A_68 = tpu.memref_slice %arg9[%dma_start3A, %dma_start3A_67] : memref<160x16xf32, #tpu.memory_space<vmem>> -> memref<152x16xf32, #tpu.memory_space<vmem>>
      %dma_start3A_69 = arith.constant 0 : i32
      %dma_start3A_70 = tpu.memref_slice %arg5[%arg0, %add3A_66, %dma_start3A_69] : memref<2x10112x16xf32, #tpu.memory_space<hbm>> -> memref<1x152x16xf32, #tpu.memory_space<hbm>>
      %dma_start3A_71 = tpu.memref_squeeze %dma_start3A_70 : memref<1x152x16xf32, #tpu.memory_space<hbm>> -> memref<152x16xf32, #tpu.memory_space<hbm>>
      %dma_start3A_72 = arith.constant 0 : i32
      %dma_start3A_73 = tpu.memref_slice %arg5[%arg0, %add3A_66, %dma_start3A_72] : memref<2x10112x16xf32, #tpu.memory_space<hbm>> -> memref<1x152x16xf32, #tpu.memory_space<hbm>>
      %dma_start3A_74 = tpu.memref_squeeze %dma_start3A_73 : memref<1x152x16xf32, #tpu.memory_space<hbm>> -> memref<152x16xf32, #tpu.memory_space<hbm>>
      %dma_start3A_75 = arith.constant 0 : i32
      %dma_start3A_76 = arith.constant 0 : i32
      %dma_start3A_77 = tpu.memref_slice %arg9[%dma_start3A_75, %dma_start3A_76] : memref<160x16xf32, #tpu.memory_space<vmem>> -> memref<152x16xf32, #tpu.memory_space<vmem>>
      tpu.enqueue_dma source(%dma_start3A_77 : memref<152x16xf32, #tpu.memory_space<vmem>>) target(%dma_start3A_74 : memref<152x16xf32, #tpu.memory_space<hbm>>) target_semaphore(%run_scoped3A : memref<!tpu.dma_semaphore, #tpu.memory_space<semaphore_mem>>)
      %dma_wait3A = arith.constant 0 : i32
      %dma_wait3A_78 = arith.constant 0 : i32
      %dma_wait3A_79 = tpu.memref_slice %arg9[%dma_wait3A, %dma_wait3A_78] : memref<160x16xf32, #tpu.memory_space<vmem>> -> memref<152x16xf32, #tpu.memory_space<vmem>>
      %dma_wait3A_80 = arith.constant 0 : i32
      %dma_wait3A_81 = tpu.memref_slice %arg5[%arg0, %add3A_66, %dma_wait3A_80] : memref<2x10112x16xf32, #tpu.memory_space<hbm>> -> memref<1x152x16xf32, #tpu.memory_space<hbm>>
      %dma_wait3A_82 = tpu.memref_squeeze %dma_wait3A_81 : memref<1x152x16xf32, #tpu.memory_space<hbm>> -> memref<152x16xf32, #tpu.memory_space<hbm>>
      %dma_wait3A_83 = arith.constant 0 : i32
      %dma_wait3A_84 = tpu.memref_slice %arg5[%arg0, %add3A_66, %dma_wait3A_83] : memref<2x10112x16xf32, #tpu.memory_space<hbm>> -> memref<1x152x16xf32, #tpu.memory_space<hbm>>
      %dma_wait3A_85 = tpu.memref_squeeze %dma_wait3A_84 : memref<1x152x16xf32, #tpu.memory_space<hbm>> -> memref<152x16xf32, #tpu.memory_space<hbm>>
      %dma_wait3A_86 = arith.constant 0 : i32
      %dma_wait3A_87 = arith.constant 0 : i32
      %dma_wait3A_88 = tpu.memref_slice %arg9[%dma_wait3A_86, %dma_wait3A_87] : memref<160x16xf32, #tpu.memory_space<vmem>> -> memref<152x16xf32, #tpu.memory_space<vmem>>
      tpu.wait_dma2 semaphore(%run_scoped3A : memref<!tpu.dma_semaphore, #tpu.memory_space<semaphore_mem>>) src(%dma_wait3A_88 : memref<152x16xf32, #tpu.memory_space<vmem>>) dst(%dma_wait3A_85 : memref<152x16xf32, #tpu.memory_space<hbm>>)
      tpu.yield
    }) : () -> ()
    return
  }
}

module attributes {stable_mosaic.version = 14 : i64} {
  func.func @_mm_body(%arg0: i32, %arg1: memref<1264x128xf32, #tpu.memory_space<vmem>>, %arg2: memref<128x64xf32, #tpu.memory_space<vmem>>, %arg3: memref<1264x64xf32, #tpu.memory_space<vmem>>) attributes {dimension_semantics = [#tpu.dimension_semantics<arbitrary>], iteration_bounds = array<i64: 8>, scalar_prefetch = 0 : i64, scratch_operands = 0 : i64, tpu.core_type = #tpu.core_type<tc>, window_params = [{transform_indices = @transform_0, window_bounds = array<i64: 1264, 128>}, {pipeline_mode = #tpu.pipeline_mode<synchronous>, transform_indices = @transform_1, window_bounds = array<i64: 128, 64>}, {transform_indices = @transform_2, window_bounds = array<i64: 1264, 64>}]} {
    %get3A = arith.constant 0 : index
    %get3A_0 = arith.constant 0 : index
    %get3A_1 = vector.load %arg1[%get3A, %get3A_0] : memref<1264x128xf32, #tpu.memory_space<vmem>>, vector<1264x128xf32>
    %get3A_2 = arith.constant 0 : index
    %get3A_3 = arith.constant 0 : index
    %get3A_4 = vector.load %arg2[%get3A_2, %get3A_3] : memref<128x64xf32, #tpu.memory_space<vmem>>, vector<128x64xf32>
    %dot_general3A = arith.constant dense<0.000000e+00> : vector<1264x64xf32>
    %dot_general3A_5 = tpu.matmul %get3A_1, %get3A_4, %dot_general3A {dimension_numbers = #tpu.dot_dimension_numbers<[1], [0], [0], [1], [0, 0, 1, 1], [], []>, transpose_lhs_hint = false} : vector<1264x128xf32>, vector<128x64xf32>, vector<1264x64xf32> -> vector<1264x64xf32>
    %swap3A = arith.constant 0 : index
    %swap3A_6 = arith.constant 0 : index
    %swap3A_7 = vector.load %arg3[%swap3A, %swap3A_6] : memref<1264x64xf32, #tpu.memory_space<vmem>>, vector<1264x64xf32>
    tpu.vector_store %arg3[%swap3A, %swap3A_6], %dot_general3A_5 {strides = array<i32>} : memref<1264x64xf32, #tpu.memory_space<vmem>>, vector<1264x64xf32>,
    return
  }
  func.func @transform_0(%arg0: i32) -> (i32, i32) {
    %c0_i32 = arith.constant 0 : i32
    %c0_i32_0 = arith.constant 0 : i32
    return %arg0, %c0_i32 : i32, i32
  }
  func.func @transform_1(%arg0: i32) -> (i32, i32) {
    %c0_i32 = arith.constant 0 : i32
    %c0_i32_0 = arith.constant 0 : i32
    %c0_i32_1 = arith.constant 0 : i32
    return %c0_i32, %c0_i32_0 : i32, i32
  }
  func.func @transform_2(%arg0: i32) -> (i32, i32) {
    %c0_i32 = arith.constant 0 : i32
    %c0_i32_0 = arith.constant 0 : i32
    return %arg0, %c0_i32 : i32, i32
  }
}

module attributes {stable_mosaic.version = 14 : i64} {
  func.func @_scale_body(%arg0: i32, %arg1: memref<1264x64xf32, #tpu.memory_space<vmem>>, %arg2: memref<2x1264x1xf32, #tpu.memory_space<vmem>>, %arg3: memref<1264x1xf32, #tpu.memory_space<vmem>>, %arg4: memref<1264x64xf32, #tpu.memory_space<vmem>>) attributes {dimension_semantics = [#tpu.dimension_semantics<arbitrary>], iteration_bounds = array<i64: 8>, scalar_prefetch = 0 : i64, scratch_operands = 0 : i64, tpu.core_type = #tpu.core_type<tc>, window_params = [{transform_indices = @transform_0, window_bounds = array<i64: 1264, 64>}, {transform_indices = @transform_1, window_bounds = array<i64: 2, 1264, 1>}, {transform_indices = @transform_2, window_bounds = array<i64: 1264, 1>}, {transform_indices = @transform_3, window_bounds = array<i64: 1264, 64>}]} {
    %get3A = arith.constant 0 : index
    %get3A_0 = arith.constant 0 : index
    %get3A_1 = arith.constant 0 : index
    %get3A_2 = vector.load %arg2[%get3A, %get3A_0, %get3A_1] : memref<2x1264x1xf32, #tpu.memory_space<vmem>>, vector<1x1264x1xf32>
    %get3A_3 = vector.shape_cast %get3A_2 : vector<1x1264x1xf32> to vector<1264x1xf32>
    %get3A_4 = arith.constant 1 : index
    %get3A_5 = arith.constant 0 : index
    %get3A_6 = arith.constant 0 : index
    %get3A_7 = vector.load %arg2[%get3A_4, %get3A_5, %get3A_6] : memref<2x1264x1xf32, #tpu.memory_space<vmem>>, vector<1x1264x1xf32>
    %get3A_8 = vector.shape_cast %get3A_7 : vector<1x1264x1xf32> to vector<1264x1xf32>
    %add3A = arith.addf %get3A_3, %get3A_8 : vector<1264x1xf32>
    %add3A_9 = arith.constant 1.000000e+00 : f32
    %add3A_10 = vector.broadcast %add3A_9 : f32 to vector<1264x1xf32>
    %add3A_11 = arith.addf %add3A, %add3A_10 : vector<1264x1xf32>
    %rsqrt3A = math.rsqrt %add3A_11 : vector<1264x1xf32>
    %swap3A = arith.constant 0 : index
    %swap3A_12 = arith.constant 0 : index
    %swap3A_13 = vector.load %arg3[%swap3A, %swap3A_12] : memref<1264x1xf32, #tpu.memory_space<vmem>>, vector<1264x1xf32>
    tpu.vector_store %arg3[%swap3A, %swap3A_12], %rsqrt3A {strides = array<i32>} : memref<1264x1xf32, #tpu.memory_space<vmem>>, vector<1264x1xf32>,
    %get3A_14 = arith.constant 0 : index
    %get3A_15 = arith.constant 0 : index
    %get3A_16 = vector.load %arg1[%get3A_14, %get3A_15] : memref<1264x64xf32, #tpu.memory_space<vmem>>, vector<1264x64xf32>
    %mul3A = vector.broadcast %rsqrt3A : vector<1264x1xf32> to vector<1264x64xf32>
    %mul3A_17 = arith.mulf %get3A_16, %mul3A : vector<1264x64xf32>
    %swap3A_18 = arith.constant 0 : index
    %swap3A_19 = arith.constant 0 : index
    %swap3A_20 = vector.load %arg4[%swap3A_18, %swap3A_19] : memref<1264x64xf32, #tpu.memory_space<vmem>>, vector<1264x64xf32>
    tpu.vector_store %arg4[%swap3A_18, %swap3A_19], %mul3A_17 {strides = array<i32>} : memref<1264x64xf32, #tpu.memory_space<vmem>>, vector<1264x64xf32>,
    return
  }
  func.func @transform_0(%arg0: i32) -> (i32, i32) {
    %c0_i32 = arith.constant 0 : i32
    %c0_i32_0 = arith.constant 0 : i32
    return %arg0, %c0_i32 : i32, i32
  }
  func.func @transform_1(%arg0: i32) -> (i32, i32, i32) {
    %c0_i32 = arith.constant 0 : i32
    %c0_i32_0 = arith.constant 0 : i32
    %c0_i32_1 = arith.constant 0 : i32
    return %c0_i32, %arg0, %c0_i32_0 : i32, i32, i32
  }
  func.func @transform_2(%arg0: i32) -> (i32, i32) {
    %c0_i32 = arith.constant 0 : i32
    %c0_i32_0 = arith.constant 0 : i32
    return %arg0, %c0_i32 : i32, i32
  }
  func.func @transform_3(%arg0: i32) -> (i32, i32) {
    %c0_i32 = arith.constant 0 : i32
    %c0_i32_0 = arith.constant 0 : i32
    return %arg0, %c0_i32 : i32, i32
  }
}

module attributes {stable_mosaic.version = 14 : i64} {
  func.func @_comb_body(%arg0: i32, %arg1: memref<2x1264x64xf32, #tpu.memory_space<vmem>>, %arg2: memref<1264x64xf32, #tpu.memory_space<vmem>>, %arg3: memref<1264x1xf32, #tpu.memory_space<vmem>>, %arg4: memref<1x64xf32, #tpu.memory_space<vmem>>, %arg5: memref<64x32xf32, #tpu.memory_space<vmem>>, %arg6: memref<1264x32xf32, #tpu.memory_space<vmem>>) attributes {dimension_semantics = [#tpu.dimension_semantics<arbitrary>], iteration_bounds = array<i64: 8>, scalar_prefetch = 0 : i64, scratch_operands = 0 : i64, tpu.core_type = #tpu.core_type<tc>, window_params = [{transform_indices = @transform_0, window_bounds = array<i64: 2, 1264, 64>}, {transform_indices = @transform_1, window_bounds = array<i64: 1264, 64>}, {transform_indices = @transform_2, window_bounds = array<i64: 1264, 1>}, {pipeline_mode = #tpu.pipeline_mode<synchronous>, transform_indices = @transform_3, window_bounds = array<i64: 1, 64>}, {pipeline_mode = #tpu.pipeline_mode<synchronous>, transform_indices = @transform_4, window_bounds = array<i64: 64, 32>}, {transform_indices = @transform_5, window_bounds = array<i64: 1264, 32>}]} {
    %get3A = arith.constant 0 : index
    %get3A_0 = arith.constant 0 : index
    %get3A_1 = vector.load %arg3[%get3A, %get3A_0] : memref<1264x1xf32, #tpu.memory_space<vmem>>, vector<1264x1xf32>
    %get3A_2 = arith.constant 0 : index
    %get3A_3 = arith.constant 0 : index
    %get3A_4 = arith.constant 0 : index
    %get3A_5 = vector.load %arg1[%get3A_2, %get3A_3, %get3A_4] : memref<2x1264x64xf32, #tpu.memory_space<vmem>>, vector<1x1264x64xf32>
    %get3A_6 = vector.shape_cast %get3A_5 : vector<1x1264x64xf32> to vector<1264x64xf32>
    %get3A_7 = arith.constant 1 : index
    %get3A_8 = arith.constant 0 : index
    %get3A_9 = arith.constant 0 : index
    %get3A_10 = vector.load %arg1[%get3A_7, %get3A_8, %get3A_9] : memref<2x1264x64xf32, #tpu.memory_space<vmem>>, vector<1x1264x64xf32>
    %get3A_11 = vector.shape_cast %get3A_10 : vector<1x1264x64xf32> to vector<1264x64xf32>
    %add3A = arith.addf %get3A_6, %get3A_11 : vector<1264x64xf32>
    %get3A_12 = arith.constant 0 : index
    %get3A_13 = arith.constant 0 : index
    %get3A_14 = vector.load %arg2[%get3A_12, %get3A_13] : memref<1264x64xf32, #tpu.memory_space<vmem>>, vector<1264x64xf32>
    %add3A_15 = arith.addf %add3A, %get3A_14 : vector<1264x64xf32>
    %mul3A = vector.broadcast %get3A_1 : vector<1264x1xf32> to vector<1264x64xf32>
    %mul3A_16 = arith.mulf %mul3A, %add3A_15 : vector<1264x64xf32>
    %get3A_17 = arith.constant 0 : index
    %get3A_18 = arith.constant 0 : index
    %get3A_19 = vector.load %arg4[%get3A_17, %get3A_18] : memref<1x64xf32, #tpu.memory_space<vmem>>, vector<1x64xf32>
    %add3A_20 = vector.broadcast %get3A_19 : vector<1x64xf32> to vector<1264x64xf32>
    %add3A_21 = arith.addf %mul3A_16, %add3A_20 : vector<1264x64xf32>
    %max3A = arith.constant 0.000000e+00 : f32
    %max3A_22 = vector.broadcast %max3A : f32 to vector<1264x64xf32>
    %max3A_23 = arith.maximumf %add3A_21, %max3A_22 : vector<1264x64xf32>
    %get3A_24 = arith.constant 0 : index
    %get3A_25 = arith.constant 0 : index
    %get3A_26 = vector.load %arg5[%get3A_24, %get3A_25] : memref<64x32xf32, #tpu.memory_space<vmem>>, vector<64x32xf32>
    %dot_general3A = arith.constant dense<0.000000e+00> : vector<1264x32xf32>
    %dot_general3A_27 = tpu.matmul %max3A_23, %get3A_26, %dot_general3A {dimension_numbers = #tpu.dot_dimension_numbers<[1], [0], [0], [1], [0, 0, 1, 1], [], []>, transpose_lhs_hint = false} : vector<1264x64xf32>, vector<64x32xf32>, vector<1264x32xf32> -> vector<1264x32xf32>
    %get3A_28 = arith.constant 0 : index
    %get3A_29 = arith.constant 0 : index
    %get3A_30 = vector.load %arg3[%get3A_28, %get3A_29] : memref<1264x1xf32, #tpu.memory_space<vmem>>, vector<1264x1xf32>
    %mul3A_31 = vector.broadcast %get3A_30 : vector<1264x1xf32> to vector<1264x32xf32>
    %mul3A_32 = arith.mulf %dot_general3A_27, %mul3A_31 : vector<1264x32xf32>
    %swap3A = arith.constant 0 : index
    %swap3A_33 = arith.constant 0 : index
    %swap3A_34 = vector.load %arg6[%swap3A, %swap3A_33] : memref<1264x32xf32, #tpu.memory_space<vmem>>, vector<1264x32xf32>
    tpu.vector_store %arg6[%swap3A, %swap3A_33], %mul3A_32 {strides = array<i32>} : memref<1264x32xf32, #tpu.memory_space<vmem>>, vector<1264x32xf32>,
    return
  }
  func.func @transform_0(%arg0: i32) -> (i32, i32, i32) {
    %c0_i32 = arith.constant 0 : i32
    %c0_i32_0 = arith.constant 0 : i32
    %c0_i32_1 = arith.constant 0 : i32
    return %c0_i32, %arg0, %c0_i32_0 : i32, i32, i32
  }
  func.func @transform_1(%arg0: i32) -> (i32, i32) {
    %c0_i32 = arith.constant 0 : i32
    %c0_i32_0 = arith.constant 0 : i32
    return %arg0, %c0_i32 : i32, i32
  }
  func.func @transform_2(%arg0: i32) -> (i32, i32) {
    %c0_i32 = arith.constant 0 : i32
    %c0_i32_0 = arith.constant 0 : i32
    return %arg0, %c0_i32 : i32, i32
  }
  func.func @transform_3(%arg0: i32) -> (i32, i32) {
    %c0_i32 = arith.constant 0 : i32
    %c0_i32_0 = arith.constant 0 : i32
    %c0_i32_1 = arith.constant 0 : i32
    return %c0_i32, %c0_i32_0 : i32, i32
  }
  func.func @transform_4(%arg0: i32) -> (i32, i32) {
    %c0_i32 = arith.constant 0 : i32
    %c0_i32_0 = arith.constant 0 : i32
    %c0_i32_1 = arith.constant 0 : i32
    return %c0_i32, %c0_i32_0 : i32, i32
  }
  func.func @transform_5(%arg0: i32) -> (i32, i32) {
    %c0_i32 = arith.constant 0 : i32
    %c0_i32_0 = arith.constant 0 : i32
    return %arg0, %c0_i32 : i32, i32
  }
}

module attributes {stable_mosaic.version = 14 : i64} {
  func.func @_comb_body(%arg0: i32, %arg1: memref<2x1264x32xf32, #tpu.memory_space<vmem>>, %arg2: memref<1264x32xf32, #tpu.memory_space<vmem>>, %arg3: memref<1264x1xf32, #tpu.memory_space<vmem>>, %arg4: memref<1x32xf32, #tpu.memory_space<vmem>>, %arg5: memref<32x16xf32, #tpu.memory_space<vmem>>, %arg6: memref<1264x16xf32, #tpu.memory_space<vmem>>) attributes {dimension_semantics = [#tpu.dimension_semantics<arbitrary>], iteration_bounds = array<i64: 8>, scalar_prefetch = 0 : i64, scratch_operands = 0 : i64, tpu.core_type = #tpu.core_type<tc>, window_params = [{transform_indices = @transform_0, window_bounds = array<i64: 2, 1264, 32>}, {transform_indices = @transform_1, window_bounds = array<i64: 1264, 32>}, {transform_indices = @transform_2, window_bounds = array<i64: 1264, 1>}, {pipeline_mode = #tpu.pipeline_mode<synchronous>, transform_indices = @transform_3, window_bounds = array<i64: 1, 32>}, {pipeline_mode = #tpu.pipeline_mode<synchronous>, transform_indices = @transform_4, window_bounds = array<i64: 32, 16>}, {transform_indices = @transform_5, window_bounds = array<i64: 1264, 16>}]} {
    %get3A = arith.constant 0 : index
    %get3A_0 = arith.constant 0 : index
    %get3A_1 = vector.load %arg3[%get3A, %get3A_0] : memref<1264x1xf32, #tpu.memory_space<vmem>>, vector<1264x1xf32>
    %get3A_2 = arith.constant 0 : index
    %get3A_3 = arith.constant 0 : index
    %get3A_4 = arith.constant 0 : index
    %get3A_5 = vector.load %arg1[%get3A_2, %get3A_3, %get3A_4] : memref<2x1264x32xf32, #tpu.memory_space<vmem>>, vector<1x1264x32xf32>
    %get3A_6 = vector.shape_cast %get3A_5 : vector<1x1264x32xf32> to vector<1264x32xf32>
    %get3A_7 = arith.constant 1 : index
    %get3A_8 = arith.constant 0 : index
    %get3A_9 = arith.constant 0 : index
    %get3A_10 = vector.load %arg1[%get3A_7, %get3A_8, %get3A_9] : memref<2x1264x32xf32, #tpu.memory_space<vmem>>, vector<1x1264x32xf32>
    %get3A_11 = vector.shape_cast %get3A_10 : vector<1x1264x32xf32> to vector<1264x32xf32>
    %add3A = arith.addf %get3A_6, %get3A_11 : vector<1264x32xf32>
    %get3A_12 = arith.constant 0 : index
    %get3A_13 = arith.constant 0 : index
    %get3A_14 = vector.load %arg2[%get3A_12, %get3A_13] : memref<1264x32xf32, #tpu.memory_space<vmem>>, vector<1264x32xf32>
    %add3A_15 = arith.addf %add3A, %get3A_14 : vector<1264x32xf32>
    %mul3A = vector.broadcast %get3A_1 : vector<1264x1xf32> to vector<1264x32xf32>
    %mul3A_16 = arith.mulf %mul3A, %add3A_15 : vector<1264x32xf32>
    %get3A_17 = arith.constant 0 : index
    %get3A_18 = arith.constant 0 : index
    %get3A_19 = vector.load %arg4[%get3A_17, %get3A_18] : memref<1x32xf32, #tpu.memory_space<vmem>>, vector<1x32xf32>
    %add3A_20 = vector.broadcast %get3A_19 : vector<1x32xf32> to vector<1264x32xf32>
    %add3A_21 = arith.addf %mul3A_16, %add3A_20 : vector<1264x32xf32>
    %max3A = arith.constant 0.000000e+00 : f32
    %max3A_22 = vector.broadcast %max3A : f32 to vector<1264x32xf32>
    %max3A_23 = arith.maximumf %add3A_21, %max3A_22 : vector<1264x32xf32>
    %get3A_24 = arith.constant 0 : index
    %get3A_25 = arith.constant 0 : index
    %get3A_26 = vector.load %arg5[%get3A_24, %get3A_25] : memref<32x16xf32, #tpu.memory_space<vmem>>, vector<32x16xf32>
    %dot_general3A = arith.constant dense<0.000000e+00> : vector<1264x16xf32>
    %dot_general3A_27 = tpu.matmul %max3A_23, %get3A_26, %dot_general3A {dimension_numbers = #tpu.dot_dimension_numbers<[1], [0], [0], [1], [0, 0, 1, 1], [], []>, transpose_lhs_hint = false} : vector<1264x32xf32>, vector<32x16xf32>, vector<1264x16xf32> -> vector<1264x16xf32>
    %get3A_28 = arith.constant 0 : index
    %get3A_29 = arith.constant 0 : index
    %get3A_30 = vector.load %arg3[%get3A_28, %get3A_29] : memref<1264x1xf32, #tpu.memory_space<vmem>>, vector<1264x1xf32>
    %mul3A_31 = vector.broadcast %get3A_30 : vector<1264x1xf32> to vector<1264x16xf32>
    %mul3A_32 = arith.mulf %dot_general3A_27, %mul3A_31 : vector<1264x16xf32>
    %swap3A = arith.constant 0 : index
    %swap3A_33 = arith.constant 0 : index
    %swap3A_34 = vector.load %arg6[%swap3A, %swap3A_33] : memref<1264x16xf32, #tpu.memory_space<vmem>>, vector<1264x16xf32>
    tpu.vector_store %arg6[%swap3A, %swap3A_33], %mul3A_32 {strides = array<i32>} : memref<1264x16xf32, #tpu.memory_space<vmem>>, vector<1264x16xf32>,
    return
  }
  func.func @transform_0(%arg0: i32) -> (i32, i32, i32) {
    %c0_i32 = arith.constant 0 : i32
    %c0_i32_0 = arith.constant 0 : i32
    %c0_i32_1 = arith.constant 0 : i32
    return %c0_i32, %arg0, %c0_i32_0 : i32, i32, i32
  }
  func.func @transform_1(%arg0: i32) -> (i32, i32) {
    %c0_i32 = arith.constant 0 : i32
    %c0_i32_0 = arith.constant 0 : i32
    return %arg0, %c0_i32 : i32, i32
  }
  func.func @transform_2(%arg0: i32) -> (i32, i32) {
    %c0_i32 = arith.constant 0 : i32
    %c0_i32_0 = arith.constant 0 : i32
    return %arg0, %c0_i32 : i32, i32
  }
  func.func @transform_3(%arg0: i32) -> (i32, i32) {
    %c0_i32 = arith.constant 0 : i32
    %c0_i32_0 = arith.constant 0 : i32
    %c0_i32_1 = arith.constant 0 : i32
    return %c0_i32, %c0_i32_0 : i32, i32
  }
  func.func @transform_4(%arg0: i32) -> (i32, i32) {
    %c0_i32 = arith.constant 0 : i32
    %c0_i32_0 = arith.constant 0 : i32
    %c0_i32_1 = arith.constant 0 : i32
    return %c0_i32, %c0_i32_0 : i32, i32
  }
  func.func @transform_5(%arg0: i32) -> (i32, i32) {
    %c0_i32 = arith.constant 0 : i32
    %c0_i32_0 = arith.constant 0 : i32
    return %arg0, %c0_i32 : i32, i32
  }
}

module attributes {stable_mosaic.version = 14 : i64} {
  func.func @_enc_body(%arg0: i32, %arg1: memref<2x1000x16xf32, #tpu.memory_space<vmem>>, %arg2: memref<1000x16xf32, #tpu.memory_space<vmem>>, %arg3: memref<1000x1xf32, #tpu.memory_space<vmem>>, %arg4: memref<1x16xf32, #tpu.memory_space<vmem>>, %arg5: memref<1000x1024xf32, #tpu.memory_space<vmem>>, %arg6: memref<1x64xf32, #tpu.memory_space<vmem>>, %arg7: memref<64x10000xf32, #tpu.memory_space<vmem>>, %arg8: memref<1x10000xf32, #tpu.memory_space<vmem>>, %arg9: memref<1x10000xf32, #tpu.memory_space<vmem>>, %arg10: memref<1x64xf32, #tpu.memory_space<vmem>>) attributes {dimension_semantics = [#tpu.dimension_semantics<arbitrary>], iteration_bounds = array<i64: 10>, scalar_prefetch = 0 : i64, scratch_operands = 1 : i64, tpu.core_type = #tpu.core_type<tc>, window_params = [{transform_indices = @transform_0, window_bounds = array<i64: 2, 1000, 16>}, {transform_indices = @transform_1, window_bounds = array<i64: 1000, 16>}, {transform_indices = @transform_2, window_bounds = array<i64: 1000, 1>}, {pipeline_mode = #tpu.pipeline_mode<synchronous>, transform_indices = @transform_3, window_bounds = array<i64: 1, 16>}, {transform_indices = @transform_4, window_bounds = array<i64: 1000, 1024>}, {pipeline_mode = #tpu.pipeline_mode<synchronous>, transform_indices = @transform_5, window_bounds = array<i64: 1, 64>}, {pipeline_mode = #tpu.pipeline_mode<synchronous>, transform_indices = @transform_6, window_bounds = array<i64: 64, 10000>}, {pipeline_mode = #tpu.pipeline_mode<synchronous>, transform_indices = @transform_7, window_bounds = array<i64: 1, 10000>}, {pipeline_mode = #tpu.pipeline_mode<synchronous>, transform_indices = @transform_8, window_bounds = array<i64: 1, 10000>}]} {
    %get3A = arith.constant 0 : index
    %get3A_0 = arith.constant 0 : index
    %get3A_1 = vector.load %arg3[%get3A, %get3A_0] : memref<1000x1xf32, #tpu.memory_space<vmem>>, vector<1000x1xf32>
    %get3A_2 = arith.constant 0 : index
    %get3A_3 = arith.constant 0 : index
    %get3A_4 = arith.constant 0 : index
    %get3A_5 = vector.load %arg1[%get3A_2, %get3A_3, %get3A_4] : memref<2x1000x16xf32, #tpu.memory_space<vmem>>, vector<1x1000x16xf32>
    %get3A_6 = vector.shape_cast %get3A_5 : vector<1x1000x16xf32> to vector<1000x16xf32>
    %get3A_7 = arith.constant 1 : index
    %get3A_8 = arith.constant 0 : index
    %get3A_9 = arith.constant 0 : index
    %get3A_10 = vector.load %arg1[%get3A_7, %get3A_8, %get3A_9] : memref<2x1000x16xf32, #tpu.memory_space<vmem>>, vector<1x1000x16xf32>
    %get3A_11 = vector.shape_cast %get3A_10 : vector<1x1000x16xf32> to vector<1000x16xf32>
    %add3A = arith.addf %get3A_6, %get3A_11 : vector<1000x16xf32>
    %get3A_12 = arith.constant 0 : index
    %get3A_13 = arith.constant 0 : index
    %get3A_14 = vector.load %arg2[%get3A_12, %get3A_13] : memref<1000x16xf32, #tpu.memory_space<vmem>>, vector<1000x16xf32>
    %add3A_15 = arith.addf %add3A, %get3A_14 : vector<1000x16xf32>
    %mul3A = vector.broadcast %get3A_1 : vector<1000x1xf32> to vector<1000x16xf32>
    %mul3A_16 = arith.mulf %mul3A, %add3A_15 : vector<1000x16xf32>
    %get3A_17 = arith.constant 0 : index
    %get3A_18 = arith.constant 0 : index
    %get3A_19 = vector.load %arg4[%get3A_17, %get3A_18] : memref<1x16xf32, #tpu.memory_space<vmem>>, vector<1x16xf32>
    %add3A_20 = vector.broadcast %get3A_19 : vector<1x16xf32> to vector<1000x16xf32>
    %add3A_21 = arith.addf %mul3A_16, %add3A_20 : vector<1000x16xf32>
    %get3A_22 = arith.constant 0 : index
    %get3A_23 = arith.constant 0 : index
    %get3A_24 = vector.load %arg5[%get3A_22, %get3A_23] : memref<1000x1024xf32, #tpu.memory_space<vmem>>, vector<1000x1024xf32>
    %dot_general3A = arith.constant dense<0.000000e+00> : vector<16x1024xf32>
    %dot_general3A_25 = tpu.matmul %add3A_21, %get3A_24, %dot_general3A {dimension_numbers = #tpu.dot_dimension_numbers<[0], [0], [1], [1], [0, 1, 1, 1], [], []>, transpose_lhs_hint = false} : vector<1000x16xf32>, vector<1000x1024xf32>, vector<16x1024xf32> -> vector<16x1024xf32>
    %slice3A = vector.extract_strided_slice %dot_general3A_25 {offsets = [0, 0], sizes = [1, 64], strides = [1, 1]} : vector<16x1024xf32> to vector<1x64xf32>
    %slice3A_26 = vector.extract_strided_slice %dot_general3A_25 {offsets = [1, 64], sizes = [1, 64], strides = [1, 1]} : vector<16x1024xf32> to vector<1x64xf32>
    %add3A_27 = arith.addf %slice3A, %slice3A_26 : vector<1x64xf32>
    %slice3A_28 = vector.extract_strided_slice %dot_general3A_25 {offsets = [2, 128], sizes = [1, 64], strides = [1, 1]} : vector<16x1024xf32> to vector<1x64xf32>
    %add3A_29 = arith.addf %add3A_27, %slice3A_28 : vector<1x64xf32>
    %slice3A_30 = vector.extract_strided_slice %dot_general3A_25 {offsets = [3, 192], sizes = [1, 64], strides = [1, 1]} : vector<16x1024xf32> to vector<1x64xf32>
    %add3A_31 = arith.addf %add3A_29, %slice3A_30 : vector<1x64xf32>
    %slice3A_32 = vector.extract_strided_slice %dot_general3A_25 {offsets = [4, 256], sizes = [1, 64], strides = [1, 1]} : vector<16x1024xf32> to vector<1x64xf32>
    %add3A_33 = arith.addf %add3A_31, %slice3A_32 : vector<1x64xf32>
    %slice3A_34 = vector.extract_strided_slice %dot_general3A_25 {offsets = [5, 320], sizes = [1, 64], strides = [1, 1]} : vector<16x1024xf32> to vector<1x64xf32>
    %add3A_35 = arith.addf %add3A_33, %slice3A_34 : vector<1x64xf32>
    %slice3A_36 = vector.extract_strided_slice %dot_general3A_25 {offsets = [6, 384], sizes = [1, 64], strides = [1, 1]} : vector<16x1024xf32> to vector<1x64xf32>
    %add3A_37 = arith.addf %add3A_35, %slice3A_36 : vector<1x64xf32>
    %slice3A_38 = vector.extract_strided_slice %dot_general3A_25 {offsets = [7, 448], sizes = [1, 64], strides = [1, 1]} : vector<16x1024xf32> to vector<1x64xf32>
    %add3A_39 = arith.addf %add3A_37, %slice3A_38 : vector<1x64xf32>
    %slice3A_40 = vector.extract_strided_slice %dot_general3A_25 {offsets = [8, 512], sizes = [1, 64], strides = [1, 1]} : vector<16x1024xf32> to vector<1x64xf32>
    %add3A_41 = arith.addf %add3A_39, %slice3A_40 : vector<1x64xf32>
    %slice3A_42 = vector.extract_strided_slice %dot_general3A_25 {offsets = [9, 576], sizes = [1, 64], strides = [1, 1]} : vector<16x1024xf32> to vector<1x64xf32>
    %add3A_43 = arith.addf %add3A_41, %slice3A_42 : vector<1x64xf32>
    %slice3A_44 = vector.extract_strided_slice %dot_general3A_25 {offsets = [10, 640], sizes = [1, 64], strides = [1, 1]} : vector<16x1024xf32> to vector<1x64xf32>
    %add3A_45 = arith.addf %add3A_43, %slice3A_44 : vector<1x64xf32>
    %slice3A_46 = vector.extract_strided_slice %dot_general3A_25 {offsets = [11, 704], sizes = [1, 64], strides = [1, 1]} : vector<16x1024xf32> to vector<1x64xf32>
    %add3A_47 = arith.addf %add3A_45, %slice3A_46 : vector<1x64xf32>
    %slice3A_48 = vector.extract_strided_slice %dot_general3A_25 {offsets = [12, 768], sizes = [1, 64], strides = [1, 1]} : vector<16x1024xf32> to vector<1x64xf32>
    %add3A_49 = arith.addf %add3A_47, %slice3A_48 : vector<1x64xf32>
    %slice3A_50 = vector.extract_strided_slice %dot_general3A_25 {offsets = [13, 832], sizes = [1, 64], strides = [1, 1]} : vector<16x1024xf32> to vector<1x64xf32>
    %add3A_51 = arith.addf %add3A_49, %slice3A_50 : vector<1x64xf32>
    %slice3A_52 = vector.extract_strided_slice %dot_general3A_25 {offsets = [14, 896], sizes = [1, 64], strides = [1, 1]} : vector<16x1024xf32> to vector<1x64xf32>
    %add3A_53 = arith.addf %add3A_51, %slice3A_52 : vector<1x64xf32>
    %slice3A_54 = vector.extract_strided_slice %dot_general3A_25 {offsets = [15, 960], sizes = [1, 64], strides = [1, 1]} : vector<16x1024xf32> to vector<1x64xf32>
    %add3A_55 = arith.addf %add3A_53, %slice3A_54 : vector<1x64xf32>
    %eq3A = arith.constant 0 : i32
    %eq3A_56 = arith.cmpi eq, %arg0, %eq3A : i32
    %convert_element_type3A = arith.extui %eq3A_56 : i1 to i32
    %cond3A = arith.constant 0 : i32
    %cond3A_57 = arith.cmpi ne, %convert_element_type3A, %cond3A : i32
    scf.if %cond3A_57 {
      %swap3A = arith.constant 0 : index
      %swap3A_67 = arith.constant 0 : index
      %swap3A_68 = vector.load %arg10[%swap3A, %swap3A_67] : memref<1x64xf32, #tpu.memory_space<vmem>>, vector<1x64xf32>
      tpu.vector_store %arg10[%swap3A, %swap3A_67], %add3A_55 {strides = array<i32>} : memref<1x64xf32, #tpu.memory_space<vmem>>, vector<1x64xf32>,
    } else {
    }
    %gt3A = arith.constant 0 : i32
    %gt3A_58 = arith.cmpi sgt, %arg0, %gt3A : i32
    %convert_element_type3A_59 = arith.extui %gt3A_58 : i1 to i32
    %cond3A_60 = arith.constant 0 : i32
    %cond3A_61 = arith.cmpi ne, %convert_element_type3A_59, %cond3A_60 : i32
    scf.if %cond3A_61 {
      %get3A_67 = arith.constant 0 : index
      %get3A_68 = arith.constant 0 : index
      %get3A_69 = vector.load %arg10[%get3A_67, %get3A_68] : memref<1x64xf32, #tpu.memory_space<vmem>>, vector<1x64xf32>
      %add3A_70 = arith.addf %get3A_69, %add3A_55 : vector<1x64xf32>
      %swap3A = arith.constant 0 : index
      %swap3A_71 = arith.constant 0 : index
      %swap3A_72 = vector.load %arg10[%swap3A, %swap3A_71] : memref<1x64xf32, #tpu.memory_space<vmem>>, vector<1x64xf32>
      tpu.vector_store %arg10[%swap3A, %swap3A_71], %add3A_70 {strides = array<i32>} : memref<1x64xf32, #tpu.memory_space<vmem>>, vector<1x64xf32>,
    } else {
    }
    %eq3A_62 = arith.constant 9 : i32
    %eq3A_63 = arith.cmpi eq, %arg0, %eq3A_62 : i32
    %convert_element_type3A_64 = arith.extui %eq3A_63 : i1 to i32
    %cond3A_65 = arith.constant 0 : i32
    %cond3A_66 = arith.cmpi ne, %convert_element_type3A_64, %cond3A_65 : i32
    scf.if %cond3A_66 {
      %get3A_67 = arith.constant 0 : index
      %get3A_68 = arith.constant 0 : index
      %get3A_69 = vector.load %arg10[%get3A_67, %get3A_68] : memref<1x64xf32, #tpu.memory_space<vmem>>, vector<1x64xf32>
      %get3A_70 = arith.constant 0 : index
      %get3A_71 = arith.constant 0 : index
      %get3A_72 = vector.load %arg6[%get3A_70, %get3A_71] : memref<1x64xf32, #tpu.memory_space<vmem>>, vector<1x64xf32>
      %add3A_73 = arith.addf %get3A_69, %get3A_72 : vector<1x64xf32>
      %get3A_74 = arith.constant 0 : index
      %get3A_75 = arith.constant 0 : index
      %get3A_76 = vector.load %arg7[%get3A_74, %get3A_75] : memref<64x10000xf32, #tpu.memory_space<vmem>>, vector<64x10000xf32>
      %dot_general3A_77 = arith.constant dense<0.000000e+00> : vector<1x10000xf32>
      %dot_general3A_78 = tpu.matmul %add3A_73, %get3A_76, %dot_general3A_77 {dimension_numbers = #tpu.dot_dimension_numbers<[1], [0], [0], [1], [0, 0, 1, 1], [], []>, transpose_lhs_hint = false} : vector<1x64xf32>, vector<64x10000xf32>, vector<1x10000xf32> -> vector<1x10000xf32>
      %get3A_79 = arith.constant 0 : index
      %get3A_80 = arith.constant 0 : index
      %get3A_81 = vector.load %arg8[%get3A_79, %get3A_80] : memref<1x10000xf32, #tpu.memory_space<vmem>>, vector<1x10000xf32>
      %add3A_82 = arith.addf %dot_general3A_78, %get3A_81 : vector<1x10000xf32>
      %swap3A = arith.constant 0 : index
      %swap3A_83 = arith.constant 0 : index
      %swap3A_84 = vector.load %arg9[%swap3A, %swap3A_83] : memref<1x10000xf32, #tpu.memory_space<vmem>>, vector<1x10000xf32>
      tpu.vector_store %arg9[%swap3A, %swap3A_83], %add3A_82 {strides = array<i32>} : memref<1x10000xf32, #tpu.memory_space<vmem>>, vector<1x10000xf32>,
    } else {
    }
    return
  }
  func.func @transform_0(%arg0: i32) -> (i32, i32, i32) {
    %c0_i32 = arith.constant 0 : i32
    %c0_i32_0 = arith.constant 0 : i32
    %c0_i32_1 = arith.constant 0 : i32
    return %c0_i32, %arg0, %c0_i32_0 : i32, i32, i32
  }
  func.func @transform_1(%arg0: i32) -> (i32, i32) {
    %c0_i32 = arith.constant 0 : i32
    %c0_i32_0 = arith.constant 0 : i32
    return %arg0, %c0_i32 : i32, i32
  }
  func.func @transform_2(%arg0: i32) -> (i32, i32) {
    %c0_i32 = arith.constant 0 : i32
    %c0_i32_0 = arith.constant 0 : i32
    return %arg0, %c0_i32 : i32, i32
  }
  func.func @transform_3(%arg0: i32) -> (i32, i32) {
    %c0_i32 = arith.constant 0 : i32
    %c0_i32_0 = arith.constant 0 : i32
    %c0_i32_1 = arith.constant 0 : i32
    return %c0_i32, %c0_i32_0 : i32, i32
  }
  func.func @transform_4(%arg0: i32) -> (i32, i32) {
    %c0_i32 = arith.constant 0 : i32
    %c0_i32_0 = arith.constant 0 : i32
    return %arg0, %c0_i32 : i32, i32
  }
  func.func @transform_5(%arg0: i32) -> (i32, i32) {
    %c0_i32 = arith.constant 0 : i32
    %c0_i32_0 = arith.constant 0 : i32
    %c0_i32_1 = arith.constant 0 : i32
    return %c0_i32, %c0_i32_0 : i32, i32
  }
  func.func @transform_6(%arg0: i32) -> (i32, i32) {
    %c0_i32 = arith.constant 0 : i32
    %c0_i32_0 = arith.constant 0 : i32
    %c0_i32_1 = arith.constant 0 : i32
    return %c0_i32, %c0_i32_0 : i32, i32
  }
  func.func @transform_7(%arg0: i32) -> (i32, i32) {
    %c0_i32 = arith.constant 0 : i32
    %c0_i32_0 = arith.constant 0 : i32
    %c0_i32_1 = arith.constant 0 : i32
    return %c0_i32, %c0_i32_0 : i32, i32
  }
  func.func @transform_8(%arg0: i32) -> (i32, i32) {
    %c0_i32 = arith.constant 0 : i32
    %c0_i32_0 = arith.constant 0 : i32
    %c0_i32_1 = arith.constant 0 : i32
    return %c0_i32, %c0_i32_0 : i32, i32
  }
}

</mosaic_0001>

<sc_bundles>
// kernel: kernel.11.cloned.1.call-start
scs
__scs_entry_jumppad:
0x0: {  	(pc) =	sbr.rel $0x88, $3  }
0x1: {  	(tag) =	ssettag $0x0;
	lr =	simm.s32 $0x1  }
0x2: {  	[smem:$0x3F95] =	sst lr;
	_ =	strace $0xD0000000  }
0x3: {  	_ = 	snop  }
0x4: {  	_ = 	snop  }
0x5: {  	_ = 	snop  }
0x6: {  	_ = 	snop  }
0x7: {  	_ = 	snop  }
__scs_overlays_trampoline_lowered:
0x8: {  	[smem:$0x3FA4] =	sst s0  }
0x9: {  	[smem:$0x3FA5] =	sst s1  }
0xa: {  	[smem:$0x3FA6] =	sst s2  }
0xb: {  	[smem:$0x3FA7] =	sst s3  }
0xc: {  	[smem:$0x3FA8] =	sst s4  }
0xd: {  	[smem:$0x3FA9] =	sst s5  }
0xe: {  	[smem:$0x3FAA] =	sst s6  }
0xf: {  	[smem:$0x3FAB] =	sst s7  }
0x10: {  	[smem:$0x3FAC] =	sst s8  }
0x11: {  	[smem:$0x3FAD] =	sst s9;
	s0 =	simm.s32 @!p0 $0x0  }
0x12: {  	s1 =	sld [smem:$0x3F93];
	s0 =	simm.s32 @p0 $0x1  }
0x13: {  	[smem:$0x3FAE] =	sst s0;
	s0 =	simm.s32 @!p1 $0x0  }
0x14: {  	s2 =	sld [smem:$0x3F92];
	s0 =	simm.s32 @p1 $0x1  }
0x15: {  	[smem:$0x3FAF] =	sst s0;
	s0 =	simm.s32 @!p2 $0x0  }
0x16: {  	s3 =	sld [smem:$0x3FDB];
	s0 =	simm.s32 @p2 $0x1  }
0x17: {  	s4 =	simm.s32 $0x1BF5;
	[smem:$0x3FB1] =	sst s0  }
0x18: {  	s0 =	sld [smem:$0x3F94];
	_ =	swait.ge [sflag:s4], $0x0  }
0x19: {  	s7 =	sld [smem:$0x3F95]  }
0x1a: {  	s8 =	sadd.s32 $0xFFFFE003, lr  }
0x1b: {  	s9 =	sadd.s32 $0xFFFFFEF7, lr;
	s5 =	simm.s32 $0xFFFFFFFF;
	p2 =	slt.u32 s8, $0xFFFFF086  }
0x1c: {  	p1 =	slt.u32 s9, $0xF7A;
	s5 =	simm.s32 @!p2 $0x0  }
0x1d: {  	s5 =	simm.s32 @p1 $0x1;
	p0 =	seq.s32 s7, s2  }
0x1e: {  	s7 =	smul.u32 @!p0 $0xF7A, s2;
	p2 =	seq.s32 @!p0 s5, $0x0  }
0x1f: {  	s9 =	smul.u32 $0xF7A, s1;
	s8 =	simm.s32 @!p0 $0x1BF5;
	p2 =	por !p2, p0  }
0x20: {  	[sflag:s8] =	ssyncset.s32 @!p0 $0xFFFFF086;
	s6 =	sadd.s32 @!p0 s3, s7;
	s7 =	simm.s32 @!p0 $0x108  }
0x21: {  	s3 =	sadd.s32 s3, s9;
	s6 =	sadd.s32 @!p0 $0x88, s6;
	s7 =	simm.s32 @p2 $0x1082  }
0x22: {  	[simem:s7], [sflag:s8] =	dma.local @!p0 [hbm:s6], $0xF7A  }
0x23: {  	s9 =	sor.u32 $0xD0000000, s2;
	s6 =	simm.s32 $0x108;
	_ =	swait.ge @!p0 [sflag:s8], $0x0  }
0x24: {  	s3 =	sadd.s32 $0x88, s3;
	s6 =	simm.s32 @!p1 $0x1082;
	[sflag:s4] =	ssyncset.s32 $0xFFFFF086  }
0x25: {  	[simem:s6], [sflag:s4] =	dma.local [hbm:s3], $0xF7A  }
0x26: {  	[smem:$0x3F95] =	sst s1;
	(tag) =	ssettag s2;
	_ =	strace s9  }
0x27: {  	s1 =	sld [smem:$0x3FA5]  }
0x28: {  	s2 =	sld [smem:$0x3FA6]  }
0x29: {  	s4 =	sld [smem:$0x3FA8]  }
0x2a: {  	p0 =	seq.s32 s5, $0x0;
	s5 =	sld [smem:$0x3FA9]  }
0x2b: {  	s6 =	sld [smem:$0x3FAA]  }
0x2c: {  	s7 =	sld [smem:$0x3FAB]  }
0x2d: {  	s3 =	simm.s32 $0x108;
	s8 =	sld [smem:$0x3FAC]  }
0x2e: {  	s3 =	simm.s32 @!p0 $0x1082;
	s9 =	sld [smem:$0x3FAD]  }
0x2f: {  	lr =	sadd.s32 s0, s3;
	s0 =	sld [smem:$0x3FA4]  }
0x30: {  	s3 =	sld [smem:$0x3FA7]  }
0x31: {  	[smem:$0x3FB0] =	sst s10  }
0x32: {  	s10 =	sld [smem:$0x3FAE];
	_ =	sdelay $0x3  }
0x33: {  	p0 =	seq.s32 s10, $0x1;
	s10 =	sld [smem:$0x3FB0];
	_ =	sdelay $0x3  }
0x34: {  	[smem:$0x3FB0] =	sst s10  }
0x35: {  	s10 =	sld [smem:$0x3FAF];
	_ =	sdelay $0x3  }
0x36: {  	p1 =	seq.s32 s10, $0x1;
	s10 =	sld [smem:$0x3FB0];
	_ =	sdelay $0x3  }
0x37: {  	[smem:$0x3FB0] =	sst s10  }
0x38: {  	s10 =	sld [smem:$0x3FB1]  }
0x39: {  	_ = 	snop;
	(pc) =	sbr.ind lr, $3  }
0x3a: {  	_ = 	snop  }
0x3b: {  	_ = 	snop  }
0x3c: {  	p2 =	seq.s32 s10, $0x1;
	s10 =	sld [smem:$0x3FB0]  }
0x3d: {  	_ =	shalt  }
0x3e: {  	_ =	shalt  }
0x3f: {  	_ =	shalt  }
0x40: {  	_ =	shalt  }
0x41: {  	_ =	shalt  }
0x42: {  	_ =	shalt  }
0x43: {  	_ =	shalt  }
0x44: {  	_ =	shalt  }
0x45: {  	_ =	shalt  }
0x46: {  	_ =	shalt  }
0x47: {  	_ =	shalt  }
0x48: {  	_ =	shalt  }
0x49: {  	_ =	shalt  }
0x4a: {  	_ =	shalt  }
0x4b: {  	_ =	shalt  }
0x4c: {  	_ =	shalt  }
0x4d: {  	_ =	shalt  }
0x4e: {  	_ =	shalt  }
0x4f: {  	_ =	shalt  }
0x50: {  	_ =	shalt  }
0x51: {  	_ =	shalt  }
0x52: {  	_ =	shalt  }
0x53: {  	_ =	shalt  }
0x54: {  	_ =	shalt  }
0x55: {  	_ =	shalt  }
0x56: {  	_ =	shalt  }
0x57: {  	_ =	shalt  }
0x58: {  	_ =	shalt  }
0x59: {  	_ =	shalt  }
0x5a: {  	_ =	shalt  }
0x5b: {  	_ =	shalt  }
0x5c: {  	_ =	shalt  }
0x5d: {  	_ =	shalt  }
0x5e: {  	_ =	shalt  }
0x5f: {  	_ =	shalt  }
0x60: {  	_ =	shalt  }
0x61: {  	_ =	shalt  }
0x62: {  	_ =	shalt  }
0x63: {  	_ =	shalt  }
0x64: {  	_ =	shalt  }
0x65: {  	_ =	shalt  }
0x66: {  	_ =	shalt  }
0x67: {  	_ =	shalt  }
0x68: {  	_ =	shalt  }
0x69: {  	_ =	shalt  }
0x6a: {  	_ =	shalt  }
0x6b: {  	_ =	shalt  }
0x6c: {  	_ =	shalt  }
0x6d: {  	_ =	shalt  }
0x6e: {  	_ =	shalt  }
0x6f: {  	_ =	shalt  }
0x70: {  	_ =	shalt  }
0x71: {  	_ =	shalt  }
0x72: {  	_ =	shalt  }
0x73: {  	_ =	shalt  }
0x74: {  	_ =	shalt  }
0x75: {  	_ =	shalt  }
0x76: {  	_ =	shalt  }
0x77: {  	_ =	shalt  }
0x78: {  	_ =	shalt  }
0x79: {  	_ =	shalt  }
0x7a: {  	_ =	shalt  }
0x7b: {  	_ =	shalt  }
0x7c: {  	_ =	shalt  }
0x7d: {  	_ =	shalt  }
0x7e: {  	_ =	shalt  }
0x7f: {  	_ =	shalt  }
0x80: {  	_ =	shalt  }
0x81: {  	_ =	shalt  }
0x82: {  	_ =	shalt  }
0x83: {  	_ =	shalt  }
0x84: {  	_ =	shalt  }
0x85: {  	_ =	shalt  }
0x86: {  	_ =	shalt  }
0x87: {  	_ =	shalt  }
.Lfunc_end0:
.L_simem_size_0:
called_computation_lowered:
.L_overlay_start_0:
0x88: {  	s2 =	sld [smem:$0x3FD9]  }
0x89: {  	s3 =	sld [smem:$0x3FFE];
	_ =	sdelay $0x1  }
0x8a: {  	s1 =	srdreg.scid  }
0x8b: {  	s0 =	sand.u32 $0x1, s1  }
0x8c: {  	s16 =	sshll.u32 s0, $0xA;
	s2 =	sadd.s32 s3, s2  }
0x8d: {  	s2 =	sadd.s32 s2, s16  }
0x8e: {  	[smem:$0x3FBC] =	sst s2  }
0x8f: {  	_ = 	snop  }
0x90: {  	(tm) =	ssettm $0x1  }
0x91: {  	s17 =	sld [smem:$0x3FFB];
	_ =	sdelay $0x3  }
0x92: {  	_ =	strace s17  }
0x93: {  	s2 =	sld [smem:$0x3FFC];
	_ =	sdelay $0x3  }
0x94: {  	_ =	strace s2  }
0x95: {  	s2 =	sld [smem:$0x3FFD];
	_ =	sdelay $0x3  }
0x96: {  	_ =	strace s2  }
0x97: {  	_ =	strace $0x8FFFFFFF  }
0x98: {  	s18 =	sld [smem:$0x3FDB];
	_ =	sdelay $0x1  }
0x99: {  	s19 =	simm.s32 $_scs_section_size  }
0x9a: {  	s4 =	simm.s32 $_size__tile_overlayer_lowered;
	s5 =	simm.s32 $_tile_overlayer_lowered  }
0x9b: {  	s22 =	simm.s32 $0x1BFF;
	s21 =	sshll.u32 s5, $0x1;
	s2 =	sadd.s32 s19, s18  }
0x9c: {  	s6 =	simm.s32 $0x0;
	s20 =	sshll.u32 s4, $0x1;
	s4 =	sadd.s32 s21, s2  }
0x9d: {  	[timem:s6], [sflag:s22] =	dma.local [hbm:s4], s20  }
0x9e: {  	_ =	swait.ge [sflag:s22], s20  }
0x9f: {  	s3 =	ssub.s32 $0x0, s20;
	[sflag:s22] =	ssyncset.done $0x0  }
0xa0: {  	[sflag:s22] =	ssyncadd.s32 s3;
	_ =	sdelay $0x1  }
0xa1: {  	s23 =	simm.s32 $0x1B8B  }
0xa2: {  	_ =	swait.ge [sflag:s23], $0x1  }
0xa3: {  	[sflag:s23] =	ssyncset.done $0x0  }
0xa4: {  	s25 =	simm.s32 $0x1B8E;
	s24 =	sld [smem:$0x3FFE];
	[sflag:s23] =	ssyncadd.s32 $0xFFFFFFFF  }
0xa5: {  	s26 =	simm.s32 $execute0_lowered;
	[smem:$0x3FD2] =	sst s25  }
0xa6: {  	s4 =	sshll.u32 s26, $0x1;
	_ =	strace $0x80000046;
	[dreg:$0x1] =	wrdreg $0xFFFFFFFF  }
0xa7: {  	s28 =	simm.s32 $_size_execute0_lowered;
	s2 =	sadd.s32 s2, s4;
	[dreg:$0x0] =	wrdreg $0x0  }
0xa8: {  	s4 =	sshll.u32 s28, $0x1;
	[dreg:$0x2] =	wrdreg s2  }
0xa9: {  	[dreg:$0x3] =	wrdreg s4  }
0xaa: {  	[dreg:$0x4] =	wrdreg $0xC0  }
0xab: {  	_ =	task [dreg:s6], $0x5FFFF  }
0xac: {  	[dreg:$0x1] =	wrdreg $0xFFFFFFFF  }
0xad: {  	[dreg:$0x0] =	wrdreg $0x60  }
0xae: {  	[dreg:$0x2] =	wrdreg s24  }
0xaf: {  	[dreg:$0x3] =	wrdreg $0x2B000  }
0xb0: {  	[dreg:$0x4] =	wrdreg $0x9  }
0xb1: {  	_ =	task.clear_ibuf [dreg:s6], $0x5FFFF;
	_ =	strace $0x90000046  }
0xb2: {  	s29 =	simm.s32 $0x9;
	_ =	strace $0x80000048  }
0xb3: {  	_ =	swait.ge [sflag:s29], $0x1  }
0xb4: {  	[sflag:s29] =	ssyncadd.s32 $0xFFFFFFFF  }
0xb5: {  	_ =	strace $0x90000048  }
0xb6: {  	_ =	sfence  }
0xb7: {  	s30 =	sld [smem:$0x0];
	_ =	sdelay $0x2  }
0xb8: {  	s31 =	sshll.u32 s1, $0xD;
	s1 =	sshrl.u32 s1, $0x2  }
0xb9: {  	s3 =	sand.u32 $0x4000, s31;
	s1 =	sadd.s32 s1, s30  }
0xba: {  	s0 =	sor.u32 s3, s0;
	s1 =	sshll.u32 s1, $0x11  }
0xbb: {  	s0 =	sor.u32 s1, s0  }
0xbc: {  	s0 =	sadd.s32 $0x8F2B, s0  }
0xbd: {  	[sflag:s0] =	ssyncadd.remote.s32 $0x1  }
0xbe: {  	_ =	sfence.sel $0xFFFF  }
0xbf: {  	[dreg:$0x0] =	wrdreg $0xFFFFFFFF;
	(pc) =	sbr.abs _section_cstart, $3  }
0xc0: {  	[dreg:$0x1] =	wrdreg $0xFFFFFFFF  }
0xc1: {  	_ =	task.clear_ibuf [dreg:s6], $0x2FFFF;
	_ =	strace $0x9FFFFFFF  }
0xc2: {  	(tm) =	ssettm $0x7FFFFFFF  }
0xc3: {  	_ =	shalt  }
tec
execute0_lowered:
.L_overlay_start_1:
0x0: {  	(tag) =	ssettag $0x1  }
0x1: {  	s4 =	rddreg [dreg:$0x0]  }
0x2: {  	s2 =	rddreg [dreg:$0x1];
	s3 =	srdreg.scid  }
0x3: {  	s1 =	stileid.u32;
	s0 =	rddreg [dreg:$0x2];
	s10 =	simm.s32 $0x80  }
0x4: {  	s11 =	simm.s32 $0x2800;
	s5 =	sand.u32 $0x1, s3;
	s6 =	smul.u32 $0x278, s1  }
0x5: {  	s3 =	simm.s32 $0x0;
	s7 =	sshll.u32 s1, $0x1;
	s8 =	smul.u32 $0x2780, s5  }
0x6: {  	s12 =	simm.s32 $0x0;
	[smem:$0x7FF] =	sst s3;
	s7 =	sor.u32 s5, s7  }
0x7: {  	s5 =	ssub.s32 $0x2, s5;
	s7 =	smul.u32 $0x500, s7;
	s8 =	sadd.s32 s6, s8  }
0x8: {  	_ =	strace $0x80000047;
	s9 =	sshrl.u32 s5, $0x1;
	s8 =	sshrl.u32 s8, $0x3  }
0x9: {  	s9 =	ssub.s32 s5, s9;
	s7 =	sadd.s32 s7, s4;
	s8 =	sadd.s32 s8, s4  }
0xa: {  	s4 =	sadd.s32 s6, s2;
	s5 =	sadd.s32 $0x2600, s7;
	s7 =	smax.u32 s9, $0x1  }
0xb: {  	v0 =	vimm.f32 $1.000000000e+00;
	v1 =	vimm.f32 $0.0e+00;
	s9 =	simm.s32 $0x1;
	s6 =	sadd.s32 $0x16600, s8;
	s8 =	simm.s32 $0x2880  }
.LBB2_1:
0xc: {  	[tilespmem:$0x2800] =	vst v0  }
0xd: {  	[tilespmem:$0x2810] =	vst v0  }
0xe: {  	[tilespmem:$0x2820] =	vst v0  }
0xf: {  	[tilespmem:$0x2830] =	vst v0  }
0x10: {  	[tilespmem:$0x2840] =	vst v0  }
0x11: {  	[tilespmem:$0x2850] =	vst v0  }
0x12: {  	[tilespmem:$0x2860] =	vst v0  }
0x13: {  	[tilespmem:$0x2870] =	vst v0  }
0x14: {  	[tilespmem:$0x2880] =	vst v1  }
0x15: {  	[tilespmem:$0x2890] =	vst v1  }
0x16: {  	[tilespmem:$0x28A0] =	vst v1  }
0x17: {  	[tilespmem:$0x28B0] =	vst v1  }
0x18: {  	[tilespmem:$0x28C0] =	vst v1  }
0x19: {  	[tilespmem:$0x28D0] =	vst v1  }
0x1a: {  	[tilespmem:$0x28E0] =	vst v1  }
0x1b: {  	[tilespmem:$0x28F0] =	vst v1  }
0x1c: {  	[tilespmem:$0x2900] =	vst v1  }
0x1d: {  	[tilespmem:$0x2910] =	vst v1  }
0x1e: {  	[tilespmem:$0x2920] =	vst v1  }
0x1f: {  	[tilespmem:$0x2930] =	vst v1  }
0x20: {  	[tilespmem:$0x2940] =	vst v1  }
0x21: {  	[tilespmem:$0x2950] =	vst v1  }
0x22: {  	[tilespmem:$0x2960] =	vst v1  }
0x23: {  	[tilespmem:$0x2970] =	vst v1  }
0x24: {  	[tilespmem:$0x2980] =	vst v1  }
0x25: {  	[tilespmem:$0x2990] =	vst v1  }
0x26: {  	[tilespmem:$0x29A0] =	vst v1  }
0x27: {  	[tilespmem:$0x29B0] =	vst v1  }
0x28: {  	[tilespmem:$0x29C0] =	vst v1  }
0x29: {  	[tilespmem:$0x29D0] =	vst v1  }
0x2a: {  	[tilespmem:$0x29E0] =	vst v1  }
0x2b: {  	[tilespmem:$0x29F0] =	vst v1  }
0x2c: {  	[tilespmem:$0x2A00] =	vst v1  }
0x2d: {  	[tilespmem:$0x2A10] =	vst v1  }
0x2e: {  	[tilespmem:$0x2A20] =	vst v1  }
0x2f: {  	[tilespmem:$0x2A30] =	vst v1  }
0x30: {  	[tilespmem:$0x2A40] =	vst v1  }
0x31: {  	[tilespmem:$0x2A50] =	vst v1  }
0x32: {  	[tilespmem:$0x2A60] =	vst v1  }
0x33: {  	[tilespmem:$0x2A70] =	vst v1  }
0x34: {  	[tilespmem:$0x2A80] =	vst v1  }
0x35: {  	[tilespmem:$0x2A90] =	vst v1  }
0x36: {  	[tilespmem:$0x2AA0] =	vst v1  }
0x37: {  	[tilespmem:$0x2AB0] =	vst v1  }
0x38: {  	[tilespmem:$0x2AC0] =	vst v1  }
0x39: {  	[tilespmem:$0x2AD0] =	vst v1  }
0x3a: {  	[tilespmem:$0x2AE0] =	vst v1  }
0x3b: {  	[tilespmem:$0x2AF0] =	vst v1  }
0x3c: {  	[spmem:s4] =	stream.linear.scatter [tilespmem:s8], [sflag:$0x1], $0x278, $0x38;
	[tilespmem:$0x2D78] =	vst v63  }
0x3d: {  	_ =	swait.ge [sflag:s9], $0x278  }
0x3e: {  	[sflag:s9] =	ssyncset.done $0x0  }
0x3f: {  	[sflag:s9] =	ssyncadd.s32 $0xFFFFFD88  }
0x40: {  	[bflag:$0x0] =	sbarrier.arrive $0xFFFF  }
0x41: {  	[tilespmem:s3], [sflag:$0x1] =	stream.linear.gather [hbm4b:s5+s3], $0x2800, $0x38;
	[tilespmem:$0x2D78] =	vst v63  }
0x42: {  	_ =	swait.ge [sflag:s9], $0x2800  }
0x43: {  	[sflag:s9] =	ssyncset.done $0x0  }
0x44: {  	s13 =	simm.s32 $0x0;
	[sflag:s9] =	ssyncadd.s32 $0xFFFFD800  }
0x45: {  	[spmem:s2] =	stream.indirect.scatter.add.f32 [tilespmem:s11], [sflag:$0x1], $0x1, s13, s10, $0xb8;
	[tilespmem:$0x2D78] =	vst v63  }
0x46: {  	_ =	swait.ge [sflag:s9], $0x80  }
0x47: {  	s13 =	simm.s32 $0x200;
	[sflag:s9] =	ssyncset.done $0x0  }
.LBB2_2:
0x48: {  	s14 =	sshra.s32 s13, $0x2;
	[sflag:s9] =	ssyncadd.s32 $0xFFFFFF80;
	p0 =	sne.s32 s13, $0x9E00  }
0x49: {  	[spmem:s2] =	stream.indirect.scatter.add.f32 [tilespmem:s11], [sflag:$0x1], $0x1, s14, s10, $0xb8;
	[tilespmem:$0x2D78] =	vst v63  }
.Ltmp0:
0x4a: {  	_ = 	snop;
	(pc) =	sbr.rel @p0 .LBB2_2-.Ltmp0, $4  }
0x4b: {  	_ = 	snop  }
0x4c: {  	s13 =	sadd.s32 $0x200, s13  }
0x4d: {  	_ =	swait.ge [sflag:s9], $0x80  }
0x4e: {  	[sflag:s9] =	ssyncset.done $0x0  }
0x4f: {  	[sflag:s9] =	ssyncadd.s32 $0xFFFFFF80  }
0x50: {  	[bflag:$0x0] =	sbarrier.arrive $0xFFFF  }
0x51: {  	[tilespmem:s8], [sflag:$0x1] =	stream.linear.gather [spmem:s4], $0x278, $0x38;
	[tilespmem:$0x2D78] =	vst v63  }
0x52: {  	s12 =	sadd.s32 $0x1, s12;
	_ =	swait.ge [sflag:s9], $0x278  }
0x53: {  	p0 =	sne.s32 s12, s7;
	[sflag:s9] =	ssyncset.done $0x0  }
.Ltmp1:
0x54: {  	[sflag:s9] =	ssyncadd.s32 $0xFFFFFD88;
	(pc) =	sbr.rel @p0 .LBB2_1-.Ltmp1, $4  }
0x55: {  	[hbm4b:s6+s3] =	stream.linear.scatter [tilespmem:s8], [sflag:$0x1], $0x278, $0x38;
	[tilespmem:$0x2D78] =	vst v63  }
0x56: {  	_ =	swait.ge [sflag:s9], $0x278  }
0x57: {  	[sflag:s9] =	ssyncset.done $0x0  }
0x58: {  	[sflag:s9] =	ssyncadd.s32 $0xFFFFFD88  }
0x59: {  	_ =	sfence.sel $0x180000  }
0x5a: {  	[bflag:$0x0] =	sbarrier.arrive $0xFFFF  }
0x5b: {  	p0 =	sne.s32 s1, $0x0;
	_ =	strace $0x90000047  }
0x5c: {  	s0 =	sadd.s32 @!p0 $0x100000, s0;
	[bflag:$0x2] =	sbarrier.arrive $0xFFFF  }
0x5d: {  	[sflag:s0] =	ssyncadd.tile.s32 @!p0 $0x1;
	_ =	shalt  }
.Lfunc_end2:
_tile_overlayer_lowered:
.L_overlay_start_2:
0x5e: {  	(tag) =	ssettag $0x2  }
0x5f: {  	s0 =	rddreg [dreg:$0x0];
	s2 =	stileid.u32  }
0x60: {  	s1 =	rddreg [dreg:$0x1];
	p0 =	sne.s32 s2, $0x0  }
0x61: {  	s3 =	rddreg [dreg:$0x2];
	[bflag:$0x3] =	sbarrier.arrive $0xFFFF;
	s2 =	simm.s32 @!p0 $0x1C01  }
0x62: {  	[timem:s3], [sflag:s2] =	dma.local @!p0 [hbm:s0], s1  }
0x63: {  	s0 =	simm.s32 @!p0 $0x1  }
0x64: {  	_ =	swait.ge @!p0 [sflag:s0], s1  }
0x65: {  	s1 =	ssub.s32 @!p0 $0x0, s1;
	[sflag:s0] =	ssyncset.done @!p0 $0x0  }
0x66: {  	[sflag:s0] =	ssyncadd.s32 @!p0 s1  }
0x67: {  	[bflag:$0x3] =	sbarrier.arrive $0xFFFF  }
0x68: {  	_ =	shalt  }

// kernel: kernel.14.cloned.1.call-start
scs
__scs_entry_jumppad:
0x0: {  	(pc) =	sbr.rel $0x88, $3  }
0x1: {  	(tag) =	ssettag $0x0;
	lr =	simm.s32 $0x1  }
0x2: {  	[smem:$0x3F95] =	sst lr;
	_ =	strace $0xD0000000  }
0x3: {  	_ = 	snop  }
0x4: {  	_ = 	snop  }
0x5: {  	_ = 	snop  }
0x6: {  	_ = 	snop  }
0x7: {  	_ = 	snop  }
__scs_overlays_trampoline_lowered:
0x8: {  	[smem:$0x3FA4] =	sst s0  }
0x9: {  	[smem:$0x3FA5] =	sst s1  }
0xa: {  	[smem:$0x3FA6] =	sst s2  }
0xb: {  	[smem:$0x3FA7] =	sst s3  }
0xc: {  	[smem:$0x3FA8] =	sst s4  }
0xd: {  	[smem:$0x3FA9] =	sst s5  }
0xe: {  	[smem:$0x3FAA] =	sst s6  }
0xf: {  	[smem:$0x3FAB] =	sst s7  }
0x10: {  	[smem:$0x3FAC] =	sst s8  }
0x11: {  	[smem:$0x3FAD] =	sst s9;
	s0 =	simm.s32 @!p0 $0x0  }
0x12: {  	s1 =	sld [smem:$0x3F93];
	s0 =	simm.s32 @p0 $0x1  }
0x13: {  	[smem:$0x3FAE] =	sst s0;
	s0 =	simm.s32 @!p1 $0x0  }
0x14: {  	s2 =	sld [smem:$0x3F92];
	s0 =	simm.s32 @p1 $0x1  }
0x15: {  	[smem:$0x3FAF] =	sst s0;
	s0 =	simm.s32 @!p2 $0x0  }
0x16: {  	s3 =	sld [smem:$0x3FDB];
	s0 =	simm.s32 @p2 $0x1  }
0x17: {  	s4 =	simm.s32 $0x1BF5;
	[smem:$0x3FB1] =	sst s0  }
0x18: {  	s0 =	sld [smem:$0x3F94];
	_ =	swait.ge [sflag:s4], $0x0  }
0x19: {  	s7 =	sld [smem:$0x3F95]  }
0x1a: {  	s8 =	sadd.s32 $0xFFFFE003, lr  }
0x1b: {  	s9 =	sadd.s32 $0xFFFFFEF7, lr;
	s5 =	simm.s32 $0xFFFFFFFF;
	p2 =	slt.u32 s8, $0xFFFFF086  }
0x1c: {  	p1 =	slt.u32 s9, $0xF7A;
	s5 =	simm.s32 @!p2 $0x0  }
0x1d: {  	s5 =	simm.s32 @p1 $0x1;
	p0 =	seq.s32 s7, s2  }
0x1e: {  	s7 =	smul.u32 @!p0 $0xF7A, s2;
	p2 =	seq.s32 @!p0 s5, $0x0  }
0x1f: {  	s9 =	smul.u32 $0xF7A, s1;
	s8 =	simm.s32 @!p0 $0x1BF5;
	p2 =	por !p2, p0  }
0x20: {  	[sflag:s8] =	ssyncset.s32 @!p0 $0xFFFFF086;
	s6 =	sadd.s32 @!p0 s3, s7;
	s7 =	simm.s32 @!p0 $0x108  }
0x21: {  	s3 =	sadd.s32 s3, s9;
	s6 =	sadd.s32 @!p0 $0x88, s6;
	s7 =	simm.s32 @p2 $0x1082  }
0x22: {  	[simem:s7], [sflag:s8] =	dma.local @!p0 [hbm:s6], $0xF7A  }
0x23: {  	s9 =	sor.u32 $0xD0000000, s2;
	s6 =	simm.s32 $0x108;
	_ =	swait.ge @!p0 [sflag:s8], $0x0  }
0x24: {  	s3 =	sadd.s32 $0x88, s3;
	s6 =	simm.s32 @!p1 $0x1082;
	[sflag:s4] =	ssyncset.s32 $0xFFFFF086  }
0x25: {  	[simem:s6], [sflag:s4] =	dma.local [hbm:s3], $0xF7A  }
0x26: {  	[smem:$0x3F95] =	sst s1;
	(tag) =	ssettag s2;
	_ =	strace s9  }
0x27: {  	s1 =	sld [smem:$0x3FA5]  }
0x28: {  	s2 =	sld [smem:$0x3FA6]  }
0x29: {  	s4 =	sld [smem:$0x3FA8]  }
0x2a: {  	p0 =	seq.s32 s5, $0x0;
	s5 =	sld [smem:$0x3FA9]  }
0x2b: {  	s6 =	sld [smem:$0x3FAA]  }
0x2c: {  	s7 =	sld [smem:$0x3FAB]  }
0x2d: {  	s3 =	simm.s32 $0x108;
	s8 =	sld [smem:$0x3FAC]  }
0x2e: {  	s3 =	simm.s32 @!p0 $0x1082;
	s9 =	sld [smem:$0x3FAD]  }
0x2f: {  	lr =	sadd.s32 s0, s3;
	s0 =	sld [smem:$0x3FA4]  }
0x30: {  	s3 =	sld [smem:$0x3FA7]  }
0x31: {  	[smem:$0x3FB0] =	sst s10  }
0x32: {  	s10 =	sld [smem:$0x3FAE];
	_ =	sdelay $0x3  }
0x33: {  	p0 =	seq.s32 s10, $0x1;
	s10 =	sld [smem:$0x3FB0];
	_ =	sdelay $0x3  }
0x34: {  	[smem:$0x3FB0] =	sst s10  }
0x35: {  	s10 =	sld [smem:$0x3FAF];
	_ =	sdelay $0x3  }
0x36: {  	p1 =	seq.s32 s10, $0x1;
	s10 =	sld [smem:$0x3FB0];
	_ =	sdelay $0x3  }
0x37: {  	[smem:$0x3FB0] =	sst s10  }
0x38: {  	s10 =	sld [smem:$0x3FB1]  }
0x39: {  	_ = 	snop;
	(pc) =	sbr.ind lr, $3  }
0x3a: {  	_ = 	snop  }
0x3b: {  	_ = 	snop  }
0x3c: {  	p2 =	seq.s32 s10, $0x1;
	s10 =	sld [smem:$0x3FB0]  }
0x3d: {  	_ =	shalt  }
0x3e: {  	_ =	shalt  }
0x3f: {  	_ =	shalt  }
0x40: {  	_ =	shalt  }
0x41: {  	_ =	shalt  }
0x42: {  	_ =	shalt  }
0x43: {  	_ =	shalt  }
0x44: {  	_ =	shalt  }
0x45: {  	_ =	shalt  }
0x46: {  	_ =	shalt  }
0x47: {  	_ =	shalt  }
0x48: {  	_ =	shalt  }
0x49: {  	_ =	shalt  }
0x4a: {  	_ =	shalt  }
0x4b: {  	_ =	shalt  }
0x4c: {  	_ =	shalt  }
0x4d: {  	_ =	shalt  }
0x4e: {  	_ =	shalt  }
0x4f: {  	_ =	shalt  }
0x50: {  	_ =	shalt  }
0x51: {  	_ =	shalt  }
0x52: {  	_ =	shalt  }
0x53: {  	_ =	shalt  }
0x54: {  	_ =	shalt  }
0x55: {  	_ =	shalt  }
0x56: {  	_ =	shalt  }
0x57: {  	_ =	shalt  }
0x58: {  	_ =	shalt  }
0x59: {  	_ =	shalt  }
0x5a: {  	_ =	shalt  }
0x5b: {  	_ =	shalt  }
0x5c: {  	_ =	shalt  }
0x5d: {  	_ =	shalt  }
0x5e: {  	_ =	shalt  }
0x5f: {  	_ =	shalt  }
0x60: {  	_ =	shalt  }
0x61: {  	_ =	shalt  }
0x62: {  	_ =	shalt  }
0x63: {  	_ =	shalt  }
0x64: {  	_ =	shalt  }
0x65: {  	_ =	shalt  }
0x66: {  	_ =	shalt  }
0x67: {  	_ =	shalt  }
0x68: {  	_ =	shalt  }
0x69: {  	_ =	shalt  }
0x6a: {  	_ =	shalt  }
0x6b: {  	_ =	shalt  }
0x6c: {  	_ =	shalt  }
0x6d: {  	_ =	shalt  }
0x6e: {  	_ =	shalt  }
0x6f: {  	_ =	shalt  }
0x70: {  	_ =	shalt  }
0x71: {  	_ =	shalt  }
0x72: {  	_ =	shalt  }
0x73: {  	_ =	shalt  }
0x74: {  	_ =	shalt  }
0x75: {  	_ =	shalt  }
0x76: {  	_ =	shalt  }
0x77: {  	_ =	shalt  }
0x78: {  	_ =	shalt  }
0x79: {  	_ =	shalt  }
0x7a: {  	_ =	shalt  }
0x7b: {  	_ =	shalt  }
0x7c: {  	_ =	shalt  }
0x7d: {  	_ =	shalt  }
0x7e: {  	_ =	shalt  }
0x7f: {  	_ =	shalt  }
0x80: {  	_ =	shalt  }
0x81: {  	_ =	shalt  }
0x82: {  	_ =	shalt  }
0x83: {  	_ =	shalt  }
0x84: {  	_ =	shalt  }
0x85: {  	_ =	shalt  }
0x86: {  	_ =	shalt  }
0x87: {  	_ =	shalt  }
.Lfunc_end0:
.L_simem_size_0:
called_computation.1_lowered:
.L_overlay_start_0:
0x88: {  	s2 =	sld [smem:$0x3FD9]  }
0x89: {  	s3 =	sld [smem:$0x3FFE];
	_ =	sdelay $0x1  }
0x8a: {  	s1 =	srdreg.scid  }
0x8b: {  	s0 =	sand.u32 $0x1, s1  }
0x8c: {  	s16 =	sshll.u32 s0, $0xA;
	s2 =	sadd.s32 s3, s2  }
0x8d: {  	s2 =	sadd.s32 s2, s16  }
0x8e: {  	[smem:$0x3FBC] =	sst s2  }
0x8f: {  	_ = 	snop  }
0x90: {  	(tm) =	ssettm $0x1  }
0x91: {  	s17 =	sld [smem:$0x3FFB];
	_ =	sdelay $0x3  }
0x92: {  	_ =	strace s17  }
0x93: {  	s2 =	sld [smem:$0x3FFC];
	_ =	sdelay $0x3  }
0x94: {  	_ =	strace s2  }
0x95: {  	s2 =	sld [smem:$0x3FFD];
	_ =	sdelay $0x3  }
0x96: {  	_ =	strace s2  }
0x97: {  	_ =	strace $0x8FFFFFFF  }
0x98: {  	s18 =	sld [smem:$0x3FDB];
	_ =	sdelay $0x1  }
0x99: {  	s19 =	simm.s32 $_scs_section_size  }
0x9a: {  	s4 =	simm.s32 $_size__tile_overlayer_lowered;
	s5 =	simm.s32 $_tile_overlayer_lowered  }
0x9b: {  	s22 =	simm.s32 $0x1BFF;
	s21 =	sshll.u32 s5, $0x1;
	s2 =	sadd.s32 s19, s18  }
0x9c: {  	s6 =	simm.s32 $0x0;
	s20 =	sshll.u32 s4, $0x1;
	s4 =	sadd.s32 s21, s2  }
0x9d: {  	[timem:s6], [sflag:s22] =	dma.local [hbm:s4], s20  }
0x9e: {  	_ =	swait.ge [sflag:s22], s20  }
0x9f: {  	s3 =	ssub.s32 $0x0, s20;
	[sflag:s22] =	ssyncset.done $0x0  }
0xa0: {  	[sflag:s22] =	ssyncadd.s32 s3;
	_ =	sdelay $0x1  }
0xa1: {  	s23 =	simm.s32 $0x1B8B  }
0xa2: {  	_ =	swait.ge [sflag:s23], $0x1  }
0xa3: {  	[sflag:s23] =	ssyncset.done $0x0  }
0xa4: {  	s25 =	simm.s32 $0x1B8E;
	s24 =	sld [smem:$0x3FFE];
	[sflag:s23] =	ssyncadd.s32 $0xFFFFFFFF  }
0xa5: {  	s26 =	simm.s32 $execute0_lowered;
	[smem:$0x3FD2] =	sst s25  }
0xa6: {  	s4 =	sshll.u32 s26, $0x1;
	_ =	strace $0x80000049;
	[dreg:$0x1] =	wrdreg $0xFFFFFFFF  }
0xa7: {  	s28 =	simm.s32 $_size_execute0_lowered;
	s2 =	sadd.s32 s2, s4;
	[dreg:$0x0] =	wrdreg $0x0  }
0xa8: {  	s4 =	sshll.u32 s28, $0x1;
	[dreg:$0x2] =	wrdreg s2  }
0xa9: {  	[dreg:$0x3] =	wrdreg s4  }
0xaa: {  	[dreg:$0x4] =	wrdreg $0xC0  }
0xab: {  	_ =	task [dreg:s6], $0x5FFFF  }
0xac: {  	[dreg:$0x1] =	wrdreg $0xFFFFFFFF  }
0xad: {  	[dreg:$0x0] =	wrdreg $0x60  }
0xae: {  	[dreg:$0x2] =	wrdreg s24  }
0xaf: {  	[dreg:$0x3] =	wrdreg $0xF8000  }
0xb0: {  	[dreg:$0x4] =	wrdreg $0x9  }
0xb1: {  	_ =	task.clear_ibuf [dreg:s6], $0x5FFFF;
	_ =	strace $0x90000049  }
0xb2: {  	s29 =	simm.s32 $0x9;
	_ =	strace $0x8000004B  }
0xb3: {  	_ =	swait.ge [sflag:s29], $0x1  }
0xb4: {  	[sflag:s29] =	ssyncadd.s32 $0xFFFFFFFF  }
0xb5: {  	_ =	strace $0x9000004B  }
0xb6: {  	_ =	sfence  }
0xb7: {  	s30 =	sld [smem:$0x0];
	_ =	sdelay $0x2  }
0xb8: {  	s31 =	sshll.u32 s1, $0xD;
	s1 =	sshrl.u32 s1, $0x2  }
0xb9: {  	s3 =	sand.u32 $0x4000, s31;
	s1 =	sadd.s32 s1, s30  }
0xba: {  	s0 =	sor.u32 s3, s0;
	s1 =	sshll.u32 s1, $0x11  }
0xbb: {  	s0 =	sor.u32 s1, s0  }
0xbc: {  	s0 =	sadd.s32 $0x8F2B, s0  }
0xbd: {  	[sflag:s0] =	ssyncadd.remote.s32 $0x1  }
0xbe: {  	_ =	sfence.sel $0xFFFF  }
0xbf: {  	[dreg:$0x0] =	wrdreg $0xFFFFFFFF;
	(pc) =	sbr.abs _section_cstart, $3  }
0xc0: {  	[dreg:$0x1] =	wrdreg $0xFFFFFFFF  }
0xc1: {  	_ =	task.clear_ibuf [dreg:s6], $0x2FFFF;
	_ =	strace $0x9FFFFFFF  }
0xc2: {  	(tm) =	ssettm $0x7FFFFFFF  }
0xc3: {  	_ =	shalt  }
tec
execute0_lowered:
.L_overlay_start_1:
0x0: {  	(tag) =	ssettag $0x1  }
0x1: {  	s5 =	rddreg [dreg:$0x0];
	s1 =	srdreg.scid  }
0x2: {  	s0 =	stileid.u32;
	s2 =	rddreg [dreg:$0x1]  }
0x3: {  	s3 =	simm.s32 $0x0;
	s18 =	simm.s32 $0x2800;
	s19 =	simm.s32 $0x80  }
0x4: {  	s20 =	simm.s32 $0x5000;
	s21 =	simm.s32 $0x7000;
	s22 =	simm.s32 $0x9000  }
0x5: {  	s23 =	simm.s32 $0xB000;
	s24 =	simm.s32 $0x1;
	s25 =	simm.s32 $0x0  }
0x6: {  	s6 =	sand.u32 $0x1, s1;
	s4 =	sshll.u32 s0, $0x1;
	s1 =	rddreg [dreg:$0x2]  }
0x7: {  	[smem:$0x7FF] =	sst s3;
	s9 =	smul.u32 $0x9E00, s0;
	s14 =	sadd.s32 $0x2A200, s5  }
0x8: {  	s4 =	sor.u32 s6, s4;
	s7 =	ssub.s32 $0x2, s6;
	s13 =	smul.u32 $0x9E000, s6  }
0x9: {  	_ =	strace $0x8000004A;
	s4 =	smul.u32 $0x500, s4;
	s8 =	sshrl.u32 s7, $0x1  }
0xa: {  	s12 =	sadd.s32 $0x2800, s9;
	s16 =	sadd.s32 $0x5000, s9;
	s17 =	sadd.s32 $0x7800, s9  }
0xb: {  	s15 =	ssub.s32 s7, s8;
	s6 =	sadd.s32 s12, s2;
	s7 =	sadd.s32 s16, s2  }
0xc: {  	s8 =	sadd.s32 s17, s2;
	s11 =	sadd.s32 s9, s13;
	s12 =	sadd.s32 s13, s12  }
0xd: {  	s16 =	sadd.s32 s13, s16;
	s17 =	sadd.s32 s13, s17;
	s10 =	sadd.s32 s4, s5  }
0xe: {  	s4 =	sadd.s32 $0x16600, s5;
	s5 =	sadd.s32 s9, s2;
	s11 =	sshrl.u32 s11, $0x3  }
0xf: {  	s12 =	sshrl.u32 s12, $0x3;
	s16 =	sshrl.u32 s16, $0x3;
	s31 =	sshrl.u32 s17, $0x3  }
0x10: {  	s15 =	smax.u32 s15, $0x1;
	s17 =	simm.s32 $0x2;
	s9 =	sadd.s32 $0xC600, s10  }
0x11: {  	s10 =	sadd.s32 $0x2600, s10;
	s11 =	sadd.s32 s14, s11;
	s12 =	sadd.s32 s14, s12  }
0x12: {  	v0 =	vimm.f32 $0.0e+00;
	s13 =	sadd.s32 s14, s16;
	s14 =	sadd.s32 s14, s31;
	s16 =	simm.s32 $0xD000  }
.LBB2_1:
0x13: {  	s26 =	sand.u32 $0xFF00, s3  }
0x14: {  	s28 =	sand.u32 $0x30, s3;
	s29 =	sshrl.u32 s26, $0x2  }
0x15: {  	s26 =	simm.s32 $0x40;
	s29 =	sor.u32 s28, s29;
	s28 =	simm.s32 $0x0  }
.LBB2_2:
0x16: {  	p0 =	sne.s32 s26, $0x9FC0  }
0x17: {  	[tilespmem:s29+$0xD000] =	vst v0;
	s28 =	sadd.s32 $0x10, s28;
	s29 =	smov.u32 s26;
	s26 =	sadd.s32 $0x40, s26  }
.Ltmp0:
0x18: {  	(pc) =	sbr.rel @p0 .LBB2_2-.Ltmp0, $4  }
0x19: {  	_ = 	snop  }
0x1a: {  	s29 =	sand.u32 $0xFF00, s29  }
0x1b: {  	s30 =	sand.u32 $0x30, s28;
	s29 =	sshrl.u32 s29, $0x2  }
0x1c: {  	s29 =	sor.u32 s30, s29  }
0x1d: {  	[tilespmem:s29+$0xD000] =	vst v0  }
0x1e: {  	[spmem:s5] =	stream.linear.scatter [tilespmem:s16], [sflag:$0x2], $0x2800, $0x38;
	[tilespmem:$0x19600] =	vst v63  }
0x1f: {  	_ =	swait.ge [sflag:s17], $0x2800  }
0x20: {  	[sflag:s17] =	ssyncset.done $0x0  }
0x21: {  	[sflag:s17] =	ssyncadd.s32 $0xFFFFD800  }
0x22: {  	[spmem:s6] =	stream.linear.scatter [tilespmem:s16], [sflag:$0x2], $0x2800, $0x38;
	[tilespmem:$0x19600] =	vst v63  }
0x23: {  	_ =	swait.ge [sflag:s17], $0x2800  }
0x24: {  	[sflag:s17] =	ssyncset.done $0x0  }
0x25: {  	[sflag:s17] =	ssyncadd.s32 $0xFFFFD800  }
0x26: {  	[spmem:s7] =	stream.linear.scatter [tilespmem:s16], [sflag:$0x2], $0x2800, $0x38;
	[tilespmem:$0x19600] =	vst v63  }
0x27: {  	_ =	swait.ge [sflag:s17], $0x2800  }
0x28: {  	[sflag:s17] =	ssyncset.done $0x0  }
0x29: {  	[sflag:s17] =	ssyncadd.s32 $0xFFFFD800  }
0x2a: {  	[spmem:s8] =	stream.linear.scatter [tilespmem:s16], [sflag:$0x2], $0x2600, $0x38;
	[tilespmem:$0x19600] =	vst v63  }
0x2b: {  	_ =	swait.ge [sflag:s17], $0x2600  }
0x2c: {  	[sflag:s17] =	ssyncset.done $0x0  }
0x2d: {  	[sflag:s17] =	ssyncadd.s32 $0xFFFFDA00  }
0x2e: {  	s26 =	simm.s32 $0x0;
	[bflag:$0x0] =	sbarrier.arrive $0xFFFF  }
0x2f: {  	[tilespmem:s26], [sflag:$0x2] =	stream.linear.gather [hbm4b:s9+s26], $0x2800, $0x38;
	[tilespmem:$0x19600] =	vst v63  }
0x30: {  	_ =	swait.ge [sflag:s17], $0x2800  }
0x31: {  	[sflag:s17] =	ssyncset.done $0x0  }
0x32: {  	[sflag:s17] =	ssyncadd.s32 $0xFFFFD800  }
0x33: {  	[tilespmem:s18], [sflag:$0x2] =	stream.linear.gather [hbm4b:s10+s26], $0x2800, $0x38;
	[tilespmem:$0x19600] =	vst v63  }
0x34: {  	_ =	swait.ge [sflag:s17], $0x2800  }
0x35: {  	[sflag:s17] =	ssyncset.done $0x0  }
0x36: {  	s29 =	simm.s32 $0x0;
	[sflag:s17] =	ssyncadd.s32 $0xFFFFD800  }
0x37: {  	[tilespmem:s20], [sflag:$0x1] =	stream.indirect.gather [hbm4b:s4+s19], $0x40, s29, s19, $0xb8;
	[tilespmem:$0x19600] =	vst v63  }
0x38: {  	s31 =	simm.s32 $0x80  }
0x39: {  	[tilespmem:s21], [sflag:$0x1] =	stream.indirect.gather [hbm4b:s4+s19], $0x40, s31, s19, $0xb8;
	[tilespmem:$0x19600] =	vst v63  }
0x3a: {  	s28 =	simm.s32 $0x100  }
0x3b: {  	[tilespmem:s22], [sflag:$0x1] =	stream.indirect.gather [hbm4b:s4+s19], $0x40, s28, s19, $0xb8;
	[tilespmem:$0x19600] =	vst v63  }
0x3c: {  	s29 =	simm.s32 $0x180  }
0x3d: {  	[tilespmem:s23], [sflag:$0x1] =	stream.indirect.gather [hbm4b:s4+s19], $0x40, s29, s19, $0xb8;
	[tilespmem:$0x19600] =	vst v63  }
0x3e: {  	_ =	swait.ge [sflag:s24], $0x2000  }
0x3f: {  	[sflag:s24] =	ssyncset.done $0x0  }
0x40: {  	[sflag:s24] =	ssyncadd.s32 $0xFFFFE000  }
0x41: {  	_ =	swait.ge [sflag:s24], $0x2000  }
0x42: {  	[sflag:s24] =	ssyncset.done $0x0  }
0x43: {  	[sflag:s24] =	ssyncadd.s32 $0xFFFFE000  }
0x44: {  	_ =	swait.ge [sflag:s24], $0x2000  }
0x45: {  	[sflag:s24] =	ssyncset.done $0x0  }
0x46: {  	[sflag:s24] =	ssyncadd.s32 $0xFFFFE000  }
0x47: {  	_ =	swait.ge [sflag:s24], $0x2000  }
0x48: {  	[sflag:s24] =	ssyncset.done $0x0  }
0x49: {  	s31 =	simm.s32 $0x2800;
	[sflag:s24] =	ssyncadd.s32 $0xFFFFE000  }
0x4a: {  	[spmem:s2] =	stream.indirect.scatter.add.f32 [tilespmem:s20], [sflag:$0x2], $0x40, s31, s19, $0xb8;
	[tilespmem:$0x19600] =	vst v63  }
0x4b: {  	_ =	swait.ge [sflag:s17], $0x2000  }
0x4c: {  	[sflag:s17] =	ssyncset.done $0x0  }
0x4d: {  	s28 =	simm.s32 $0x2880;
	[sflag:s17] =	ssyncadd.s32 $0xFFFFE000  }
0x4e: {  	[spmem:s2] =	stream.indirect.scatter.add.f32 [tilespmem:s21], [sflag:$0x2], $0x40, s28, s19, $0xb8;
	[tilespmem:$0x19600] =	vst v63  }
0x4f: {  	_ =	swait.ge [sflag:s17], $0x2000  }
0x50: {  	[sflag:s17] =	ssyncset.done $0x0  }
0x51: {  	s29 =	simm.s32 $0x2900;
	[sflag:s17] =	ssyncadd.s32 $0xFFFFE000  }
0x52: {  	[spmem:s2] =	stream.indirect.scatter.add.f32 [tilespmem:s22], [sflag:$0x2], $0x40, s29, s19, $0xb8;
	[tilespmem:$0x19600] =	vst v63  }
0x53: {  	_ =	swait.ge [sflag:s17], $0x2000  }
0x54: {  	[sflag:s17] =	ssyncset.done $0x0  }
0x55: {  	s31 =	simm.s32 $0x2980;
	[sflag:s17] =	ssyncadd.s32 $0xFFFFE000  }
0x56: {  	[spmem:s2] =	stream.indirect.scatter.add.f32 [tilespmem:s23], [sflag:$0x2], $0x40, s31, s19, $0xb8;
	[tilespmem:$0x19600] =	vst v63  }
0x57: {  	_ =	swait.ge [sflag:s17], $0x2000  }
0x58: {  	s30 =	simm.s32 $0x1000;
	s26 =	simm.s32 $0x800;
	[sflag:s17] =	ssyncset.done $0x0  }
.LBB2_4:
0x59: {  	s29 =	sshra.s32 s26, $0x2  }
0x5a: {  	[sflag:s17] =	ssyncadd.s32 $0xFFFFE000;
	s26 =	smov.u32 s30;
	s28 =	sadd.s32 $0x800, s30  }
0x5b: {  	[tilespmem:s20], [sflag:$0x1] =	stream.indirect.gather [hbm4b:s4+s19], $0x40, s29, s19, $0xb8;
	[tilespmem:$0x19600] =	vst v63  }
0x5c: {  	p0 =	sne.s32 s30, $0x9800;
	s30 =	sadd.s32 $0x80, s29  }
0x5d: {  	[tilespmem:s21], [sflag:$0x1] =	stream.indirect.gather [hbm4b:s4+s19], $0x40, s30, s19, $0xb8;
	[tilespmem:$0x19600] =	vst v63  }
0x5e: {  	s30 =	sadd.s32 $0x100, s29  }
0x5f: {  	[tilespmem:s22], [sflag:$0x1] =	stream.indirect.gather [hbm4b:s4+s19], $0x40, s30, s19, $0xb8;
	[tilespmem:$0x19600] =	vst v63  }
0x60: {  	s30 =	sadd.s32 $0x180, s29  }
0x61: {  	[tilespmem:s23], [sflag:$0x1] =	stream.indirect.gather [hbm4b:s4+s19], $0x40, s30, s19, $0xb8;
	[tilespmem:$0x19600] =	vst v63  }
0x62: {  	_ =	swait.ge [sflag:s24], $0x2000  }
0x63: {  	[sflag:s24] =	ssyncset.done $0x0  }
0x64: {  	[sflag:s24] =	ssyncadd.s32 $0xFFFFE000  }
0x65: {  	_ =	swait.ge [sflag:s24], $0x2000  }
0x66: {  	[sflag:s24] =	ssyncset.done $0x0  }
0x67: {  	[sflag:s24] =	ssyncadd.s32 $0xFFFFE000  }
0x68: {  	_ =	swait.ge [sflag:s24], $0x2000  }
0x69: {  	[sflag:s24] =	ssyncset.done $0x0  }
0x6a: {  	[sflag:s24] =	ssyncadd.s32 $0xFFFFE000  }
0x6b: {  	_ =	swait.ge [sflag:s24], $0x2000  }
0x6c: {  	[sflag:s24] =	ssyncset.done $0x0  }
0x6d: {  	s30 =	sadd.s32 $0x2800, s29;
	[sflag:s24] =	ssyncadd.s32 $0xFFFFE000  }
0x6e: {  	[spmem:s2] =	stream.indirect.scatter.add.f32 [tilespmem:s20], [sflag:$0x2], $0x40, s30, s19, $0xb8;
	[tilespmem:$0x19600] =	vst v63  }
0x6f: {  	_ =	swait.ge [sflag:s17], $0x2000  }
0x70: {  	[sflag:s17] =	ssyncset.done $0x0  }
0x71: {  	s30 =	sadd.s32 $0x2880, s29;
	[sflag:s17] =	ssyncadd.s32 $0xFFFFE000  }
0x72: {  	[spmem:s2] =	stream.indirect.scatter.add.f32 [tilespmem:s21], [sflag:$0x2], $0x40, s30, s19, $0xb8;
	[tilespmem:$0x19600] =	vst v63  }
0x73: {  	_ =	swait.ge [sflag:s17], $0x2000  }
0x74: {  	[sflag:s17] =	ssyncset.done $0x0  }
0x75: {  	s30 =	sadd.s32 $0x2900, s29;
	[sflag:s17] =	ssyncadd.s32 $0xFFFFE000  }
0x76: {  	[spmem:s2] =	stream.indirect.scatter.add.f32 [tilespmem:s22], [sflag:$0x2], $0x40, s30, s19, $0xb8;
	[tilespmem:$0x19600] =	vst v63  }
0x77: {  	_ =	swait.ge [sflag:s17], $0x2000  }
.Ltmp1:
0x78: {  	[sflag:s17] =	ssyncset.done $0x0;
	(pc) =	sbr.rel @p0 .LBB2_4-.Ltmp1, $4  }
0x79: {  	s29 =	sadd.s32 $0x2980, s29;
	[sflag:s17] =	ssyncadd.s32 $0xFFFFE000  }
0x7a: {  	[spmem:s2] =	stream.indirect.scatter.add.f32 [tilespmem:s23], [sflag:$0x2], $0x40, s29, s19, $0xb8;
	[tilespmem:$0x19600] =	vst v63  }
0x7b: {  	_ =	swait.ge [sflag:s17], $0x2000  }
0x7c: {  	s30 =	smov.u32 s28;
	[sflag:s17] =	ssyncset.done $0x0  }
0x7d: {  	s26 =	sshra.s32 s26, $0x2;
	[sflag:s17] =	ssyncadd.s32 $0xFFFFE000  }
0x7e: {  	[tilespmem:s20], [sflag:$0x1] =	stream.indirect.gather [hbm4b:s4+s19], $0x40, s26, s19, $0xb8;
	[tilespmem:$0x19600] =	vst v63  }
0x7f: {  	s28 =	sadd.s32 $0x80, s26  }
0x80: {  	[tilespmem:s21], [sflag:$0x1] =	stream.indirect.gather [hbm4b:s4+s19], $0x40, s28, s19, $0xb8;
	[tilespmem:$0x19600] =	vst v63  }
0x81: {  	s30 =	sadd.s32 $0x100, s26  }
0x82: {  	[tilespmem:s22], [sflag:$0x1] =	stream.indirect.gather [hbm4b:s4+s19], $0x40, s30, s19, $0xb8;
	[tilespmem:$0x19600] =	vst v63  }
0x83: {  	s31 =	sadd.s32 $0x180, s26  }
0x84: {  	[tilespmem:s23], [sflag:$0x1] =	stream.indirect.gather [hbm4b:s4+s19], $0x40, s31, s19, $0xb8;
	[tilespmem:$0x19600] =	vst v63  }
0x85: {  	_ =	swait.ge [sflag:s24], $0x2000  }
0x86: {  	[sflag:s24] =	ssyncset.done $0x0  }
0x87: {  	[sflag:s24] =	ssyncadd.s32 $0xFFFFE000  }
0x88: {  	_ =	swait.ge [sflag:s24], $0x2000  }
0x89: {  	[sflag:s24] =	ssyncset.done $0x0  }
0x8a: {  	[sflag:s24] =	ssyncadd.s32 $0xFFFFE000  }
0x8b: {  	_ =	swait.ge [sflag:s24], $0x2000  }
0x8c: {  	[sflag:s24] =	ssyncset.done $0x0  }
0x8d: {  	[sflag:s24] =	ssyncadd.s32 $0xFFFFE000  }
0x8e: {  	_ =	swait.ge [sflag:s24], $0x2000  }
0x8f: {  	[sflag:s24] =	ssyncset.done $0x0  }
0x90: {  	s29 =	sadd.s32 $0x2800, s26;
	[sflag:s24] =	ssyncadd.s32 $0xFFFFE000  }
0x91: {  	[spmem:s2] =	stream.indirect.scatter.add.f32 [tilespmem:s20], [sflag:$0x2], $0x40, s29, s19, $0xb8;
	[tilespmem:$0x19600] =	vst v63  }
0x92: {  	_ =	swait.ge [sflag:s17], $0x2000  }
0x93: {  	[sflag:s17] =	ssyncset.done $0x0  }
0x94: {  	s30 =	sadd.s32 $0x2880, s26;
	[sflag:s17] =	ssyncadd.s32 $0xFFFFE000  }
0x95: {  	[spmem:s2] =	stream.indirect.scatter.add.f32 [tilespmem:s21], [sflag:$0x2], $0x40, s30, s19, $0xb8;
	[tilespmem:$0x19600] =	vst v63  }
0x96: {  	_ =	swait.ge [sflag:s17], $0x2000  }
0x97: {  	[sflag:s17] =	ssyncset.done $0x0  }
0x98: {  	s31 =	sadd.s32 $0x2900, s26;
	[sflag:s17] =	ssyncadd.s32 $0xFFFFE000  }
0x99: {  	[spmem:s2] =	stream.indirect.scatter.add.f32 [tilespmem:s22], [sflag:$0x2], $0x40, s31, s19, $0xb8;
	[tilespmem:$0x19600] =	vst v63  }
0x9a: {  	_ =	swait.ge [sflag:s17], $0x2000  }
0x9b: {  	[sflag:s17] =	ssyncset.done $0x0  }
0x9c: {  	s26 =	sadd.s32 $0x2980, s26;
	[sflag:s17] =	ssyncadd.s32 $0xFFFFE000  }
0x9d: {  	[spmem:s2] =	stream.indirect.scatter.add.f32 [tilespmem:s23], [sflag:$0x2], $0x40, s26, s19, $0xb8;
	[tilespmem:$0x19600] =	vst v63  }
0x9e: {  	_ =	swait.ge [sflag:s17], $0x2000  }
0x9f: {  	[sflag:s17] =	ssyncset.done $0x0  }
0xa0: {  	[sflag:s17] =	ssyncadd.s32 $0xFFFFE000  }
0xa1: {  	[bflag:$0x0] =	sbarrier.arrive $0xFFFF  }
0xa2: {  	[tilespmem:s16], [sflag:$0x2] =	stream.linear.gather [spmem:s5], $0x2800, $0x38;
	[tilespmem:$0x19600] =	vst v63  }
0xa3: {  	_ =	swait.ge [sflag:s17], $0x2800  }
0xa4: {  	[sflag:s17] =	ssyncset.done $0x0  }
0xa5: {  	[sflag:s17] =	ssyncadd.s32 $0xFFFFD800  }
0xa6: {  	[hbm4b:s11+s3] =	stream.linear.scatter [tilespmem:s16], [sflag:$0x2], $0x2800, $0x38;
	[tilespmem:$0x19600] =	vst v63  }
0xa7: {  	_ =	swait.ge [sflag:s17], $0x2800  }
0xa8: {  	[sflag:s17] =	ssyncset.done $0x0  }
0xa9: {  	[sflag:s17] =	ssyncadd.s32 $0xFFFFD800  }
0xaa: {  	[tilespmem:s16], [sflag:$0x2] =	stream.linear.gather [spmem:s6], $0x2800, $0x38;
	[tilespmem:$0x19600] =	vst v63  }
0xab: {  	_ =	swait.ge [sflag:s17], $0x2800  }
0xac: {  	[sflag:s17] =	ssyncset.done $0x0  }
0xad: {  	[sflag:s17] =	ssyncadd.s32 $0xFFFFD800  }
0xae: {  	[hbm4b:s12+s3] =	stream.linear.scatter [tilespmem:s16], [sflag:$0x2], $0x2800, $0x38;
	[tilespmem:$0x19600] =	vst v63  }
0xaf: {  	_ =	swait.ge [sflag:s17], $0x2800  }
0xb0: {  	[sflag:s17] =	ssyncset.done $0x0  }
0xb1: {  	[sflag:s17] =	ssyncadd.s32 $0xFFFFD800  }
0xb2: {  	[tilespmem:s16], [sflag:$0x2] =	stream.linear.gather [spmem:s7], $0x2800, $0x38;
	[tilespmem:$0x19600] =	vst v63  }
0xb3: {  	_ =	swait.ge [sflag:s17], $0x2800  }
0xb4: {  	[sflag:s17] =	ssyncset.done $0x0  }
0xb5: {  	[sflag:s17] =	ssyncadd.s32 $0xFFFFD800  }
0xb6: {  	[hbm4b:s13+s3] =	stream.linear.scatter [tilespmem:s16], [sflag:$0x2], $0x2800, $0x38;
	[tilespmem:$0x19600] =	vst v63  }
0xb7: {  	_ =	swait.ge [sflag:s17], $0x2800  }
0xb8: {  	[sflag:s17] =	ssyncset.done $0x0  }
0xb9: {  	[sflag:s17] =	ssyncadd.s32 $0xFFFFD800  }
0xba: {  	[tilespmem:s16], [sflag:$0x2] =	stream.linear.gather [spmem:s8], $0x2600, $0x38;
	[tilespmem:$0x19600] =	vst v63  }
0xbb: {  	s25 =	sadd.s32 $0x1, s25;
	_ =	swait.ge [sflag:s17], $0x2600  }
0xbc: {  	p0 =	sne.s32 s25, s15;
	[sflag:s17] =	ssyncset.done $0x0  }
.Ltmp2:
0xbd: {  	[sflag:s17] =	ssyncadd.s32 $0xFFFFDA00;
	(pc) =	sbr.rel @p0 .LBB2_1-.Ltmp2, $4  }
0xbe: {  	[hbm4b:s14+s3] =	stream.linear.scatter [tilespmem:s16], [sflag:$0x2], $0x2600, $0x38;
	[tilespmem:$0x19600] =	vst v63  }
0xbf: {  	_ =	swait.ge [sflag:s17], $0x2600  }
0xc0: {  	[sflag:s17] =	ssyncset.done $0x0  }
0xc1: {  	[sflag:s17] =	ssyncadd.s32 $0xFFFFDA00  }
0xc2: {  	_ =	sfence.sel $0x180000  }
0xc3: {  	[bflag:$0x0] =	sbarrier.arrive $0xFFFF  }
0xc4: {  	p0 =	sne.s32 s0, $0x0;
	_ =	strace $0x9000004A  }
0xc5: {  	s0 =	sadd.s32 @!p0 $0x100000, s1;
	[bflag:$0x2] =	sbarrier.arrive $0xFFFF  }
0xc6: {  	[sflag:s0] =	ssyncadd.tile.s32 @!p0 $0x1;
	_ =	shalt  }
.Lfunc_end2:
_tile_overlayer_lowered:
.L_overlay_start_2:
0xc7: {  	(tag) =	ssettag $0x2  }
0xc8: {  	s0 =	rddreg [dreg:$0x0];
	s2 =	stileid.u32  }
0xc9: {  	s1 =	rddreg [dreg:$0x1];
	p0 =	sne.s32 s2, $0x0  }
0xca: {  	s3 =	rddreg [dreg:$0x2];
	[bflag:$0x3] =	sbarrier.arrive $0xFFFF;
	s2 =	simm.s32 @!p0 $0x1C02  }
0xcb: {  	[timem:s3], [sflag:s2] =	dma.local @!p0 [hbm:s0], s1  }
0xcc: {  	s0 =	simm.s32 @!p0 $0x2  }
0xcd: {  	_ =	swait.ge @!p0 [sflag:s0], s1  }
0xce: {  	s1 =	ssub.s32 @!p0 $0x0, s1;
	[sflag:s0] =	ssyncset.done @!p0 $0x0  }
0xcf: {  	[sflag:s0] =	ssyncadd.s32 @!p0 s1  }
0xd0: {  	[bflag:$0x3] =	sbarrier.arrive $0xFFFF  }
0xd1: {  	_ =	shalt  }

// kernel: kernel.17.cloned.1.call-start
scs
__scs_entry_jumppad:
0x0: {  	(pc) =	sbr.rel $0x88, $3  }
0x1: {  	(tag) =	ssettag $0x0;
	lr =	simm.s32 $0x1  }
0x2: {  	[smem:$0x3F95] =	sst lr;
	_ =	strace $0xD0000000  }
0x3: {  	_ = 	snop  }
0x4: {  	_ = 	snop  }
0x5: {  	_ = 	snop  }
0x6: {  	_ = 	snop  }
0x7: {  	_ = 	snop  }
__scs_overlays_trampoline_lowered:
0x8: {  	[smem:$0x3FA4] =	sst s0  }
0x9: {  	[smem:$0x3FA5] =	sst s1  }
0xa: {  	[smem:$0x3FA6] =	sst s2  }
0xb: {  	[smem:$0x3FA7] =	sst s3  }
0xc: {  	[smem:$0x3FA8] =	sst s4  }
0xd: {  	[smem:$0x3FA9] =	sst s5  }
0xe: {  	[smem:$0x3FAA] =	sst s6  }
0xf: {  	[smem:$0x3FAB] =	sst s7  }
0x10: {  	[smem:$0x3FAC] =	sst s8  }
0x11: {  	[smem:$0x3FAD] =	sst s9;
	s0 =	simm.s32 @!p0 $0x0  }
0x12: {  	s1 =	sld [smem:$0x3F93];
	s0 =	simm.s32 @p0 $0x1  }
0x13: {  	[smem:$0x3FAE] =	sst s0;
	s0 =	simm.s32 @!p1 $0x0  }
0x14: {  	s2 =	sld [smem:$0x3F92];
	s0 =	simm.s32 @p1 $0x1  }
0x15: {  	[smem:$0x3FAF] =	sst s0;
	s0 =	simm.s32 @!p2 $0x0  }
0x16: {  	s3 =	sld [smem:$0x3FDB];
	s0 =	simm.s32 @p2 $0x1  }
0x17: {  	s4 =	simm.s32 $0x1BF5;
	[smem:$0x3FB1] =	sst s0  }
0x18: {  	s0 =	sld [smem:$0x3F94];
	_ =	swait.ge [sflag:s4], $0x0  }
0x19: {  	s7 =	sld [smem:$0x3F95]  }
0x1a: {  	s8 =	sadd.s32 $0xFFFFE003, lr  }
0x1b: {  	s9 =	sadd.s32 $0xFFFFFEF7, lr;
	s5 =	simm.s32 $0xFFFFFFFF;
	p2 =	slt.u32 s8, $0xFFFFF086  }
0x1c: {  	p1 =	slt.u32 s9, $0xF7A;
	s5 =	simm.s32 @!p2 $0x0  }
0x1d: {  	s5 =	simm.s32 @p1 $0x1;
	p0 =	seq.s32 s7, s2  }
0x1e: {  	s7 =	smul.u32 @!p0 $0xF7A, s2;
	p2 =	seq.s32 @!p0 s5, $0x0  }
0x1f: {  	s9 =	smul.u32 $0xF7A, s1;
	s8 =	simm.s32 @!p0 $0x1BF5;
	p2 =	por !p2, p0  }
0x20: {  	[sflag:s8] =	ssyncset.s32 @!p0 $0xFFFFF086;
	s6 =	sadd.s32 @!p0 s3, s7;
	s7 =	simm.s32 @!p0 $0x108  }
0x21: {  	s3 =	sadd.s32 s3, s9;
	s6 =	sadd.s32 @!p0 $0x88, s6;
	s7 =	simm.s32 @p2 $0x1082  }
0x22: {  	[simem:s7], [sflag:s8] =	dma.local @!p0 [hbm:s6], $0xF7A  }
0x23: {  	s9 =	sor.u32 $0xD0000000, s2;
	s6 =	simm.s32 $0x108;
	_ =	swait.ge @!p0 [sflag:s8], $0x0  }
0x24: {  	s3 =	sadd.s32 $0x88, s3;
	s6 =	simm.s32 @!p1 $0x1082;
	[sflag:s4] =	ssyncset.s32 $0xFFFFF086  }
0x25: {  	[simem:s6], [sflag:s4] =	dma.local [hbm:s3], $0xF7A  }
0x26: {  	[smem:$0x3F95] =	sst s1;
	(tag) =	ssettag s2;
	_ =	strace s9  }
0x27: {  	s1 =	sld [smem:$0x3FA5]  }
0x28: {  	s2 =	sld [smem:$0x3FA6]  }
0x29: {  	s4 =	sld [smem:$0x3FA8]  }
0x2a: {  	p0 =	seq.s32 s5, $0x0;
	s5 =	sld [smem:$0x3FA9]  }
0x2b: {  	s6 =	sld [smem:$0x3FAA]  }
0x2c: {  	s7 =	sld [smem:$0x3FAB]  }
0x2d: {  	s3 =	simm.s32 $0x108;
	s8 =	sld [smem:$0x3FAC]  }
0x2e: {  	s3 =	simm.s32 @!p0 $0x1082;
	s9 =	sld [smem:$0x3FAD]  }
0x2f: {  	lr =	sadd.s32 s0, s3;
	s0 =	sld [smem:$0x3FA4]  }
0x30: {  	s3 =	sld [smem:$0x3FA7]  }
0x31: {  	[smem:$0x3FB0] =	sst s10  }
0x32: {  	s10 =	sld [smem:$0x3FAE];
	_ =	sdelay $0x3  }
0x33: {  	p0 =	seq.s32 s10, $0x1;
	s10 =	sld [smem:$0x3FB0];
	_ =	sdelay $0x3  }
0x34: {  	[smem:$0x3FB0] =	sst s10  }
0x35: {  	s10 =	sld [smem:$0x3FAF];
	_ =	sdelay $0x3  }
0x36: {  	p1 =	seq.s32 s10, $0x1;
	s10 =	sld [smem:$0x3FB0];
	_ =	sdelay $0x3  }
0x37: {  	[smem:$0x3FB0] =	sst s10  }
0x38: {  	s10 =	sld [smem:$0x3FB1]  }
0x39: {  	_ = 	snop;
	(pc) =	sbr.ind lr, $3  }
0x3a: {  	_ = 	snop  }
0x3b: {  	_ = 	snop  }
0x3c: {  	p2 =	seq.s32 s10, $0x1;
	s10 =	sld [smem:$0x3FB0]  }
0x3d: {  	_ =	shalt  }
0x3e: {  	_ =	shalt  }
0x3f: {  	_ =	shalt  }
0x40: {  	_ =	shalt  }
0x41: {  	_ =	shalt  }
0x42: {  	_ =	shalt  }
0x43: {  	_ =	shalt  }
0x44: {  	_ =	shalt  }
0x45: {  	_ =	shalt  }
0x46: {  	_ =	shalt  }
0x47: {  	_ =	shalt  }
0x48: {  	_ =	shalt  }
0x49: {  	_ =	shalt  }
0x4a: {  	_ =	shalt  }
0x4b: {  	_ =	shalt  }
0x4c: {  	_ =	shalt  }
0x4d: {  	_ =	shalt  }
0x4e: {  	_ =	shalt  }
0x4f: {  	_ =	shalt  }
0x50: {  	_ =	shalt  }
0x51: {  	_ =	shalt  }
0x52: {  	_ =	shalt  }
0x53: {  	_ =	shalt  }
0x54: {  	_ =	shalt  }
0x55: {  	_ =	shalt  }
0x56: {  	_ =	shalt  }
0x57: {  	_ =	shalt  }
0x58: {  	_ =	shalt  }
0x59: {  	_ =	shalt  }
0x5a: {  	_ =	shalt  }
0x5b: {  	_ =	shalt  }
0x5c: {  	_ =	shalt  }
0x5d: {  	_ =	shalt  }
0x5e: {  	_ =	shalt  }
0x5f: {  	_ =	shalt  }
0x60: {  	_ =	shalt  }
0x61: {  	_ =	shalt  }
0x62: {  	_ =	shalt  }
0x63: {  	_ =	shalt  }
0x64: {  	_ =	shalt  }
0x65: {  	_ =	shalt  }
0x66: {  	_ =	shalt  }
0x67: {  	_ =	shalt  }
0x68: {  	_ =	shalt  }
0x69: {  	_ =	shalt  }
0x6a: {  	_ =	shalt  }
0x6b: {  	_ =	shalt  }
0x6c: {  	_ =	shalt  }
0x6d: {  	_ =	shalt  }
0x6e: {  	_ =	shalt  }
0x6f: {  	_ =	shalt  }
0x70: {  	_ =	shalt  }
0x71: {  	_ =	shalt  }
0x72: {  	_ =	shalt  }
0x73: {  	_ =	shalt  }
0x74: {  	_ =	shalt  }
0x75: {  	_ =	shalt  }
0x76: {  	_ =	shalt  }
0x77: {  	_ =	shalt  }
0x78: {  	_ =	shalt  }
0x79: {  	_ =	shalt  }
0x7a: {  	_ =	shalt  }
0x7b: {  	_ =	shalt  }
0x7c: {  	_ =	shalt  }
0x7d: {  	_ =	shalt  }
0x7e: {  	_ =	shalt  }
0x7f: {  	_ =	shalt  }
0x80: {  	_ =	shalt  }
0x81: {  	_ =	shalt  }
0x82: {  	_ =	shalt  }
0x83: {  	_ =	shalt  }
0x84: {  	_ =	shalt  }
0x85: {  	_ =	shalt  }
0x86: {  	_ =	shalt  }
0x87: {  	_ =	shalt  }
.Lfunc_end0:
.L_simem_size_0:
called_computation.2_lowered:
.L_overlay_start_0:
0x88: {  	s2 =	sld [smem:$0x3FD9]  }
0x89: {  	s3 =	sld [smem:$0x3FFE];
	_ =	sdelay $0x1  }
0x8a: {  	s1 =	srdreg.scid  }
0x8b: {  	s0 =	sand.u32 $0x1, s1  }
0x8c: {  	s16 =	sshll.u32 s0, $0xA;
	s2 =	sadd.s32 s3, s2  }
0x8d: {  	s2 =	sadd.s32 s2, s16  }
0x8e: {  	[smem:$0x3FBC] =	sst s2  }
0x8f: {  	_ = 	snop  }
0x90: {  	(tm) =	ssettm $0x1  }
0x91: {  	s17 =	sld [smem:$0x3FFB];
	_ =	sdelay $0x3  }
0x92: {  	_ =	strace s17  }
0x93: {  	s2 =	sld [smem:$0x3FFC];
	_ =	sdelay $0x3  }
0x94: {  	_ =	strace s2  }
0x95: {  	s2 =	sld [smem:$0x3FFD];
	_ =	sdelay $0x3  }
0x96: {  	_ =	strace s2  }
0x97: {  	_ =	strace $0x8FFFFFFF  }
0x98: {  	s18 =	sld [smem:$0x3FDB];
	_ =	sdelay $0x1  }
0x99: {  	s19 =	simm.s32 $_scs_section_size  }
0x9a: {  	s4 =	simm.s32 $_size__tile_overlayer_lowered;
	s5 =	simm.s32 $_tile_overlayer_lowered  }
0x9b: {  	s22 =	simm.s32 $0x1BFF;
	s21 =	sshll.u32 s5, $0x1;
	s2 =	sadd.s32 s19, s18  }
0x9c: {  	s6 =	simm.s32 $0x0;
	s20 =	sshll.u32 s4, $0x1;
	s4 =	sadd.s32 s21, s2  }
0x9d: {  	[timem:s6], [sflag:s22] =	dma.local [hbm:s4], s20  }
0x9e: {  	_ =	swait.ge [sflag:s22], s20  }
0x9f: {  	s3 =	ssub.s32 $0x0, s20;
	[sflag:s22] =	ssyncset.done $0x0  }
0xa0: {  	[sflag:s22] =	ssyncadd.s32 s3;
	_ =	sdelay $0x1  }
0xa1: {  	s23 =	simm.s32 $0x1B8B  }
0xa2: {  	_ =	swait.ge [sflag:s23], $0x1  }
0xa3: {  	[sflag:s23] =	ssyncset.done $0x0  }
0xa4: {  	s25 =	simm.s32 $0x1B8E;
	s24 =	sld [smem:$0x3FFE];
	[sflag:s23] =	ssyncadd.s32 $0xFFFFFFFF  }
0xa5: {  	s26 =	simm.s32 $execute0_lowered;
	[smem:$0x3FD2] =	sst s25  }
0xa6: {  	s4 =	sshll.u32 s26, $0x1;
	_ =	strace $0x8000004C;
	[dreg:$0x1] =	wrdreg $0xFFFFFFFF  }
0xa7: {  	s28 =	simm.s32 $_size_execute0_lowered;
	s2 =	sadd.s32 s2, s4;
	[dreg:$0x0] =	wrdreg $0x0  }
0xa8: {  	s4 =	sshll.u32 s28, $0x1;
	[dreg:$0x2] =	wrdreg s2  }
0xa9: {  	[dreg:$0x3] =	wrdreg s4  }
0xaa: {  	[dreg:$0x4] =	wrdreg $0xC0  }
0xab: {  	_ =	task [dreg:s6], $0x5FFFF  }
0xac: {  	[dreg:$0x1] =	wrdreg $0xFFFFFFFF  }
0xad: {  	[dreg:$0x0] =	wrdreg $0x60  }
0xae: {  	[dreg:$0x2] =	wrdreg s24  }
0xaf: {  	[dreg:$0x3] =	wrdreg $0xA4000  }
0xb0: {  	[dreg:$0x4] =	wrdreg $0x9  }
0xb1: {  	_ =	task.clear_ibuf [dreg:s6], $0x5FFFF;
	_ =	strace $0x9000004C  }
0xb2: {  	s29 =	simm.s32 $0x9;
	_ =	strace $0x8000004E  }
0xb3: {  	_ =	swait.ge [sflag:s29], $0x1  }
0xb4: {  	[sflag:s29] =	ssyncadd.s32 $0xFFFFFFFF  }
0xb5: {  	_ =	strace $0x9000004E  }
0xb6: {  	_ =	sfence  }
0xb7: {  	s30 =	sld [smem:$0x0];
	_ =	sdelay $0x2  }
0xb8: {  	s31 =	sshll.u32 s1, $0xD;
	s1 =	sshrl.u32 s1, $0x2  }
0xb9: {  	s3 =	sand.u32 $0x4000, s31;
	s1 =	sadd.s32 s1, s30  }
0xba: {  	s0 =	sor.u32 s3, s0;
	s1 =	sshll.u32 s1, $0x11  }
0xbb: {  	s0 =	sor.u32 s1, s0  }
0xbc: {  	s0 =	sadd.s32 $0x8F2B, s0  }
0xbd: {  	[sflag:s0] =	ssyncadd.remote.s32 $0x1  }
0xbe: {  	_ =	sfence.sel $0xFFFF  }
0xbf: {  	[dreg:$0x0] =	wrdreg $0xFFFFFFFF;
	(pc) =	sbr.abs _section_cstart, $3  }
0xc0: {  	[dreg:$0x1] =	wrdreg $0xFFFFFFFF  }
0xc1: {  	_ =	task.clear_ibuf [dreg:s6], $0x2FFFF;
	_ =	strace $0x9FFFFFFF  }
0xc2: {  	(tm) =	ssettm $0x7FFFFFFF  }
0xc3: {  	_ =	shalt  }
tec
execute0_lowered:
.L_overlay_start_1:
0x0: {  	(tag) =	ssettag $0x1  }
0x1: {  	s5 =	rddreg [dreg:$0x0];
	s1 =	srdreg.scid  }
0x2: {  	s0 =	stileid.u32;
	s2 =	rddreg [dreg:$0x1]  }
0x3: {  	s3 =	simm.s32 $0x0;
	s18 =	simm.s32 $0x2800;
	s19 =	simm.s32 $0x80  }
0x4: {  	s20 =	simm.s32 $0x5000;
	s21 =	simm.s32 $0x6000;
	s22 =	simm.s32 $0x7000  }
0x5: {  	s23 =	simm.s32 $0x8000;
	s24 =	simm.s32 $0x1;
	s25 =	simm.s32 $0x0  }
0x6: {  	s6 =	sand.u32 $0x1, s1;
	s4 =	sshll.u32 s0, $0x1;
	s1 =	rddreg [dreg:$0x2]  }
0x7: {  	[smem:$0x7FF] =	sst s3;
	s9 =	smul.u32 $0x4F00, s0;
	s14 =	sadd.s32 $0x20400, s5  }
0x8: {  	s4 =	sor.u32 s6, s4;
	s7 =	ssub.s32 $0x2, s6;
	s13 =	smul.u32 $0x4F000, s6  }
0x9: {  	_ =	strace $0x8000004D;
	s4 =	smul.u32 $0x500, s4;
	s8 =	sshrl.u32 s7, $0x1  }
0xa: {  	s12 =	sadd.s32 $0x1400, s9;
	s16 =	sadd.s32 $0x2800, s9;
	s17 =	sadd.s32 $0x3C00, s9  }
0xb: {  	s15 =	ssub.s32 s7, s8;
	s6 =	sadd.s32 s12, s2;
	s7 =	sadd.s32 s16, s2  }
0xc: {  	s8 =	sadd.s32 s17, s2;
	s11 =	sadd.s32 s9, s13;
	s12 =	sadd.s32 s13, s12  }
0xd: {  	s16 =	sadd.s32 s13, s16;
	s17 =	sadd.s32 s13, s17;
	s10 =	sadd.s32 s4, s5  }
0xe: {  	s4 =	sadd.s32 $0x16600, s5;
	s5 =	sadd.s32 s9, s2;
	s11 =	sshrl.u32 s11, $0x3  }
0xf: {  	s12 =	sshrl.u32 s12, $0x3;
	s16 =	sshrl.u32 s16, $0x3;
	s31 =	sshrl.u32 s17, $0x3  }
0x10: {  	s15 =	smax.u32 s15, $0x1;
	s17 =	simm.s32 $0x2;
	s9 =	sadd.s32 $0xC600, s10  }
0x11: {  	s10 =	sadd.s32 $0x2600, s10;
	s11 =	sadd.s32 s14, s11;
	s12 =	sadd.s32 s14, s12  }
0x12: {  	v0 =	vimm.f32 $0.0e+00;
	s13 =	sadd.s32 s14, s16;
	s14 =	sadd.s32 s14, s31;
	s16 =	simm.s32 $0x9000  }
.LBB2_1:
0x13: {  	s26 =	sand.u32 $0x7F80, s3  }
0x14: {  	s28 =	sand.u32 $0x10, s3;
	s29 =	sshrl.u32 s26, $0x2  }
0x15: {  	s26 =	simm.s32 $0x40;
	s29 =	sor.u32 s28, s29;
	s28 =	simm.s32 $0x0  }
.LBB2_2:
0x16: {  	p0 =	sne.s32 s26, $0x4FC0  }
0x17: {  	[tilespmem:s29+$0x9000] =	vst v0;
	s28 =	sadd.s32 $0x10, s28;
	s29 =	smov.u32 s26;
	s26 =	sadd.s32 $0x40, s26  }
.Ltmp0:
0x18: {  	(pc) =	sbr.rel @p0 .LBB2_2-.Ltmp0, $4  }
0x19: {  	_ = 	snop  }
0x1a: {  	s29 =	sand.u32 $0x7F80, s29  }
0x1b: {  	s30 =	sand.u32 $0x10, s28;
	s29 =	sshrl.u32 s29, $0x2  }
0x1c: {  	s29 =	sor.u32 s30, s29  }
0x1d: {  	[tilespmem:s29+$0x9000] =	vst v0  }
0x1e: {  	[spmem:s5] =	stream.linear.scatter [tilespmem:s16], [sflag:$0x2], $0x1400, $0x38;
	[tilespmem:$0xF300] =	vst v63  }
0x1f: {  	_ =	swait.ge [sflag:s17], $0x1400  }
0x20: {  	[sflag:s17] =	ssyncset.done $0x0  }
0x21: {  	[sflag:s17] =	ssyncadd.s32 $0xFFFFEC00  }
0x22: {  	[spmem:s6] =	stream.linear.scatter [tilespmem:s16], [sflag:$0x2], $0x1400, $0x38;
	[tilespmem:$0xF300] =	vst v63  }
0x23: {  	_ =	swait.ge [sflag:s17], $0x1400  }
0x24: {  	[sflag:s17] =	ssyncset.done $0x0  }
0x25: {  	[sflag:s17] =	ssyncadd.s32 $0xFFFFEC00  }
0x26: {  	[spmem:s7] =	stream.linear.scatter [tilespmem:s16], [sflag:$0x2], $0x1400, $0x38;
	[tilespmem:$0xF300] =	vst v63  }
0x27: {  	_ =	swait.ge [sflag:s17], $0x1400  }
0x28: {  	[sflag:s17] =	ssyncset.done $0x0  }
0x29: {  	[sflag:s17] =	ssyncadd.s32 $0xFFFFEC00  }
0x2a: {  	[spmem:s8] =	stream.linear.scatter [tilespmem:s16], [sflag:$0x2], $0x1300, $0x38;
	[tilespmem:$0xF300] =	vst v63  }
0x2b: {  	_ =	swait.ge [sflag:s17], $0x1300  }
0x2c: {  	[sflag:s17] =	ssyncset.done $0x0  }
0x2d: {  	[sflag:s17] =	ssyncadd.s32 $0xFFFFED00  }
0x2e: {  	s26 =	simm.s32 $0x0;
	[bflag:$0x0] =	sbarrier.arrive $0xFFFF  }
0x2f: {  	[tilespmem:s26], [sflag:$0x2] =	stream.linear.gather [hbm4b:s9+s26], $0x2800, $0x38;
	[tilespmem:$0xF300] =	vst v63  }
0x30: {  	_ =	swait.ge [sflag:s17], $0x2800  }
0x31: {  	[sflag:s17] =	ssyncset.done $0x0  }
0x32: {  	[sflag:s17] =	ssyncadd.s32 $0xFFFFD800  }
0x33: {  	[tilespmem:s18], [sflag:$0x2] =	stream.linear.gather [hbm4b:s10+s26], $0x2800, $0x38;
	[tilespmem:$0xF300] =	vst v63  }
0x34: {  	_ =	swait.ge [sflag:s17], $0x2800  }
0x35: {  	[sflag:s17] =	ssyncset.done $0x0  }
0x36: {  	s29 =	simm.s32 $0x0;
	[sflag:s17] =	ssyncadd.s32 $0xFFFFD800  }
0x37: {  	[tilespmem:s20], [sflag:$0x1] =	stream.indirect.gather [hbm4b:s4+s19], $0x20, s29, s19, $0xb8;
	[tilespmem:$0xF300] =	vst v63  }
0x38: {  	s31 =	simm.s32 $0x80  }
0x39: {  	[tilespmem:s21], [sflag:$0x1] =	stream.indirect.gather [hbm4b:s4+s19], $0x20, s31, s19, $0xb8;
	[tilespmem:$0xF300] =	vst v63  }
0x3a: {  	s28 =	simm.s32 $0x100  }
0x3b: {  	[tilespmem:s22], [sflag:$0x1] =	stream.indirect.gather [hbm4b:s4+s19], $0x20, s28, s19, $0xb8;
	[tilespmem:$0xF300] =	vst v63  }
0x3c: {  	s29 =	simm.s32 $0x180  }
0x3d: {  	[tilespmem:s23], [sflag:$0x1] =	stream.indirect.gather [hbm4b:s4+s19], $0x20, s29, s19, $0xb8;
	[tilespmem:$0xF300] =	vst v63  }
0x3e: {  	_ =	swait.ge [sflag:s24], $0x1000  }
0x3f: {  	[sflag:s24] =	ssyncset.done $0x0  }
0x40: {  	[sflag:s24] =	ssyncadd.s32 $0xFFFFF000  }
0x41: {  	_ =	swait.ge [sflag:s24], $0x1000  }
0x42: {  	[sflag:s24] =	ssyncset.done $0x0  }
0x43: {  	[sflag:s24] =	ssyncadd.s32 $0xFFFFF000  }
0x44: {  	_ =	swait.ge [sflag:s24], $0x1000  }
0x45: {  	[sflag:s24] =	ssyncset.done $0x0  }
0x46: {  	[sflag:s24] =	ssyncadd.s32 $0xFFFFF000  }
0x47: {  	_ =	swait.ge [sflag:s24], $0x1000  }
0x48: {  	[sflag:s24] =	ssyncset.done $0x0  }
0x49: {  	s31 =	simm.s32 $0x2800;
	[sflag:s24] =	ssyncadd.s32 $0xFFFFF000  }
0x4a: {  	[spmem:s2] =	stream.indirect.scatter.add.f32 [tilespmem:s20], [sflag:$0x2], $0x20, s31, s19, $0xb8;
	[tilespmem:$0xF300] =	vst v63  }
0x4b: {  	_ =	swait.ge [sflag:s17], $0x1000  }
0x4c: {  	[sflag:s17] =	ssyncset.done $0x0  }
0x4d: {  	s28 =	simm.s32 $0x2880;
	[sflag:s17] =	ssyncadd.s32 $0xFFFFF000  }
0x4e: {  	[spmem:s2] =	stream.indirect.scatter.add.f32 [tilespmem:s21], [sflag:$0x2], $0x20, s28, s19, $0xb8;
	[tilespmem:$0xF300] =	vst v63  }
0x4f: {  	_ =	swait.ge [sflag:s17], $0x1000  }
0x50: {  	[sflag:s17] =	ssyncset.done $0x0  }
0x51: {  	s29 =	simm.s32 $0x2900;
	[sflag:s17] =	ssyncadd.s32 $0xFFFFF000  }
0x52: {  	[spmem:s2] =	stream.indirect.scatter.add.f32 [tilespmem:s22], [sflag:$0x2], $0x20, s29, s19, $0xb8;
	[tilespmem:$0xF300] =	vst v63  }
0x53: {  	_ =	swait.ge [sflag:s17], $0x1000  }
0x54: {  	[sflag:s17] =	ssyncset.done $0x0  }
0x55: {  	s31 =	simm.s32 $0x2980;
	[sflag:s17] =	ssyncadd.s32 $0xFFFFF000  }
0x56: {  	[spmem:s2] =	stream.indirect.scatter.add.f32 [tilespmem:s23], [sflag:$0x2], $0x20, s31, s19, $0xb8;
	[tilespmem:$0xF300] =	vst v63  }
0x57: {  	_ =	swait.ge [sflag:s17], $0x1000  }
0x58: {  	s30 =	simm.s32 $0x1000;
	s26 =	simm.s32 $0x800;
	[sflag:s17] =	ssyncset.done $0x0  }
.LBB2_4:
0x59: {  	s29 =	sshra.s32 s26, $0x2  }
0x5a: {  	[sflag:s17] =	ssyncadd.s32 $0xFFFFF000;
	s26 =	smov.u32 s30;
	s28 =	sadd.s32 $0x800, s30  }
0x5b: {  	[tilespmem:s20], [sflag:$0x1] =	stream.indirect.gather [hbm4b:s4+s19], $0x20, s29, s19, $0xb8;
	[tilespmem:$0xF300] =	vst v63  }
0x5c: {  	p0 =	sne.s32 s30, $0x9800;
	s30 =	sadd.s32 $0x80, s29  }
0x5d: {  	[tilespmem:s21], [sflag:$0x1] =	stream.indirect.gather [hbm4b:s4+s19], $0x20, s30, s19, $0xb8;
	[tilespmem:$0xF300] =	vst v63  }
0x5e: {  	s30 =	sadd.s32 $0x100, s29  }
0x5f: {  	[tilespmem:s22], [sflag:$0x1] =	stream.indirect.gather [hbm4b:s4+s19], $0x20, s30, s19, $0xb8;
	[tilespmem:$0xF300] =	vst v63  }
0x60: {  	s30 =	sadd.s32 $0x180, s29  }
0x61: {  	[tilespmem:s23], [sflag:$0x1] =	stream.indirect.gather [hbm4b:s4+s19], $0x20, s30, s19, $0xb8;
	[tilespmem:$0xF300] =	vst v63  }
0x62: {  	_ =	swait.ge [sflag:s24], $0x1000  }
0x63: {  	[sflag:s24] =	ssyncset.done $0x0  }
0x64: {  	[sflag:s24] =	ssyncadd.s32 $0xFFFFF000  }
0x65: {  	_ =	swait.ge [sflag:s24], $0x1000  }
0x66: {  	[sflag:s24] =	ssyncset.done $0x0  }
0x67: {  	[sflag:s24] =	ssyncadd.s32 $0xFFFFF000  }
0x68: {  	_ =	swait.ge [sflag:s24], $0x1000  }
0x69: {  	[sflag:s24] =	ssyncset.done $0x0  }
0x6a: {  	[sflag:s24] =	ssyncadd.s32 $0xFFFFF000  }
0x6b: {  	_ =	swait.ge [sflag:s24], $0x1000  }
0x6c: {  	[sflag:s24] =	ssyncset.done $0x0  }
0x6d: {  	s30 =	sadd.s32 $0x2800, s29;
	[sflag:s24] =	ssyncadd.s32 $0xFFFFF000  }
0x6e: {  	[spmem:s2] =	stream.indirect.scatter.add.f32 [tilespmem:s20], [sflag:$0x2], $0x20, s30, s19, $0xb8;
	[tilespmem:$0xF300] =	vst v63  }
0x6f: {  	_ =	swait.ge [sflag:s17], $0x1000  }
0x70: {  	[sflag:s17] =	ssyncset.done $0x0  }
0x71: {  	s30 =	sadd.s32 $0x2880, s29;
	[sflag:s17] =	ssyncadd.s32 $0xFFFFF000  }
0x72: {  	[spmem:s2] =	stream.indirect.scatter.add.f32 [tilespmem:s21], [sflag:$0x2], $0x20, s30, s19, $0xb8;
	[tilespmem:$0xF300] =	vst v63  }
0x73: {  	_ =	swait.ge [sflag:s17], $0x1000  }
0x74: {  	[sflag:s17] =	ssyncset.done $0x0  }
0x75: {  	s30 =	sadd.s32 $0x2900, s29;
	[sflag:s17] =	ssyncadd.s32 $0xFFFFF000  }
0x76: {  	[spmem:s2] =	stream.indirect.scatter.add.f32 [tilespmem:s22], [sflag:$0x2], $0x20, s30, s19, $0xb8;
	[tilespmem:$0xF300] =	vst v63  }
0x77: {  	_ =	swait.ge [sflag:s17], $0x1000  }
.Ltmp1:
0x78: {  	[sflag:s17] =	ssyncset.done $0x0;
	(pc) =	sbr.rel @p0 .LBB2_4-.Ltmp1, $4  }
0x79: {  	s29 =	sadd.s32 $0x2980, s29;
	[sflag:s17] =	ssyncadd.s32 $0xFFFFF000  }
0x7a: {  	[spmem:s2] =	stream.indirect.scatter.add.f32 [tilespmem:s23], [sflag:$0x2], $0x20, s29, s19, $0xb8;
	[tilespmem:$0xF300] =	vst v63  }
0x7b: {  	_ =	swait.ge [sflag:s17], $0x1000  }
0x7c: {  	s30 =	smov.u32 s28;
	[sflag:s17] =	ssyncset.done $0x0  }
0x7d: {  	s26 =	sshra.s32 s26, $0x2;
	[sflag:s17] =	ssyncadd.s32 $0xFFFFF000  }
0x7e: {  	[tilespmem:s20], [sflag:$0x1] =	stream.indirect.gather [hbm4b:s4+s19], $0x20, s26, s19, $0xb8;
	[tilespmem:$0xF300] =	vst v63  }
0x7f: {  	s28 =	sadd.s32 $0x80, s26  }
0x80: {  	[tilespmem:s21], [sflag:$0x1] =	stream.indirect.gather [hbm4b:s4+s19], $0x20, s28, s19, $0xb8;
	[tilespmem:$0xF300] =	vst v63  }
0x81: {  	s30 =	sadd.s32 $0x100, s26  }
0x82: {  	[tilespmem:s22], [sflag:$0x1] =	stream.indirect.gather [hbm4b:s4+s19], $0x20, s30, s19, $0xb8;
	[tilespmem:$0xF300] =	vst v63  }
0x83: {  	s31 =	sadd.s32 $0x180, s26  }
0x84: {  	[tilespmem:s23], [sflag:$0x1] =	stream.indirect.gather [hbm4b:s4+s19], $0x20, s31, s19, $0xb8;
	[tilespmem:$0xF300] =	vst v63  }
0x85: {  	_ =	swait.ge [sflag:s24], $0x1000  }
0x86: {  	[sflag:s24] =	ssyncset.done $0x0  }
0x87: {  	[sflag:s24] =	ssyncadd.s32 $0xFFFFF000  }
0x88: {  	_ =	swait.ge [sflag:s24], $0x1000  }
0x89: {  	[sflag:s24] =	ssyncset.done $0x0  }
0x8a: {  	[sflag:s24] =	ssyncadd.s32 $0xFFFFF000  }
0x8b: {  	_ =	swait.ge [sflag:s24], $0x1000  }
0x8c: {  	[sflag:s24] =	ssyncset.done $0x0  }
0x8d: {  	[sflag:s24] =	ssyncadd.s32 $0xFFFFF000  }
0x8e: {  	_ =	swait.ge [sflag:s24], $0x1000  }
0x8f: {  	[sflag:s24] =	ssyncset.done $0x0  }
0x90: {  	s29 =	sadd.s32 $0x2800, s26;
	[sflag:s24] =	ssyncadd.s32 $0xFFFFF000  }
0x91: {  	[spmem:s2] =	stream.indirect.scatter.add.f32 [tilespmem:s20], [sflag:$0x2], $0x20, s29, s19, $0xb8;
	[tilespmem:$0xF300] =	vst v63  }
0x92: {  	_ =	swait.ge [sflag:s17], $0x1000  }
0x93: {  	[sflag:s17] =	ssyncset.done $0x0  }
0x94: {  	s30 =	sadd.s32 $0x2880, s26;
	[sflag:s17] =	ssyncadd.s32 $0xFFFFF000  }
0x95: {  	[spmem:s2] =	stream.indirect.scatter.add.f32 [tilespmem:s21], [sflag:$0x2], $0x20, s30, s19, $0xb8;
	[tilespmem:$0xF300] =	vst v63  }
0x96: {  	_ =	swait.ge [sflag:s17], $0x1000  }
0x97: {  	[sflag:s17] =	ssyncset.done $0x0  }
0x98: {  	s31 =	sadd.s32 $0x2900, s26;
	[sflag:s17] =	ssyncadd.s32 $0xFFFFF000  }
0x99: {  	[spmem:s2] =	stream.indirect.scatter.add.f32 [tilespmem:s22], [sflag:$0x2], $0x20, s31, s19, $0xb8;
	[tilespmem:$0xF300] =	vst v63  }
0x9a: {  	_ =	swait.ge [sflag:s17], $0x1000  }
0x9b: {  	[sflag:s17] =	ssyncset.done $0x0  }
0x9c: {  	s26 =	sadd.s32 $0x2980, s26;
	[sflag:s17] =	ssyncadd.s32 $0xFFFFF000  }
0x9d: {  	[spmem:s2] =	stream.indirect.scatter.add.f32 [tilespmem:s23], [sflag:$0x2], $0x20, s26, s19, $0xb8;
	[tilespmem:$0xF300] =	vst v63  }
0x9e: {  	_ =	swait.ge [sflag:s17], $0x1000  }
0x9f: {  	[sflag:s17] =	ssyncset.done $0x0  }
0xa0: {  	[sflag:s17] =	ssyncadd.s32 $0xFFFFF000  }
0xa1: {  	[bflag:$0x0] =	sbarrier.arrive $0xFFFF  }
0xa2: {  	[tilespmem:s16], [sflag:$0x2] =	stream.linear.gather [spmem:s5], $0x1400, $0x38;
	[tilespmem:$0xF300] =	vst v63  }
0xa3: {  	_ =	swait.ge [sflag:s17], $0x1400  }
0xa4: {  	[sflag:s17] =	ssyncset.done $0x0  }
0xa5: {  	[sflag:s17] =	ssyncadd.s32 $0xFFFFEC00  }
0xa6: {  	[hbm4b:s11+s3] =	stream.linear.scatter [tilespmem:s16], [sflag:$0x2], $0x1400, $0x38;
	[tilespmem:$0xF300] =	vst v63  }
0xa7: {  	_ =	swait.ge [sflag:s17], $0x1400  }
0xa8: {  	[sflag:s17] =	ssyncset.done $0x0  }
0xa9: {  	[sflag:s17] =	ssyncadd.s32 $0xFFFFEC00  }
0xaa: {  	[tilespmem:s16], [sflag:$0x2] =	stream.linear.gather [spmem:s6], $0x1400, $0x38;
	[tilespmem:$0xF300] =	vst v63  }
0xab: {  	_ =	swait.ge [sflag:s17], $0x1400  }
0xac: {  	[sflag:s17] =	ssyncset.done $0x0  }
0xad: {  	[sflag:s17] =	ssyncadd.s32 $0xFFFFEC00  }
0xae: {  	[hbm4b:s12+s3] =	stream.linear.scatter [tilespmem:s16], [sflag:$0x2], $0x1400, $0x38;
	[tilespmem:$0xF300] =	vst v63  }
0xaf: {  	_ =	swait.ge [sflag:s17], $0x1400  }
0xb0: {  	[sflag:s17] =	ssyncset.done $0x0  }
0xb1: {  	[sflag:s17] =	ssyncadd.s32 $0xFFFFEC00  }
0xb2: {  	[tilespmem:s16], [sflag:$0x2] =	stream.linear.gather [spmem:s7], $0x1400, $0x38;
	[tilespmem:$0xF300] =	vst v63  }
0xb3: {  	_ =	swait.ge [sflag:s17], $0x1400  }
0xb4: {  	[sflag:s17] =	ssyncset.done $0x0  }
0xb5: {  	[sflag:s17] =	ssyncadd.s32 $0xFFFFEC00  }
0xb6: {  	[hbm4b:s13+s3] =	stream.linear.scatter [tilespmem:s16], [sflag:$0x2], $0x1400, $0x38;
	[tilespmem:$0xF300] =	vst v63  }
0xb7: {  	_ =	swait.ge [sflag:s17], $0x1400  }
0xb8: {  	[sflag:s17] =	ssyncset.done $0x0  }
0xb9: {  	[sflag:s17] =	ssyncadd.s32 $0xFFFFEC00  }
0xba: {  	[tilespmem:s16], [sflag:$0x2] =	stream.linear.gather [spmem:s8], $0x1300, $0x38;
	[tilespmem:$0xF300] =	vst v63  }
0xbb: {  	s25 =	sadd.s32 $0x1, s25;
	_ =	swait.ge [sflag:s17], $0x1300  }
0xbc: {  	p0 =	sne.s32 s25, s15;
	[sflag:s17] =	ssyncset.done $0x0  }
.Ltmp2:
0xbd: {  	[sflag:s17] =	ssyncadd.s32 $0xFFFFED00;
	(pc) =	sbr.rel @p0 .LBB2_1-.Ltmp2, $4  }
0xbe: {  	[hbm4b:s14+s3] =	stream.linear.scatter [tilespmem:s16], [sflag:$0x2], $0x1300, $0x38;
	[tilespmem:$0xF300] =	vst v63  }
0xbf: {  	_ =	swait.ge [sflag:s17], $0x1300  }
0xc0: {  	[sflag:s17] =	ssyncset.done $0x0  }
0xc1: {  	[sflag:s17] =	ssyncadd.s32 $0xFFFFED00  }
0xc2: {  	_ =	sfence.sel $0x180000  }
0xc3: {  	[bflag:$0x0] =	sbarrier.arrive $0xFFFF  }
0xc4: {  	p0 =	sne.s32 s0, $0x0;
	_ =	strace $0x9000004D  }
0xc5: {  	s0 =	sadd.s32 @!p0 $0x100000, s1;
	[bflag:$0x2] =	sbarrier.arrive $0xFFFF  }
0xc6: {  	[sflag:s0] =	ssyncadd.tile.s32 @!p0 $0x1;
	_ =	shalt  }
.Lfunc_end2:
_tile_overlayer_lowered:
.L_overlay_start_2:
0xc7: {  	(tag) =	ssettag $0x2  }
0xc8: {  	s0 =	rddreg [dreg:$0x0];
	s2 =	stileid.u32  }
0xc9: {  	s1 =	rddreg [dreg:$0x1];
	p0 =	sne.s32 s2, $0x0  }
0xca: {  	s3 =	rddreg [dreg:$0x2];
	[bflag:$0x3] =	sbarrier.arrive $0xFFFF;
	s2 =	simm.s32 @!p0 $0x1C02  }
0xcb: {  	[timem:s3], [sflag:s2] =	dma.local @!p0 [hbm:s0], s1  }
0xcc: {  	s0 =	simm.s32 @!p0 $0x2  }
0xcd: {  	_ =	swait.ge @!p0 [sflag:s0], s1  }
0xce: {  	s1 =	ssub.s32 @!p0 $0x0, s1;
	[sflag:s0] =	ssyncset.done @!p0 $0x0  }
0xcf: {  	[sflag:s0] =	ssyncadd.s32 @!p0 s1  }
0xd0: {  	[bflag:$0x3] =	sbarrier.arrive $0xFFFF  }
0xd1: {  	_ =	shalt  }

// kernel: kernel.20.cloned.1.call-start
scs
__scs_entry_jumppad:
0x0: {  	(pc) =	sbr.rel $0x88, $3  }
0x1: {  	(tag) =	ssettag $0x0;
	lr =	simm.s32 $0x1  }
0x2: {  	[smem:$0x3F95] =	sst lr;
	_ =	strace $0xD0000000  }
0x3: {  	_ = 	snop  }
0x4: {  	_ = 	snop  }
0x5: {  	_ = 	snop  }
0x6: {  	_ = 	snop  }
0x7: {  	_ = 	snop  }
__scs_overlays_trampoline_lowered:
0x8: {  	[smem:$0x3FA4] =	sst s0  }
0x9: {  	[smem:$0x3FA5] =	sst s1  }
0xa: {  	[smem:$0x3FA6] =	sst s2  }
0xb: {  	[smem:$0x3FA7] =	sst s3  }
0xc: {  	[smem:$0x3FA8] =	sst s4  }
0xd: {  	[smem:$0x3FA9] =	sst s5  }
0xe: {  	[smem:$0x3FAA] =	sst s6  }
0xf: {  	[smem:$0x3FAB] =	sst s7  }
0x10: {  	[smem:$0x3FAC] =	sst s8  }
0x11: {  	[smem:$0x3FAD] =	sst s9;
	s0 =	simm.s32 @!p0 $0x0  }
0x12: {  	s1 =	sld [smem:$0x3F93];
	s0 =	simm.s32 @p0 $0x1  }
0x13: {  	[smem:$0x3FAE] =	sst s0;
	s0 =	simm.s32 @!p1 $0x0  }
0x14: {  	s2 =	sld [smem:$0x3F92];
	s0 =	simm.s32 @p1 $0x1  }
0x15: {  	[smem:$0x3FAF] =	sst s0;
	s0 =	simm.s32 @!p2 $0x0  }
0x16: {  	s3 =	sld [smem:$0x3FDB];
	s0 =	simm.s32 @p2 $0x1  }
0x17: {  	s4 =	simm.s32 $0x1BF5;
	[smem:$0x3FB1] =	sst s0  }
0x18: {  	s0 =	sld [smem:$0x3F94];
	_ =	swait.ge [sflag:s4], $0x0  }
0x19: {  	s7 =	sld [smem:$0x3F95]  }
0x1a: {  	s8 =	sadd.s32 $0xFFFFE003, lr  }
0x1b: {  	s9 =	sadd.s32 $0xFFFFFEF7, lr;
	s5 =	simm.s32 $0xFFFFFFFF;
	p2 =	slt.u32 s8, $0xFFFFF086  }
0x1c: {  	p1 =	slt.u32 s9, $0xF7A;
	s5 =	simm.s32 @!p2 $0x0  }
0x1d: {  	s5 =	simm.s32 @p1 $0x1;
	p0 =	seq.s32 s7, s2  }
0x1e: {  	s7 =	smul.u32 @!p0 $0xF7A, s2;
	p2 =	seq.s32 @!p0 s5, $0x0  }
0x1f: {  	s9 =	smul.u32 $0xF7A, s1;
	s8 =	simm.s32 @!p0 $0x1BF5;
	p2 =	por !p2, p0  }
0x20: {  	[sflag:s8] =	ssyncset.s32 @!p0 $0xFFFFF086;
	s6 =	sadd.s32 @!p0 s3, s7;
	s7 =	simm.s32 @!p0 $0x108  }
0x21: {  	s3 =	sadd.s32 s3, s9;
	s6 =	sadd.s32 @!p0 $0x88, s6;
	s7 =	simm.s32 @p2 $0x1082  }
0x22: {  	[simem:s7], [sflag:s8] =	dma.local @!p0 [hbm:s6], $0xF7A  }
0x23: {  	s9 =	sor.u32 $0xD0000000, s2;
	s6 =	simm.s32 $0x108;
	_ =	swait.ge @!p0 [sflag:s8], $0x0  }
0x24: {  	s3 =	sadd.s32 $0x88, s3;
	s6 =	simm.s32 @!p1 $0x1082;
	[sflag:s4] =	ssyncset.s32 $0xFFFFF086  }
0x25: {  	[simem:s6], [sflag:s4] =	dma.local [hbm:s3], $0xF7A  }
0x26: {  	[smem:$0x3F95] =	sst s1;
	(tag) =	ssettag s2;
	_ =	strace s9  }
0x27: {  	s1 =	sld [smem:$0x3FA5]  }
0x28: {  	s2 =	sld [smem:$0x3FA6]  }
0x29: {  	s4 =	sld [smem:$0x3FA8]  }
0x2a: {  	p0 =	seq.s32 s5, $0x0;
	s5 =	sld [smem:$0x3FA9]  }
0x2b: {  	s6 =	sld [smem:$0x3FAA]  }
0x2c: {  	s7 =	sld [smem:$0x3FAB]  }
0x2d: {  	s3 =	simm.s32 $0x108;
	s8 =	sld [smem:$0x3FAC]  }
0x2e: {  	s3 =	simm.s32 @!p0 $0x1082;
	s9 =	sld [smem:$0x3FAD]  }
0x2f: {  	lr =	sadd.s32 s0, s3;
	s0 =	sld [smem:$0x3FA4]  }
0x30: {  	s3 =	sld [smem:$0x3FA7]  }
0x31: {  	[smem:$0x3FB0] =	sst s10  }
0x32: {  	s10 =	sld [smem:$0x3FAE];
	_ =	sdelay $0x3  }
0x33: {  	p0 =	seq.s32 s10, $0x1;
	s10 =	sld [smem:$0x3FB0];
	_ =	sdelay $0x3  }
0x34: {  	[smem:$0x3FB0] =	sst s10  }
0x35: {  	s10 =	sld [smem:$0x3FAF];
	_ =	sdelay $0x3  }
0x36: {  	p1 =	seq.s32 s10, $0x1;
	s10 =	sld [smem:$0x3FB0];
	_ =	sdelay $0x3  }
0x37: {  	[smem:$0x3FB0] =	sst s10  }
0x38: {  	s10 =	sld [smem:$0x3FB1]  }
0x39: {  	_ = 	snop;
	(pc) =	sbr.ind lr, $3  }
0x3a: {  	_ = 	snop  }
0x3b: {  	_ = 	snop  }
0x3c: {  	p2 =	seq.s32 s10, $0x1;
	s10 =	sld [smem:$0x3FB0]  }
0x3d: {  	_ =	shalt  }
0x3e: {  	_ =	shalt  }
0x3f: {  	_ =	shalt  }
0x40: {  	_ =	shalt  }
0x41: {  	_ =	shalt  }
0x42: {  	_ =	shalt  }
0x43: {  	_ =	shalt  }
0x44: {  	_ =	shalt  }
0x45: {  	_ =	shalt  }
0x46: {  	_ =	shalt  }
0x47: {  	_ =	shalt  }
0x48: {  	_ =	shalt  }
0x49: {  	_ =	shalt  }
0x4a: {  	_ =	shalt  }
0x4b: {  	_ =	shalt  }
0x4c: {  	_ =	shalt  }
0x4d: {  	_ =	shalt  }
0x4e: {  	_ =	shalt  }
0x4f: {  	_ =	shalt  }
0x50: {  	_ =	shalt  }
0x51: {  	_ =	shalt  }
0x52: {  	_ =	shalt  }
0x53: {  	_ =	shalt  }
0x54: {  	_ =	shalt  }
0x55: {  	_ =	shalt  }
0x56: {  	_ =	shalt  }
0x57: {  	_ =	shalt  }
0x58: {  	_ =	shalt  }
0x59: {  	_ =	shalt  }
0x5a: {  	_ =	shalt  }
0x5b: {  	_ =	shalt  }
0x5c: {  	_ =	shalt  }
0x5d: {  	_ =	shalt  }
0x5e: {  	_ =	shalt  }
0x5f: {  	_ =	shalt  }
0x60: {  	_ =	shalt  }
0x61: {  	_ =	shalt  }
0x62: {  	_ =	shalt  }
0x63: {  	_ =	shalt  }
0x64: {  	_ =	shalt  }
0x65: {  	_ =	shalt  }
0x66: {  	_ =	shalt  }
0x67: {  	_ =	shalt  }
0x68: {  	_ =	shalt  }
0x69: {  	_ =	shalt  }
0x6a: {  	_ =	shalt  }
0x6b: {  	_ =	shalt  }
0x6c: {  	_ =	shalt  }
0x6d: {  	_ =	shalt  }
0x6e: {  	_ =	shalt  }
0x6f: {  	_ =	shalt  }
0x70: {  	_ =	shalt  }
0x71: {  	_ =	shalt  }
0x72: {  	_ =	shalt  }
0x73: {  	_ =	shalt  }
0x74: {  	_ =	shalt  }
0x75: {  	_ =	shalt  }
0x76: {  	_ =	shalt  }
0x77: {  	_ =	shalt  }
0x78: {  	_ =	shalt  }
0x79: {  	_ =	shalt  }
0x7a: {  	_ =	shalt  }
0x7b: {  	_ =	shalt  }
0x7c: {  	_ =	shalt  }
0x7d: {  	_ =	shalt  }
0x7e: {  	_ =	shalt  }
0x7f: {  	_ =	shalt  }
0x80: {  	_ =	shalt  }
0x81: {  	_ =	shalt  }
0x82: {  	_ =	shalt  }
0x83: {  	_ =	shalt  }
0x84: {  	_ =	shalt  }
0x85: {  	_ =	shalt  }
0x86: {  	_ =	shalt  }
0x87: {  	_ =	shalt  }
.Lfunc_end0:
.L_simem_size_0:
called_computation.3_lowered:
.L_overlay_start_0:
0x88: {  	s2 =	sld [smem:$0x3FD9]  }
0x89: {  	s3 =	sld [smem:$0x3FFE];
	_ =	sdelay $0x1  }
0x8a: {  	s1 =	srdreg.scid  }
0x8b: {  	s0 =	sand.u32 $0x1, s1  }
0x8c: {  	s16 =	sshll.u32 s0, $0xA;
	s2 =	sadd.s32 s3, s2  }
0x8d: {  	s2 =	sadd.s32 s2, s16  }
0x8e: {  	[smem:$0x3FBC] =	sst s2  }
0x8f: {  	_ = 	snop  }
0x90: {  	(tm) =	ssettm $0x1  }
0x91: {  	s17 =	sld [smem:$0x3FFB];
	_ =	sdelay $0x3  }
0x92: {  	_ =	strace s17  }
0x93: {  	s2 =	sld [smem:$0x3FFC];
	_ =	sdelay $0x3  }
0x94: {  	_ =	strace s2  }
0x95: {  	s2 =	sld [smem:$0x3FFD];
	_ =	sdelay $0x3  }
0x96: {  	_ =	strace s2  }
0x97: {  	_ =	strace $0x8FFFFFFF  }
0x98: {  	s18 =	sld [smem:$0x3FDB];
	_ =	sdelay $0x1  }
0x99: {  	s19 =	simm.s32 $_scs_section_size  }
0x9a: {  	s4 =	simm.s32 $_size__tile_overlayer_lowered;
	s5 =	simm.s32 $_tile_overlayer_lowered  }
0x9b: {  	s22 =	simm.s32 $0x1BFF;
	s21 =	sshll.u32 s5, $0x1;
	s2 =	sadd.s32 s19, s18  }
0x9c: {  	s6 =	simm.s32 $0x0;
	s20 =	sshll.u32 s4, $0x1;
	s4 =	sadd.s32 s21, s2  }
0x9d: {  	[timem:s6], [sflag:s22] =	dma.local [hbm:s4], s20  }
0x9e: {  	_ =	swait.ge [sflag:s22], s20  }
0x9f: {  	s3 =	ssub.s32 $0x0, s20;
	[sflag:s22] =	ssyncset.done $0x0  }
0xa0: {  	[sflag:s22] =	ssyncadd.s32 s3;
	_ =	sdelay $0x1  }
0xa1: {  	s23 =	simm.s32 $0x1B8B  }
0xa2: {  	_ =	swait.ge [sflag:s23], $0x1  }
0xa3: {  	[sflag:s23] =	ssyncset.done $0x0  }
0xa4: {  	s25 =	simm.s32 $0x1B8E;
	s24 =	sld [smem:$0x3FFE];
	[sflag:s23] =	ssyncadd.s32 $0xFFFFFFFF  }
0xa5: {  	s26 =	simm.s32 $execute0_lowered;
	[smem:$0x3FD2] =	sst s25  }
0xa6: {  	s4 =	sshll.u32 s26, $0x1;
	_ =	strace $0x8000004F;
	[dreg:$0x1] =	wrdreg $0xFFFFFFFF  }
0xa7: {  	s28 =	simm.s32 $_size_execute0_lowered;
	s2 =	sadd.s32 s2, s4;
	[dreg:$0x0] =	wrdreg $0x0  }
0xa8: {  	s4 =	sshll.u32 s28, $0x1;
	[dreg:$0x2] =	wrdreg s2  }
0xa9: {  	[dreg:$0x3] =	wrdreg s4  }
0xaa: {  	[dreg:$0x4] =	wrdreg $0xC0  }
0xab: {  	_ =	task [dreg:s6], $0x5FFFF  }
0xac: {  	[dreg:$0x1] =	wrdreg $0xFFFFFFFF  }
0xad: {  	[dreg:$0x0] =	wrdreg $0x60  }
0xae: {  	[dreg:$0x2] =	wrdreg s24  }
0xaf: {  	[dreg:$0x3] =	wrdreg $0x7A000  }
0xb0: {  	[dreg:$0x4] =	wrdreg $0x9  }
0xb1: {  	_ =	task.clear_ibuf [dreg:s6], $0x5FFFF;
	_ =	strace $0x9000004F  }
0xb2: {  	s29 =	simm.s32 $0x9;
	_ =	strace $0x80000051  }
0xb3: {  	_ =	swait.ge [sflag:s29], $0x1  }
0xb4: {  	[sflag:s29] =	ssyncadd.s32 $0xFFFFFFFF  }
0xb5: {  	_ =	strace $0x90000051  }
0xb6: {  	_ =	sfence  }
0xb7: {  	s30 =	sld [smem:$0x0];
	_ =	sdelay $0x2  }
0xb8: {  	s31 =	sshll.u32 s1, $0xD;
	s1 =	sshrl.u32 s1, $0x2  }
0xb9: {  	s3 =	sand.u32 $0x4000, s31;
	s1 =	sadd.s32 s1, s30  }
0xba: {  	s0 =	sor.u32 s3, s0;
	s1 =	sshll.u32 s1, $0x11  }
0xbb: {  	s0 =	sor.u32 s1, s0  }
0xbc: {  	s0 =	sadd.s32 $0x8F2B, s0  }
0xbd: {  	[sflag:s0] =	ssyncadd.remote.s32 $0x1  }
0xbe: {  	_ =	sfence.sel $0xFFFF  }
0xbf: {  	[dreg:$0x0] =	wrdreg $0xFFFFFFFF;
	(pc) =	sbr.abs _section_cstart, $3  }
0xc0: {  	[dreg:$0x1] =	wrdreg $0xFFFFFFFF  }
0xc1: {  	_ =	task.clear_ibuf [dreg:s6], $0x2FFFF;
	_ =	strace $0x9FFFFFFF  }
0xc2: {  	(tm) =	ssettm $0x7FFFFFFF  }
0xc3: {  	_ =	shalt  }
tec
execute0_lowered:
.L_overlay_start_1:
0x0: {  	(tag) =	ssettag $0x1  }
0x1: {  	s5 =	rddreg [dreg:$0x0];
	s1 =	srdreg.scid  }
0x2: {  	s0 =	stileid.u32;
	s2 =	rddreg [dreg:$0x1]  }
0x3: {  	s3 =	simm.s32 $0x0;
	s18 =	simm.s32 $0x2800;
	s19 =	simm.s32 $0x80  }
0x4: {  	s20 =	simm.s32 $0x5000;
	s21 =	simm.s32 $0x5800;
	s22 =	simm.s32 $0x6000  }
0x5: {  	s23 =	simm.s32 $0x6800;
	s24 =	simm.s32 $0x1;
	s25 =	simm.s32 $0x0  }
0x6: {  	s6 =	sand.u32 $0x1, s1;
	s4 =	sshll.u32 s0, $0x1;
	s1 =	rddreg [dreg:$0x2]  }
0x7: {  	[smem:$0x7FF] =	sst s3;
	s9 =	smul.u32 $0x2780, s0;
	s14 =	sadd.s32 $0x1B600, s5  }
0x8: {  	s4 =	sor.u32 s6, s4;
	s7 =	ssub.s32 $0x2, s6;
	s13 =	smul.u32 $0x27800, s6  }
0x9: {  	_ =	strace $0x80000050;
	s4 =	smul.u32 $0x500, s4;
	s8 =	sshrl.u32 s7, $0x1  }
0xa: {  	s12 =	sadd.s32 $0xA00, s9;
	s16 =	sadd.s32 $0x1400, s9;
	s17 =	sadd.s32 $0x1E00, s9  }
0xb: {  	s15 =	ssub.s32 s7, s8;
	s6 =	sadd.s32 s12, s2;
	s7 =	sadd.s32 s16, s2  }
0xc: {  	s8 =	sadd.s32 s17, s2;
	s11 =	sadd.s32 s9, s13;
	s12 =	sadd.s32 s13, s12  }
0xd: {  	s16 =	sadd.s32 s13, s16;
	s17 =	sadd.s32 s13, s17;
	s10 =	sadd.s32 s4, s5  }
0xe: {  	s4 =	sadd.s32 $0x16600, s5;
	s5 =	sadd.s32 s9, s2;
	s11 =	sshrl.u32 s11, $0x3  }
0xf: {  	s12 =	sshrl.u32 s12, $0x3;
	s16 =	sshrl.u32 s16, $0x3;
	s31 =	sshrl.u32 s17, $0x3  }
0x10: {  	s15 =	smax.u32 s15, $0x1;
	s17 =	simm.s32 $0x2;
	s9 =	sadd.s32 $0xC600, s10  }
0x11: {  	s10 =	sadd.s32 $0x2600, s10;
	s11 =	sadd.s32 s14, s11;
	s12 =	sadd.s32 s14, s12  }
0x12: {  	v0 =	vimm.f32 $0.0e+00;
	s13 =	sadd.s32 s14, s16;
	s14 =	sadd.s32 s14, s31;
	s16 =	simm.s32 $0x7000  }
.LBB2_1:
0x13: {  	s26 =	simm.s32 $0x40;
	s28 =	simm.s32 $0x0  }
.LBB2_2:
0x14: {  	p0 =	sne.s32 s26, $0x27C0;
	[tilespmem:s28+$0x7000] =	vst v0;
	s28 =	smov.u32 s26;
	s26 =	sadd.s32 $0x40, s26  }
.Ltmp0:
0x15: {  	(pc) =	sbr.rel @p0 .LBB2_2-.Ltmp0, $2  }
0x16: {  	_ =	sdelay $0x2  }
0x17: {  	s28 =	sshra.s32 s28, $0x2  }
0x18: {  	[tilespmem:s28+$0x7000] =	vst v0  }
0x19: {  	[spmem:s5] =	stream.linear.scatter [tilespmem:s16], [sflag:$0x2], $0xA00, $0x38;
	[tilespmem:$0xA180] =	vst v63  }
0x1a: {  	_ =	swait.ge [sflag:s17], $0xA00  }
0x1b: {  	[sflag:s17] =	ssyncset.done $0x0  }
0x1c: {  	[sflag:s17] =	ssyncadd.s32 $0xFFFFF600  }
0x1d: {  	[spmem:s6] =	stream.linear.scatter [tilespmem:s16], [sflag:$0x2], $0xA00, $0x38;
	[tilespmem:$0xA180] =	vst v63  }
0x1e: {  	_ =	swait.ge [sflag:s17], $0xA00  }
0x1f: {  	[sflag:s17] =	ssyncset.done $0x0  }
0x20: {  	[sflag:s17] =	ssyncadd.s32 $0xFFFFF600  }
0x21: {  	[spmem:s7] =	stream.linear.scatter [tilespmem:s16], [sflag:$0x2], $0xA00, $0x38;
	[tilespmem:$0xA180] =	vst v63  }
0x22: {  	_ =	swait.ge [sflag:s17], $0xA00  }
0x23: {  	[sflag:s17] =	ssyncset.done $0x0  }
0x24: {  	[sflag:s17] =	ssyncadd.s32 $0xFFFFF600  }
0x25: {  	[spmem:s8] =	stream.linear.scatter [tilespmem:s16], [sflag:$0x2], $0x980, $0x38;
	[tilespmem:$0xA180] =	vst v63  }
0x26: {  	_ =	swait.ge [sflag:s17], $0x980  }
0x27: {  	[sflag:s17] =	ssyncset.done $0x0  }
0x28: {  	[sflag:s17] =	ssyncadd.s32 $0xFFFFF680  }
0x29: {  	s26 =	simm.s32 $0x0;
	[bflag:$0x0] =	sbarrier.arrive $0xFFFF  }
0x2a: {  	[tilespmem:s26], [sflag:$0x2] =	stream.linear.gather [hbm4b:s9+s26], $0x2800, $0x38;
	[tilespmem:$0xA180] =	vst v63  }
0x2b: {  	_ =	swait.ge [sflag:s17], $0x2800  }
0x2c: {  	[sflag:s17] =	ssyncset.done $0x0  }
0x2d: {  	[sflag:s17] =	ssyncadd.s32 $0xFFFFD800  }
0x2e: {  	[tilespmem:s18], [sflag:$0x2] =	stream.linear.gather [hbm4b:s10+s26], $0x2800, $0x38;
	[tilespmem:$0xA180] =	vst v63  }
0x2f: {  	_ =	swait.ge [sflag:s17], $0x2800  }
0x30: {  	[sflag:s17] =	ssyncset.done $0x0  }
0x31: {  	s29 =	simm.s32 $0x0;
	[sflag:s17] =	ssyncadd.s32 $0xFFFFD800  }
0x32: {  	[tilespmem:s20], [sflag:$0x1] =	stream.indirect.gather [hbm4b:s4+s19], $0x10, s29, s19, $0xb8;
	[tilespmem:$0xA180] =	vst v63  }
0x33: {  	s31 =	simm.s32 $0x80  }
0x34: {  	[tilespmem:s21], [sflag:$0x1] =	stream.indirect.gather [hbm4b:s4+s19], $0x10, s31, s19, $0xb8;
	[tilespmem:$0xA180] =	vst v63  }
0x35: {  	s28 =	simm.s32 $0x100  }
0x36: {  	[tilespmem:s22], [sflag:$0x1] =	stream.indirect.gather [hbm4b:s4+s19], $0x10, s28, s19, $0xb8;
	[tilespmem:$0xA180] =	vst v63  }
0x37: {  	s29 =	simm.s32 $0x180  }
0x38: {  	[tilespmem:s23], [sflag:$0x1] =	stream.indirect.gather [hbm4b:s4+s19], $0x10, s29, s19, $0xb8;
	[tilespmem:$0xA180] =	vst v63  }
0x39: {  	_ =	swait.ge [sflag:s24], $0x800  }
0x3a: {  	[sflag:s24] =	ssyncset.done $0x0  }
0x3b: {  	[sflag:s24] =	ssyncadd.s32 $0xFFFFF800  }
0x3c: {  	_ =	swait.ge [sflag:s24], $0x800  }
0x3d: {  	[sflag:s24] =	ssyncset.done $0x0  }
0x3e: {  	[sflag:s24] =	ssyncadd.s32 $0xFFFFF800  }
0x3f: {  	_ =	swait.ge [sflag:s24], $0x800  }
0x40: {  	[sflag:s24] =	ssyncset.done $0x0  }
0x41: {  	[sflag:s24] =	ssyncadd.s32 $0xFFFFF800  }
0x42: {  	_ =	swait.ge [sflag:s24], $0x800  }
0x43: {  	[sflag:s24] =	ssyncset.done $0x0  }
0x44: {  	s31 =	simm.s32 $0x2800;
	[sflag:s24] =	ssyncadd.s32 $0xFFFFF800  }
0x45: {  	[spmem:s2] =	stream.indirect.scatter.add.f32 [tilespmem:s20], [sflag:$0x2], $0x10, s31, s19, $0xb8;
	[tilespmem:$0xA180] =	vst v63  }
0x46: {  	_ =	swait.ge [sflag:s17], $0x800  }
0x47: {  	[sflag:s17] =	ssyncset.done $0x0  }
0x48: {  	s28 =	simm.s32 $0x2880;
	[sflag:s17] =	ssyncadd.s32 $0xFFFFF800  }
0x49: {  	[spmem:s2] =	stream.indirect.scatter.add.f32 [tilespmem:s21], [sflag:$0x2], $0x10, s28, s19, $0xb8;
	[tilespmem:$0xA180] =	vst v63  }
0x4a: {  	_ =	swait.ge [sflag:s17], $0x800  }
0x4b: {  	[sflag:s17] =	ssyncset.done $0x0  }
0x4c: {  	s29 =	simm.s32 $0x2900;
	[sflag:s17] =	ssyncadd.s32 $0xFFFFF800  }
0x4d: {  	[spmem:s2] =	stream.indirect.scatter.add.f32 [tilespmem:s22], [sflag:$0x2], $0x10, s29, s19, $0xb8;
	[tilespmem:$0xA180] =	vst v63  }
0x4e: {  	_ =	swait.ge [sflag:s17], $0x800  }
0x4f: {  	[sflag:s17] =	ssyncset.done $0x0  }
0x50: {  	s31 =	simm.s32 $0x2980;
	[sflag:s17] =	ssyncadd.s32 $0xFFFFF800  }
0x51: {  	[spmem:s2] =	stream.indirect.scatter.add.f32 [tilespmem:s23], [sflag:$0x2], $0x10, s31, s19, $0xb8;
	[tilespmem:$0xA180] =	vst v63  }
0x52: {  	_ =	swait.ge [sflag:s17], $0x800  }
0x53: {  	s30 =	simm.s32 $0x1000;
	s26 =	simm.s32 $0x800;
	[sflag:s17] =	ssyncset.done $0x0  }
.LBB2_4:
0x54: {  	s29 =	sshra.s32 s26, $0x2  }
0x55: {  	[sflag:s17] =	ssyncadd.s32 $0xFFFFF800;
	s26 =	smov.u32 s30;
	s28 =	sadd.s32 $0x800, s30  }
0x56: {  	[tilespmem:s20], [sflag:$0x1] =	stream.indirect.gather [hbm4b:s4+s19], $0x10, s29, s19, $0xb8;
	[tilespmem:$0xA180] =	vst v63  }
0x57: {  	p0 =	sne.s32 s30, $0x9800;
	s30 =	sadd.s32 $0x80, s29  }
0x58: {  	[tilespmem:s21], [sflag:$0x1] =	stream.indirect.gather [hbm4b:s4+s19], $0x10, s30, s19, $0xb8;
	[tilespmem:$0xA180] =	vst v63  }
0x59: {  	s30 =	sadd.s32 $0x100, s29  }
0x5a: {  	[tilespmem:s22], [sflag:$0x1] =	stream.indirect.gather [hbm4b:s4+s19], $0x10, s30, s19, $0xb8;
	[tilespmem:$0xA180] =	vst v63  }
0x5b: {  	s30 =	sadd.s32 $0x180, s29  }
0x5c: {  	[tilespmem:s23], [sflag:$0x1] =	stream.indirect.gather [hbm4b:s4+s19], $0x10, s30, s19, $0xb8;
	[tilespmem:$0xA180] =	vst v63  }
0x5d: {  	_ =	swait.ge [sflag:s24], $0x800  }
0x5e: {  	[sflag:s24] =	ssyncset.done $0x0  }
0x5f: {  	[sflag:s24] =	ssyncadd.s32 $0xFFFFF800  }
0x60: {  	_ =	swait.ge [sflag:s24], $0x800  }
0x61: {  	[sflag:s24] =	ssyncset.done $0x0  }
0x62: {  	[sflag:s24] =	ssyncadd.s32 $0xFFFFF800  }
0x63: {  	_ =	swait.ge [sflag:s24], $0x800  }
0x64: {  	[sflag:s24] =	ssyncset.done $0x0  }
0x65: {  	[sflag:s24] =	ssyncadd.s32 $0xFFFFF800  }
0x66: {  	_ =	swait.ge [sflag:s24], $0x800  }
0x67: {  	[sflag:s24] =	ssyncset.done $0x0  }
0x68: {  	s30 =	sadd.s32 $0x2800, s29;
	[sflag:s24] =	ssyncadd.s32 $0xFFFFF800  }
0x69: {  	[spmem:s2] =	stream.indirect.scatter.add.f32 [tilespmem:s20], [sflag:$0x2], $0x10, s30, s19, $0xb8;
	[tilespmem:$0xA180] =	vst v63  }
0x6a: {  	_ =	swait.ge [sflag:s17], $0x800  }
0x6b: {  	[sflag:s17] =	ssyncset.done $0x0  }
0x6c: {  	s30 =	sadd.s32 $0x2880, s29;
	[sflag:s17] =	ssyncadd.s32 $0xFFFFF800  }
0x6d: {  	[spmem:s2] =	stream.indirect.scatter.add.f32 [tilespmem:s21], [sflag:$0x2], $0x10, s30, s19, $0xb8;
	[tilespmem:$0xA180] =	vst v63  }
0x6e: {  	_ =	swait.ge [sflag:s17], $0x800  }
0x6f: {  	[sflag:s17] =	ssyncset.done $0x0  }
0x70: {  	s30 =	sadd.s32 $0x2900, s29;
	[sflag:s17] =	ssyncadd.s32 $0xFFFFF800  }
0x71: {  	[spmem:s2] =	stream.indirect.scatter.add.f32 [tilespmem:s22], [sflag:$0x2], $0x10, s30, s19, $0xb8;
	[tilespmem:$0xA180] =	vst v63  }
0x72: {  	_ =	swait.ge [sflag:s17], $0x800  }
.Ltmp1:
0x73: {  	[sflag:s17] =	ssyncset.done $0x0;
	(pc) =	sbr.rel @p0 .LBB2_4-.Ltmp1, $4  }
0x74: {  	s29 =	sadd.s32 $0x2980, s29;
	[sflag:s17] =	ssyncadd.s32 $0xFFFFF800  }
0x75: {  	[spmem:s2] =	stream.indirect.scatter.add.f32 [tilespmem:s23], [sflag:$0x2], $0x10, s29, s19, $0xb8;
	[tilespmem:$0xA180] =	vst v63  }
0x76: {  	_ =	swait.ge [sflag:s17], $0x800  }
0x77: {  	s30 =	smov.u32 s28;
	[sflag:s17] =	ssyncset.done $0x0  }
0x78: {  	s26 =	sshra.s32 s26, $0x2;
	[sflag:s17] =	ssyncadd.s32 $0xFFFFF800  }
0x79: {  	[tilespmem:s20], [sflag:$0x1] =	stream.indirect.gather [hbm4b:s4+s19], $0x10, s26, s19, $0xb8;
	[tilespmem:$0xA180] =	vst v63  }
0x7a: {  	s28 =	sadd.s32 $0x80, s26  }
0x7b: {  	[tilespmem:s21], [sflag:$0x1] =	stream.indirect.gather [hbm4b:s4+s19], $0x10, s28, s19, $0xb8;
	[tilespmem:$0xA180] =	vst v63  }
0x7c: {  	s30 =	sadd.s32 $0x100, s26  }
0x7d: {  	[tilespmem:s22], [sflag:$0x1] =	stream.indirect.gather [hbm4b:s4+s19], $0x10, s30, s19, $0xb8;
	[tilespmem:$0xA180] =	vst v63  }
0x7e: {  	s31 =	sadd.s32 $0x180, s26  }
0x7f: {  	[tilespmem:s23], [sflag:$0x1] =	stream.indirect.gather [hbm4b:s4+s19], $0x10, s31, s19, $0xb8;
	[tilespmem:$0xA180] =	vst v63  }
0x80: {  	_ =	swait.ge [sflag:s24], $0x800  }
0x81: {  	[sflag:s24] =	ssyncset.done $0x0  }
0x82: {  	[sflag:s24] =	ssyncadd.s32 $0xFFFFF800  }
0x83: {  	_ =	swait.ge [sflag:s24], $0x800  }
0x84: {  	[sflag:s24] =	ssyncset.done $0x0  }
0x85: {  	[sflag:s24] =	ssyncadd.s32 $0xFFFFF800  }
0x86: {  	_ =	swait.ge [sflag:s24], $0x800  }
0x87: {  	[sflag:s24] =	ssyncset.done $0x0  }
0x88: {  	[sflag:s24] =	ssyncadd.s32 $0xFFFFF800  }
0x89: {  	_ =	swait.ge [sflag:s24], $0x800  }
0x8a: {  	[sflag:s24] =	ssyncset.done $0x0  }
0x8b: {  	s29 =	sadd.s32 $0x2800, s26;
	[sflag:s24] =	ssyncadd.s32 $0xFFFFF800  }
0x8c: {  	[spmem:s2] =	stream.indirect.scatter.add.f32 [tilespmem:s20], [sflag:$0x2], $0x10, s29, s19, $0xb8;
	[tilespmem:$0xA180] =	vst v63  }
0x8d: {  	_ =	swait.ge [sflag:s17], $0x800  }
0x8e: {  	[sflag:s17] =	ssyncset.done $0x0  }
0x8f: {  	s30 =	sadd.s32 $0x2880, s26;
	[sflag:s17] =	ssyncadd.s32 $0xFFFFF800  }
0x90: {  	[spmem:s2] =	stream.indirect.scatter.add.f32 [tilespmem:s21], [sflag:$0x2], $0x10, s30, s19, $0xb8;
	[tilespmem:$0xA180] =	vst v63  }
0x91: {  	_ =	swait.ge [sflag:s17], $0x800  }
0x92: {  	[sflag:s17] =	ssyncset.done $0x0  }
0x93: {  	s31 =	sadd.s32 $0x2900, s26;
	[sflag:s17] =	ssyncadd.s32 $0xFFFFF800  }
0x94: {  	[spmem:s2] =	stream.indirect.scatter.add.f32 [tilespmem:s22], [sflag:$0x2], $0x10, s31, s19, $0xb8;
	[tilespmem:$0xA180] =	vst v63  }
0x95: {  	_ =	swait.ge [sflag:s17], $0x800  }
0x96: {  	[sflag:s17] =	ssyncset.done $0x0  }
0x97: {  	s26 =	sadd.s32 $0x2980, s26;
	[sflag:s17] =	ssyncadd.s32 $0xFFFFF800  }
0x98: {  	[spmem:s2] =	stream.indirect.scatter.add.f32 [tilespmem:s23], [sflag:$0x2], $0x10, s26, s19, $0xb8;
	[tilespmem:$0xA180] =	vst v63  }
0x99: {  	_ =	swait.ge [sflag:s17], $0x800  }
0x9a: {  	[sflag:s17] =	ssyncset.done $0x0  }
0x9b: {  	[sflag:s17] =	ssyncadd.s32 $0xFFFFF800  }
0x9c: {  	[bflag:$0x0] =	sbarrier.arrive $0xFFFF  }
0x9d: {  	[tilespmem:s16], [sflag:$0x2] =	stream.linear.gather [spmem:s5], $0xA00, $0x38;
	[tilespmem:$0xA180] =	vst v63  }
0x9e: {  	_ =	swait.ge [sflag:s17], $0xA00  }
0x9f: {  	[sflag:s17] =	ssyncset.done $0x0  }
0xa0: {  	[sflag:s17] =	ssyncadd.s32 $0xFFFFF600  }
0xa1: {  	[hbm4b:s11+s3] =	stream.linear.scatter [tilespmem:s16], [sflag:$0x2], $0xA00, $0x38;
	[tilespmem:$0xA180] =	vst v63  }
0xa2: {  	_ =	swait.ge [sflag:s17], $0xA00  }
0xa3: {  	[sflag:s17] =	ssyncset.done $0x0  }
0xa4: {  	[sflag:s17] =	ssyncadd.s32 $0xFFFFF600  }
0xa5: {  	[tilespmem:s16], [sflag:$0x2] =	stream.linear.gather [spmem:s6], $0xA00, $0x38;
	[tilespmem:$0xA180] =	vst v63  }
0xa6: {  	_ =	swait.ge [sflag:s17], $0xA00  }
0xa7: {  	[sflag:s17] =	ssyncset.done $0x0  }
0xa8: {  	[sflag:s17] =	ssyncadd.s32 $0xFFFFF600  }
0xa9: {  	[hbm4b:s12+s3] =	stream.linear.scatter [tilespmem:s16], [sflag:$0x2], $0xA00, $0x38;
	[tilespmem:$0xA180] =	vst v63  }
0xaa: {  	_ =	swait.ge [sflag:s17], $0xA00  }
0xab: {  	[sflag:s17] =	ssyncset.done $0x0  }
0xac: {  	[sflag:s17] =	ssyncadd.s32 $0xFFFFF600  }
0xad: {  	[tilespmem:s16], [sflag:$0x2] =	stream.linear.gather [spmem:s7], $0xA00, $0x38;
	[tilespmem:$0xA180] =	vst v63  }
0xae: {  	_ =	swait.ge [sflag:s17], $0xA00  }
0xaf: {  	[sflag:s17] =	ssyncset.done $0x0  }
0xb0: {  	[sflag:s17] =	ssyncadd.s32 $0xFFFFF600  }
0xb1: {  	[hbm4b:s13+s3] =	stream.linear.scatter [tilespmem:s16], [sflag:$0x2], $0xA00, $0x38;
	[tilespmem:$0xA180] =	vst v63  }
0xb2: {  	_ =	swait.ge [sflag:s17], $0xA00  }
0xb3: {  	[sflag:s17] =	ssyncset.done $0x0  }
0xb4: {  	[sflag:s17] =	ssyncadd.s32 $0xFFFFF600  }
0xb5: {  	[tilespmem:s16], [sflag:$0x2] =	stream.linear.gather [spmem:s8], $0x980, $0x38;
	[tilespmem:$0xA180] =	vst v63  }
0xb6: {  	s25 =	sadd.s32 $0x1, s25;
	_ =	swait.ge [sflag:s17], $0x980  }
0xb7: {  	p0 =	sne.s32 s25, s15;
	[sflag:s17] =	ssyncset.done $0x0  }
.Ltmp2:
0xb8: {  	[sflag:s17] =	ssyncadd.s32 $0xFFFFF680;
	(pc) =	sbr.rel @p0 .LBB2_1-.Ltmp2, $4  }
0xb9: {  	[hbm4b:s14+s3] =	stream.linear.scatter [tilespmem:s16], [sflag:$0x2], $0x980, $0x38;
	[tilespmem:$0xA180] =	vst v63  }
0xba: {  	_ =	swait.ge [sflag:s17], $0x980  }
0xbb: {  	[sflag:s17] =	ssyncset.done $0x0  }
0xbc: {  	[sflag:s17] =	ssyncadd.s32 $0xFFFFF680  }
0xbd: {  	_ =	sfence.sel $0x180000  }
0xbe: {  	[bflag:$0x0] =	sbarrier.arrive $0xFFFF  }
0xbf: {  	p0 =	sne.s32 s0, $0x0;
	_ =	strace $0x90000050  }
0xc0: {  	s0 =	sadd.s32 @!p0 $0x100000, s1;
	[bflag:$0x2] =	sbarrier.arrive $0xFFFF  }
0xc1: {  	[sflag:s0] =	ssyncadd.tile.s32 @!p0 $0x1;
	_ =	shalt  }
.Lfunc_end2:
_tile_overlayer_lowered:
.L_overlay_start_2:
0xc2: {  	(tag) =	ssettag $0x2  }
0xc3: {  	s0 =	rddreg [dreg:$0x0];
	s2 =	stileid.u32  }
0xc4: {  	s1 =	rddreg [dreg:$0x1];
	p0 =	sne.s32 s2, $0x0  }
0xc5: {  	s3 =	rddreg [dreg:$0x2];
	[bflag:$0x3] =	sbarrier.arrive $0xFFFF;
	s2 =	simm.s32 @!p0 $0x1C02  }
0xc6: {  	[timem:s3], [sflag:s2] =	dma.local @!p0 [hbm:s0], s1  }
0xc7: {  	s0 =	simm.s32 @!p0 $0x2  }
0xc8: {  	_ =	swait.ge @!p0 [sflag:s0], s1  }
0xc9: {  	s1 =	ssub.s32 @!p0 $0x0, s1;
	[sflag:s0] =	ssyncset.done @!p0 $0x0  }
0xca: {  	[sflag:s0] =	ssyncadd.s32 @!p0 s1  }
0xcb: {  	[bflag:$0x3] =	sbarrier.arrive $0xFFFF  }
0xcc: {  	_ =	shalt  }

</sc_bundles>
